<compile_context>
chip_gen: v7x
topology: tpu7x:2x2x1
jax: 0.10.2.dev20260603
libtpu: 0.0.44.dev20260713+nightly
codegen_flags: <defaults>
</compile_context>

<pallas_src>
import functools

import jax
import jax.numpy as jnp
from jax import lax
from jax.experimental import pallas as pl
from jax.experimental.pallas import tpu as pltpu
from jax.experimental.pallas import tpu_sc as plsc

D = 128
H = 8
C = 16
PAY_W = D + C
NC = 2
NS = 16
NW = NC * NS
EDGE_BLK = 80
IDX_CHUNK = 5
ROW_BLK = 1000


def _tc_prep(x, w_mat, a_src_m, a_dst_m):
  n = x.shape[0]

  def body(x_ref, w_ref, ms_ref, md_ref, pay_ref, adst_ref):
    xw = jnp.dot(x_ref[...], w_ref[...], preferred_element_type=jnp.float32)
    asrc = jnp.dot(xw, ms_ref[...], preferred_element_type=jnp.float32)
    adstv = jnp.dot(xw, md_ref[...], preferred_element_type=jnp.float32)
    pay_ref[...] = jnp.concatenate([xw, asrc], axis=1)
    adst_ref[...] = adstv

  return pl.pallas_call(
      body,
      grid=(n // ROW_BLK,),
      in_specs=[
          pl.BlockSpec((ROW_BLK, D), lambda i: (i, 0)),
          pl.BlockSpec((D, D), lambda i: (0, 0)),
          pl.BlockSpec((D, C), lambda i: (0, 0)),
          pl.BlockSpec((D, C), lambda i: (0, 0)),
      ],
      out_specs=[
          pl.BlockSpec((ROW_BLK, PAY_W), lambda i: (i, 0)),
          pl.BlockSpec((ROW_BLK, C), lambda i: (i, 0)),
      ],
      out_shape=[
          jax.ShapeDtypeStruct((n, PAY_W), jnp.float32),
          jax.ShapeDtypeStruct((n, C), jnp.float32),
      ],
  )(x, w_mat, a_src_m, a_dst_m)


def _sc_edge(src, dst, pay, adstt):
  e = src.shape[0]
  epw = e // NW
  nblk = epw // EDGE_BLK
  n = pay.shape[0]
  npad = -(-n // (NS * 8)) * (NS * 8)
  rpt = npad // NS
  assert nblk % IDX_CHUNK == 0 and nblk >= 2

  packed3 = (src | (dst << 16)).reshape(NW, nblk, EDGE_BLK)

  mesh = plsc.VectorSubcoreMesh(
      core_axis_name="c", subcore_axis_name="s",
      num_cores=NC, num_subcores=NS)

  @functools.partial(
      pl.kernel,
      out_type=jax.ShapeDtypeStruct((NC, npad, PAY_W), jnp.float32),
      mesh=mesh,
      compiler_params=pltpu.CompilerParams(use_tc_tiling_on_sc=False),
      scratch_types=[
          pltpu.VMEM((2 * IDX_CHUNK, EDGE_BLK), jnp.int32),
          [pltpu.VMEM((EDGE_BLK,), jnp.int32) for _ in range(3)],
          [pltpu.VMEM((EDGE_BLK,), jnp.int32) for _ in range(3)],
          [pltpu.VMEM((EDGE_BLK, PAY_W), jnp.float32) for _ in range(3)],
          [pltpu.VMEM((EDGE_BLK, C), jnp.float32) for _ in range(3)],
          pltpu.VMEM_SHARED((npad, PAY_W), jnp.float32),
          [pltpu.SemaphoreType.DMA for _ in range(3)],
          [pltpu.SemaphoreType.DMA for _ in range(3)],
          pltpu.SemaphoreType.DMA,
      ],
  )
  def k(packed_hbm, pay_hbm, adst_hbm, out_hbm,
        pk, sidx, didx, payb, adstb, acc, semg, sems, semr):
    cid = lax.axis_index("c")
    sid = lax.axis_index("s")
    wid = sid * NC + cid

    @plsc.parallel_loop(0, EDGE_BLK)
    def zrow(i):
      for j in range(PAY_W // C):
        payb[0][i, pl.ds(j * C, C)] = jnp.zeros((C,), jnp.float32)

    r0 = sid * rpt
    for kk in range(rpt // EDGE_BLK):
      pltpu.sync_copy(payb[0], acc.at[pl.ds(r0 + kk * EDGE_BLK, EDGE_BLK)])
    if rpt % EDGE_BLK:
      pltpu.sync_copy(
          payb[0].at[pl.ds(0, rpt % EDGE_BLK)],
          acc.at[pl.ds(r0 + (rpt // EDGE_BLK) * EDGE_BLK, rpt % EDGE_BLK)])
    plsc.subcore_barrier()

    def refill(b):
      pltpu.async_copy(packed_hbm.at[wid, pl.ds(b, IDX_CHUNK)],
                       pk.at[pl.ds(b % (2 * IDX_CHUNK), IDX_CHUNK)], semr)

    def refill_wait(b):
      pltpu.make_async_copy(
          packed_hbm.at[wid, pl.ds(b, IDX_CHUNK)],
          pk.at[pl.ds(b % (2 * IDX_CHUNK), IDX_CHUNK)], semr).wait()

    def fire(b, s):
      bm = b % (2 * IDX_CHUNK)
      for j in range(EDGE_BLK // C):
        v = pk[bm, pl.ds(j * C, C)]
        sidx[s][pl.ds(j * C, C)] = v & 0xFFFF
        didx[s][pl.ds(j * C, C)] = v >> 16
      pltpu.async_copy(pay_hbm.at[sidx[s]], payb[s], semg[s])
      pltpu.async_copy(adst_hbm.at[didx[s]], adstb[s], semg[s])

    def drain(s):
      pltpu.make_async_copy(pay_hbm.at[sidx[s]], payb[s], semg[s]).wait()
      pltpu.make_async_copy(adst_hbm.at[didx[s]], adstb[s], semg[s]).wait()

    def compute(s):
      pay_v, adst_v = payb[s], adstb[s]

      @plsc.parallel_loop(0, EDGE_BLK, unroll=4)
      def edge(i):
        a = pay_v[i, pl.ds(D, C)] + adst_v[i, :]
        w = jnp.exp(jnp.maximum(a, 0.2 * a))
        pay_v[i, pl.ds(D, C)] = w
        for h in range(H):
          wb = lax.broadcast(w[h], (C,))
          pay_v[i, pl.ds(h * C, C)] = pay_v[i, pl.ds(h * C, C)] * wb

    def scat(s):
      pltpu.async_copy(payb[s], acc.at[didx[s]], sems[s], add=True)

    def scat_wait(s):
      pltpu.make_async_copy(payb[s], acc.at[didx[s]], sems[s]).wait()

    def step(b, cur, prev, first=False):
      drain(cur)
      compute(cur)
      if not first:
        scat_wait(prev)
      scat(cur)

      @pl.when(b + 2 < nblk)
      def _():
        bn = b + 2

        @pl.when(bn % IDX_CHUNK == 0)
        def _():
          refill_wait(bn)

          @pl.when(bn + IDX_CHUNK < nblk)
          def _():
            refill(bn + IDX_CHUNK)

        fire(bn, prev)

    refill(0)
    refill_wait(0)
    if nblk > IDX_CHUNK:
      refill(IDX_CHUNK)
    fire(0, 0)
    fire(1, 1)
    step(0, 0, 2, first=True)
    step(1, 1, 0)

    def triple(t, carry):
      base = 2 + 3 * t
      step(base, 2, 1)
      step(base + 1, 0, 2)
      step(base + 2, 1, 0)
      return carry

    lax.fori_loop(0, (nblk - 2) // 3, triple, 0)
    for i in range((nblk - 2) % 3):
      b = nblk - (nblk - 2) % 3 + i
      step(b, b % 3, (b - 1) % 3)
    scat_wait((nblk - 1) % 3)

    plsc.subcore_barrier()
    pltpu.sync_copy(acc.at[pl.ds(r0, rpt)],
                    out_hbm.at[cid, pl.ds(r0, rpt)])

  return k(packed3, pay, adstt)


def _tc_final(acc, pay, adstt, bias_row, sel):
  n = pay.shape[0]

  def body(ar, payr, adr, br, selr, out_ref):
    a0 = ar.at[0]
    a1 = ar.at[1]
    num = a0[:, :D] + a1[:, :D]
    den8 = a0[:, D:D + H] + a1[:, D:D + H]
    aa = payr[:, D:D + H] + adr[:, :H]
    ws = jnp.exp(jnp.maximum(aa, 0.2 * aa))
    xw = payr[:, :D]
    ws128 = jnp.dot(ws, selr[...], preferred_element_type=jnp.float32)
    den128 = jnp.dot(den8 + ws, selr[...],
                     preferred_element_type=jnp.float32)
    out_ref[...] = (num + ws128 * xw) / (den128 + 1e-16) + br[...]

  return pl.pallas_call(
      body,
      grid=(n // ROW_BLK,),
      in_specs=[
          pl.BlockSpec((2, ROW_BLK, PAY_W), lambda i: (0, i, 0)),
          pl.BlockSpec((ROW_BLK, PAY_W), lambda i: (i, 0)),
          pl.BlockSpec((ROW_BLK, C), lambda i: (i, 0)),
          pl.BlockSpec((1, D), lambda i: (0, 0)),
          pl.BlockSpec((H, D), lambda i: (0, 0)),
      ],
      out_specs=pl.BlockSpec((ROW_BLK, D), lambda i: (i, 0)),
      out_shape=jax.ShapeDtypeStruct((n, D), jnp.float32),
  )(acc, pay, adstt, bias_row, sel)


def kernel(x, edge_index, W, att_src, att_dst, bias):
  x = x.astype(jnp.float32)
  src = edge_index[0].astype(jnp.int32)
  dst = edge_index[1].astype(jnp.int32)

  eye = jnp.eye(H, dtype=jnp.float32)
  a_src_m = jnp.pad(
      (att_src.astype(jnp.float32)[:, :, None] * eye[:, None, :])
      .reshape(H * C, H), ((0, 0), (0, C - H)))
  a_dst_m = jnp.pad(
      (att_dst.astype(jnp.float32)[:, :, None] * eye[:, None, :])
      .reshape(H * C, H), ((0, 0), (0, C - H)))

  pay, adstt = _tc_prep(x, W.astype(jnp.float32), a_src_m, a_dst_m)
  acc = _sc_edge(src, dst, pay, adstt)

  sel = jnp.repeat(eye, C, axis=1)
  return _tc_final(acc, pay, adstt,
                   bias.astype(jnp.float32).reshape(1, D), sel)

# --- scband reference (transcript-rebuilt; emitter-appended) ---
"""Pipeline reference for scband-skeleton-graph-attention-66099546685478 (READ-ONLY COPY).

The authoritative reference and input builder live on the scoring server;
editing this copy changes nothing except your own understanding.
"""

import jax, jax.numpy as jnp
import numpy as np

N_NODES = 10000
N_EDGES = 320000
D_IN = 128
HEADS = 8
D_HEAD = 16  # output_dim // heads = 128 // 8


def setup_inputs(seed: int = 0) -> dict:
    key = jax.random.key(seed)
    k1, k2, k3, k4, k5, k6 = jax.random.split(key, 6)
    x = jax.random.normal(k1, (N_NODES, D_IN), dtype=jnp.float32)
    edge_index = jax.random.randint(k2, (2, N_EDGES), 0, N_NODES, dtype=jnp.int64)
    # GATConv parameters: linear weight, per-head attention vectors, bias
    W = jax.random.normal(k3, (D_IN, HEADS * D_HEAD), dtype=jnp.float32) * (1.0 / np.sqrt(D_IN))
    att_src = jax.random.normal(k4, (HEADS, D_HEAD), dtype=jnp.float32) * 0.1
    att_dst = jax.random.normal(k5, (HEADS, D_HEAD), dtype=jnp.float32) * 0.1
    bias = jax.random.normal(k6, (HEADS * D_HEAD,), dtype=jnp.float32) * 0.01
    return {"x": x, "edge_index": edge_index, "W": W, "att_src": att_src, "att_dst": att_dst, "bias": bias}


def reference(x, edge_index, W, att_src, att_dst, bias):
    # Faithful GATConv (PyG v1 semantics, heads concatenated, add_self_loops=True)
    N = x.shape[0]
    src = edge_index[0]
    dst = edge_index[1]
    # add self loops (PyG default)
    loop = jnp.arange(N, dtype=src.dtype)
    src = jnp.concatenate([src, loop])
    dst = jnp.concatenate([dst, loop])
    # linear projection -> [N, H, C]
    xw = (x @ W).reshape(N, HEADS, D_HEAD)
    # per-node attention logits
    a_src = jnp.sum(xw * att_src[None, :, :], axis=-1)  # [N, H]
    a_dst = jnp.sum(xw * att_dst[None, :, :], axis=-1)  # [N, H]
    # per-edge logits (gather)
    e = a_src[src] + a_dst[dst]  # [E, H]
    e = jax.nn.leaky_relu(e, negative_slope=0.2)
    # segment softmax over destination nodes
    m = jax.ops.segment_max(e, dst, num_segments=N)
    m = jnp.where(jnp.isfinite(m), m, 0.0)
    e = jnp.exp(e - m[dst])
    s = jax.ops.segment_sum(e, dst, num_segments=N)
    alpha = e / (s[dst] + 1e-16)  # [E, H]
    # weighted message aggregation (gather + scatter-add)
    msg = xw[src] * alpha[:, :, None]  # [E, H, C]
    out = jax.ops.segment_sum(msg, dst, num_segments=N)  # [N, H, C]
    out = out.reshape(N, HEADS * D_HEAD) + bias
    return out

if __name__ == "__main__":
    import jax
    _d = setup_inputs()
    print(jax.jit(kernel)(*tuple(_d.values())))

</pallas_src>

<mosaic_0001>
#map = affine_map<(d0, d1) -> (0, 0, 0)>
#map1 = affine_map<(d0, d1) -> (0, 0)>
module attributes {stable_mosaic.version = 14 : i64} {
  func.func @k(%arg0: i32, %arg1: i32, %arg2: memref<32x125x80xi32, #tpu.memory_space<hbm>>, %arg3: memref<10000x144xf32, #tpu.memory_space<hbm>>, %arg4: memref<10000x16xf32, #tpu.memory_space<hbm>>, %arg5: memref<2x10112x144xf32, #tpu.memory_space<hbm>>, %arg6: memref<10x80xi32, #tpu.memory_space<vmem>>, %arg7: memref<80xi32, #tpu.memory_space<vmem>>, %arg8: memref<80xi32, #tpu.memory_space<vmem>>, %arg9: memref<80xi32, #tpu.memory_space<vmem>>, %arg10: memref<80xi32, #tpu.memory_space<vmem>>, %arg11: memref<80xi32, #tpu.memory_space<vmem>>, %arg12: memref<80xi32, #tpu.memory_space<vmem>>, %arg13: memref<80x144xf32, #tpu.memory_space<vmem>>, %arg14: memref<80x144xf32, #tpu.memory_space<vmem>>, %arg15: memref<80x144xf32, #tpu.memory_space<vmem>>, %arg16: memref<80x16xf32, #tpu.memory_space<vmem>>, %arg17: memref<80x16xf32, #tpu.memory_space<vmem>>, %arg18: memref<80x16xf32, #tpu.memory_space<vmem>>, %arg19: memref<10112x144xf32, #tpu.memory_space<vmem_shared>>, %arg20: memref<!tpu.dma_semaphore, #tpu.memory_space<semaphore_mem>>, %arg21: memref<!tpu.dma_semaphore, #tpu.memory_space<semaphore_mem>>, %arg22: memref<!tpu.dma_semaphore, #tpu.memory_space<semaphore_mem>>, %arg23: memref<!tpu.dma_semaphore, #tpu.memory_space<semaphore_mem>>, %arg24: memref<!tpu.dma_semaphore, #tpu.memory_space<semaphore_mem>>, %arg25: memref<!tpu.dma_semaphore, #tpu.memory_space<semaphore_mem>>, %arg26: memref<!tpu.dma_semaphore, #tpu.memory_space<semaphore_mem>>) attributes {dimension_semantics = [#tpu.dimension_semantics<core_parallel>, #tpu.dimension_semantics<subcore_parallel>], iteration_bounds = array<i64: 2, 16>, scalar_prefetch = 0 : i64, scratch_operands = 21 : i64, tpu.core_type = #tpu.core_type<sc_vector_subcore>, window_params = [{transform_indices = #map}, {transform_indices = #map1}, {transform_indices = #map1}, {transform_indices = #map}]} {
    %mul3A = arith.constant 2 : i32
    %mul3A_0 = arith.muli %arg1, %mul3A : i32
    %add3A = arith.addi %mul3A_0, %arg0 : i32
    %parallel_loop3A = arith.constant 0 : i32
    %parallel_loop3A_1 = arith.constant 80 : i32
    %parallel_loop3A_2 = arith.constant 1 : i32
    scf.for %parallel_loop3A_497 = %parallel_loop3A to %parallel_loop3A_1 step %parallel_loop3A_2  : i32 {
      %parallel_loop3A_498 = arith.constant 0.000000e+00 : f32
      %parallel_loop3A_499 = vector.broadcast %parallel_loop3A_498 : f32 to vector<16xf32>
      %parallel_loop3A_500 = arith.index_cast %parallel_loop3A_497 : i32 to index
      %parallel_loop3A_501 = arith.constant 0 : index
      %parallel_loop3A_502 = tpu.vector_load %arg13[%parallel_loop3A_500, %parallel_loop3A_501] {strides = array<i32>} : memref<80x144xf32, #tpu.memory_space<vmem>>, vector<1x16xf32>,
      %parallel_loop3A_503 = vector.shape_cast %parallel_loop3A_502 : vector<1x16xf32> to vector<16xf32>
      %parallel_loop3A_504 = vector.shape_cast %parallel_loop3A_499 : vector<16xf32> to vector<1x16xf32>
      tpu.vector_store %arg13[%parallel_loop3A_500, %parallel_loop3A_501], %parallel_loop3A_504 {strides = array<i32>} : memref<80x144xf32, #tpu.memory_space<vmem>>, vector<1x16xf32>,
      %parallel_loop3A_505 = arith.constant 0.000000e+00 : f32
      %parallel_loop3A_506 = vector.broadcast %parallel_loop3A_505 : f32 to vector<16xf32>
      %parallel_loop3A_507 = arith.index_cast %parallel_loop3A_497 : i32 to index
      %parallel_loop3A_508 = arith.constant 16 : index
      %parallel_loop3A_509 = tpu.vector_load %arg13[%parallel_loop3A_507, %parallel_loop3A_508] {strides = array<i32>} : memref<80x144xf32, #tpu.memory_space<vmem>>, vector<1x16xf32>,
      %parallel_loop3A_510 = vector.shape_cast %parallel_loop3A_509 : vector<1x16xf32> to vector<16xf32>
      %parallel_loop3A_511 = vector.shape_cast %parallel_loop3A_506 : vector<16xf32> to vector<1x16xf32>
      tpu.vector_store %arg13[%parallel_loop3A_507, %parallel_loop3A_508], %parallel_loop3A_511 {strides = array<i32>} : memref<80x144xf32, #tpu.memory_space<vmem>>, vector<1x16xf32>,
      %parallel_loop3A_512 = arith.constant 0.000000e+00 : f32
      %parallel_loop3A_513 = vector.broadcast %parallel_loop3A_512 : f32 to vector<16xf32>
      %parallel_loop3A_514 = arith.index_cast %parallel_loop3A_497 : i32 to index
      %parallel_loop3A_515 = arith.constant 32 : index
      %parallel_loop3A_516 = tpu.vector_load %arg13[%parallel_loop3A_514, %parallel_loop3A_515] {strides = array<i32>} : memref<80x144xf32, #tpu.memory_space<vmem>>, vector<1x16xf32>,
      %parallel_loop3A_517 = vector.shape_cast %parallel_loop3A_516 : vector<1x16xf32> to vector<16xf32>
      %parallel_loop3A_518 = vector.shape_cast %parallel_loop3A_513 : vector<16xf32> to vector<1x16xf32>
      tpu.vector_store %arg13[%parallel_loop3A_514, %parallel_loop3A_515], %parallel_loop3A_518 {strides = array<i32>} : memref<80x144xf32, #tpu.memory_space<vmem>>, vector<1x16xf32>,
      %parallel_loop3A_519 = arith.constant 0.000000e+00 : f32
      %parallel_loop3A_520 = vector.broadcast %parallel_loop3A_519 : f32 to vector<16xf32>
      %parallel_loop3A_521 = arith.index_cast %parallel_loop3A_497 : i32 to index
      %parallel_loop3A_522 = arith.constant 48 : index
      %parallel_loop3A_523 = tpu.vector_load %arg13[%parallel_loop3A_521, %parallel_loop3A_522] {strides = array<i32>} : memref<80x144xf32, #tpu.memory_space<vmem>>, vector<1x16xf32>,
      %parallel_loop3A_524 = vector.shape_cast %parallel_loop3A_523 : vector<1x16xf32> to vector<16xf32>
      %parallel_loop3A_525 = vector.shape_cast %parallel_loop3A_520 : vector<16xf32> to vector<1x16xf32>
      tpu.vector_store %arg13[%parallel_loop3A_521, %parallel_loop3A_522], %parallel_loop3A_525 {strides = array<i32>} : memref<80x144xf32, #tpu.memory_space<vmem>>, vector<1x16xf32>,
      %parallel_loop3A_526 = arith.constant 0.000000e+00 : f32
      %parallel_loop3A_527 = vector.broadcast %parallel_loop3A_526 : f32 to vector<16xf32>
      %parallel_loop3A_528 = arith.index_cast %parallel_loop3A_497 : i32 to index
      %parallel_loop3A_529 = arith.constant 64 : index
      %parallel_loop3A_530 = tpu.vector_load %arg13[%parallel_loop3A_528, %parallel_loop3A_529] {strides = array<i32>} : memref<80x144xf32, #tpu.memory_space<vmem>>, vector<1x16xf32>,
      %parallel_loop3A_531 = vector.shape_cast %parallel_loop3A_530 : vector<1x16xf32> to vector<16xf32>
      %parallel_loop3A_532 = vector.shape_cast %parallel_loop3A_527 : vector<16xf32> to vector<1x16xf32>
      tpu.vector_store %arg13[%parallel_loop3A_528, %parallel_loop3A_529], %parallel_loop3A_532 {strides = array<i32>} : memref<80x144xf32, #tpu.memory_space<vmem>>, vector<1x16xf32>,
      %parallel_loop3A_533 = arith.constant 0.000000e+00 : f32
      %parallel_loop3A_534 = vector.broadcast %parallel_loop3A_533 : f32 to vector<16xf32>
      %parallel_loop3A_535 = arith.index_cast %parallel_loop3A_497 : i32 to index
      %parallel_loop3A_536 = arith.constant 80 : index
      %parallel_loop3A_537 = tpu.vector_load %arg13[%parallel_loop3A_535, %parallel_loop3A_536] {strides = array<i32>} : memref<80x144xf32, #tpu.memory_space<vmem>>, vector<1x16xf32>,
      %parallel_loop3A_538 = vector.shape_cast %parallel_loop3A_537 : vector<1x16xf32> to vector<16xf32>
      %parallel_loop3A_539 = vector.shape_cast %parallel_loop3A_534 : vector<16xf32> to vector<1x16xf32>
      tpu.vector_store %arg13[%parallel_loop3A_535, %parallel_loop3A_536], %parallel_loop3A_539 {strides = array<i32>} : memref<80x144xf32, #tpu.memory_space<vmem>>, vector<1x16xf32>,
      %parallel_loop3A_540 = arith.constant 0.000000e+00 : f32
      %parallel_loop3A_541 = vector.broadcast %parallel_loop3A_540 : f32 to vector<16xf32>
      %parallel_loop3A_542 = arith.index_cast %parallel_loop3A_497 : i32 to index
      %parallel_loop3A_543 = arith.constant 96 : index
      %parallel_loop3A_544 = tpu.vector_load %arg13[%parallel_loop3A_542, %parallel_loop3A_543] {strides = array<i32>} : memref<80x144xf32, #tpu.memory_space<vmem>>, vector<1x16xf32>,
      %parallel_loop3A_545 = vector.shape_cast %parallel_loop3A_544 : vector<1x16xf32> to vector<16xf32>
      %parallel_loop3A_546 = vector.shape_cast %parallel_loop3A_541 : vector<16xf32> to vector<1x16xf32>
      tpu.vector_store %arg13[%parallel_loop3A_542, %parallel_loop3A_543], %parallel_loop3A_546 {strides = array<i32>} : memref<80x144xf32, #tpu.memory_space<vmem>>, vector<1x16xf32>,
      %parallel_loop3A_547 = arith.constant 0.000000e+00 : f32
      %parallel_loop3A_548 = vector.broadcast %parallel_loop3A_547 : f32 to vector<16xf32>
      %parallel_loop3A_549 = arith.index_cast %parallel_loop3A_497 : i32 to index
      %parallel_loop3A_550 = arith.constant 112 : index
      %parallel_loop3A_551 = tpu.vector_load %arg13[%parallel_loop3A_549, %parallel_loop3A_550] {strides = array<i32>} : memref<80x144xf32, #tpu.memory_space<vmem>>, vector<1x16xf32>,
      %parallel_loop3A_552 = vector.shape_cast %parallel_loop3A_551 : vector<1x16xf32> to vector<16xf32>
      %parallel_loop3A_553 = vector.shape_cast %parallel_loop3A_548 : vector<16xf32> to vector<1x16xf32>
      tpu.vector_store %arg13[%parallel_loop3A_549, %parallel_loop3A_550], %parallel_loop3A_553 {strides = array<i32>} : memref<80x144xf32, #tpu.memory_space<vmem>>, vector<1x16xf32>,
      %parallel_loop3A_554 = arith.constant 0.000000e+00 : f32
      %parallel_loop3A_555 = vector.broadcast %parallel_loop3A_554 : f32 to vector<16xf32>
      %parallel_loop3A_556 = arith.index_cast %parallel_loop3A_497 : i32 to index
      %parallel_loop3A_557 = arith.constant 128 : index
      %parallel_loop3A_558 = tpu.vector_load %arg13[%parallel_loop3A_556, %parallel_loop3A_557] {strides = array<i32>} : memref<80x144xf32, #tpu.memory_space<vmem>>, vector<1x16xf32>,
      %parallel_loop3A_559 = vector.shape_cast %parallel_loop3A_558 : vector<1x16xf32> to vector<16xf32>
      %parallel_loop3A_560 = vector.shape_cast %parallel_loop3A_555 : vector<16xf32> to vector<1x16xf32>
      tpu.vector_store %arg13[%parallel_loop3A_556, %parallel_loop3A_557], %parallel_loop3A_560 {strides = array<i32>} : memref<80x144xf32, #tpu.memory_space<vmem>>, vector<1x16xf32>,
    } {sc.loop_unroll_factor = 1 : i64, sc.parallel_access}
    %mul3A_3 = arith.constant 632 : i32
    %mul3A_4 = arith.muli %arg1, %mul3A_3 : i32
    %add3A_5 = arith.constant 0 : i32
    %add3A_6 = arith.addi %mul3A_4, %add3A_5 : i32
    "tpu.region"() ({
      %run_scoped3A = tpu.sem_alloc : memref<!tpu.dma_semaphore, #tpu.memory_space<semaphore_mem>>
      %dma_start3A_497 = arith.constant 0 : i32
      %dma_start3A_498 = tpu.memref_slice %arg19[%add3A_6, %dma_start3A_497] : memref<10112x144xf32, #tpu.memory_space<vmem_shared>> -> memref<80x144xf32, #tpu.memory_space<vmem_shared>>
      %dma_start3A_499 = arith.constant 0 : i32
      %dma_start3A_500 = tpu.memref_slice %arg19[%add3A_6, %dma_start3A_499] : memref<10112x144xf32, #tpu.memory_space<vmem_shared>> -> memref<80x144xf32, #tpu.memory_space<vmem_shared>>
      tpu.enqueue_dma source(%arg13 : memref<80x144xf32, #tpu.memory_space<vmem>>) target(%dma_start3A_500 : memref<80x144xf32, #tpu.memory_space<vmem_shared>>) target_semaphore(%run_scoped3A : memref<!tpu.dma_semaphore, #tpu.memory_space<semaphore_mem>>)
      %dma_wait3A_501 = arith.constant 0 : i32
      %dma_wait3A_502 = tpu.memref_slice %arg19[%add3A_6, %dma_wait3A_501] : memref<10112x144xf32, #tpu.memory_space<vmem_shared>> -> memref<80x144xf32, #tpu.memory_space<vmem_shared>>
      %dma_wait3A_503 = arith.constant 0 : i32
      %dma_wait3A_504 = tpu.memref_slice %arg19[%add3A_6, %dma_wait3A_503] : memref<10112x144xf32, #tpu.memory_space<vmem_shared>> -> memref<80x144xf32, #tpu.memory_space<vmem_shared>>
      tpu.wait_dma2 semaphore(%run_scoped3A : memref<!tpu.dma_semaphore, #tpu.memory_space<semaphore_mem>>) src(%arg13 : memref<80x144xf32, #tpu.memory_space<vmem>>) dst(%dma_wait3A_504 : memref<80x144xf32, #tpu.memory_space<vmem_shared>>)
      tpu.yield
    }) : () -> ()
    %add3A_7 = arith.constant 80 : i32
    %add3A_8 = arith.addi %mul3A_4, %add3A_7 : i32
    "tpu.region"() ({
      %run_scoped3A = tpu.sem_alloc : memref<!tpu.dma_semaphore, #tpu.memory_space<semaphore_mem>>
      %dma_start3A_497 = arith.constant 0 : i32
      %dma_start3A_498 = tpu.memref_slice %arg19[%add3A_8, %dma_start3A_497] : memref<10112x144xf32, #tpu.memory_space<vmem_shared>> -> memref<80x144xf32, #tpu.memory_space<vmem_shared>>
      %dma_start3A_499 = arith.constant 0 : i32
      %dma_start3A_500 = tpu.memref_slice %arg19[%add3A_8, %dma_start3A_499] : memref<10112x144xf32, #tpu.memory_space<vmem_shared>> -> memref<80x144xf32, #tpu.memory_space<vmem_shared>>
      tpu.enqueue_dma source(%arg13 : memref<80x144xf32, #tpu.memory_space<vmem>>) target(%dma_start3A_500 : memref<80x144xf32, #tpu.memory_space<vmem_shared>>) target_semaphore(%run_scoped3A : memref<!tpu.dma_semaphore, #tpu.memory_space<semaphore_mem>>)
      %dma_wait3A_501 = arith.constant 0 : i32
      %dma_wait3A_502 = tpu.memref_slice %arg19[%add3A_8, %dma_wait3A_501] : memref<10112x144xf32, #tpu.memory_space<vmem_shared>> -> memref<80x144xf32, #tpu.memory_space<vmem_shared>>
      %dma_wait3A_503 = arith.constant 0 : i32
      %dma_wait3A_504 = tpu.memref_slice %arg19[%add3A_8, %dma_wait3A_503] : memref<10112x144xf32, #tpu.memory_space<vmem_shared>> -> memref<80x144xf32, #tpu.memory_space<vmem_shared>>
      tpu.wait_dma2 semaphore(%run_scoped3A : memref<!tpu.dma_semaphore, #tpu.memory_space<semaphore_mem>>) src(%arg13 : memref<80x144xf32, #tpu.memory_space<vmem>>) dst(%dma_wait3A_504 : memref<80x144xf32, #tpu.memory_space<vmem_shared>>)
      tpu.yield
    }) : () -> ()
    %add3A_9 = arith.constant 160 : i32
    %add3A_10 = arith.addi %mul3A_4, %add3A_9 : i32
    "tpu.region"() ({
      %run_scoped3A = tpu.sem_alloc : memref<!tpu.dma_semaphore, #tpu.memory_space<semaphore_mem>>
      %dma_start3A_497 = arith.constant 0 : i32
      %dma_start3A_498 = tpu.memref_slice %arg19[%add3A_10, %dma_start3A_497] : memref<10112x144xf32, #tpu.memory_space<vmem_shared>> -> memref<80x144xf32, #tpu.memory_space<vmem_shared>>
      %dma_start3A_499 = arith.constant 0 : i32
      %dma_start3A_500 = tpu.memref_slice %arg19[%add3A_10, %dma_start3A_499] : memref<10112x144xf32, #tpu.memory_space<vmem_shared>> -> memref<80x144xf32, #tpu.memory_space<vmem_shared>>
      tpu.enqueue_dma source(%arg13 : memref<80x144xf32, #tpu.memory_space<vmem>>) target(%dma_start3A_500 : memref<80x144xf32, #tpu.memory_space<vmem_shared>>) target_semaphore(%run_scoped3A : memref<!tpu.dma_semaphore, #tpu.memory_space<semaphore_mem>>)
      %dma_wait3A_501 = arith.constant 0 : i32
      %dma_wait3A_502 = tpu.memref_slice %arg19[%add3A_10, %dma_wait3A_501] : memref<10112x144xf32, #tpu.memory_space<vmem_shared>> -> memref<80x144xf32, #tpu.memory_space<vmem_shared>>
      %dma_wait3A_503 = arith.constant 0 : i32
      %dma_wait3A_504 = tpu.memref_slice %arg19[%add3A_10, %dma_wait3A_503] : memref<10112x144xf32, #tpu.memory_space<vmem_shared>> -> memref<80x144xf32, #tpu.memory_space<vmem_shared>>
      tpu.wait_dma2 semaphore(%run_scoped3A : memref<!tpu.dma_semaphore, #tpu.memory_space<semaphore_mem>>) src(%arg13 : memref<80x144xf32, #tpu.memory_space<vmem>>) dst(%dma_wait3A_504 : memref<80x144xf32, #tpu.memory_space<vmem_shared>>)
      tpu.yield
    }) : () -> ()
    %add3A_11 = arith.constant 240 : i32
    %add3A_12 = arith.addi %mul3A_4, %add3A_11 : i32
    "tpu.region"() ({
      %run_scoped3A = tpu.sem_alloc : memref<!tpu.dma_semaphore, #tpu.memory_space<semaphore_mem>>
      %dma_start3A_497 = arith.constant 0 : i32
      %dma_start3A_498 = tpu.memref_slice %arg19[%add3A_12, %dma_start3A_497] : memref<10112x144xf32, #tpu.memory_space<vmem_shared>> -> memref<80x144xf32, #tpu.memory_space<vmem_shared>>
      %dma_start3A_499 = arith.constant 0 : i32
      %dma_start3A_500 = tpu.memref_slice %arg19[%add3A_12, %dma_start3A_499] : memref<10112x144xf32, #tpu.memory_space<vmem_shared>> -> memref<80x144xf32, #tpu.memory_space<vmem_shared>>
      tpu.enqueue_dma source(%arg13 : memref<80x144xf32, #tpu.memory_space<vmem>>) target(%dma_start3A_500 : memref<80x144xf32, #tpu.memory_space<vmem_shared>>) target_semaphore(%run_scoped3A : memref<!tpu.dma_semaphore, #tpu.memory_space<semaphore_mem>>)
      %dma_wait3A_501 = arith.constant 0 : i32
      %dma_wait3A_502 = tpu.memref_slice %arg19[%add3A_12, %dma_wait3A_501] : memref<10112x144xf32, #tpu.memory_space<vmem_shared>> -> memref<80x144xf32, #tpu.memory_space<vmem_shared>>
      %dma_wait3A_503 = arith.constant 0 : i32
      %dma_wait3A_504 = tpu.memref_slice %arg19[%add3A_12, %dma_wait3A_503] : memref<10112x144xf32, #tpu.memory_space<vmem_shared>> -> memref<80x144xf32, #tpu.memory_space<vmem_shared>>
      tpu.wait_dma2 semaphore(%run_scoped3A : memref<!tpu.dma_semaphore, #tpu.memory_space<semaphore_mem>>) src(%arg13 : memref<80x144xf32, #tpu.memory_space<vmem>>) dst(%dma_wait3A_504 : memref<80x144xf32, #tpu.memory_space<vmem_shared>>)
      tpu.yield
    }) : () -> ()
    %add3A_13 = arith.constant 320 : i32
    %add3A_14 = arith.addi %mul3A_4, %add3A_13 : i32
    "tpu.region"() ({
      %run_scoped3A = tpu.sem_alloc : memref<!tpu.dma_semaphore, #tpu.memory_space<semaphore_mem>>
      %dma_start3A_497 = arith.constant 0 : i32
      %dma_start3A_498 = tpu.memref_slice %arg19[%add3A_14, %dma_start3A_497] : memref<10112x144xf32, #tpu.memory_space<vmem_shared>> -> memref<80x144xf32, #tpu.memory_space<vmem_shared>>
      %dma_start3A_499 = arith.constant 0 : i32
      %dma_start3A_500 = tpu.memref_slice %arg19[%add3A_14, %dma_start3A_499] : memref<10112x144xf32, #tpu.memory_space<vmem_shared>> -> memref<80x144xf32, #tpu.memory_space<vmem_shared>>
      tpu.enqueue_dma source(%arg13 : memref<80x144xf32, #tpu.memory_space<vmem>>) target(%dma_start3A_500 : memref<80x144xf32, #tpu.memory_space<vmem_shared>>) target_semaphore(%run_scoped3A : memref<!tpu.dma_semaphore, #tpu.memory_space<semaphore_mem>>)
      %dma_wait3A_501 = arith.constant 0 : i32
      %dma_wait3A_502 = tpu.memref_slice %arg19[%add3A_14, %dma_wait3A_501] : memref<10112x144xf32, #tpu.memory_space<vmem_shared>> -> memref<80x144xf32, #tpu.memory_space<vmem_shared>>
      %dma_wait3A_503 = arith.constant 0 : i32
      %dma_wait3A_504 = tpu.memref_slice %arg19[%add3A_14, %dma_wait3A_503] : memref<10112x144xf32, #tpu.memory_space<vmem_shared>> -> memref<80x144xf32, #tpu.memory_space<vmem_shared>>
      tpu.wait_dma2 semaphore(%run_scoped3A : memref<!tpu.dma_semaphore, #tpu.memory_space<semaphore_mem>>) src(%arg13 : memref<80x144xf32, #tpu.memory_space<vmem>>) dst(%dma_wait3A_504 : memref<80x144xf32, #tpu.memory_space<vmem_shared>>)
      tpu.yield
    }) : () -> ()
    %add3A_15 = arith.constant 400 : i32
    %add3A_16 = arith.addi %mul3A_4, %add3A_15 : i32
    "tpu.region"() ({
      %run_scoped3A = tpu.sem_alloc : memref<!tpu.dma_semaphore, #tpu.memory_space<semaphore_mem>>
      %dma_start3A_497 = arith.constant 0 : i32
      %dma_start3A_498 = tpu.memref_slice %arg19[%add3A_16, %dma_start3A_497] : memref<10112x144xf32, #tpu.memory_space<vmem_shared>> -> memref<80x144xf32, #tpu.memory_space<vmem_shared>>
      %dma_start3A_499 = arith.constant 0 : i32
      %dma_start3A_500 = tpu.memref_slice %arg19[%add3A_16, %dma_start3A_499] : memref<10112x144xf32, #tpu.memory_space<vmem_shared>> -> memref<80x144xf32, #tpu.memory_space<vmem_shared>>
      tpu.enqueue_dma source(%arg13 : memref<80x144xf32, #tpu.memory_space<vmem>>) target(%dma_start3A_500 : memref<80x144xf32, #tpu.memory_space<vmem_shared>>) target_semaphore(%run_scoped3A : memref<!tpu.dma_semaphore, #tpu.memory_space<semaphore_mem>>)
      %dma_wait3A_501 = arith.constant 0 : i32
      %dma_wait3A_502 = tpu.memref_slice %arg19[%add3A_16, %dma_wait3A_501] : memref<10112x144xf32, #tpu.memory_space<vmem_shared>> -> memref<80x144xf32, #tpu.memory_space<vmem_shared>>
      %dma_wait3A_503 = arith.constant 0 : i32
      %dma_wait3A_504 = tpu.memref_slice %arg19[%add3A_16, %dma_wait3A_503] : memref<10112x144xf32, #tpu.memory_space<vmem_shared>> -> memref<80x144xf32, #tpu.memory_space<vmem_shared>>
      tpu.wait_dma2 semaphore(%run_scoped3A : memref<!tpu.dma_semaphore, #tpu.memory_space<semaphore_mem>>) src(%arg13 : memref<80x144xf32, #tpu.memory_space<vmem>>) dst(%dma_wait3A_504 : memref<80x144xf32, #tpu.memory_space<vmem_shared>>)
      tpu.yield
    }) : () -> ()
    %add3A_17 = arith.constant 480 : i32
    %add3A_18 = arith.addi %mul3A_4, %add3A_17 : i32
    "tpu.region"() ({
      %run_scoped3A = tpu.sem_alloc : memref<!tpu.dma_semaphore, #tpu.memory_space<semaphore_mem>>
      %dma_start3A_497 = arith.constant 0 : i32
      %dma_start3A_498 = tpu.memref_slice %arg19[%add3A_18, %dma_start3A_497] : memref<10112x144xf32, #tpu.memory_space<vmem_shared>> -> memref<80x144xf32, #tpu.memory_space<vmem_shared>>
      %dma_start3A_499 = arith.constant 0 : i32
      %dma_start3A_500 = tpu.memref_slice %arg19[%add3A_18, %dma_start3A_499] : memref<10112x144xf32, #tpu.memory_space<vmem_shared>> -> memref<80x144xf32, #tpu.memory_space<vmem_shared>>
      tpu.enqueue_dma source(%arg13 : memref<80x144xf32, #tpu.memory_space<vmem>>) target(%dma_start3A_500 : memref<80x144xf32, #tpu.memory_space<vmem_shared>>) target_semaphore(%run_scoped3A : memref<!tpu.dma_semaphore, #tpu.memory_space<semaphore_mem>>)
      %dma_wait3A_501 = arith.constant 0 : i32
      %dma_wait3A_502 = tpu.memref_slice %arg19[%add3A_18, %dma_wait3A_501] : memref<10112x144xf32, #tpu.memory_space<vmem_shared>> -> memref<80x144xf32, #tpu.memory_space<vmem_shared>>
      %dma_wait3A_503 = arith.constant 0 : i32
      %dma_wait3A_504 = tpu.memref_slice %arg19[%add3A_18, %dma_wait3A_503] : memref<10112x144xf32, #tpu.memory_space<vmem_shared>> -> memref<80x144xf32, #tpu.memory_space<vmem_shared>>
      tpu.wait_dma2 semaphore(%run_scoped3A : memref<!tpu.dma_semaphore, #tpu.memory_space<semaphore_mem>>) src(%arg13 : memref<80x144xf32, #tpu.memory_space<vmem>>) dst(%dma_wait3A_504 : memref<80x144xf32, #tpu.memory_space<vmem_shared>>)
      tpu.yield
    }) : () -> ()
    %add3A_19 = arith.constant 560 : i32
    %add3A_20 = arith.addi %mul3A_4, %add3A_19 : i32
    "tpu.region"() ({
      %run_scoped3A = tpu.sem_alloc : memref<!tpu.dma_semaphore, #tpu.memory_space<semaphore_mem>>
      %dma_start3A_497 = arith.constant 0 : i32
      %dma_start3A_498 = arith.constant 0 : i32
      %dma_start3A_499 = tpu.memref_slice %arg13[%dma_start3A_497, %dma_start3A_498] : memref<80x144xf32, #tpu.memory_space<vmem>> -> memref<72x144xf32, #tpu.memory_space<vmem>>
      %dma_start3A_500 = arith.constant 0 : i32
      %dma_start3A_501 = tpu.memref_slice %arg19[%add3A_20, %dma_start3A_500] : memref<10112x144xf32, #tpu.memory_space<vmem_shared>> -> memref<72x144xf32, #tpu.memory_space<vmem_shared>>
      %dma_start3A_502 = arith.constant 0 : i32
      %dma_start3A_503 = tpu.memref_slice %arg19[%add3A_20, %dma_start3A_502] : memref<10112x144xf32, #tpu.memory_space<vmem_shared>> -> memref<72x144xf32, #tpu.memory_space<vmem_shared>>
      %dma_start3A_504 = arith.constant 0 : i32
      %dma_start3A_505 = arith.constant 0 : i32
      %dma_start3A_506 = tpu.memref_slice %arg13[%dma_start3A_504, %dma_start3A_505] : memref<80x144xf32, #tpu.memory_space<vmem>> -> memref<72x144xf32, #tpu.memory_space<vmem>>
      tpu.enqueue_dma source(%dma_start3A_506 : memref<72x144xf32, #tpu.memory_space<vmem>>) target(%dma_start3A_503 : memref<72x144xf32, #tpu.memory_space<vmem_shared>>) target_semaphore(%run_scoped3A : memref<!tpu.dma_semaphore, #tpu.memory_space<semaphore_mem>>)
      %dma_wait3A_507 = arith.constant 0 : i32
      %dma_wait3A_508 = arith.constant 0 : i32
      %dma_wait3A_509 = tpu.memref_slice %arg13[%dma_wait3A_507, %dma_wait3A_508] : memref<80x144xf32, #tpu.memory_space<vmem>> -> memref<72x144xf32, #tpu.memory_space<vmem>>
      %dma_wait3A_510 = arith.constant 0 : i32
      %dma_wait3A_511 = tpu.memref_slice %arg19[%add3A_20, %dma_wait3A_510] : memref<10112x144xf32, #tpu.memory_space<vmem_shared>> -> memref<72x144xf32, #tpu.memory_space<vmem_shared>>
      %dma_wait3A_512 = arith.constant 0 : i32
      %dma_wait3A_513 = tpu.memref_slice %arg19[%add3A_20, %dma_wait3A_512] : memref<10112x144xf32, #tpu.memory_space<vmem_shared>> -> memref<72x144xf32, #tpu.memory_space<vmem_shared>>
      %dma_wait3A_514 = arith.constant 0 : i32
      %dma_wait3A_515 = arith.constant 0 : i32
      %dma_wait3A_516 = tpu.memref_slice %arg13[%dma_wait3A_514, %dma_wait3A_515] : memref<80x144xf32, #tpu.memory_space<vmem>> -> memref<72x144xf32, #tpu.memory_space<vmem>>
      tpu.wait_dma2 semaphore(%run_scoped3A : memref<!tpu.dma_semaphore, #tpu.memory_space<semaphore_mem>>) src(%dma_wait3A_516 : memref<72x144xf32, #tpu.memory_space<vmem>>) dst(%dma_wait3A_513 : memref<72x144xf32, #tpu.memory_space<vmem_shared>>)
      tpu.yield
    }) : () -> ()
    %barrier3A = arith.constant 0 : index
    tpu.barrier barrier_id(%barrier3A)
    %dma_start3A = arith.constant 0 : i32
    %dma_start3A_21 = arith.constant 0 : i32
    %dma_start3A_22 = tpu.memref_slice %arg6[%dma_start3A, %dma_start3A_21] : memref<10x80xi32, #tpu.memory_space<vmem>> -> memref<5x80xi32, #tpu.memory_space<vmem>>
    %dma_start3A_23 = arith.constant 0 : i32
    %dma_start3A_24 = arith.constant 0 : i32
    %dma_start3A_25 = tpu.memref_slice %arg2[%add3A, %dma_start3A_23, %dma_start3A_24] : memref<32x125x80xi32, #tpu.memory_space<hbm>> -> memref<1x5x80xi32, #tpu.memory_space<hbm>>
    %dma_start3A_26 = tpu.memref_squeeze %dma_start3A_25 : memref<1x5x80xi32, #tpu.memory_space<hbm>> -> memref<5x80xi32, #tpu.memory_space<hbm>>
    %dma_start3A_27 = arith.constant 0 : i32
    %dma_start3A_28 = arith.constant 0 : i32
    %dma_start3A_29 = tpu.memref_slice %arg6[%dma_start3A_27, %dma_start3A_28] : memref<10x80xi32, #tpu.memory_space<vmem>> -> memref<5x80xi32, #tpu.memory_space<vmem>>
    %dma_start3A_30 = arith.constant 0 : i32
    %dma_start3A_31 = arith.constant 0 : i32
    %dma_start3A_32 = tpu.memref_slice %arg2[%add3A, %dma_start3A_30, %dma_start3A_31] : memref<32x125x80xi32, #tpu.memory_space<hbm>> -> memref<1x5x80xi32, #tpu.memory_space<hbm>>
    %dma_start3A_33 = tpu.memref_squeeze %dma_start3A_32 : memref<1x5x80xi32, #tpu.memory_space<hbm>> -> memref<5x80xi32, #tpu.memory_space<hbm>>
    tpu.enqueue_dma source(%dma_start3A_33 : memref<5x80xi32, #tpu.memory_space<hbm>>) target(%dma_start3A_29 : memref<5x80xi32, #tpu.memory_space<vmem>>) target_semaphore(%arg26 : memref<!tpu.dma_semaphore, #tpu.memory_space<semaphore_mem>>)
    %dma_wait3A = arith.constant 0 : i32
    %dma_wait3A_34 = arith.constant 0 : i32
    %dma_wait3A_35 = tpu.memref_slice %arg6[%dma_wait3A, %dma_wait3A_34] : memref<10x80xi32, #tpu.memory_space<vmem>> -> memref<5x80xi32, #tpu.memory_space<vmem>>
    %dma_wait3A_36 = arith.constant 0 : i32
    %dma_wait3A_37 = arith.constant 0 : i32
    %dma_wait3A_38 = tpu.memref_slice %arg2[%add3A, %dma_wait3A_36, %dma_wait3A_37] : memref<32x125x80xi32, #tpu.memory_space<hbm>> -> memref<1x5x80xi32, #tpu.memory_space<hbm>>
    %dma_wait3A_39 = tpu.memref_squeeze %dma_wait3A_38 : memref<1x5x80xi32, #tpu.memory_space<hbm>> -> memref<5x80xi32, #tpu.memory_space<hbm>>
    %dma_wait3A_40 = arith.constant 0 : i32
    %dma_wait3A_41 = arith.constant 0 : i32
    %dma_wait3A_42 = tpu.memref_slice %arg6[%dma_wait3A_40, %dma_wait3A_41] : memref<10x80xi32, #tpu.memory_space<vmem>> -> memref<5x80xi32, #tpu.memory_space<vmem>>
    %dma_wait3A_43 = arith.constant 0 : i32
    %dma_wait3A_44 = arith.constant 0 : i32
    %dma_wait3A_45 = tpu.memref_slice %arg2[%add3A, %dma_wait3A_43, %dma_wait3A_44] : memref<32x125x80xi32, #tpu.memory_space<hbm>> -> memref<1x5x80xi32, #tpu.memory_space<hbm>>
    %dma_wait3A_46 = tpu.memref_squeeze %dma_wait3A_45 : memref<1x5x80xi32, #tpu.memory_space<hbm>> -> memref<5x80xi32, #tpu.memory_space<hbm>>
    tpu.wait_dma2 semaphore(%arg26 : memref<!tpu.dma_semaphore, #tpu.memory_space<semaphore_mem>>) src(%dma_wait3A_46 : memref<5x80xi32, #tpu.memory_space<hbm>>) dst(%dma_wait3A_42 : memref<5x80xi32, #tpu.memory_space<vmem>>)
    %dma_start3A_47 = arith.constant 5 : i32
    %dma_start3A_48 = arith.constant 0 : i32
    %dma_start3A_49 = tpu.memref_slice %arg6[%dma_start3A_47, %dma_start3A_48] : memref<10x80xi32, #tpu.memory_space<vmem>> -> memref<5x80xi32, #tpu.memory_space<vmem>>
    %dma_start3A_50 = arith.constant 5 : i32
    %dma_start3A_51 = arith.constant 0 : i32
    %dma_start3A_52 = tpu.memref_slice %arg2[%add3A, %dma_start3A_50, %dma_start3A_51] : memref<32x125x80xi32, #tpu.memory_space<hbm>> -> memref<1x5x80xi32, #tpu.memory_space<hbm>>
    %dma_start3A_53 = tpu.memref_squeeze %dma_start3A_52 : memref<1x5x80xi32, #tpu.memory_space<hbm>> -> memref<5x80xi32, #tpu.memory_space<hbm>>
    %dma_start3A_54 = arith.constant 5 : i32
    %dma_start3A_55 = arith.constant 0 : i32
    %dma_start3A_56 = tpu.memref_slice %arg6[%dma_start3A_54, %dma_start3A_55] : memref<10x80xi32, #tpu.memory_space<vmem>> -> memref<5x80xi32, #tpu.memory_space<vmem>>
    %dma_start3A_57 = arith.constant 5 : i32
    %dma_start3A_58 = arith.constant 0 : i32
    %dma_start3A_59 = tpu.memref_slice %arg2[%add3A, %dma_start3A_57, %dma_start3A_58] : memref<32x125x80xi32, #tpu.memory_space<hbm>> -> memref<1x5x80xi32, #tpu.memory_space<hbm>>
    %dma_start3A_60 = tpu.memref_squeeze %dma_start3A_59 : memref<1x5x80xi32, #tpu.memory_space<hbm>> -> memref<5x80xi32, #tpu.memory_space<hbm>>
    tpu.enqueue_dma source(%dma_start3A_60 : memref<5x80xi32, #tpu.memory_space<hbm>>) target(%dma_start3A_56 : memref<5x80xi32, #tpu.memory_space<vmem>>) target_semaphore(%arg26 : memref<!tpu.dma_semaphore, #tpu.memory_space<semaphore_mem>>)
    %get3A = arith.constant 0 : i32
    %get3A_61 = arith.index_cast %get3A : i32 to index
    %get3A_62 = arith.constant 0 : index
    %get3A_63 = tpu.vector_load %arg6[%get3A_61, %get3A_62] {strides = array<i32>} : memref<10x80xi32, #tpu.memory_space<vmem>>, vector<1x16xi32>,
    %get3A_64 = vector.shape_cast %get3A_63 : vector<1x16xi32> to vector<16xi32>
    %and3A = arith.constant 65535 : i32
    %and3A_65 = vector.broadcast %and3A : i32 to vector<16xi32>
    %and3A_66 = arith.andi %get3A_64, %and3A_65 : vector<16xi32>
    %swap3A = arith.constant 0 : index
    %swap3A_67 = tpu.vector_load %arg7[%swap3A] {strides = array<i32>} : memref<80xi32, #tpu.memory_space<vmem>>, vector<16xi32>,
    %swap3A_68 = vector.shape_cast %swap3A_67 : vector<16xi32> to vector<16xi32>
    %swap3A_69 = vector.shape_cast %and3A_66 : vector<16xi32> to vector<16xi32>
    tpu.vector_store %arg7[%swap3A], %swap3A_69 {strides = array<i32>} : memref<80xi32, #tpu.memory_space<vmem>>, vector<16xi32>,
    %shift_right_arithmetic3A = arith.constant 16 : i32
    %shift_right_arithmetic3A_70 = vector.broadcast %shift_right_arithmetic3A : i32 to vector<16xi32>
    %shift_right_arithmetic3A_71 = arith.shrsi %get3A_64, %shift_right_arithmetic3A_70 : vector<16xi32>
    %swap3A_72 = arith.constant 0 : index
    %swap3A_73 = tpu.vector_load %arg10[%swap3A_72] {strides = array<i32>} : memref<80xi32, #tpu.memory_space<vmem>>, vector<16xi32>,
    %swap3A_74 = vector.shape_cast %swap3A_73 : vector<16xi32> to vector<16xi32>
    %swap3A_75 = vector.shape_cast %shift_right_arithmetic3A_71 : vector<16xi32> to vector<16xi32>
    tpu.vector_store %arg10[%swap3A_72], %swap3A_75 {strides = array<i32>} : memref<80xi32, #tpu.memory_space<vmem>>, vector<16xi32>,
    %get3A_76 = arith.constant 0 : i32
    %get3A_77 = arith.index_cast %get3A_76 : i32 to index
    %get3A_78 = arith.constant 16 : index
    %get3A_79 = tpu.vector_load %arg6[%get3A_77, %get3A_78] {strides = array<i32>} : memref<10x80xi32, #tpu.memory_space<vmem>>, vector<1x16xi32>,
    %get3A_80 = vector.shape_cast %get3A_79 : vector<1x16xi32> to vector<16xi32>
    %and3A_81 = arith.constant 65535 : i32
    %and3A_82 = vector.broadcast %and3A_81 : i32 to vector<16xi32>
    %and3A_83 = arith.andi %get3A_80, %and3A_82 : vector<16xi32>
    %swap3A_84 = arith.constant 16 : index
    %swap3A_85 = tpu.vector_load %arg7[%swap3A_84] {strides = array<i32>} : memref<80xi32, #tpu.memory_space<vmem>>, vector<16xi32>,
    %swap3A_86 = vector.shape_cast %swap3A_85 : vector<16xi32> to vector<16xi32>
    %swap3A_87 = vector.shape_cast %and3A_83 : vector<16xi32> to vector<16xi32>
    tpu.vector_store %arg7[%swap3A_84], %swap3A_87 {strides = array<i32>} : memref<80xi32, #tpu.memory_space<vmem>>, vector<16xi32>,
    %shift_right_arithmetic3A_88 = arith.constant 16 : i32
    %shift_right_arithmetic3A_89 = vector.broadcast %shift_right_arithmetic3A_88 : i32 to vector<16xi32>
    %shift_right_arithmetic3A_90 = arith.shrsi %get3A_80, %shift_right_arithmetic3A_89 : vector<16xi32>
    %swap3A_91 = arith.constant 16 : index
    %swap3A_92 = tpu.vector_load %arg10[%swap3A_91] {strides = array<i32>} : memref<80xi32, #tpu.memory_space<vmem>>, vector<16xi32>,
    %swap3A_93 = vector.shape_cast %swap3A_92 : vector<16xi32> to vector<16xi32>
    %swap3A_94 = vector.shape_cast %shift_right_arithmetic3A_90 : vector<16xi32> to vector<16xi32>
    tpu.vector_store %arg10[%swap3A_91], %swap3A_94 {strides = array<i32>} : memref<80xi32, #tpu.memory_space<vmem>>, vector<16xi32>,
    %get3A_95 = arith.constant 0 : i32
    %get3A_96 = arith.index_cast %get3A_95 : i32 to index
    %get3A_97 = arith.constant 32 : index
    %get3A_98 = tpu.vector_load %arg6[%get3A_96, %get3A_97] {strides = array<i32>} : memref<10x80xi32, #tpu.memory_space<vmem>>, vector<1x16xi32>,
    %get3A_99 = vector.shape_cast %get3A_98 : vector<1x16xi32> to vector<16xi32>
    %and3A_100 = arith.constant 65535 : i32
    %and3A_101 = vector.broadcast %and3A_100 : i32 to vector<16xi32>
    %and3A_102 = arith.andi %get3A_99, %and3A_101 : vector<16xi32>
    %swap3A_103 = arith.constant 32 : index
    %swap3A_104 = tpu.vector_load %arg7[%swap3A_103] {strides = array<i32>} : memref<80xi32, #tpu.memory_space<vmem>>, vector<16xi32>,
    %swap3A_105 = vector.shape_cast %swap3A_104 : vector<16xi32> to vector<16xi32>
    %swap3A_106 = vector.shape_cast %and3A_102 : vector<16xi32> to vector<16xi32>
    tpu.vector_store %arg7[%swap3A_103], %swap3A_106 {strides = array<i32>} : memref<80xi32, #tpu.memory_space<vmem>>, vector<16xi32>,
    %shift_right_arithmetic3A_107 = arith.constant 16 : i32
    %shift_right_arithmetic3A_108 = vector.broadcast %shift_right_arithmetic3A_107 : i32 to vector<16xi32>
    %shift_right_arithmetic3A_109 = arith.shrsi %get3A_99, %shift_right_arithmetic3A_108 : vector<16xi32>
    %swap3A_110 = arith.constant 32 : index
    %swap3A_111 = tpu.vector_load %arg10[%swap3A_110] {strides = array<i32>} : memref<80xi32, #tpu.memory_space<vmem>>, vector<16xi32>,
    %swap3A_112 = vector.shape_cast %swap3A_111 : vector<16xi32> to vector<16xi32>
    %swap3A_113 = vector.shape_cast %shift_right_arithmetic3A_109 : vector<16xi32> to vector<16xi32>
    tpu.vector_store %arg10[%swap3A_110], %swap3A_113 {strides = array<i32>} : memref<80xi32, #tpu.memory_space<vmem>>, vector<16xi32>,
    %get3A_114 = arith.constant 0 : i32
    %get3A_115 = arith.index_cast %get3A_114 : i32 to index
    %get3A_116 = arith.constant 48 : index
    %get3A_117 = tpu.vector_load %arg6[%get3A_115, %get3A_116] {strides = array<i32>} : memref<10x80xi32, #tpu.memory_space<vmem>>, vector<1x16xi32>,
    %get3A_118 = vector.shape_cast %get3A_117 : vector<1x16xi32> to vector<16xi32>
    %and3A_119 = arith.constant 65535 : i32
    %and3A_120 = vector.broadcast %and3A_119 : i32 to vector<16xi32>
    %and3A_121 = arith.andi %get3A_118, %and3A_120 : vector<16xi32>
    %swap3A_122 = arith.constant 48 : index
    %swap3A_123 = tpu.vector_load %arg7[%swap3A_122] {strides = array<i32>} : memref<80xi32, #tpu.memory_space<vmem>>, vector<16xi32>,
    %swap3A_124 = vector.shape_cast %swap3A_123 : vector<16xi32> to vector<16xi32>
    %swap3A_125 = vector.shape_cast %and3A_121 : vector<16xi32> to vector<16xi32>
    tpu.vector_store %arg7[%swap3A_122], %swap3A_125 {strides = array<i32>} : memref<80xi32, #tpu.memory_space<vmem>>, vector<16xi32>,
    %shift_right_arithmetic3A_126 = arith.constant 16 : i32
    %shift_right_arithmetic3A_127 = vector.broadcast %shift_right_arithmetic3A_126 : i32 to vector<16xi32>
    %shift_right_arithmetic3A_128 = arith.shrsi %get3A_118, %shift_right_arithmetic3A_127 : vector<16xi32>
    %swap3A_129 = arith.constant 48 : index
    %swap3A_130 = tpu.vector_load %arg10[%swap3A_129] {strides = array<i32>} : memref<80xi32, #tpu.memory_space<vmem>>, vector<16xi32>,
    %swap3A_131 = vector.shape_cast %swap3A_130 : vector<16xi32> to vector<16xi32>
    %swap3A_132 = vector.shape_cast %shift_right_arithmetic3A_128 : vector<16xi32> to vector<16xi32>
    tpu.vector_store %arg10[%swap3A_129], %swap3A_132 {strides = array<i32>} : memref<80xi32, #tpu.memory_space<vmem>>, vector<16xi32>,
    %get3A_133 = arith.constant 0 : i32
    %get3A_134 = arith.index_cast %get3A_133 : i32 to index
    %get3A_135 = arith.constant 64 : index
    %get3A_136 = tpu.vector_load %arg6[%get3A_134, %get3A_135] {strides = array<i32>} : memref<10x80xi32, #tpu.memory_space<vmem>>, vector<1x16xi32>,
    %get3A_137 = vector.shape_cast %get3A_136 : vector<1x16xi32> to vector<16xi32>
    %and3A_138 = arith.constant 65535 : i32
    %and3A_139 = vector.broadcast %and3A_138 : i32 to vector<16xi32>
    %and3A_140 = arith.andi %get3A_137, %and3A_139 : vector<16xi32>
    %swap3A_141 = arith.constant 64 : index
    %swap3A_142 = tpu.vector_load %arg7[%swap3A_141] {strides = array<i32>} : memref<80xi32, #tpu.memory_space<vmem>>, vector<16xi32>,
    %swap3A_143 = vector.shape_cast %swap3A_142 : vector<16xi32> to vector<16xi32>
    %swap3A_144 = vector.shape_cast %and3A_140 : vector<16xi32> to vector<16xi32>
    tpu.vector_store %arg7[%swap3A_141], %swap3A_144 {strides = array<i32>} : memref<80xi32, #tpu.memory_space<vmem>>, vector<16xi32>,
    %shift_right_arithmetic3A_145 = arith.constant 16 : i32
    %shift_right_arithmetic3A_146 = vector.broadcast %shift_right_arithmetic3A_145 : i32 to vector<16xi32>
    %shift_right_arithmetic3A_147 = arith.shrsi %get3A_137, %shift_right_arithmetic3A_146 : vector<16xi32>
    %swap3A_148 = arith.constant 64 : index
    %swap3A_149 = tpu.vector_load %arg10[%swap3A_148] {strides = array<i32>} : memref<80xi32, #tpu.memory_space<vmem>>, vector<16xi32>,
    %swap3A_150 = vector.shape_cast %swap3A_149 : vector<16xi32> to vector<16xi32>
    %swap3A_151 = vector.shape_cast %shift_right_arithmetic3A_147 : vector<16xi32> to vector<16xi32>
    tpu.vector_store %arg10[%swap3A_148], %swap3A_151 {strides = array<i32>} : memref<80xi32, #tpu.memory_space<vmem>>, vector<16xi32>,
    %dma_start3A_152 = arith.constant 0 : i32
    %dma_start3A_153 = arith.constant 0 : i32
    %dma_start3A_154 = tpu.memref_slice %arg3[%dma_start3A_152, %dma_start3A_153] : memref<10000x144xf32, #tpu.memory_space<hbm>> -> memref<10000x144xf32, #tpu.memory_space<hbm>>
    tpu.enqueue_indirect_dma source(%dma_start3A_154 : memref<10000x144xf32, #tpu.memory_space<hbm>>) target(%arg13 : memref<80x144xf32, #tpu.memory_space<vmem>>) offsets(%arg7 : memref<80xi32, #tpu.memory_space<vmem>>) semaphore(%arg20 : memref<!tpu.dma_semaphore, #tpu.memory_space<semaphore_mem>>)
    %dma_start3A_155 = arith.constant 0 : i32
    %dma_start3A_156 = arith.constant 0 : i32
    %dma_start3A_157 = tpu.memref_slice %arg4[%dma_start3A_155, %dma_start3A_156] : memref<10000x16xf32, #tpu.memory_space<hbm>> -> memref<10000x16xf32, #tpu.memory_space<hbm>>
    tpu.enqueue_indirect_dma source(%dma_start3A_157 : memref<10000x16xf32, #tpu.memory_space<hbm>>) target(%arg16 : memref<80x16xf32, #tpu.memory_space<vmem>>) offsets(%arg10 : memref<80xi32, #tpu.memory_space<vmem>>) semaphore(%arg20 : memref<!tpu.dma_semaphore, #tpu.memory_space<semaphore_mem>>)
    %get3A_158 = arith.constant 1 : i32
    %get3A_159 = arith.index_cast %get3A_158 : i32 to index
    %get3A_160 = arith.constant 0 : index
    %get3A_161 = tpu.vector_load %arg6[%get3A_159, %get3A_160] {strides = array<i32>} : memref<10x80xi32, #tpu.memory_space<vmem>>, vector<1x16xi32>,
    %get3A_162 = vector.shape_cast %get3A_161 : vector<1x16xi32> to vector<16xi32>
    %and3A_163 = arith.constant 65535 : i32
    %and3A_164 = vector.broadcast %and3A_163 : i32 to vector<16xi32>
    %and3A_165 = arith.andi %get3A_162, %and3A_164 : vector<16xi32>
    %swap3A_166 = arith.constant 0 : index
    %swap3A_167 = tpu.vector_load %arg8[%swap3A_166] {strides = array<i32>} : memref<80xi32, #tpu.memory_space<vmem>>, vector<16xi32>,
    %swap3A_168 = vector.shape_cast %swap3A_167 : vector<16xi32> to vector<16xi32>
    %swap3A_169 = vector.shape_cast %and3A_165 : vector<16xi32> to vector<16xi32>
    tpu.vector_store %arg8[%swap3A_166], %swap3A_169 {strides = array<i32>} : memref<80xi32, #tpu.memory_space<vmem>>, vector<16xi32>,
    %shift_right_arithmetic3A_170 = arith.constant 16 : i32
    %shift_right_arithmetic3A_171 = vector.broadcast %shift_right_arithmetic3A_170 : i32 to vector<16xi32>
    %shift_right_arithmetic3A_172 = arith.shrsi %get3A_162, %shift_right_arithmetic3A_171 : vector<16xi32>
    %swap3A_173 = arith.constant 0 : index
    %swap3A_174 = tpu.vector_load %arg11[%swap3A_173] {strides = array<i32>} : memref<80xi32, #tpu.memory_space<vmem>>, vector<16xi32>,
    %swap3A_175 = vector.shape_cast %swap3A_174 : vector<16xi32> to vector<16xi32>
    %swap3A_176 = vector.shape_cast %shift_right_arithmetic3A_172 : vector<16xi32> to vector<16xi32>
    tpu.vector_store %arg11[%swap3A_173], %swap3A_176 {strides = array<i32>} : memref<80xi32, #tpu.memory_space<vmem>>, vector<16xi32>,
    %get3A_177 = arith.constant 1 : i32
    %get3A_178 = arith.index_cast %get3A_177 : i32 to index
    %get3A_179 = arith.constant 16 : index
    %get3A_180 = tpu.vector_load %arg6[%get3A_178, %get3A_179] {strides = array<i32>} : memref<10x80xi32, #tpu.memory_space<vmem>>, vector<1x16xi32>,
    %get3A_181 = vector.shape_cast %get3A_180 : vector<1x16xi32> to vector<16xi32>
    %and3A_182 = arith.constant 65535 : i32
    %and3A_183 = vector.broadcast %and3A_182 : i32 to vector<16xi32>
    %and3A_184 = arith.andi %get3A_181, %and3A_183 : vector<16xi32>
    %swap3A_185 = arith.constant 16 : index
    %swap3A_186 = tpu.vector_load %arg8[%swap3A_185] {strides = array<i32>} : memref<80xi32, #tpu.memory_space<vmem>>, vector<16xi32>,
    %swap3A_187 = vector.shape_cast %swap3A_186 : vector<16xi32> to vector<16xi32>
    %swap3A_188 = vector.shape_cast %and3A_184 : vector<16xi32> to vector<16xi32>
    tpu.vector_store %arg8[%swap3A_185], %swap3A_188 {strides = array<i32>} : memref<80xi32, #tpu.memory_space<vmem>>, vector<16xi32>,
    %shift_right_arithmetic3A_189 = arith.constant 16 : i32
    %shift_right_arithmetic3A_190 = vector.broadcast %shift_right_arithmetic3A_189 : i32 to vector<16xi32>
    %shift_right_arithmetic3A_191 = arith.shrsi %get3A_181, %shift_right_arithmetic3A_190 : vector<16xi32>
    %swap3A_192 = arith.constant 16 : index
    %swap3A_193 = tpu.vector_load %arg11[%swap3A_192] {strides = array<i32>} : memref<80xi32, #tpu.memory_space<vmem>>, vector<16xi32>,
    %swap3A_194 = vector.shape_cast %swap3A_193 : vector<16xi32> to vector<16xi32>
    %swap3A_195 = vector.shape_cast %shift_right_arithmetic3A_191 : vector<16xi32> to vector<16xi32>
    tpu.vector_store %arg11[%swap3A_192], %swap3A_195 {strides = array<i32>} : memref<80xi32, #tpu.memory_space<vmem>>, vector<16xi32>,
    %get3A_196 = arith.constant 1 : i32
    %get3A_197 = arith.index_cast %get3A_196 : i32 to index
    %get3A_198 = arith.constant 32 : index
    %get3A_199 = tpu.vector_load %arg6[%get3A_197, %get3A_198] {strides = array<i32>} : memref<10x80xi32, #tpu.memory_space<vmem>>, vector<1x16xi32>,
    %get3A_200 = vector.shape_cast %get3A_199 : vector<1x16xi32> to vector<16xi32>
    %and3A_201 = arith.constant 65535 : i32
    %and3A_202 = vector.broadcast %and3A_201 : i32 to vector<16xi32>
    %and3A_203 = arith.andi %get3A_200, %and3A_202 : vector<16xi32>
    %swap3A_204 = arith.constant 32 : index
    %swap3A_205 = tpu.vector_load %arg8[%swap3A_204] {strides = array<i32>} : memref<80xi32, #tpu.memory_space<vmem>>, vector<16xi32>,
    %swap3A_206 = vector.shape_cast %swap3A_205 : vector<16xi32> to vector<16xi32>
    %swap3A_207 = vector.shape_cast %and3A_203 : vector<16xi32> to vector<16xi32>
    tpu.vector_store %arg8[%swap3A_204], %swap3A_207 {strides = array<i32>} : memref<80xi32, #tpu.memory_space<vmem>>, vector<16xi32>,
    %shift_right_arithmetic3A_208 = arith.constant 16 : i32
    %shift_right_arithmetic3A_209 = vector.broadcast %shift_right_arithmetic3A_208 : i32 to vector<16xi32>
    %shift_right_arithmetic3A_210 = arith.shrsi %get3A_200, %shift_right_arithmetic3A_209 : vector<16xi32>
    %swap3A_211 = arith.constant 32 : index
    %swap3A_212 = tpu.vector_load %arg11[%swap3A_211] {strides = array<i32>} : memref<80xi32, #tpu.memory_space<vmem>>, vector<16xi32>,
    %swap3A_213 = vector.shape_cast %swap3A_212 : vector<16xi32> to vector<16xi32>
    %swap3A_214 = vector.shape_cast %shift_right_arithmetic3A_210 : vector<16xi32> to vector<16xi32>
    tpu.vector_store %arg11[%swap3A_211], %swap3A_214 {strides = array<i32>} : memref<80xi32, #tpu.memory_space<vmem>>, vector<16xi32>,
    %get3A_215 = arith.constant 1 : i32
    %get3A_216 = arith.index_cast %get3A_215 : i32 to index
    %get3A_217 = arith.constant 48 : index
    %get3A_218 = tpu.vector_load %arg6[%get3A_216, %get3A_217] {strides = array<i32>} : memref<10x80xi32, #tpu.memory_space<vmem>>, vector<1x16xi32>,
    %get3A_219 = vector.shape_cast %get3A_218 : vector<1x16xi32> to vector<16xi32>
    %and3A_220 = arith.constant 65535 : i32
    %and3A_221 = vector.broadcast %and3A_220 : i32 to vector<16xi32>
    %and3A_222 = arith.andi %get3A_219, %and3A_221 : vector<16xi32>
    %swap3A_223 = arith.constant 48 : index
    %swap3A_224 = tpu.vector_load %arg8[%swap3A_223] {strides = array<i32>} : memref<80xi32, #tpu.memory_space<vmem>>, vector<16xi32>,
    %swap3A_225 = vector.shape_cast %swap3A_224 : vector<16xi32> to vector<16xi32>
    %swap3A_226 = vector.shape_cast %and3A_222 : vector<16xi32> to vector<16xi32>
    tpu.vector_store %arg8[%swap3A_223], %swap3A_226 {strides = array<i32>} : memref<80xi32, #tpu.memory_space<vmem>>, vector<16xi32>,
    %shift_right_arithmetic3A_227 = arith.constant 16 : i32
    %shift_right_arithmetic3A_228 = vector.broadcast %shift_right_arithmetic3A_227 : i32 to vector<16xi32>
    %shift_right_arithmetic3A_229 = arith.shrsi %get3A_219, %shift_right_arithmetic3A_228 : vector<16xi32>
    %swap3A_230 = arith.constant 48 : index
    %swap3A_231 = tpu.vector_load %arg11[%swap3A_230] {strides = array<i32>} : memref<80xi32, #tpu.memory_space<vmem>>, vector<16xi32>,
    %swap3A_232 = vector.shape_cast %swap3A_231 : vector<16xi32> to vector<16xi32>
    %swap3A_233 = vector.shape_cast %shift_right_arithmetic3A_229 : vector<16xi32> to vector<16xi32>
    tpu.vector_store %arg11[%swap3A_230], %swap3A_233 {strides = array<i32>} : memref<80xi32, #tpu.memory_space<vmem>>, vector<16xi32>,
    %get3A_234 = arith.constant 1 : i32
    %get3A_235 = arith.index_cast %get3A_234 : i32 to index
    %get3A_236 = arith.constant 64 : index
    %get3A_237 = tpu.vector_load %arg6[%get3A_235, %get3A_236] {strides = array<i32>} : memref<10x80xi32, #tpu.memory_space<vmem>>, vector<1x16xi32>,
    %get3A_238 = vector.shape_cast %get3A_237 : vector<1x16xi32> to vector<16xi32>
    %and3A_239 = arith.constant 65535 : i32
    %and3A_240 = vector.broadcast %and3A_239 : i32 to vector<16xi32>
    %and3A_241 = arith.andi %get3A_238, %and3A_240 : vector<16xi32>
    %swap3A_242 = arith.constant 64 : index
    %swap3A_243 = tpu.vector_load %arg8[%swap3A_242] {strides = array<i32>} : memref<80xi32, #tpu.memory_space<vmem>>, vector<16xi32>,
    %swap3A_244 = vector.shape_cast %swap3A_243 : vector<16xi32> to vector<16xi32>
    %swap3A_245 = vector.shape_cast %and3A_241 : vector<16xi32> to vector<16xi32>
    tpu.vector_store %arg8[%swap3A_242], %swap3A_245 {strides = array<i32>} : memref<80xi32, #tpu.memory_space<vmem>>, vector<16xi32>,
    %shift_right_arithmetic3A_246 = arith.constant 16 : i32
    %shift_right_arithmetic3A_247 = vector.broadcast %shift_right_arithmetic3A_246 : i32 to vector<16xi32>
    %shift_right_arithmetic3A_248 = arith.shrsi %get3A_238, %shift_right_arithmetic3A_247 : vector<16xi32>
    %swap3A_249 = arith.constant 64 : index
    %swap3A_250 = tpu.vector_load %arg11[%swap3A_249] {strides = array<i32>} : memref<80xi32, #tpu.memory_space<vmem>>, vector<16xi32>,
    %swap3A_251 = vector.shape_cast %swap3A_250 : vector<16xi32> to vector<16xi32>
    %swap3A_252 = vector.shape_cast %shift_right_arithmetic3A_248 : vector<16xi32> to vector<16xi32>
    tpu.vector_store %arg11[%swap3A_249], %swap3A_252 {strides = array<i32>} : memref<80xi32, #tpu.memory_space<vmem>>, vector<16xi32>,
    %dma_start3A_253 = arith.constant 0 : i32
    %dma_start3A_254 = arith.constant 0 : i32
    %dma_start3A_255 = tpu.memref_slice %arg3[%dma_start3A_253, %dma_start3A_254] : memref<10000x144xf32, #tpu.memory_space<hbm>> -> memref<10000x144xf32, #tpu.memory_space<hbm>>
    tpu.enqueue_indirect_dma source(%dma_start3A_255 : memref<10000x144xf32, #tpu.memory_space<hbm>>) target(%arg14 : memref<80x144xf32, #tpu.memory_space<vmem>>) offsets(%arg8 : memref<80xi32, #tpu.memory_space<vmem>>) semaphore(%arg21 : memref<!tpu.dma_semaphore, #tpu.memory_space<semaphore_mem>>)
    %dma_start3A_256 = arith.constant 0 : i32
    %dma_start3A_257 = arith.constant 0 : i32
    %dma_start3A_258 = tpu.memref_slice %arg4[%dma_start3A_256, %dma_start3A_257] : memref<10000x16xf32, #tpu.memory_space<hbm>> -> memref<10000x16xf32, #tpu.memory_space<hbm>>
    tpu.enqueue_indirect_dma source(%dma_start3A_258 : memref<10000x16xf32, #tpu.memory_space<hbm>>) target(%arg17 : memref<80x16xf32, #tpu.memory_space<vmem>>) offsets(%arg11 : memref<80xi32, #tpu.memory_space<vmem>>) semaphore(%arg21 : memref<!tpu.dma_semaphore, #tpu.memory_space<semaphore_mem>>)
    %dma_wait3A_259 = arith.constant 0 : i32
    %dma_wait3A_260 = arith.constant 0 : i32
    %dma_wait3A_261 = tpu.memref_slice %arg3[%dma_wait3A_259, %dma_wait3A_260] : memref<10000x144xf32, #tpu.memory_space<hbm>> -> memref<10000x144xf32, #tpu.memory_space<hbm>>
    tpu.wait_indirect_dma semaphore(%arg20 : memref<!tpu.dma_semaphore, #tpu.memory_space<semaphore_mem>>) src(%dma_wait3A_261 : memref<10000x144xf32, #tpu.memory_space<hbm>>) dst(%arg13 : memref<80x144xf32, #tpu.memory_space<vmem>>)
    %dma_wait3A_262 = arith.constant 0 : i32
    %dma_wait3A_263 = arith.constant 0 : i32
    %dma_wait3A_264 = tpu.memref_slice %arg4[%dma_wait3A_262, %dma_wait3A_263] : memref<10000x16xf32, #tpu.memory_space<hbm>> -> memref<10000x16xf32, #tpu.memory_space<hbm>>
    tpu.wait_indirect_dma semaphore(%arg20 : memref<!tpu.dma_semaphore, #tpu.memory_space<semaphore_mem>>) src(%dma_wait3A_264 : memref<10000x16xf32, #tpu.memory_space<hbm>>) dst(%arg16 : memref<80x16xf32, #tpu.memory_space<vmem>>)
    %parallel_loop3A_265 = arith.constant 0 : i32
    %parallel_loop3A_266 = arith.constant 80 : i32
    %parallel_loop3A_267 = arith.constant 1 : i32
    scf.for %parallel_loop3A_497 = %parallel_loop3A_265 to %parallel_loop3A_266 step %parallel_loop3A_267  : i32 {
      %parallel_loop3A_498 = arith.index_cast %parallel_loop3A_497 : i32 to index
      %parallel_loop3A_499 = arith.constant 128 : index
      %parallel_loop3A_500 = tpu.vector_load %arg13[%parallel_loop3A_498, %parallel_loop3A_499] {strides = array<i32>} : memref<80x144xf32, #tpu.memory_space<vmem>>, vector<1x16xf32>,
      %parallel_loop3A_501 = vector.shape_cast %parallel_loop3A_500 : vector<1x16xf32> to vector<16xf32>
      %parallel_loop3A_502 = arith.index_cast %parallel_loop3A_497 : i32 to index
      %parallel_loop3A_503 = arith.constant 0 : index
      %parallel_loop3A_504 = tpu.vector_load %arg16[%parallel_loop3A_502, %parallel_loop3A_503] {strides = array<i32>} : memref<80x16xf32, #tpu.memory_space<vmem>>, vector<1x16xf32>,
      %parallel_loop3A_505 = vector.shape_cast %parallel_loop3A_504 : vector<1x16xf32> to vector<16xf32>
      %parallel_loop3A_506 = arith.addf %parallel_loop3A_501, %parallel_loop3A_505 : vector<16xf32>
      %parallel_loop3A_507 = arith.constant 2.000000e-01 : f32
      %parallel_loop3A_508 = vector.broadcast %parallel_loop3A_507 : f32 to vector<16xf32>
      %parallel_loop3A_509 = arith.mulf %parallel_loop3A_508, %parallel_loop3A_506 : vector<16xf32>
      %parallel_loop3A_510 = arith.maximumf %parallel_loop3A_506, %parallel_loop3A_509 : vector<16xf32>
      %parallel_loop3A_511 = math.exp %parallel_loop3A_510 : vector<16xf32>
      %parallel_loop3A_512 = arith.index_cast %parallel_loop3A_497 : i32 to index
      %parallel_loop3A_513 = arith.constant 128 : index
      %parallel_loop3A_514 = tpu.vector_load %arg13[%parallel_loop3A_512, %parallel_loop3A_513] {strides = array<i32>} : memref<80x144xf32, #tpu.memory_space<vmem>>, vector<1x16xf32>,
      %parallel_loop3A_515 = vector.shape_cast %parallel_loop3A_514 : vector<1x16xf32> to vector<16xf32>
      %parallel_loop3A_516 = vector.shape_cast %parallel_loop3A_511 : vector<16xf32> to vector<1x16xf32>
      tpu.vector_store %arg13[%parallel_loop3A_512, %parallel_loop3A_513], %parallel_loop3A_516 {strides = array<i32>} : memref<80x144xf32, #tpu.memory_space<vmem>>, vector<1x16xf32>,
      %parallel_loop3A_517 = vector.extract_strided_slice %parallel_loop3A_511 {offsets = [0], sizes = [1], strides = [1]} : vector<16xf32> to vector<1xf32>
      %parallel_loop3A_518 = vector.extract %parallel_loop3A_517[0] : f32 from vector<1xf32>
      %parallel_loop3A_519 = vector.broadcast %parallel_loop3A_518 : f32 to vector<16xf32>
      %parallel_loop3A_520 = arith.index_cast %parallel_loop3A_497 : i32 to index
      %parallel_loop3A_521 = arith.constant 0 : index
      %parallel_loop3A_522 = tpu.vector_load %arg13[%parallel_loop3A_520, %parallel_loop3A_521] {strides = array<i32>} : memref<80x144xf32, #tpu.memory_space<vmem>>, vector<1x16xf32>,
      %parallel_loop3A_523 = vector.shape_cast %parallel_loop3A_522 : vector<1x16xf32> to vector<16xf32>
      %parallel_loop3A_524 = arith.mulf %parallel_loop3A_523, %parallel_loop3A_519 : vector<16xf32>
      %parallel_loop3A_525 = arith.index_cast %parallel_loop3A_497 : i32 to index
      %parallel_loop3A_526 = arith.constant 0 : index
      %parallel_loop3A_527 = tpu.vector_load %arg13[%parallel_loop3A_525, %parallel_loop3A_526] {strides = array<i32>} : memref<80x144xf32, #tpu.memory_space<vmem>>, vector<1x16xf32>,
      %parallel_loop3A_528 = vector.shape_cast %parallel_loop3A_527 : vector<1x16xf32> to vector<16xf32>
      %parallel_loop3A_529 = vector.shape_cast %parallel_loop3A_524 : vector<16xf32> to vector<1x16xf32>
      tpu.vector_store %arg13[%parallel_loop3A_525, %parallel_loop3A_526], %parallel_loop3A_529 {strides = array<i32>} : memref<80x144xf32, #tpu.memory_space<vmem>>, vector<1x16xf32>,
      %parallel_loop3A_530 = vector.extract_strided_slice %parallel_loop3A_511 {offsets = [1], sizes = [1], strides = [1]} : vector<16xf32> to vector<1xf32>
      %parallel_loop3A_531 = vector.extract %parallel_loop3A_530[0] : f32 from vector<1xf32>
      %parallel_loop3A_532 = vector.broadcast %parallel_loop3A_531 : f32 to vector<16xf32>
      %parallel_loop3A_533 = arith.index_cast %parallel_loop3A_497 : i32 to index
      %parallel_loop3A_534 = arith.constant 16 : index
      %parallel_loop3A_535 = tpu.vector_load %arg13[%parallel_loop3A_533, %parallel_loop3A_534] {strides = array<i32>} : memref<80x144xf32, #tpu.memory_space<vmem>>, vector<1x16xf32>,
      %parallel_loop3A_536 = vector.shape_cast %parallel_loop3A_535 : vector<1x16xf32> to vector<16xf32>
      %parallel_loop3A_537 = arith.mulf %parallel_loop3A_536, %parallel_loop3A_532 : vector<16xf32>
      %parallel_loop3A_538 = arith.index_cast %parallel_loop3A_497 : i32 to index
      %parallel_loop3A_539 = arith.constant 16 : index
      %parallel_loop3A_540 = tpu.vector_load %arg13[%parallel_loop3A_538, %parallel_loop3A_539] {strides = array<i32>} : memref<80x144xf32, #tpu.memory_space<vmem>>, vector<1x16xf32>,
      %parallel_loop3A_541 = vector.shape_cast %parallel_loop3A_540 : vector<1x16xf32> to vector<16xf32>
      %parallel_loop3A_542 = vector.shape_cast %parallel_loop3A_537 : vector<16xf32> to vector<1x16xf32>
      tpu.vector_store %arg13[%parallel_loop3A_538, %parallel_loop3A_539], %parallel_loop3A_542 {strides = array<i32>} : memref<80x144xf32, #tpu.memory_space<vmem>>, vector<1x16xf32>,
      %parallel_loop3A_543 = vector.extract_strided_slice %parallel_loop3A_511 {offsets = [2], sizes = [1], strides = [1]} : vector<16xf32> to vector<1xf32>
      %parallel_loop3A_544 = vector.extract %parallel_loop3A_543[0] : f32 from vector<1xf32>
      %parallel_loop3A_545 = vector.broadcast %parallel_loop3A_544 : f32 to vector<16xf32>
      %parallel_loop3A_546 = arith.index_cast %parallel_loop3A_497 : i32 to index
      %parallel_loop3A_547 = arith.constant 32 : index
      %parallel_loop3A_548 = tpu.vector_load %arg13[%parallel_loop3A_546, %parallel_loop3A_547] {strides = array<i32>} : memref<80x144xf32, #tpu.memory_space<vmem>>, vector<1x16xf32>,
      %parallel_loop3A_549 = vector.shape_cast %parallel_loop3A_548 : vector<1x16xf32> to vector<16xf32>
      %parallel_loop3A_550 = arith.mulf %parallel_loop3A_549, %parallel_loop3A_545 : vector<16xf32>
      %parallel_loop3A_551 = arith.index_cast %parallel_loop3A_497 : i32 to index
      %parallel_loop3A_552 = arith.constant 32 : index
      %parallel_loop3A_553 = tpu.vector_load %arg13[%parallel_loop3A_551, %parallel_loop3A_552] {strides = array<i32>} : memref<80x144xf32, #tpu.memory_space<vmem>>, vector<1x16xf32>,
      %parallel_loop3A_554 = vector.shape_cast %parallel_loop3A_553 : vector<1x16xf32> to vector<16xf32>
      %parallel_loop3A_555 = vector.shape_cast %parallel_loop3A_550 : vector<16xf32> to vector<1x16xf32>
      tpu.vector_store %arg13[%parallel_loop3A_551, %parallel_loop3A_552], %parallel_loop3A_555 {strides = array<i32>} : memref<80x144xf32, #tpu.memory_space<vmem>>, vector<1x16xf32>,
      %parallel_loop3A_556 = vector.extract_strided_slice %parallel_loop3A_511 {offsets = [3], sizes = [1], strides = [1]} : vector<16xf32> to vector<1xf32>
      %parallel_loop3A_557 = vector.extract %parallel_loop3A_556[0] : f32 from vector<1xf32>
      %parallel_loop3A_558 = vector.broadcast %parallel_loop3A_557 : f32 to vector<16xf32>
      %parallel_loop3A_559 = arith.index_cast %parallel_loop3A_497 : i32 to index
      %parallel_loop3A_560 = arith.constant 48 : index
      %parallel_loop3A_561 = tpu.vector_load %arg13[%parallel_loop3A_559, %parallel_loop3A_560] {strides = array<i32>} : memref<80x144xf32, #tpu.memory_space<vmem>>, vector<1x16xf32>,
      %parallel_loop3A_562 = vector.shape_cast %parallel_loop3A_561 : vector<1x16xf32> to vector<16xf32>
      %parallel_loop3A_563 = arith.mulf %parallel_loop3A_562, %parallel_loop3A_558 : vector<16xf32>
      %parallel_loop3A_564 = arith.index_cast %parallel_loop3A_497 : i32 to index
      %parallel_loop3A_565 = arith.constant 48 : index
      %parallel_loop3A_566 = tpu.vector_load %arg13[%parallel_loop3A_564, %parallel_loop3A_565] {strides = array<i32>} : memref<80x144xf32, #tpu.memory_space<vmem>>, vector<1x16xf32>,
      %parallel_loop3A_567 = vector.shape_cast %parallel_loop3A_566 : vector<1x16xf32> to vector<16xf32>
      %parallel_loop3A_568 = vector.shape_cast %parallel_loop3A_563 : vector<16xf32> to vector<1x16xf32>
      tpu.vector_store %arg13[%parallel_loop3A_564, %parallel_loop3A_565], %parallel_loop3A_568 {strides = array<i32>} : memref<80x144xf32, #tpu.memory_space<vmem>>, vector<1x16xf32>,
      %parallel_loop3A_569 = vector.extract_strided_slice %parallel_loop3A_511 {offsets = [4], sizes = [1], strides = [1]} : vector<16xf32> to vector<1xf32>
      %parallel_loop3A_570 = vector.extract %parallel_loop3A_569[0] : f32 from vector<1xf32>
      %parallel_loop3A_571 = vector.broadcast %parallel_loop3A_570 : f32 to vector<16xf32>
      %parallel_loop3A_572 = arith.index_cast %parallel_loop3A_497 : i32 to index
      %parallel_loop3A_573 = arith.constant 64 : index
      %parallel_loop3A_574 = tpu.vector_load %arg13[%parallel_loop3A_572, %parallel_loop3A_573] {strides = array<i32>} : memref<80x144xf32, #tpu.memory_space<vmem>>, vector<1x16xf32>,
      %parallel_loop3A_575 = vector.shape_cast %parallel_loop3A_574 : vector<1x16xf32> to vector<16xf32>
      %parallel_loop3A_576 = arith.mulf %parallel_loop3A_575, %parallel_loop3A_571 : vector<16xf32>
      %parallel_loop3A_577 = arith.index_cast %parallel_loop3A_497 : i32 to index
      %parallel_loop3A_578 = arith.constant 64 : index
      %parallel_loop3A_579 = tpu.vector_load %arg13[%parallel_loop3A_577, %parallel_loop3A_578] {strides = array<i32>} : memref<80x144xf32, #tpu.memory_space<vmem>>, vector<1x16xf32>,
      %parallel_loop3A_580 = vector.shape_cast %parallel_loop3A_579 : vector<1x16xf32> to vector<16xf32>
      %parallel_loop3A_581 = vector.shape_cast %parallel_loop3A_576 : vector<16xf32> to vector<1x16xf32>
      tpu.vector_store %arg13[%parallel_loop3A_577, %parallel_loop3A_578], %parallel_loop3A_581 {strides = array<i32>} : memref<80x144xf32, #tpu.memory_space<vmem>>, vector<1x16xf32>,
      %parallel_loop3A_582 = vector.extract_strided_slice %parallel_loop3A_511 {offsets = [5], sizes = [1], strides = [1]} : vector<16xf32> to vector<1xf32>
      %parallel_loop3A_583 = vector.extract %parallel_loop3A_582[0] : f32 from vector<1xf32>
      %parallel_loop3A_584 = vector.broadcast %parallel_loop3A_583 : f32 to vector<16xf32>
      %parallel_loop3A_585 = arith.index_cast %parallel_loop3A_497 : i32 to index
      %parallel_loop3A_586 = arith.constant 80 : index
      %parallel_loop3A_587 = tpu.vector_load %arg13[%parallel_loop3A_585, %parallel_loop3A_586] {strides = array<i32>} : memref<80x144xf32, #tpu.memory_space<vmem>>, vector<1x16xf32>,
      %parallel_loop3A_588 = vector.shape_cast %parallel_loop3A_587 : vector<1x16xf32> to vector<16xf32>
      %parallel_loop3A_589 = arith.mulf %parallel_loop3A_588, %parallel_loop3A_584 : vector<16xf32>
      %parallel_loop3A_590 = arith.index_cast %parallel_loop3A_497 : i32 to index
      %parallel_loop3A_591 = arith.constant 80 : index
      %parallel_loop3A_592 = tpu.vector_load %arg13[%parallel_loop3A_590, %parallel_loop3A_591] {strides = array<i32>} : memref<80x144xf32, #tpu.memory_space<vmem>>, vector<1x16xf32>,
      %parallel_loop3A_593 = vector.shape_cast %parallel_loop3A_592 : vector<1x16xf32> to vector<16xf32>
      %parallel_loop3A_594 = vector.shape_cast %parallel_loop3A_589 : vector<16xf32> to vector<1x16xf32>
      tpu.vector_store %arg13[%parallel_loop3A_590, %parallel_loop3A_591], %parallel_loop3A_594 {strides = array<i32>} : memref<80x144xf32, #tpu.memory_space<vmem>>, vector<1x16xf32>,
      %parallel_loop3A_595 = vector.extract_strided_slice %parallel_loop3A_511 {offsets = [6], sizes = [1], strides = [1]} : vector<16xf32> to vector<1xf32>
      %parallel_loop3A_596 = vector.extract %parallel_loop3A_595[0] : f32 from vector<1xf32>
      %parallel_loop3A_597 = vector.broadcast %parallel_loop3A_596 : f32 to vector<16xf32>
      %parallel_loop3A_598 = arith.index_cast %parallel_loop3A_497 : i32 to index
      %parallel_loop3A_599 = arith.constant 96 : index
      %parallel_loop3A_600 = tpu.vector_load %arg13[%parallel_loop3A_598, %parallel_loop3A_599] {strides = array<i32>} : memref<80x144xf32, #tpu.memory_space<vmem>>, vector<1x16xf32>,
      %parallel_loop3A_601 = vector.shape_cast %parallel_loop3A_600 : vector<1x16xf32> to vector<16xf32>
      %parallel_loop3A_602 = arith.mulf %parallel_loop3A_601, %parallel_loop3A_597 : vector<16xf32>
      %parallel_loop3A_603 = arith.index_cast %parallel_loop3A_497 : i32 to index
      %parallel_loop3A_604 = arith.constant 96 : index
      %parallel_loop3A_605 = tpu.vector_load %arg13[%parallel_loop3A_603, %parallel_loop3A_604] {strides = array<i32>} : memref<80x144xf32, #tpu.memory_space<vmem>>, vector<1x16xf32>,
      %parallel_loop3A_606 = vector.shape_cast %parallel_loop3A_605 : vector<1x16xf32> to vector<16xf32>
      %parallel_loop3A_607 = vector.shape_cast %parallel_loop3A_602 : vector<16xf32> to vector<1x16xf32>
      tpu.vector_store %arg13[%parallel_loop3A_603, %parallel_loop3A_604], %parallel_loop3A_607 {strides = array<i32>} : memref<80x144xf32, #tpu.memory_space<vmem>>, vector<1x16xf32>,
      %parallel_loop3A_608 = vector.extract_strided_slice %parallel_loop3A_511 {offsets = [7], sizes = [1], strides = [1]} : vector<16xf32> to vector<1xf32>
      %parallel_loop3A_609 = vector.extract %parallel_loop3A_608[0] : f32 from vector<1xf32>
      %parallel_loop3A_610 = vector.broadcast %parallel_loop3A_609 : f32 to vector<16xf32>
      %parallel_loop3A_611 = arith.index_cast %parallel_loop3A_497 : i32 to index
      %parallel_loop3A_612 = arith.constant 112 : index
      %parallel_loop3A_613 = tpu.vector_load %arg13[%parallel_loop3A_611, %parallel_loop3A_612] {strides = array<i32>} : memref<80x144xf32, #tpu.memory_space<vmem>>, vector<1x16xf32>,
      %parallel_loop3A_614 = vector.shape_cast %parallel_loop3A_613 : vector<1x16xf32> to vector<16xf32>
      %parallel_loop3A_615 = arith.mulf %parallel_loop3A_614, %parallel_loop3A_610 : vector<16xf32>
      %parallel_loop3A_616 = arith.index_cast %parallel_loop3A_497 : i32 to index
      %parallel_loop3A_617 = arith.constant 112 : index
      %parallel_loop3A_618 = tpu.vector_load %arg13[%parallel_loop3A_616, %parallel_loop3A_617] {strides = array<i32>} : memref<80x144xf32, #tpu.memory_space<vmem>>, vector<1x16xf32>,
      %parallel_loop3A_619 = vector.shape_cast %parallel_loop3A_618 : vector<1x16xf32> to vector<16xf32>
      %parallel_loop3A_620 = vector.shape_cast %parallel_loop3A_615 : vector<16xf32> to vector<1x16xf32>
      tpu.vector_store %arg13[%parallel_loop3A_616, %parallel_loop3A_617], %parallel_loop3A_620 {strides = array<i32>} : memref<80x144xf32, #tpu.memory_space<vmem>>, vector<1x16xf32>,
    } {sc.loop_unroll_factor = 4 : i64, sc.parallel_access}
    %dma_start3A_268 = arith.constant 0 : i32
    %dma_start3A_269 = arith.constant 0 : i32
    %dma_start3A_270 = tpu.memref_slice %arg19[%dma_start3A_268, %dma_start3A_269] : memref<10112x144xf32, #tpu.memory_space<vmem_shared>> -> memref<10112x144xf32, #tpu.memory_space<vmem_shared>>
    tpu.enqueue_indirect_dma source(%arg13 : memref<80x144xf32, #tpu.memory_space<vmem>>) target(%dma_start3A_270 : memref<10112x144xf32, #tpu.memory_space<vmem_shared>>) offsets(%arg10 : memref<80xi32, #tpu.memory_space<vmem>>) semaphore(%arg23 : memref<!tpu.dma_semaphore, #tpu.memory_space<semaphore_mem>>) {add = true}
    %get3A_271 = arith.constant 2 : i32
    %get3A_272 = arith.index_cast %get3A_271 : i32 to index
    %get3A_273 = arith.constant 0 : index
    %get3A_274 = tpu.vector_load %arg6[%get3A_272, %get3A_273] {strides = array<i32>} : memref<10x80xi32, #tpu.memory_space<vmem>>, vector<1x16xi32>,
    %get3A_275 = vector.shape_cast %get3A_274 : vector<1x16xi32> to vector<16xi32>
    %and3A_276 = arith.constant 65535 : i32
    %and3A_277 = vector.broadcast %and3A_276 : i32 to vector<16xi32>
    %and3A_278 = arith.andi %get3A_275, %and3A_277 : vector<16xi32>
    %swap3A_279 = arith.constant 0 : index
    %swap3A_280 = tpu.vector_load %arg9[%swap3A_279] {strides = array<i32>} : memref<80xi32, #tpu.memory_space<vmem>>, vector<16xi32>,
    %swap3A_281 = vector.shape_cast %swap3A_280 : vector<16xi32> to vector<16xi32>
    %swap3A_282 = vector.shape_cast %and3A_278 : vector<16xi32> to vector<16xi32>
    tpu.vector_store %arg9[%swap3A_279], %swap3A_282 {strides = array<i32>} : memref<80xi32, #tpu.memory_space<vmem>>, vector<16xi32>,
    %shift_right_arithmetic3A_283 = arith.constant 16 : i32
    %shift_right_arithmetic3A_284 = vector.broadcast %shift_right_arithmetic3A_283 : i32 to vector<16xi32>
    %shift_right_arithmetic3A_285 = arith.shrsi %get3A_275, %shift_right_arithmetic3A_284 : vector<16xi32>
    %swap3A_286 = arith.constant 0 : index
    %swap3A_287 = tpu.vector_load %arg12[%swap3A_286] {strides = array<i32>} : memref<80xi32, #tpu.memory_space<vmem>>, vector<16xi32>,
    %swap3A_288 = vector.shape_cast %swap3A_287 : vector<16xi32> to vector<16xi32>
    %swap3A_289 = vector.shape_cast %shift_right_arithmetic3A_285 : vector<16xi32> to vector<16xi32>
    tpu.vector_store %arg12[%swap3A_286], %swap3A_289 {strides = array<i32>} : memref<80xi32, #tpu.memory_space<vmem>>, vector<16xi32>,
    %get3A_290 = arith.constant 2 : i32
    %get3A_291 = arith.index_cast %get3A_290 : i32 to index
    %get3A_292 = arith.constant 16 : index
    %get3A_293 = tpu.vector_load %arg6[%get3A_291, %get3A_292] {strides = array<i32>} : memref<10x80xi32, #tpu.memory_space<vmem>>, vector<1x16xi32>,
    %get3A_294 = vector.shape_cast %get3A_293 : vector<1x16xi32> to vector<16xi32>
    %and3A_295 = arith.constant 65535 : i32
    %and3A_296 = vector.broadcast %and3A_295 : i32 to vector<16xi32>
    %and3A_297 = arith.andi %get3A_294, %and3A_296 : vector<16xi32>
    %swap3A_298 = arith.constant 16 : index
    %swap3A_299 = tpu.vector_load %arg9[%swap3A_298] {strides = array<i32>} : memref<80xi32, #tpu.memory_space<vmem>>, vector<16xi32>,
    %swap3A_300 = vector.shape_cast %swap3A_299 : vector<16xi32> to vector<16xi32>
    %swap3A_301 = vector.shape_cast %and3A_297 : vector<16xi32> to vector<16xi32>
    tpu.vector_store %arg9[%swap3A_298], %swap3A_301 {strides = array<i32>} : memref<80xi32, #tpu.memory_space<vmem>>, vector<16xi32>,
    %shift_right_arithmetic3A_302 = arith.constant 16 : i32
    %shift_right_arithmetic3A_303 = vector.broadcast %shift_right_arithmetic3A_302 : i32 to vector<16xi32>
    %shift_right_arithmetic3A_304 = arith.shrsi %get3A_294, %shift_right_arithmetic3A_303 : vector<16xi32>
    %swap3A_305 = arith.constant 16 : index
    %swap3A_306 = tpu.vector_load %arg12[%swap3A_305] {strides = array<i32>} : memref<80xi32, #tpu.memory_space<vmem>>, vector<16xi32>,
    %swap3A_307 = vector.shape_cast %swap3A_306 : vector<16xi32> to vector<16xi32>
    %swap3A_308 = vector.shape_cast %shift_right_arithmetic3A_304 : vector<16xi32> to vector<16xi32>
    tpu.vector_store %arg12[%swap3A_305], %swap3A_308 {strides = array<i32>} : memref<80xi32, #tpu.memory_space<vmem>>, vector<16xi32>,
    %get3A_309 = arith.constant 2 : i32
    %get3A_310 = arith.index_cast %get3A_309 : i32 to index
    %get3A_311 = arith.constant 32 : index
    %get3A_312 = tpu.vector_load %arg6[%get3A_310, %get3A_311] {strides = array<i32>} : memref<10x80xi32, #tpu.memory_space<vmem>>, vector<1x16xi32>,
    %get3A_313 = vector.shape_cast %get3A_312 : vector<1x16xi32> to vector<16xi32>
    %and3A_314 = arith.constant 65535 : i32
    %and3A_315 = vector.broadcast %and3A_314 : i32 to vector<16xi32>
    %and3A_316 = arith.andi %get3A_313, %and3A_315 : vector<16xi32>
    %swap3A_317 = arith.constant 32 : index
    %swap3A_318 = tpu.vector_load %arg9[%swap3A_317] {strides = array<i32>} : memref<80xi32, #tpu.memory_space<vmem>>, vector<16xi32>,
    %swap3A_319 = vector.shape_cast %swap3A_318 : vector<16xi32> to vector<16xi32>
    %swap3A_320 = vector.shape_cast %and3A_316 : vector<16xi32> to vector<16xi32>
    tpu.vector_store %arg9[%swap3A_317], %swap3A_320 {strides = array<i32>} : memref<80xi32, #tpu.memory_space<vmem>>, vector<16xi32>,
    %shift_right_arithmetic3A_321 = arith.constant 16 : i32
    %shift_right_arithmetic3A_322 = vector.broadcast %shift_right_arithmetic3A_321 : i32 to vector<16xi32>
    %shift_right_arithmetic3A_323 = arith.shrsi %get3A_313, %shift_right_arithmetic3A_322 : vector<16xi32>
    %swap3A_324 = arith.constant 32 : index
    %swap3A_325 = tpu.vector_load %arg12[%swap3A_324] {strides = array<i32>} : memref<80xi32, #tpu.memory_space<vmem>>, vector<16xi32>,
    %swap3A_326 = vector.shape_cast %swap3A_325 : vector<16xi32> to vector<16xi32>
    %swap3A_327 = vector.shape_cast %shift_right_arithmetic3A_323 : vector<16xi32> to vector<16xi32>
    tpu.vector_store %arg12[%swap3A_324], %swap3A_327 {strides = array<i32>} : memref<80xi32, #tpu.memory_space<vmem>>, vector<16xi32>,
    %get3A_328 = arith.constant 2 : i32
    %get3A_329 = arith.index_cast %get3A_328 : i32 to index
    %get3A_330 = arith.constant 48 : index
    %get3A_331 = tpu.vector_load %arg6[%get3A_329, %get3A_330] {strides = array<i32>} : memref<10x80xi32, #tpu.memory_space<vmem>>, vector<1x16xi32>,
    %get3A_332 = vector.shape_cast %get3A_331 : vector<1x16xi32> to vector<16xi32>
    %and3A_333 = arith.constant 65535 : i32
    %and3A_334 = vector.broadcast %and3A_333 : i32 to vector<16xi32>
    %and3A_335 = arith.andi %get3A_332, %and3A_334 : vector<16xi32>
    %swap3A_336 = arith.constant 48 : index
    %swap3A_337 = tpu.vector_load %arg9[%swap3A_336] {strides = array<i32>} : memref<80xi32, #tpu.memory_space<vmem>>, vector<16xi32>,
    %swap3A_338 = vector.shape_cast %swap3A_337 : vector<16xi32> to vector<16xi32>
    %swap3A_339 = vector.shape_cast %and3A_335 : vector<16xi32> to vector<16xi32>
    tpu.vector_store %arg9[%swap3A_336], %swap3A_339 {strides = array<i32>} : memref<80xi32, #tpu.memory_space<vmem>>, vector<16xi32>,
    %shift_right_arithmetic3A_340 = arith.constant 16 : i32
    %shift_right_arithmetic3A_341 = vector.broadcast %shift_right_arithmetic3A_340 : i32 to vector<16xi32>
    %shift_right_arithmetic3A_342 = arith.shrsi %get3A_332, %shift_right_arithmetic3A_341 : vector<16xi32>
    %swap3A_343 = arith.constant 48 : index
    %swap3A_344 = tpu.vector_load %arg12[%swap3A_343] {strides = array<i32>} : memref<80xi32, #tpu.memory_space<vmem>>, vector<16xi32>,
    %swap3A_345 = vector.shape_cast %swap3A_344 : vector<16xi32> to vector<16xi32>
    %swap3A_346 = vector.shape_cast %shift_right_arithmetic3A_342 : vector<16xi32> to vector<16xi32>
    tpu.vector_store %arg12[%swap3A_343], %swap3A_346 {strides = array<i32>} : memref<80xi32, #tpu.memory_space<vmem>>, vector<16xi32>,
    %get3A_347 = arith.constant 2 : i32
    %get3A_348 = arith.index_cast %get3A_347 : i32 to index
    %get3A_349 = arith.constant 64 : index
    %get3A_350 = tpu.vector_load %arg6[%get3A_348, %get3A_349] {strides = array<i32>} : memref<10x80xi32, #tpu.memory_space<vmem>>, vector<1x16xi32>,
    %get3A_351 = vector.shape_cast %get3A_350 : vector<1x16xi32> to vector<16xi32>
    %and3A_352 = arith.constant 65535 : i32
    %and3A_353 = vector.broadcast %and3A_352 : i32 to vector<16xi32>
    %and3A_354 = arith.andi %get3A_351, %and3A_353 : vector<16xi32>
    %swap3A_355 = arith.constant 64 : index
    %swap3A_356 = tpu.vector_load %arg9[%swap3A_355] {strides = array<i32>} : memref<80xi32, #tpu.memory_space<vmem>>, vector<16xi32>,
    %swap3A_357 = vector.shape_cast %swap3A_356 : vector<16xi32> to vector<16xi32>
    %swap3A_358 = vector.shape_cast %and3A_354 : vector<16xi32> to vector<16xi32>
    tpu.vector_store %arg9[%swap3A_355], %swap3A_358 {strides = array<i32>} : memref<80xi32, #tpu.memory_space<vmem>>, vector<16xi32>,
    %shift_right_arithmetic3A_359 = arith.constant 16 : i32
    %shift_right_arithmetic3A_360 = vector.broadcast %shift_right_arithmetic3A_359 : i32 to vector<16xi32>
    %shift_right_arithmetic3A_361 = arith.shrsi %get3A_351, %shift_right_arithmetic3A_360 : vector<16xi32>
    %swap3A_362 = arith.constant 64 : index
    %swap3A_363 = tpu.vector_load %arg12[%swap3A_362] {strides = array<i32>} : memref<80xi32, #tpu.memory_space<vmem>>, vector<16xi32>,
    %swap3A_364 = vector.shape_cast %swap3A_363 : vector<16xi32> to vector<16xi32>
    %swap3A_365 = vector.shape_cast %shift_right_arithmetic3A_361 : vector<16xi32> to vector<16xi32>
    tpu.vector_store %arg12[%swap3A_362], %swap3A_365 {strides = array<i32>} : memref<80xi32, #tpu.memory_space<vmem>>, vector<16xi32>,
    %dma_start3A_366 = arith.constant 0 : i32
    %dma_start3A_367 = arith.constant 0 : i32
    %dma_start3A_368 = tpu.memref_slice %arg3[%dma_start3A_366, %dma_start3A_367] : memref<10000x144xf32, #tpu.memory_space<hbm>> -> memref<10000x144xf32, #tpu.memory_space<hbm>>
    tpu.enqueue_indirect_dma source(%dma_start3A_368 : memref<10000x144xf32, #tpu.memory_space<hbm>>) target(%arg15 : memref<80x144xf32, #tpu.memory_space<vmem>>) offsets(%arg9 : memref<80xi32, #tpu.memory_space<vmem>>) semaphore(%arg22 : memref<!tpu.dma_semaphore, #tpu.memory_space<semaphore_mem>>)
    %dma_start3A_369 = arith.constant 0 : i32
    %dma_start3A_370 = arith.constant 0 : i32
    %dma_start3A_371 = tpu.memref_slice %arg4[%dma_start3A_369, %dma_start3A_370] : memref<10000x16xf32, #tpu.memory_space<hbm>> -> memref<10000x16xf32, #tpu.memory_space<hbm>>
    tpu.enqueue_indirect_dma source(%dma_start3A_371 : memref<10000x16xf32, #tpu.memory_space<hbm>>) target(%arg18 : memref<80x16xf32, #tpu.memory_space<vmem>>) offsets(%arg12 : memref<80xi32, #tpu.memory_space<vmem>>) semaphore(%arg22 : memref<!tpu.dma_semaphore, #tpu.memory_space<semaphore_mem>>)
    %dma_wait3A_372 = arith.constant 0 : i32
    %dma_wait3A_373 = arith.constant 0 : i32
    %dma_wait3A_374 = tpu.memref_slice %arg3[%dma_wait3A_372, %dma_wait3A_373] : memref<10000x144xf32, #tpu.memory_space<hbm>> -> memref<10000x144xf32, #tpu.memory_space<hbm>>
    tpu.wait_indirect_dma semaphore(%arg21 : memref<!tpu.dma_semaphore, #tpu.memory_space<semaphore_mem>>) src(%dma_wait3A_374 : memref<10000x144xf32, #tpu.memory_space<hbm>>) dst(%arg14 : memref<80x144xf32, #tpu.memory_space<vmem>>)
    %dma_wait3A_375 = arith.constant 0 : i32
    %dma_wait3A_376 = arith.constant 0 : i32
    %dma_wait3A_377 = tpu.memref_slice %arg4[%dma_wait3A_375, %dma_wait3A_376] : memref<10000x16xf32, #tpu.memory_space<hbm>> -> memref<10000x16xf32, #tpu.memory_space<hbm>>
    tpu.wait_indirect_dma semaphore(%arg21 : memref<!tpu.dma_semaphore, #tpu.memory_space<semaphore_mem>>) src(%dma_wait3A_377 : memref<10000x16xf32, #tpu.memory_space<hbm>>) dst(%arg17 : memref<80x16xf32, #tpu.memory_space<vmem>>)
    %parallel_loop3A_378 = arith.constant 0 : i32
    %parallel_loop3A_379 = arith.constant 80 : i32
    %parallel_loop3A_380 = arith.constant 1 : i32
    scf.for %parallel_loop3A_497 = %parallel_loop3A_378 to %parallel_loop3A_379 step %parallel_loop3A_380  : i32 {
      %parallel_loop3A_498 = arith.index_cast %parallel_loop3A_497 : i32 to index
      %parallel_loop3A_499 = arith.constant 128 : index
      %parallel_loop3A_500 = tpu.vector_load %arg14[%parallel_loop3A_498, %parallel_loop3A_499] {strides = array<i32>} : memref<80x144xf32, #tpu.memory_space<vmem>>, vector<1x16xf32>,
      %parallel_loop3A_501 = vector.shape_cast %parallel_loop3A_500 : vector<1x16xf32> to vector<16xf32>
      %parallel_loop3A_502 = arith.index_cast %parallel_loop3A_497 : i32 to index
      %parallel_loop3A_503 = arith.constant 0 : index
      %parallel_loop3A_504 = tpu.vector_load %arg17[%parallel_loop3A_502, %parallel_loop3A_503] {strides = array<i32>} : memref<80x16xf32, #tpu.memory_space<vmem>>, vector<1x16xf32>,
      %parallel_loop3A_505 = vector.shape_cast %parallel_loop3A_504 : vector<1x16xf32> to vector<16xf32>
      %parallel_loop3A_506 = arith.addf %parallel_loop3A_501, %parallel_loop3A_505 : vector<16xf32>
      %parallel_loop3A_507 = arith.constant 2.000000e-01 : f32
      %parallel_loop3A_508 = vector.broadcast %parallel_loop3A_507 : f32 to vector<16xf32>
      %parallel_loop3A_509 = arith.mulf %parallel_loop3A_508, %parallel_loop3A_506 : vector<16xf32>
      %parallel_loop3A_510 = arith.maximumf %parallel_loop3A_506, %parallel_loop3A_509 : vector<16xf32>
      %parallel_loop3A_511 = math.exp %parallel_loop3A_510 : vector<16xf32>
      %parallel_loop3A_512 = arith.index_cast %parallel_loop3A_497 : i32 to index
      %parallel_loop3A_513 = arith.constant 128 : index
      %parallel_loop3A_514 = tpu.vector_load %arg14[%parallel_loop3A_512, %parallel_loop3A_513] {strides = array<i32>} : memref<80x144xf32, #tpu.memory_space<vmem>>, vector<1x16xf32>,
      %parallel_loop3A_515 = vector.shape_cast %parallel_loop3A_514 : vector<1x16xf32> to vector<16xf32>
      %parallel_loop3A_516 = vector.shape_cast %parallel_loop3A_511 : vector<16xf32> to vector<1x16xf32>
      tpu.vector_store %arg14[%parallel_loop3A_512, %parallel_loop3A_513], %parallel_loop3A_516 {strides = array<i32>} : memref<80x144xf32, #tpu.memory_space<vmem>>, vector<1x16xf32>,
      %parallel_loop3A_517 = vector.extract_strided_slice %parallel_loop3A_511 {offsets = [0], sizes = [1], strides = [1]} : vector<16xf32> to vector<1xf32>
      %parallel_loop3A_518 = vector.extract %parallel_loop3A_517[0] : f32 from vector<1xf32>
      %parallel_loop3A_519 = vector.broadcast %parallel_loop3A_518 : f32 to vector<16xf32>
      %parallel_loop3A_520 = arith.index_cast %parallel_loop3A_497 : i32 to index
      %parallel_loop3A_521 = arith.constant 0 : index
      %parallel_loop3A_522 = tpu.vector_load %arg14[%parallel_loop3A_520, %parallel_loop3A_521] {strides = array<i32>} : memref<80x144xf32, #tpu.memory_space<vmem>>, vector<1x16xf32>,
      %parallel_loop3A_523 = vector.shape_cast %parallel_loop3A_522 : vector<1x16xf32> to vector<16xf32>
      %parallel_loop3A_524 = arith.mulf %parallel_loop3A_523, %parallel_loop3A_519 : vector<16xf32>
      %parallel_loop3A_525 = arith.index_cast %parallel_loop3A_497 : i32 to index
      %parallel_loop3A_526 = arith.constant 0 : index
      %parallel_loop3A_527 = tpu.vector_load %arg14[%parallel_loop3A_525, %parallel_loop3A_526] {strides = array<i32>} : memref<80x144xf32, #tpu.memory_space<vmem>>, vector<1x16xf32>,
      %parallel_loop3A_528 = vector.shape_cast %parallel_loop3A_527 : vector<1x16xf32> to vector<16xf32>
      %parallel_loop3A_529 = vector.shape_cast %parallel_loop3A_524 : vector<16xf32> to vector<1x16xf32>
      tpu.vector_store %arg14[%parallel_loop3A_525, %parallel_loop3A_526], %parallel_loop3A_529 {strides = array<i32>} : memref<80x144xf32, #tpu.memory_space<vmem>>, vector<1x16xf32>,
      %parallel_loop3A_530 = vector.extract_strided_slice %parallel_loop3A_511 {offsets = [1], sizes = [1], strides = [1]} : vector<16xf32> to vector<1xf32>
      %parallel_loop3A_531 = vector.extract %parallel_loop3A_530[0] : f32 from vector<1xf32>
      %parallel_loop3A_532 = vector.broadcast %parallel_loop3A_531 : f32 to vector<16xf32>
      %parallel_loop3A_533 = arith.index_cast %parallel_loop3A_497 : i32 to index
      %parallel_loop3A_534 = arith.constant 16 : index
      %parallel_loop3A_535 = tpu.vector_load %arg14[%parallel_loop3A_533, %parallel_loop3A_534] {strides = array<i32>} : memref<80x144xf32, #tpu.memory_space<vmem>>, vector<1x16xf32>,
      %parallel_loop3A_536 = vector.shape_cast %parallel_loop3A_535 : vector<1x16xf32> to vector<16xf32>
      %parallel_loop3A_537 = arith.mulf %parallel_loop3A_536, %parallel_loop3A_532 : vector<16xf32>
      %parallel_loop3A_538 = arith.index_cast %parallel_loop3A_497 : i32 to index
      %parallel_loop3A_539 = arith.constant 16 : index
      %parallel_loop3A_540 = tpu.vector_load %arg14[%parallel_loop3A_538, %parallel_loop3A_539] {strides = array<i32>} : memref<80x144xf32, #tpu.memory_space<vmem>>, vector<1x16xf32>,
      %parallel_loop3A_541 = vector.shape_cast %parallel_loop3A_540 : vector<1x16xf32> to vector<16xf32>
      %parallel_loop3A_542 = vector.shape_cast %parallel_loop3A_537 : vector<16xf32> to vector<1x16xf32>
      tpu.vector_store %arg14[%parallel_loop3A_538, %parallel_loop3A_539], %parallel_loop3A_542 {strides = array<i32>} : memref<80x144xf32, #tpu.memory_space<vmem>>, vector<1x16xf32>,
      %parallel_loop3A_543 = vector.extract_strided_slice %parallel_loop3A_511 {offsets = [2], sizes = [1], strides = [1]} : vector<16xf32> to vector<1xf32>
      %parallel_loop3A_544 = vector.extract %parallel_loop3A_543[0] : f32 from vector<1xf32>
      %parallel_loop3A_545 = vector.broadcast %parallel_loop3A_544 : f32 to vector<16xf32>
      %parallel_loop3A_546 = arith.index_cast %parallel_loop3A_497 : i32 to index
      %parallel_loop3A_547 = arith.constant 32 : index
      %parallel_loop3A_548 = tpu.vector_load %arg14[%parallel_loop3A_546, %parallel_loop3A_547] {strides = array<i32>} : memref<80x144xf32, #tpu.memory_space<vmem>>, vector<1x16xf32>,
      %parallel_loop3A_549 = vector.shape_cast %parallel_loop3A_548 : vector<1x16xf32> to vector<16xf32>
      %parallel_loop3A_550 = arith.mulf %parallel_loop3A_549, %parallel_loop3A_545 : vector<16xf32>
      %parallel_loop3A_551 = arith.index_cast %parallel_loop3A_497 : i32 to index
      %parallel_loop3A_552 = arith.constant 32 : index
      %parallel_loop3A_553 = tpu.vector_load %arg14[%parallel_loop3A_551, %parallel_loop3A_552] {strides = array<i32>} : memref<80x144xf32, #tpu.memory_space<vmem>>, vector<1x16xf32>,
      %parallel_loop3A_554 = vector.shape_cast %parallel_loop3A_553 : vector<1x16xf32> to vector<16xf32>
      %parallel_loop3A_555 = vector.shape_cast %parallel_loop3A_550 : vector<16xf32> to vector<1x16xf32>
      tpu.vector_store %arg14[%parallel_loop3A_551, %parallel_loop3A_552], %parallel_loop3A_555 {strides = array<i32>} : memref<80x144xf32, #tpu.memory_space<vmem>>, vector<1x16xf32>,
      %parallel_loop3A_556 = vector.extract_strided_slice %parallel_loop3A_511 {offsets = [3], sizes = [1], strides = [1]} : vector<16xf32> to vector<1xf32>
      %parallel_loop3A_557 = vector.extract %parallel_loop3A_556[0] : f32 from vector<1xf32>
      %parallel_loop3A_558 = vector.broadcast %parallel_loop3A_557 : f32 to vector<16xf32>
      %parallel_loop3A_559 = arith.index_cast %parallel_loop3A_497 : i32 to index
      %parallel_loop3A_560 = arith.constant 48 : index
      %parallel_loop3A_561 = tpu.vector_load %arg14[%parallel_loop3A_559, %parallel_loop3A_560] {strides = array<i32>} : memref<80x144xf32, #tpu.memory_space<vmem>>, vector<1x16xf32>,
      %parallel_loop3A_562 = vector.shape_cast %parallel_loop3A_561 : vector<1x16xf32> to vector<16xf32>
      %parallel_loop3A_563 = arith.mulf %parallel_loop3A_562, %parallel_loop3A_558 : vector<16xf32>
      %parallel_loop3A_564 = arith.index_cast %parallel_loop3A_497 : i32 to index
      %parallel_loop3A_565 = arith.constant 48 : index
      %parallel_loop3A_566 = tpu.vector_load %arg14[%parallel_loop3A_564, %parallel_loop3A_565] {strides = array<i32>} : memref<80x144xf32, #tpu.memory_space<vmem>>, vector<1x16xf32>,
      %parallel_loop3A_567 = vector.shape_cast %parallel_loop3A_566 : vector<1x16xf32> to vector<16xf32>
      %parallel_loop3A_568 = vector.shape_cast %parallel_loop3A_563 : vector<16xf32> to vector<1x16xf32>
      tpu.vector_store %arg14[%parallel_loop3A_564, %parallel_loop3A_565], %parallel_loop3A_568 {strides = array<i32>} : memref<80x144xf32, #tpu.memory_space<vmem>>, vector<1x16xf32>,
      %parallel_loop3A_569 = vector.extract_strided_slice %parallel_loop3A_511 {offsets = [4], sizes = [1], strides = [1]} : vector<16xf32> to vector<1xf32>
      %parallel_loop3A_570 = vector.extract %parallel_loop3A_569[0] : f32 from vector<1xf32>
      %parallel_loop3A_571 = vector.broadcast %parallel_loop3A_570 : f32 to vector<16xf32>
      %parallel_loop3A_572 = arith.index_cast %parallel_loop3A_497 : i32 to index
      %parallel_loop3A_573 = arith.constant 64 : index
      %parallel_loop3A_574 = tpu.vector_load %arg14[%parallel_loop3A_572, %parallel_loop3A_573] {strides = array<i32>} : memref<80x144xf32, #tpu.memory_space<vmem>>, vector<1x16xf32>,
      %parallel_loop3A_575 = vector.shape_cast %parallel_loop3A_574 : vector<1x16xf32> to vector<16xf32>
      %parallel_loop3A_576 = arith.mulf %parallel_loop3A_575, %parallel_loop3A_571 : vector<16xf32>
      %parallel_loop3A_577 = arith.index_cast %parallel_loop3A_497 : i32 to index
      %parallel_loop3A_578 = arith.constant 64 : index
      %parallel_loop3A_579 = tpu.vector_load %arg14[%parallel_loop3A_577, %parallel_loop3A_578] {strides = array<i32>} : memref<80x144xf32, #tpu.memory_space<vmem>>, vector<1x16xf32>,
      %parallel_loop3A_580 = vector.shape_cast %parallel_loop3A_579 : vector<1x16xf32> to vector<16xf32>
      %parallel_loop3A_581 = vector.shape_cast %parallel_loop3A_576 : vector<16xf32> to vector<1x16xf32>
      tpu.vector_store %arg14[%parallel_loop3A_577, %parallel_loop3A_578], %parallel_loop3A_581 {strides = array<i32>} : memref<80x144xf32, #tpu.memory_space<vmem>>, vector<1x16xf32>,
      %parallel_loop3A_582 = vector.extract_strided_slice %parallel_loop3A_511 {offsets = [5], sizes = [1], strides = [1]} : vector<16xf32> to vector<1xf32>
      %parallel_loop3A_583 = vector.extract %parallel_loop3A_582[0] : f32 from vector<1xf32>
      %parallel_loop3A_584 = vector.broadcast %parallel_loop3A_583 : f32 to vector<16xf32>
      %parallel_loop3A_585 = arith.index_cast %parallel_loop3A_497 : i32 to index
      %parallel_loop3A_586 = arith.constant 80 : index
      %parallel_loop3A_587 = tpu.vector_load %arg14[%parallel_loop3A_585, %parallel_loop3A_586] {strides = array<i32>} : memref<80x144xf32, #tpu.memory_space<vmem>>, vector<1x16xf32>,
      %parallel_loop3A_588 = vector.shape_cast %parallel_loop3A_587 : vector<1x16xf32> to vector<16xf32>
      %parallel_loop3A_589 = arith.mulf %parallel_loop3A_588, %parallel_loop3A_584 : vector<16xf32>
      %parallel_loop3A_590 = arith.index_cast %parallel_loop3A_497 : i32 to index
      %parallel_loop3A_591 = arith.constant 80 : index
      %parallel_loop3A_592 = tpu.vector_load %arg14[%parallel_loop3A_590, %parallel_loop3A_591] {strides = array<i32>} : memref<80x144xf32, #tpu.memory_space<vmem>>, vector<1x16xf32>,
      %parallel_loop3A_593 = vector.shape_cast %parallel_loop3A_592 : vector<1x16xf32> to vector<16xf32>
      %parallel_loop3A_594 = vector.shape_cast %parallel_loop3A_589 : vector<16xf32> to vector<1x16xf32>
      tpu.vector_store %arg14[%parallel_loop3A_590, %parallel_loop3A_591], %parallel_loop3A_594 {strides = array<i32>} : memref<80x144xf32, #tpu.memory_space<vmem>>, vector<1x16xf32>,
      %parallel_loop3A_595 = vector.extract_strided_slice %parallel_loop3A_511 {offsets = [6], sizes = [1], strides = [1]} : vector<16xf32> to vector<1xf32>
      %parallel_loop3A_596 = vector.extract %parallel_loop3A_595[0] : f32 from vector<1xf32>
      %parallel_loop3A_597 = vector.broadcast %parallel_loop3A_596 : f32 to vector<16xf32>
      %parallel_loop3A_598 = arith.index_cast %parallel_loop3A_497 : i32 to index
      %parallel_loop3A_599 = arith.constant 96 : index
      %parallel_loop3A_600 = tpu.vector_load %arg14[%parallel_loop3A_598, %parallel_loop3A_599] {strides = array<i32>} : memref<80x144xf32, #tpu.memory_space<vmem>>, vector<1x16xf32>,
      %parallel_loop3A_601 = vector.shape_cast %parallel_loop3A_600 : vector<1x16xf32> to vector<16xf32>
      %parallel_loop3A_602 = arith.mulf %parallel_loop3A_601, %parallel_loop3A_597 : vector<16xf32>
      %parallel_loop3A_603 = arith.index_cast %parallel_loop3A_497 : i32 to index
      %parallel_loop3A_604 = arith.constant 96 : index
      %parallel_loop3A_605 = tpu.vector_load %arg14[%parallel_loop3A_603, %parallel_loop3A_604] {strides = array<i32>} : memref<80x144xf32, #tpu.memory_space<vmem>>, vector<1x16xf32>,
      %parallel_loop3A_606 = vector.shape_cast %parallel_loop3A_605 : vector<1x16xf32> to vector<16xf32>
      %parallel_loop3A_607 = vector.shape_cast %parallel_loop3A_602 : vector<16xf32> to vector<1x16xf32>
      tpu.vector_store %arg14[%parallel_loop3A_603, %parallel_loop3A_604], %parallel_loop3A_607 {strides = array<i32>} : memref<80x144xf32, #tpu.memory_space<vmem>>, vector<1x16xf32>,
      %parallel_loop3A_608 = vector.extract_strided_slice %parallel_loop3A_511 {offsets = [7], sizes = [1], strides = [1]} : vector<16xf32> to vector<1xf32>
      %parallel_loop3A_609 = vector.extract %parallel_loop3A_608[0] : f32 from vector<1xf32>
      %parallel_loop3A_610 = vector.broadcast %parallel_loop3A_609 : f32 to vector<16xf32>
      %parallel_loop3A_611 = arith.index_cast %parallel_loop3A_497 : i32 to index
      %parallel_loop3A_612 = arith.constant 112 : index
      %parallel_loop3A_613 = tpu.vector_load %arg14[%parallel_loop3A_611, %parallel_loop3A_612] {strides = array<i32>} : memref<80x144xf32, #tpu.memory_space<vmem>>, vector<1x16xf32>,
      %parallel_loop3A_614 = vector.shape_cast %parallel_loop3A_613 : vector<1x16xf32> to vector<16xf32>
      %parallel_loop3A_615 = arith.mulf %parallel_loop3A_614, %parallel_loop3A_610 : vector<16xf32>
      %parallel_loop3A_616 = arith.index_cast %parallel_loop3A_497 : i32 to index
      %parallel_loop3A_617 = arith.constant 112 : index
      %parallel_loop3A_618 = tpu.vector_load %arg14[%parallel_loop3A_616, %parallel_loop3A_617] {strides = array<i32>} : memref<80x144xf32, #tpu.memory_space<vmem>>, vector<1x16xf32>,
      %parallel_loop3A_619 = vector.shape_cast %parallel_loop3A_618 : vector<1x16xf32> to vector<16xf32>
      %parallel_loop3A_620 = vector.shape_cast %parallel_loop3A_615 : vector<16xf32> to vector<1x16xf32>
      tpu.vector_store %arg14[%parallel_loop3A_616, %parallel_loop3A_617], %parallel_loop3A_620 {strides = array<i32>} : memref<80x144xf32, #tpu.memory_space<vmem>>, vector<1x16xf32>,
    } {sc.loop_unroll_factor = 4 : i64, sc.parallel_access}
    %dma_wait3A_381 = arith.constant 0 : i32
    %dma_wait3A_382 = arith.constant 0 : i32
    %dma_wait3A_383 = tpu.memref_slice %arg19[%dma_wait3A_381, %dma_wait3A_382] : memref<10112x144xf32, #tpu.memory_space<vmem_shared>> -> memref<10112x144xf32, #tpu.memory_space<vmem_shared>>
    tpu.wait_indirect_dma semaphore(%arg23 : memref<!tpu.dma_semaphore, #tpu.memory_space<semaphore_mem>>) src(%arg13 : memref<80x144xf32, #tpu.memory_space<vmem>>) dst(%dma_wait3A_383 : memref<10112x144xf32, #tpu.memory_space<vmem_shared>>)
    %dma_start3A_384 = arith.constant 0 : i32
    %dma_start3A_385 = arith.constant 0 : i32
    %dma_start3A_386 = tpu.memref_slice %arg19[%dma_start3A_384, %dma_start3A_385] : memref<10112x144xf32, #tpu.memory_space<vmem_shared>> -> memref<10112x144xf32, #tpu.memory_space<vmem_shared>>
    tpu.enqueue_indirect_dma source(%arg14 : memref<80x144xf32, #tpu.memory_space<vmem>>) target(%dma_start3A_386 : memref<10112x144xf32, #tpu.memory_space<vmem_shared>>) offsets(%arg11 : memref<80xi32, #tpu.memory_space<vmem>>) semaphore(%arg24 : memref<!tpu.dma_semaphore, #tpu.memory_space<semaphore_mem>>) {add = true}
    %get3A_387 = arith.constant 3 : i32
    %get3A_388 = arith.index_cast %get3A_387 : i32 to index
    %get3A_389 = arith.constant 0 : index
    %get3A_390 = tpu.vector_load %arg6[%get3A_388, %get3A_389] {strides = array<i32>} : memref<10x80xi32, #tpu.memory_space<vmem>>, vector<1x16xi32>,
    %get3A_391 = vector.shape_cast %get3A_390 : vector<1x16xi32> to vector<16xi32>
    %and3A_392 = arith.constant 65535 : i32
    %and3A_393 = vector.broadcast %and3A_392 : i32 to vector<16xi32>
    %and3A_394 = arith.andi %get3A_391, %and3A_393 : vector<16xi32>
    %swap3A_395 = arith.constant 0 : index
    %swap3A_396 = tpu.vector_load %arg7[%swap3A_395] {strides = array<i32>} : memref<80xi32, #tpu.memory_space<vmem>>, vector<16xi32>,
    %swap3A_397 = vector.shape_cast %swap3A_396 : vector<16xi32> to vector<16xi32>
    %swap3A_398 = vector.shape_cast %and3A_394 : vector<16xi32> to vector<16xi32>
    tpu.vector_store %arg7[%swap3A_395], %swap3A_398 {strides = array<i32>} : memref<80xi32, #tpu.memory_space<vmem>>, vector<16xi32>,
    %shift_right_arithmetic3A_399 = arith.constant 16 : i32
    %shift_right_arithmetic3A_400 = vector.broadcast %shift_right_arithmetic3A_399 : i32 to vector<16xi32>
    %shift_right_arithmetic3A_401 = arith.shrsi %get3A_391, %shift_right_arithmetic3A_400 : vector<16xi32>
    %swap3A_402 = arith.constant 0 : index
    %swap3A_403 = tpu.vector_load %arg10[%swap3A_402] {strides = array<i32>} : memref<80xi32, #tpu.memory_space<vmem>>, vector<16xi32>,
    %swap3A_404 = vector.shape_cast %swap3A_403 : vector<16xi32> to vector<16xi32>
    %swap3A_405 = vector.shape_cast %shift_right_arithmetic3A_401 : vector<16xi32> to vector<16xi32>
    tpu.vector_store %arg10[%swap3A_402], %swap3A_405 {strides = array<i32>} : memref<80xi32, #tpu.memory_space<vmem>>, vector<16xi32>,
    %get3A_406 = arith.constant 3 : i32
    %get3A_407 = arith.index_cast %get3A_406 : i32 to index
    %get3A_408 = arith.constant 16 : index
    %get3A_409 = tpu.vector_load %arg6[%get3A_407, %get3A_408] {strides = array<i32>} : memref<10x80xi32, #tpu.memory_space<vmem>>, vector<1x16xi32>,
    %get3A_410 = vector.shape_cast %get3A_409 : vector<1x16xi32> to vector<16xi32>
    %and3A_411 = arith.constant 65535 : i32
    %and3A_412 = vector.broadcast %and3A_411 : i32 to vector<16xi32>
    %and3A_413 = arith.andi %get3A_410, %and3A_412 : vector<16xi32>
    %swap3A_414 = arith.constant 16 : index
    %swap3A_415 = tpu.vector_load %arg7[%swap3A_414] {strides = array<i32>} : memref<80xi32, #tpu.memory_space<vmem>>, vector<16xi32>,
    %swap3A_416 = vector.shape_cast %swap3A_415 : vector<16xi32> to vector<16xi32>
    %swap3A_417 = vector.shape_cast %and3A_413 : vector<16xi32> to vector<16xi32>
    tpu.vector_store %arg7[%swap3A_414], %swap3A_417 {strides = array<i32>} : memref<80xi32, #tpu.memory_space<vmem>>, vector<16xi32>,
    %shift_right_arithmetic3A_418 = arith.constant 16 : i32
    %shift_right_arithmetic3A_419 = vector.broadcast %shift_right_arithmetic3A_418 : i32 to vector<16xi32>
    %shift_right_arithmetic3A_420 = arith.shrsi %get3A_410, %shift_right_arithmetic3A_419 : vector<16xi32>
    %swap3A_421 = arith.constant 16 : index
    %swap3A_422 = tpu.vector_load %arg10[%swap3A_421] {strides = array<i32>} : memref<80xi32, #tpu.memory_space<vmem>>, vector<16xi32>,
    %swap3A_423 = vector.shape_cast %swap3A_422 : vector<16xi32> to vector<16xi32>
    %swap3A_424 = vector.shape_cast %shift_right_arithmetic3A_420 : vector<16xi32> to vector<16xi32>
    tpu.vector_store %arg10[%swap3A_421], %swap3A_424 {strides = array<i32>} : memref<80xi32, #tpu.memory_space<vmem>>, vector<16xi32>,
    %get3A_425 = arith.constant 3 : i32
    %get3A_426 = arith.index_cast %get3A_425 : i32 to index
    %get3A_427 = arith.constant 32 : index
    %get3A_428 = tpu.vector_load %arg6[%get3A_426, %get3A_427] {strides = array<i32>} : memref<10x80xi32, #tpu.memory_space<vmem>>, vector<1x16xi32>,
    %get3A_429 = vector.shape_cast %get3A_428 : vector<1x16xi32> to vector<16xi32>
    %and3A_430 = arith.constant 65535 : i32
    %and3A_431 = vector.broadcast %and3A_430 : i32 to vector<16xi32>
    %and3A_432 = arith.andi %get3A_429, %and3A_431 : vector<16xi32>
    %swap3A_433 = arith.constant 32 : index
    %swap3A_434 = tpu.vector_load %arg7[%swap3A_433] {strides = array<i32>} : memref<80xi32, #tpu.memory_space<vmem>>, vector<16xi32>,
    %swap3A_435 = vector.shape_cast %swap3A_434 : vector<16xi32> to vector<16xi32>
    %swap3A_436 = vector.shape_cast %and3A_432 : vector<16xi32> to vector<16xi32>
    tpu.vector_store %arg7[%swap3A_433], %swap3A_436 {strides = array<i32>} : memref<80xi32, #tpu.memory_space<vmem>>, vector<16xi32>,
    %shift_right_arithmetic3A_437 = arith.constant 16 : i32
    %shift_right_arithmetic3A_438 = vector.broadcast %shift_right_arithmetic3A_437 : i32 to vector<16xi32>
    %shift_right_arithmetic3A_439 = arith.shrsi %get3A_429, %shift_right_arithmetic3A_438 : vector<16xi32>
    %swap3A_440 = arith.constant 32 : index
    %swap3A_441 = tpu.vector_load %arg10[%swap3A_440] {strides = array<i32>} : memref<80xi32, #tpu.memory_space<vmem>>, vector<16xi32>,
    %swap3A_442 = vector.shape_cast %swap3A_441 : vector<16xi32> to vector<16xi32>
    %swap3A_443 = vector.shape_cast %shift_right_arithmetic3A_439 : vector<16xi32> to vector<16xi32>
    tpu.vector_store %arg10[%swap3A_440], %swap3A_443 {strides = array<i32>} : memref<80xi32, #tpu.memory_space<vmem>>, vector<16xi32>,
    %get3A_444 = arith.constant 3 : i32
    %get3A_445 = arith.index_cast %get3A_444 : i32 to index
    %get3A_446 = arith.constant 48 : index
    %get3A_447 = tpu.vector_load %arg6[%get3A_445, %get3A_446] {strides = array<i32>} : memref<10x80xi32, #tpu.memory_space<vmem>>, vector<1x16xi32>,
    %get3A_448 = vector.shape_cast %get3A_447 : vector<1x16xi32> to vector<16xi32>
    %and3A_449 = arith.constant 65535 : i32
    %and3A_450 = vector.broadcast %and3A_449 : i32 to vector<16xi32>
    %and3A_451 = arith.andi %get3A_448, %and3A_450 : vector<16xi32>
    %swap3A_452 = arith.constant 48 : index
    %swap3A_453 = tpu.vector_load %arg7[%swap3A_452] {strides = array<i32>} : memref<80xi32, #tpu.memory_space<vmem>>, vector<16xi32>,
    %swap3A_454 = vector.shape_cast %swap3A_453 : vector<16xi32> to vector<16xi32>
    %swap3A_455 = vector.shape_cast %and3A_451 : vector<16xi32> to vector<16xi32>
    tpu.vector_store %arg7[%swap3A_452], %swap3A_455 {strides = array<i32>} : memref<80xi32, #tpu.memory_space<vmem>>, vector<16xi32>,
    %shift_right_arithmetic3A_456 = arith.constant 16 : i32
    %shift_right_arithmetic3A_457 = vector.broadcast %shift_right_arithmetic3A_456 : i32 to vector<16xi32>
    %shift_right_arithmetic3A_458 = arith.shrsi %get3A_448, %shift_right_arithmetic3A_457 : vector<16xi32>
    %swap3A_459 = arith.constant 48 : index
    %swap3A_460 = tpu.vector_load %arg10[%swap3A_459] {strides = array<i32>} : memref<80xi32, #tpu.memory_space<vmem>>, vector<16xi32>,
    %swap3A_461 = vector.shape_cast %swap3A_460 : vector<16xi32> to vector<16xi32>
    %swap3A_462 = vector.shape_cast %shift_right_arithmetic3A_458 : vector<16xi32> to vector<16xi32>
    tpu.vector_store %arg10[%swap3A_459], %swap3A_462 {strides = array<i32>} : memref<80xi32, #tpu.memory_space<vmem>>, vector<16xi32>,
    %get3A_463 = arith.constant 3 : i32
    %get3A_464 = arith.index_cast %get3A_463 : i32 to index
    %get3A_465 = arith.constant 64 : index
    %get3A_466 = tpu.vector_load %arg6[%get3A_464, %get3A_465] {strides = array<i32>} : memref<10x80xi32, #tpu.memory_space<vmem>>, vector<1x16xi32>,
    %get3A_467 = vector.shape_cast %get3A_466 : vector<1x16xi32> to vector<16xi32>
    %and3A_468 = arith.constant 65535 : i32
    %and3A_469 = vector.broadcast %and3A_468 : i32 to vector<16xi32>
    %and3A_470 = arith.andi %get3A_467, %and3A_469 : vector<16xi32>
    %swap3A_471 = arith.constant 64 : index
    %swap3A_472 = tpu.vector_load %arg7[%swap3A_471] {strides = array<i32>} : memref<80xi32, #tpu.memory_space<vmem>>, vector<16xi32>,
    %swap3A_473 = vector.shape_cast %swap3A_472 : vector<16xi32> to vector<16xi32>
    %swap3A_474 = vector.shape_cast %and3A_470 : vector<16xi32> to vector<16xi32>
    tpu.vector_store %arg7[%swap3A_471], %swap3A_474 {strides = array<i32>} : memref<80xi32, #tpu.memory_space<vmem>>, vector<16xi32>,
    %shift_right_arithmetic3A_475 = arith.constant 16 : i32
    %shift_right_arithmetic3A_476 = vector.broadcast %shift_right_arithmetic3A_475 : i32 to vector<16xi32>
    %shift_right_arithmetic3A_477 = arith.shrsi %get3A_467, %shift_right_arithmetic3A_476 : vector<16xi32>
    %swap3A_478 = arith.constant 64 : index
    %swap3A_479 = tpu.vector_load %arg10[%swap3A_478] {strides = array<i32>} : memref<80xi32, #tpu.memory_space<vmem>>, vector<16xi32>,
    %swap3A_480 = vector.shape_cast %swap3A_479 : vector<16xi32> to vector<16xi32>
    %swap3A_481 = vector.shape_cast %shift_right_arithmetic3A_477 : vector<16xi32> to vector<16xi32>
    tpu.vector_store %arg10[%swap3A_478], %swap3A_481 {strides = array<i32>} : memref<80xi32, #tpu.memory_space<vmem>>, vector<16xi32>,
    %dma_start3A_482 = arith.constant 0 : i32
    %dma_start3A_483 = arith.constant 0 : i32
    %dma_start3A_484 = tpu.memref_slice %arg3[%dma_start3A_482, %dma_start3A_483] : memref<10000x144xf32, #tpu.memory_space<hbm>> -> memref<10000x144xf32, #tpu.memory_space<hbm>>
    tpu.enqueue_indirect_dma source(%dma_start3A_484 : memref<10000x144xf32, #tpu.memory_space<hbm>>) target(%arg13 : memref<80x144xf32, #tpu.memory_space<vmem>>) offsets(%arg7 : memref<80xi32, #tpu.memory_space<vmem>>) semaphore(%arg20 : memref<!tpu.dma_semaphore, #tpu.memory_space<semaphore_mem>>)
    %dma_start3A_485 = arith.constant 0 : i32
    %dma_start3A_486 = arith.constant 0 : i32
    %dma_start3A_487 = tpu.memref_slice %arg4[%dma_start3A_485, %dma_start3A_486] : memref<10000x16xf32, #tpu.memory_space<hbm>> -> memref<10000x16xf32, #tpu.memory_space<hbm>>
    tpu.enqueue_indirect_dma source(%dma_start3A_487 : memref<10000x16xf32, #tpu.memory_space<hbm>>) target(%arg16 : memref<80x16xf32, #tpu.memory_space<vmem>>) offsets(%arg10 : memref<80xi32, #tpu.memory_space<vmem>>) semaphore(%arg20 : memref<!tpu.dma_semaphore, #tpu.memory_space<semaphore_mem>>)
    %scan3A = arith.constant 0 : i32
    %scan3A_488 = arith.constant 0 : i32
    %scan3A_489 = arith.constant 41 : i32
    %scan3A_490 = arith.addi %scan3A_488, %scan3A_489 : i32
    %scan3A_491 = arith.constant 1 : i32
    scf.for %scan3A_497 = %scan3A_488 to %scan3A_490 step %scan3A_491  : i32 {
      %mul3A_498 = arith.constant 3 : i32
      %mul3A_499 = arith.muli %mul3A_498, %scan3A_497 : i32
      %add3A_500 = arith.constant 2 : i32
      %add3A_501 = arith.addi %add3A_500, %mul3A_499 : i32
      %dma_wait3A_502 = arith.constant 0 : i32
      %dma_wait3A_503 = arith.constant 0 : i32
      %dma_wait3A_504 = tpu.memref_slice %arg3[%dma_wait3A_502, %dma_wait3A_503] : memref<10000x144xf32, #tpu.memory_space<hbm>> -> memref<10000x144xf32, #tpu.memory_space<hbm>>
      tpu.wait_indirect_dma semaphore(%arg22 : memref<!tpu.dma_semaphore, #tpu.memory_space<semaphore_mem>>) src(%dma_wait3A_504 : memref<10000x144xf32, #tpu.memory_space<hbm>>) dst(%arg15 : memref<80x144xf32, #tpu.memory_space<vmem>>)
      %dma_wait3A_505 = arith.constant 0 : i32
      %dma_wait3A_506 = arith.constant 0 : i32
      %dma_wait3A_507 = tpu.memref_slice %arg4[%dma_wait3A_505, %dma_wait3A_506] : memref<10000x16xf32, #tpu.memory_space<hbm>> -> memref<10000x16xf32, #tpu.memory_space<hbm>>
      tpu.wait_indirect_dma semaphore(%arg22 : memref<!tpu.dma_semaphore, #tpu.memory_space<semaphore_mem>>) src(%dma_wait3A_507 : memref<10000x16xf32, #tpu.memory_space<hbm>>) dst(%arg18 : memref<80x16xf32, #tpu.memory_space<vmem>>)
      %parallel_loop3A_508 = arith.constant 0 : i32
      %parallel_loop3A_509 = arith.constant 80 : i32
      %parallel_loop3A_510 = arith.constant 1 : i32
      scf.for %parallel_loop3A_569 = %parallel_loop3A_508 to %parallel_loop3A_509 step %parallel_loop3A_510  : i32 {
        %parallel_loop3A_570 = arith.index_cast %parallel_loop3A_569 : i32 to index
        %parallel_loop3A_571 = arith.constant 128 : index
        %parallel_loop3A_572 = tpu.vector_load %arg15[%parallel_loop3A_570, %parallel_loop3A_571] {strides = array<i32>} : memref<80x144xf32, #tpu.memory_space<vmem>>, vector<1x16xf32>,
        %parallel_loop3A_573 = vector.shape_cast %parallel_loop3A_572 : vector<1x16xf32> to vector<16xf32>
        %parallel_loop3A_574 = arith.index_cast %parallel_loop3A_569 : i32 to index
        %parallel_loop3A_575 = arith.constant 0 : index
        %parallel_loop3A_576 = tpu.vector_load %arg18[%parallel_loop3A_574, %parallel_loop3A_575] {strides = array<i32>} : memref<80x16xf32, #tpu.memory_space<vmem>>, vector<1x16xf32>,
        %parallel_loop3A_577 = vector.shape_cast %parallel_loop3A_576 : vector<1x16xf32> to vector<16xf32>
        %parallel_loop3A_578 = arith.addf %parallel_loop3A_573, %parallel_loop3A_577 : vector<16xf32>
        %parallel_loop3A_579 = arith.constant 2.000000e-01 : f32
        %parallel_loop3A_580 = vector.broadcast %parallel_loop3A_579 : f32 to vector<16xf32>
        %parallel_loop3A_581 = arith.mulf %parallel_loop3A_580, %parallel_loop3A_578 : vector<16xf32>
        %parallel_loop3A_582 = arith.maximumf %parallel_loop3A_578, %parallel_loop3A_581 : vector<16xf32>
        %parallel_loop3A_583 = math.exp %parallel_loop3A_582 : vector<16xf32>
        %parallel_loop3A_584 = arith.index_cast %parallel_loop3A_569 : i32 to index
        %parallel_loop3A_585 = arith.constant 128 : index
        %parallel_loop3A_586 = tpu.vector_load %arg15[%parallel_loop3A_584, %parallel_loop3A_585] {strides = array<i32>} : memref<80x144xf32, #tpu.memory_space<vmem>>, vector<1x16xf32>,
        %parallel_loop3A_587 = vector.shape_cast %parallel_loop3A_586 : vector<1x16xf32> to vector<16xf32>
        %parallel_loop3A_588 = vector.shape_cast %parallel_loop3A_583 : vector<16xf32> to vector<1x16xf32>
        tpu.vector_store %arg15[%parallel_loop3A_584, %parallel_loop3A_585], %parallel_loop3A_588 {strides = array<i32>} : memref<80x144xf32, #tpu.memory_space<vmem>>, vector<1x16xf32>,
        %parallel_loop3A_589 = vector.extract_strided_slice %parallel_loop3A_583 {offsets = [0], sizes = [1], strides = [1]} : vector<16xf32> to vector<1xf32>
        %parallel_loop3A_590 = vector.extract %parallel_loop3A_589[0] : f32 from vector<1xf32>
        %parallel_loop3A_591 = vector.broadcast %parallel_loop3A_590 : f32 to vector<16xf32>
        %parallel_loop3A_592 = arith.index_cast %parallel_loop3A_569 : i32 to index
        %parallel_loop3A_593 = arith.constant 0 : index
        %parallel_loop3A_594 = tpu.vector_load %arg15[%parallel_loop3A_592, %parallel_loop3A_593] {strides = array<i32>} : memref<80x144xf32, #tpu.memory_space<vmem>>, vector<1x16xf32>,
        %parallel_loop3A_595 = vector.shape_cast %parallel_loop3A_594 : vector<1x16xf32> to vector<16xf32>
        %parallel_loop3A_596 = arith.mulf %parallel_loop3A_595, %parallel_loop3A_591 : vector<16xf32>
        %parallel_loop3A_597 = arith.index_cast %parallel_loop3A_569 : i32 to index
        %parallel_loop3A_598 = arith.constant 0 : index
        %parallel_loop3A_599 = tpu.vector_load %arg15[%parallel_loop3A_597, %parallel_loop3A_598] {strides = array<i32>} : memref<80x144xf32, #tpu.memory_space<vmem>>, vector<1x16xf32>,
        %parallel_loop3A_600 = vector.shape_cast %parallel_loop3A_599 : vector<1x16xf32> to vector<16xf32>
        %parallel_loop3A_601 = vector.shape_cast %parallel_loop3A_596 : vector<16xf32> to vector<1x16xf32>
        tpu.vector_store %arg15[%parallel_loop3A_597, %parallel_loop3A_598], %parallel_loop3A_601 {strides = array<i32>} : memref<80x144xf32, #tpu.memory_space<vmem>>, vector<1x16xf32>,
        %parallel_loop3A_602 = vector.extract_strided_slice %parallel_loop3A_583 {offsets = [1], sizes = [1], strides = [1]} : vector<16xf32> to vector<1xf32>
        %parallel_loop3A_603 = vector.extract %parallel_loop3A_602[0] : f32 from vector<1xf32>
        %parallel_loop3A_604 = vector.broadcast %parallel_loop3A_603 : f32 to vector<16xf32>
        %parallel_loop3A_605 = arith.index_cast %parallel_loop3A_569 : i32 to index
        %parallel_loop3A_606 = arith.constant 16 : index
        %parallel_loop3A_607 = tpu.vector_load %arg15[%parallel_loop3A_605, %parallel_loop3A_606] {strides = array<i32>} : memref<80x144xf32, #tpu.memory_space<vmem>>, vector<1x16xf32>,
        %parallel_loop3A_608 = vector.shape_cast %parallel_loop3A_607 : vector<1x16xf32> to vector<16xf32>
        %parallel_loop3A_609 = arith.mulf %parallel_loop3A_608, %parallel_loop3A_604 : vector<16xf32>
        %parallel_loop3A_610 = arith.index_cast %parallel_loop3A_569 : i32 to index
        %parallel_loop3A_611 = arith.constant 16 : index
        %parallel_loop3A_612 = tpu.vector_load %arg15[%parallel_loop3A_610, %parallel_loop3A_611] {strides = array<i32>} : memref<80x144xf32, #tpu.memory_space<vmem>>, vector<1x16xf32>,
        %parallel_loop3A_613 = vector.shape_cast %parallel_loop3A_612 : vector<1x16xf32> to vector<16xf32>
        %parallel_loop3A_614 = vector.shape_cast %parallel_loop3A_609 : vector<16xf32> to vector<1x16xf32>
        tpu.vector_store %arg15[%parallel_loop3A_610, %parallel_loop3A_611], %parallel_loop3A_614 {strides = array<i32>} : memref<80x144xf32, #tpu.memory_space<vmem>>, vector<1x16xf32>,
        %parallel_loop3A_615 = vector.extract_strided_slice %parallel_loop3A_583 {offsets = [2], sizes = [1], strides = [1]} : vector<16xf32> to vector<1xf32>
        %parallel_loop3A_616 = vector.extract %parallel_loop3A_615[0] : f32 from vector<1xf32>
        %parallel_loop3A_617 = vector.broadcast %parallel_loop3A_616 : f32 to vector<16xf32>
        %parallel_loop3A_618 = arith.index_cast %parallel_loop3A_569 : i32 to index
        %parallel_loop3A_619 = arith.constant 32 : index
        %parallel_loop3A_620 = tpu.vector_load %arg15[%parallel_loop3A_618, %parallel_loop3A_619] {strides = array<i32>} : memref<80x144xf32, #tpu.memory_space<vmem>>, vector<1x16xf32>,
        %parallel_loop3A_621 = vector.shape_cast %parallel_loop3A_620 : vector<1x16xf32> to vector<16xf32>
        %parallel_loop3A_622 = arith.mulf %parallel_loop3A_621, %parallel_loop3A_617 : vector<16xf32>
        %parallel_loop3A_623 = arith.index_cast %parallel_loop3A_569 : i32 to index
        %parallel_loop3A_624 = arith.constant 32 : index
        %parallel_loop3A_625 = tpu.vector_load %arg15[%parallel_loop3A_623, %parallel_loop3A_624] {strides = array<i32>} : memref<80x144xf32, #tpu.memory_space<vmem>>, vector<1x16xf32>,
        %parallel_loop3A_626 = vector.shape_cast %parallel_loop3A_625 : vector<1x16xf32> to vector<16xf32>
        %parallel_loop3A_627 = vector.shape_cast %parallel_loop3A_622 : vector<16xf32> to vector<1x16xf32>
        tpu.vector_store %arg15[%parallel_loop3A_623, %parallel_loop3A_624], %parallel_loop3A_627 {strides = array<i32>} : memref<80x144xf32, #tpu.memory_space<vmem>>, vector<1x16xf32>,
        %parallel_loop3A_628 = vector.extract_strided_slice %parallel_loop3A_583 {offsets = [3], sizes = [1], strides = [1]} : vector<16xf32> to vector<1xf32>
        %parallel_loop3A_629 = vector.extract %parallel_loop3A_628[0] : f32 from vector<1xf32>
        %parallel_loop3A_630 = vector.broadcast %parallel_loop3A_629 : f32 to vector<16xf32>
        %parallel_loop3A_631 = arith.index_cast %parallel_loop3A_569 : i32 to index
        %parallel_loop3A_632 = arith.constant 48 : index
        %parallel_loop3A_633 = tpu.vector_load %arg15[%parallel_loop3A_631, %parallel_loop3A_632] {strides = array<i32>} : memref<80x144xf32, #tpu.memory_space<vmem>>, vector<1x16xf32>,
        %parallel_loop3A_634 = vector.shape_cast %parallel_loop3A_633 : vector<1x16xf32> to vector<16xf32>
        %parallel_loop3A_635 = arith.mulf %parallel_loop3A_634, %parallel_loop3A_630 : vector<16xf32>
        %parallel_loop3A_636 = arith.index_cast %parallel_loop3A_569 : i32 to index
        %parallel_loop3A_637 = arith.constant 48 : index
        %parallel_loop3A_638 = tpu.vector_load %arg15[%parallel_loop3A_636, %parallel_loop3A_637] {strides = array<i32>} : memref<80x144xf32, #tpu.memory_space<vmem>>, vector<1x16xf32>,
        %parallel_loop3A_639 = vector.shape_cast %parallel_loop3A_638 : vector<1x16xf32> to vector<16xf32>
        %parallel_loop3A_640 = vector.shape_cast %parallel_loop3A_635 : vector<16xf32> to vector<1x16xf32>
        tpu.vector_store %arg15[%parallel_loop3A_636, %parallel_loop3A_637], %parallel_loop3A_640 {strides = array<i32>} : memref<80x144xf32, #tpu.memory_space<vmem>>, vector<1x16xf32>,
        %parallel_loop3A_641 = vector.extract_strided_slice %parallel_loop3A_583 {offsets = [4], sizes = [1], strides = [1]} : vector<16xf32> to vector<1xf32>
        %parallel_loop3A_642 = vector.extract %parallel_loop3A_641[0] : f32 from vector<1xf32>
        %parallel_loop3A_643 = vector.broadcast %parallel_loop3A_642 : f32 to vector<16xf32>
        %parallel_loop3A_644 = arith.index_cast %parallel_loop3A_569 : i32 to index
        %parallel_loop3A_645 = arith.constant 64 : index
        %parallel_loop3A_646 = tpu.vector_load %arg15[%parallel_loop3A_644, %parallel_loop3A_645] {strides = array<i32>} : memref<80x144xf32, #tpu.memory_space<vmem>>, vector<1x16xf32>,
        %parallel_loop3A_647 = vector.shape_cast %parallel_loop3A_646 : vector<1x16xf32> to vector<16xf32>
        %parallel_loop3A_648 = arith.mulf %parallel_loop3A_647, %parallel_loop3A_643 : vector<16xf32>
        %parallel_loop3A_649 = arith.index_cast %parallel_loop3A_569 : i32 to index
        %parallel_loop3A_650 = arith.constant 64 : index
        %parallel_loop3A_651 = tpu.vector_load %arg15[%parallel_loop3A_649, %parallel_loop3A_650] {strides = array<i32>} : memref<80x144xf32, #tpu.memory_space<vmem>>, vector<1x16xf32>,
        %parallel_loop3A_652 = vector.shape_cast %parallel_loop3A_651 : vector<1x16xf32> to vector<16xf32>
        %parallel_loop3A_653 = vector.shape_cast %parallel_loop3A_648 : vector<16xf32> to vector<1x16xf32>
        tpu.vector_store %arg15[%parallel_loop3A_649, %parallel_loop3A_650], %parallel_loop3A_653 {strides = array<i32>} : memref<80x144xf32, #tpu.memory_space<vmem>>, vector<1x16xf32>,
        %parallel_loop3A_654 = vector.extract_strided_slice %parallel_loop3A_583 {offsets = [5], sizes = [1], strides = [1]} : vector<16xf32> to vector<1xf32>
        %parallel_loop3A_655 = vector.extract %parallel_loop3A_654[0] : f32 from vector<1xf32>
        %parallel_loop3A_656 = vector.broadcast %parallel_loop3A_655 : f32 to vector<16xf32>
        %parallel_loop3A_657 = arith.index_cast %parallel_loop3A_569 : i32 to index
        %parallel_loop3A_658 = arith.constant 80 : index
        %parallel_loop3A_659 = tpu.vector_load %arg15[%parallel_loop3A_657, %parallel_loop3A_658] {strides = array<i32>} : memref<80x144xf32, #tpu.memory_space<vmem>>, vector<1x16xf32>,
        %parallel_loop3A_660 = vector.shape_cast %parallel_loop3A_659 : vector<1x16xf32> to vector<16xf32>
        %parallel_loop3A_661 = arith.mulf %parallel_loop3A_660, %parallel_loop3A_656 : vector<16xf32>
        %parallel_loop3A_662 = arith.index_cast %parallel_loop3A_569 : i32 to index
        %parallel_loop3A_663 = arith.constant 80 : index
        %parallel_loop3A_664 = tpu.vector_load %arg15[%parallel_loop3A_662, %parallel_loop3A_663] {strides = array<i32>} : memref<80x144xf32, #tpu.memory_space<vmem>>, vector<1x16xf32>,
        %parallel_loop3A_665 = vector.shape_cast %parallel_loop3A_664 : vector<1x16xf32> to vector<16xf32>
        %parallel_loop3A_666 = vector.shape_cast %parallel_loop3A_661 : vector<16xf32> to vector<1x16xf32>
        tpu.vector_store %arg15[%parallel_loop3A_662, %parallel_loop3A_663], %parallel_loop3A_666 {strides = array<i32>} : memref<80x144xf32, #tpu.memory_space<vmem>>, vector<1x16xf32>,
        %parallel_loop3A_667 = vector.extract_strided_slice %parallel_loop3A_583 {offsets = [6], sizes = [1], strides = [1]} : vector<16xf32> to vector<1xf32>
        %parallel_loop3A_668 = vector.extract %parallel_loop3A_667[0] : f32 from vector<1xf32>
        %parallel_loop3A_669 = vector.broadcast %parallel_loop3A_668 : f32 to vector<16xf32>
        %parallel_loop3A_670 = arith.index_cast %parallel_loop3A_569 : i32 to index
        %parallel_loop3A_671 = arith.constant 96 : index
        %parallel_loop3A_672 = tpu.vector_load %arg15[%parallel_loop3A_670, %parallel_loop3A_671] {strides = array<i32>} : memref<80x144xf32, #tpu.memory_space<vmem>>, vector<1x16xf32>,
        %parallel_loop3A_673 = vector.shape_cast %parallel_loop3A_672 : vector<1x16xf32> to vector<16xf32>
        %parallel_loop3A_674 = arith.mulf %parallel_loop3A_673, %parallel_loop3A_669 : vector<16xf32>
        %parallel_loop3A_675 = arith.index_cast %parallel_loop3A_569 : i32 to index
        %parallel_loop3A_676 = arith.constant 96 : index
        %parallel_loop3A_677 = tpu.vector_load %arg15[%parallel_loop3A_675, %parallel_loop3A_676] {strides = array<i32>} : memref<80x144xf32, #tpu.memory_space<vmem>>, vector<1x16xf32>,
        %parallel_loop3A_678 = vector.shape_cast %parallel_loop3A_677 : vector<1x16xf32> to vector<16xf32>
        %parallel_loop3A_679 = vector.shape_cast %parallel_loop3A_674 : vector<16xf32> to vector<1x16xf32>
        tpu.vector_store %arg15[%parallel_loop3A_675, %parallel_loop3A_676], %parallel_loop3A_679 {strides = array<i32>} : memref<80x144xf32, #tpu.memory_space<vmem>>, vector<1x16xf32>,
        %parallel_loop3A_680 = vector.extract_strided_slice %parallel_loop3A_583 {offsets = [7], sizes = [1], strides = [1]} : vector<16xf32> to vector<1xf32>
        %parallel_loop3A_681 = vector.extract %parallel_loop3A_680[0] : f32 from vector<1xf32>
        %parallel_loop3A_682 = vector.broadcast %parallel_loop3A_681 : f32 to vector<16xf32>
        %parallel_loop3A_683 = arith.index_cast %parallel_loop3A_569 : i32 to index
        %parallel_loop3A_684 = arith.constant 112 : index
        %parallel_loop3A_685 = tpu.vector_load %arg15[%parallel_loop3A_683, %parallel_loop3A_684] {strides = array<i32>} : memref<80x144xf32, #tpu.memory_space<vmem>>, vector<1x16xf32>,
        %parallel_loop3A_686 = vector.shape_cast %parallel_loop3A_685 : vector<1x16xf32> to vector<16xf32>
        %parallel_loop3A_687 = arith.mulf %parallel_loop3A_686, %parallel_loop3A_682 : vector<16xf32>
        %parallel_loop3A_688 = arith.index_cast %parallel_loop3A_569 : i32 to index
        %parallel_loop3A_689 = arith.constant 112 : index
        %parallel_loop3A_690 = tpu.vector_load %arg15[%parallel_loop3A_688, %parallel_loop3A_689] {strides = array<i32>} : memref<80x144xf32, #tpu.memory_space<vmem>>, vector<1x16xf32>,
        %parallel_loop3A_691 = vector.shape_cast %parallel_loop3A_690 : vector<1x16xf32> to vector<16xf32>
        %parallel_loop3A_692 = vector.shape_cast %parallel_loop3A_687 : vector<16xf32> to vector<1x16xf32>
        tpu.vector_store %arg15[%parallel_loop3A_688, %parallel_loop3A_689], %parallel_loop3A_692 {strides = array<i32>} : memref<80x144xf32, #tpu.memory_space<vmem>>, vector<1x16xf32>,
      } {sc.loop_unroll_factor = 4 : i64, sc.parallel_access}
      %dma_wait3A_511 = arith.constant 0 : i32
      %dma_wait3A_512 = arith.constant 0 : i32
      %dma_wait3A_513 = tpu.memref_slice %arg19[%dma_wait3A_511, %dma_wait3A_512] : memref<10112x144xf32, #tpu.memory_space<vmem_shared>> -> memref<10112x144xf32, #tpu.memory_space<vmem_shared>>
      tpu.wait_indirect_dma semaphore(%arg24 : memref<!tpu.dma_semaphore, #tpu.memory_space<semaphore_mem>>) src(%arg14 : memref<80x144xf32, #tpu.memory_space<vmem>>) dst(%dma_wait3A_513 : memref<10112x144xf32, #tpu.memory_space<vmem_shared>>)
      %dma_start3A_514 = arith.constant 0 : i32
      %dma_start3A_515 = arith.constant 0 : i32
      %dma_start3A_516 = tpu.memref_slice %arg19[%dma_start3A_514, %dma_start3A_515] : memref<10112x144xf32, #tpu.memory_space<vmem_shared>> -> memref<10112x144xf32, #tpu.memory_space<vmem_shared>>
      tpu.enqueue_indirect_dma source(%arg15 : memref<80x144xf32, #tpu.memory_space<vmem>>) target(%dma_start3A_516 : memref<10112x144xf32, #tpu.memory_space<vmem_shared>>) offsets(%arg12 : memref<80xi32, #tpu.memory_space<vmem>>) semaphore(%arg25 : memref<!tpu.dma_semaphore, #tpu.memory_space<semaphore_mem>>) {add = true}
      %add3A_517 = arith.constant 2 : i32
      %add3A_518 = arith.addi %add3A_501, %add3A_517 : i32
      %lt3A = arith.constant 125 : i32
      %lt3A_519 = arith.cmpi slt, %add3A_518, %lt3A : i32
      %convert_element_type3A = arith.extui %lt3A_519 : i1 to i32
      %cond3A = arith.constant 0 : i32
      %cond3A_520 = arith.cmpi ne, %convert_element_type3A, %cond3A : i32
      scf.if %cond3A_520 {
        %add3A_569 = arith.constant 2 : i32
        %add3A_570 = arith.addi %add3A_501, %add3A_569 : i32
        %jit3A = arith.constant 5 : i32
        %eq3A = arith.constant 0 : i32
        %eq3A_571 = arith.cmpi eq, %jit3A, %eq3A : i32
        %jit3A_572 = arith.constant 1 : i32
        %select_n3A = arith.select %eq3A_571, %jit3A_572, %jit3A : i32
        %rem3A = arith.remsi %add3A_570, %select_n3A : i32
        %ne3A = arith.constant 0 : i32
        %ne3A_573 = arith.cmpi ne, %rem3A, %ne3A : i32
        %lt3A_574 = arith.constant 0 : i32
        %lt3A_575 = arith.cmpi slt, %rem3A, %lt3A_574 : i32
        %lt3A_576 = arith.constant 0 : i32
        %lt3A_577 = arith.cmpi slt, %select_n3A, %lt3A_576 : i32
        %ne3A_578 = arith.xori %lt3A_575, %lt3A_577 : i1
        %and3A_579 = arith.andi %ne3A_578, %ne3A_573 : i1
        %add3A_580 = arith.addi %rem3A, %select_n3A : i32
        %select_n3A_581 = arith.select %and3A_579, %add3A_580, %rem3A : i32
        %eq3A_582 = arith.constant 0 : i32
        %eq3A_583 = arith.cmpi eq, %select_n3A_581, %eq3A_582 : i32
        %convert_element_type3A_584 = arith.extui %eq3A_583 : i1 to i32
        %cond3A_585 = arith.constant 0 : i32
        %cond3A_586 = arith.cmpi ne, %convert_element_type3A_584, %cond3A_585 : i32
        scf.if %cond3A_586 {
          %jit3A_699 = arith.constant 10 : i32
          %eq3A_700 = arith.constant 0 : i32
          %eq3A_701 = arith.cmpi eq, %jit3A_699, %eq3A_700 : i32
          %jit3A_702 = arith.constant 1 : i32
          %select_n3A_703 = arith.select %eq3A_701, %jit3A_702, %jit3A_699 : i32
          %rem3A_704 = arith.remsi %add3A_570, %select_n3A_703 : i32
          %ne3A_705 = arith.constant 0 : i32
          %ne3A_706 = arith.cmpi ne, %rem3A_704, %ne3A_705 : i32
          %lt3A_707 = arith.constant 0 : i32
          %lt3A_708 = arith.cmpi slt, %rem3A_704, %lt3A_707 : i32
          %lt3A_709 = arith.constant 0 : i32
          %lt3A_710 = arith.cmpi slt, %select_n3A_703, %lt3A_709 : i32
          %ne3A_711 = arith.xori %lt3A_708, %lt3A_710 : i1
          %and3A_712 = arith.andi %ne3A_711, %ne3A_706 : i1
          %add3A_713 = arith.addi %rem3A_704, %select_n3A_703 : i32
          %select_n3A_714 = arith.select %and3A_712, %add3A_713, %rem3A_704 : i32
          %dma_wait3A_715 = arith.constant 0 : i32
          %dma_wait3A_716 = tpu.memref_slice %arg6[%select_n3A_714, %dma_wait3A_715] : memref<10x80xi32, #tpu.memory_space<vmem>> -> memref<5x80xi32, #tpu.memory_space<vmem>>
          %dma_wait3A_717 = arith.constant 0 : i32
          %dma_wait3A_718 = tpu.memref_slice %arg2[%add3A, %add3A_570, %dma_wait3A_717] : memref<32x125x80xi32, #tpu.memory_space<hbm>> -> memref<1x5x80xi32, #tpu.memory_space<hbm>>
          %dma_wait3A_719 = tpu.memref_squeeze %dma_wait3A_718 : memref<1x5x80xi32, #tpu.memory_space<hbm>> -> memref<5x80xi32, #tpu.memory_space<hbm>>
          %dma_wait3A_720 = arith.constant 0 : i32
          %dma_wait3A_721 = tpu.memref_slice %arg6[%select_n3A_714, %dma_wait3A_720] : memref<10x80xi32, #tpu.memory_space<vmem>> -> memref<5x80xi32, #tpu.memory_space<vmem>>
          %dma_wait3A_722 = arith.constant 0 : i32
          %dma_wait3A_723 = tpu.memref_slice %arg2[%add3A, %add3A_570, %dma_wait3A_722] : memref<32x125x80xi32, #tpu.memory_space<hbm>> -> memref<1x5x80xi32, #tpu.memory_space<hbm>>
          %dma_wait3A_724 = tpu.memref_squeeze %dma_wait3A_723 : memref<1x5x80xi32, #tpu.memory_space<hbm>> -> memref<5x80xi32, #tpu.memory_space<hbm>>
          tpu.wait_dma2 semaphore(%arg26 : memref<!tpu.dma_semaphore, #tpu.memory_space<semaphore_mem>>) src(%dma_wait3A_724 : memref<5x80xi32, #tpu.memory_space<hbm>>) dst(%dma_wait3A_721 : memref<5x80xi32, #tpu.memory_space<vmem>>)
          %add3A_725 = arith.constant 5 : i32
          %add3A_726 = arith.addi %add3A_570, %add3A_725 : i32
          %lt3A_727 = arith.constant 125 : i32
          %lt3A_728 = arith.cmpi slt, %add3A_726, %lt3A_727 : i32
          %convert_element_type3A_729 = arith.extui %lt3A_728 : i1 to i32
          %cond3A_730 = arith.constant 0 : i32
          %cond3A_731 = arith.cmpi ne, %convert_element_type3A_729, %cond3A_730 : i32
          scf.if %cond3A_731 {
            %add3A_732 = arith.constant 5 : i32
            %add3A_733 = arith.addi %add3A_570, %add3A_732 : i32
            %jit3A_734 = arith.constant 10 : i32
            %eq3A_735 = arith.constant 0 : i32
            %eq3A_736 = arith.cmpi eq, %jit3A_734, %eq3A_735 : i32
            %jit3A_737 = arith.constant 1 : i32
            %select_n3A_738 = arith.select %eq3A_736, %jit3A_737, %jit3A_734 : i32
            %rem3A_739 = arith.remsi %add3A_733, %select_n3A_738 : i32
            %ne3A_740 = arith.constant 0 : i32
            %ne3A_741 = arith.cmpi ne, %rem3A_739, %ne3A_740 : i32
            %lt3A_742 = arith.constant 0 : i32
            %lt3A_743 = arith.cmpi slt, %rem3A_739, %lt3A_742 : i32
            %lt3A_744 = arith.constant 0 : i32
            %lt3A_745 = arith.cmpi slt, %select_n3A_738, %lt3A_744 : i32
            %ne3A_746 = arith.xori %lt3A_743, %lt3A_745 : i1
            %and3A_747 = arith.andi %ne3A_746, %ne3A_741 : i1
            %add3A_748 = arith.addi %rem3A_739, %select_n3A_738 : i32
            %select_n3A_749 = arith.select %and3A_747, %add3A_748, %rem3A_739 : i32
            %dma_start3A_750 = arith.constant 0 : i32
            %dma_start3A_751 = tpu.memref_slice %arg6[%select_n3A_749, %dma_start3A_750] : memref<10x80xi32, #tpu.memory_space<vmem>> -> memref<5x80xi32, #tpu.memory_space<vmem>>
            %dma_start3A_752 = arith.constant 0 : i32
            %dma_start3A_753 = tpu.memref_slice %arg2[%add3A, %add3A_733, %dma_start3A_752] : memref<32x125x80xi32, #tpu.memory_space<hbm>> -> memref<1x5x80xi32, #tpu.memory_space<hbm>>
            %dma_start3A_754 = tpu.memref_squeeze %dma_start3A_753 : memref<1x5x80xi32, #tpu.memory_space<hbm>> -> memref<5x80xi32, #tpu.memory_space<hbm>>
            %dma_start3A_755 = arith.constant 0 : i32
            %dma_start3A_756 = tpu.memref_slice %arg6[%select_n3A_749, %dma_start3A_755] : memref<10x80xi32, #tpu.memory_space<vmem>> -> memref<5x80xi32, #tpu.memory_space<vmem>>
            %dma_start3A_757 = arith.constant 0 : i32
            %dma_start3A_758 = tpu.memref_slice %arg2[%add3A, %add3A_733, %dma_start3A_757] : memref<32x125x80xi32, #tpu.memory_space<hbm>> -> memref<1x5x80xi32, #tpu.memory_space<hbm>>
            %dma_start3A_759 = tpu.memref_squeeze %dma_start3A_758 : memref<1x5x80xi32, #tpu.memory_space<hbm>> -> memref<5x80xi32, #tpu.memory_space<hbm>>
            tpu.enqueue_dma source(%dma_start3A_759 : memref<5x80xi32, #tpu.memory_space<hbm>>) target(%dma_start3A_756 : memref<5x80xi32, #tpu.memory_space<vmem>>) target_semaphore(%arg26 : memref<!tpu.dma_semaphore, #tpu.memory_space<semaphore_mem>>)
          } else {
          }
        } else {
        }
        %jit3A_587 = arith.constant 10 : i32
        %eq3A_588 = arith.constant 0 : i32
        %eq3A_589 = arith.cmpi eq, %jit3A_587, %eq3A_588 : i32
        %jit3A_590 = arith.constant 1 : i32
        %select_n3A_591 = arith.select %eq3A_589, %jit3A_590, %jit3A_587 : i32
        %rem3A_592 = arith.remsi %add3A_570, %select_n3A_591 : i32
        %ne3A_593 = arith.constant 0 : i32
        %ne3A_594 = arith.cmpi ne, %rem3A_592, %ne3A_593 : i32
        %lt3A_595 = arith.constant 0 : i32
        %lt3A_596 = arith.cmpi slt, %rem3A_592, %lt3A_595 : i32
        %lt3A_597 = arith.constant 0 : i32
        %lt3A_598 = arith.cmpi slt, %select_n3A_591, %lt3A_597 : i32
        %ne3A_599 = arith.xori %lt3A_596, %lt3A_598 : i1
        %and3A_600 = arith.andi %ne3A_599, %ne3A_594 : i1
        %add3A_601 = arith.addi %rem3A_592, %select_n3A_591 : i32
        %select_n3A_602 = arith.select %and3A_600, %add3A_601, %rem3A_592 : i32
        %get3A_603 = arith.index_cast %select_n3A_602 : i32 to index
        %get3A_604 = arith.constant 0 : index
        %get3A_605 = tpu.vector_load %arg6[%get3A_603, %get3A_604] {strides = array<i32>} : memref<10x80xi32, #tpu.memory_space<vmem>>, vector<1x16xi32>,
        %get3A_606 = vector.shape_cast %get3A_605 : vector<1x16xi32> to vector<16xi32>
        %and3A_607 = arith.constant 65535 : i32
        %and3A_608 = vector.broadcast %and3A_607 : i32 to vector<16xi32>
        %and3A_609 = arith.andi %get3A_606, %and3A_608 : vector<16xi32>
        %swap3A_610 = arith.constant 0 : index
        %swap3A_611 = tpu.vector_load %arg8[%swap3A_610] {strides = array<i32>} : memref<80xi32, #tpu.memory_space<vmem>>, vector<16xi32>,
        %swap3A_612 = vector.shape_cast %swap3A_611 : vector<16xi32> to vector<16xi32>
        %swap3A_613 = vector.shape_cast %and3A_609 : vector<16xi32> to vector<16xi32>
        tpu.vector_store %arg8[%swap3A_610], %swap3A_613 {strides = array<i32>} : memref<80xi32, #tpu.memory_space<vmem>>, vector<16xi32>,
        %shift_right_arithmetic3A_614 = arith.constant 16 : i32
        %shift_right_arithmetic3A_615 = vector.broadcast %shift_right_arithmetic3A_614 : i32 to vector<16xi32>
        %shift_right_arithmetic3A_616 = arith.shrsi %get3A_606, %shift_right_arithmetic3A_615 : vector<16xi32>
        %swap3A_617 = arith.constant 0 : index
        %swap3A_618 = tpu.vector_load %arg11[%swap3A_617] {strides = array<i32>} : memref<80xi32, #tpu.memory_space<vmem>>, vector<16xi32>,
        %swap3A_619 = vector.shape_cast %swap3A_618 : vector<16xi32> to vector<16xi32>
        %swap3A_620 = vector.shape_cast %shift_right_arithmetic3A_616 : vector<16xi32> to vector<16xi32>
        tpu.vector_store %arg11[%swap3A_617], %swap3A_620 {strides = array<i32>} : memref<80xi32, #tpu.memory_space<vmem>>, vector<16xi32>,
        %get3A_621 = arith.index_cast %select_n3A_602 : i32 to index
        %get3A_622 = arith.constant 16 : index
        %get3A_623 = tpu.vector_load %arg6[%get3A_621, %get3A_622] {strides = array<i32>} : memref<10x80xi32, #tpu.memory_space<vmem>>, vector<1x16xi32>,
        %get3A_624 = vector.shape_cast %get3A_623 : vector<1x16xi32> to vector<16xi32>
        %and3A_625 = arith.constant 65535 : i32
        %and3A_626 = vector.broadcast %and3A_625 : i32 to vector<16xi32>
        %and3A_627 = arith.andi %get3A_624, %and3A_626 : vector<16xi32>
        %swap3A_628 = arith.constant 16 : index
        %swap3A_629 = tpu.vector_load %arg8[%swap3A_628] {strides = array<i32>} : memref<80xi32, #tpu.memory_space<vmem>>, vector<16xi32>,
        %swap3A_630 = vector.shape_cast %swap3A_629 : vector<16xi32> to vector<16xi32>
        %swap3A_631 = vector.shape_cast %and3A_627 : vector<16xi32> to vector<16xi32>
        tpu.vector_store %arg8[%swap3A_628], %swap3A_631 {strides = array<i32>} : memref<80xi32, #tpu.memory_space<vmem>>, vector<16xi32>,
        %shift_right_arithmetic3A_632 = arith.constant 16 : i32
        %shift_right_arithmetic3A_633 = vector.broadcast %shift_right_arithmetic3A_632 : i32 to vector<16xi32>
        %shift_right_arithmetic3A_634 = arith.shrsi %get3A_624, %shift_right_arithmetic3A_633 : vector<16xi32>
        %swap3A_635 = arith.constant 16 : index
        %swap3A_636 = tpu.vector_load %arg11[%swap3A_635] {strides = array<i32>} : memref<80xi32, #tpu.memory_space<vmem>>, vector<16xi32>,
        %swap3A_637 = vector.shape_cast %swap3A_636 : vector<16xi32> to vector<16xi32>
        %swap3A_638 = vector.shape_cast %shift_right_arithmetic3A_634 : vector<16xi32> to vector<16xi32>
        tpu.vector_store %arg11[%swap3A_635], %swap3A_638 {strides = array<i32>} : memref<80xi32, #tpu.memory_space<vmem>>, vector<16xi32>,
        %get3A_639 = arith.index_cast %select_n3A_602 : i32 to index
        %get3A_640 = arith.constant 32 : index
        %get3A_641 = tpu.vector_load %arg6[%get3A_639, %get3A_640] {strides = array<i32>} : memref<10x80xi32, #tpu.memory_space<vmem>>, vector<1x16xi32>,
        %get3A_642 = vector.shape_cast %get3A_641 : vector<1x16xi32> to vector<16xi32>
        %and3A_643 = arith.constant 65535 : i32
        %and3A_644 = vector.broadcast %and3A_643 : i32 to vector<16xi32>
        %and3A_645 = arith.andi %get3A_642, %and3A_644 : vector<16xi32>
        %swap3A_646 = arith.constant 32 : index
        %swap3A_647 = tpu.vector_load %arg8[%swap3A_646] {strides = array<i32>} : memref<80xi32, #tpu.memory_space<vmem>>, vector<16xi32>,
        %swap3A_648 = vector.shape_cast %swap3A_647 : vector<16xi32> to vector<16xi32>
        %swap3A_649 = vector.shape_cast %and3A_645 : vector<16xi32> to vector<16xi32>
        tpu.vector_store %arg8[%swap3A_646], %swap3A_649 {strides = array<i32>} : memref<80xi32, #tpu.memory_space<vmem>>, vector<16xi32>,
        %shift_right_arithmetic3A_650 = arith.constant 16 : i32
        %shift_right_arithmetic3A_651 = vector.broadcast %shift_right_arithmetic3A_650 : i32 to vector<16xi32>
        %shift_right_arithmetic3A_652 = arith.shrsi %get3A_642, %shift_right_arithmetic3A_651 : vector<16xi32>
        %swap3A_653 = arith.constant 32 : index
        %swap3A_654 = tpu.vector_load %arg11[%swap3A_653] {strides = array<i32>} : memref<80xi32, #tpu.memory_space<vmem>>, vector<16xi32>,
        %swap3A_655 = vector.shape_cast %swap3A_654 : vector<16xi32> to vector<16xi32>
        %swap3A_656 = vector.shape_cast %shift_right_arithmetic3A_652 : vector<16xi32> to vector<16xi32>
        tpu.vector_store %arg11[%swap3A_653], %swap3A_656 {strides = array<i32>} : memref<80xi32, #tpu.memory_space<vmem>>, vector<16xi32>,
        %get3A_657 = arith.index_cast %select_n3A_602 : i32 to index
        %get3A_658 = arith.constant 48 : index
        %get3A_659 = tpu.vector_load %arg6[%get3A_657, %get3A_658] {strides = array<i32>} : memref<10x80xi32, #tpu.memory_space<vmem>>, vector<1x16xi32>,
        %get3A_660 = vector.shape_cast %get3A_659 : vector<1x16xi32> to vector<16xi32>
        %and3A_661 = arith.constant 65535 : i32
        %and3A_662 = vector.broadcast %and3A_661 : i32 to vector<16xi32>
        %and3A_663 = arith.andi %get3A_660, %and3A_662 : vector<16xi32>
        %swap3A_664 = arith.constant 48 : index
        %swap3A_665 = tpu.vector_load %arg8[%swap3A_664] {strides = array<i32>} : memref<80xi32, #tpu.memory_space<vmem>>, vector<16xi32>,
        %swap3A_666 = vector.shape_cast %swap3A_665 : vector<16xi32> to vector<16xi32>
        %swap3A_667 = vector.shape_cast %and3A_663 : vector<16xi32> to vector<16xi32>
        tpu.vector_store %arg8[%swap3A_664], %swap3A_667 {strides = array<i32>} : memref<80xi32, #tpu.memory_space<vmem>>, vector<16xi32>,
        %shift_right_arithmetic3A_668 = arith.constant 16 : i32
        %shift_right_arithmetic3A_669 = vector.broadcast %shift_right_arithmetic3A_668 : i32 to vector<16xi32>
        %shift_right_arithmetic3A_670 = arith.shrsi %get3A_660, %shift_right_arithmetic3A_669 : vector<16xi32>
        %swap3A_671 = arith.constant 48 : index
        %swap3A_672 = tpu.vector_load %arg11[%swap3A_671] {strides = array<i32>} : memref<80xi32, #tpu.memory_space<vmem>>, vector<16xi32>,
        %swap3A_673 = vector.shape_cast %swap3A_672 : vector<16xi32> to vector<16xi32>
        %swap3A_674 = vector.shape_cast %shift_right_arithmetic3A_670 : vector<16xi32> to vector<16xi32>
        tpu.vector_store %arg11[%swap3A_671], %swap3A_674 {strides = array<i32>} : memref<80xi32, #tpu.memory_space<vmem>>, vector<16xi32>,
        %get3A_675 = arith.index_cast %select_n3A_602 : i32 to index
        %get3A_676 = arith.constant 64 : index
        %get3A_677 = tpu.vector_load %arg6[%get3A_675, %get3A_676] {strides = array<i32>} : memref<10x80xi32, #tpu.memory_space<vmem>>, vector<1x16xi32>,
        %get3A_678 = vector.shape_cast %get3A_677 : vector<1x16xi32> to vector<16xi32>
        %and3A_679 = arith.constant 65535 : i32
        %and3A_680 = vector.broadcast %and3A_679 : i32 to vector<16xi32>
        %and3A_681 = arith.andi %get3A_678, %and3A_680 : vector<16xi32>
        %swap3A_682 = arith.constant 64 : index
        %swap3A_683 = tpu.vector_load %arg8[%swap3A_682] {strides = array<i32>} : memref<80xi32, #tpu.memory_space<vmem>>, vector<16xi32>,
        %swap3A_684 = vector.shape_cast %swap3A_683 : vector<16xi32> to vector<16xi32>
        %swap3A_685 = vector.shape_cast %and3A_681 : vector<16xi32> to vector<16xi32>
        tpu.vector_store %arg8[%swap3A_682], %swap3A_685 {strides = array<i32>} : memref<80xi32, #tpu.memory_space<vmem>>, vector<16xi32>,
        %shift_right_arithmetic3A_686 = arith.constant 16 : i32
        %shift_right_arithmetic3A_687 = vector.broadcast %shift_right_arithmetic3A_686 : i32 to vector<16xi32>
        %shift_right_arithmetic3A_688 = arith.shrsi %get3A_678, %shift_right_arithmetic3A_687 : vector<16xi32>
        %swap3A_689 = arith.constant 64 : index
        %swap3A_690 = tpu.vector_load %arg11[%swap3A_689] {strides = array<i32>} : memref<80xi32, #tpu.memory_space<vmem>>, vector<16xi32>,
        %swap3A_691 = vector.shape_cast %swap3A_690 : vector<16xi32> to vector<16xi32>
        %swap3A_692 = vector.shape_cast %shift_right_arithmetic3A_688 : vector<16xi32> to vector<16xi32>
        tpu.vector_store %arg11[%swap3A_689], %swap3A_692 {strides = array<i32>} : memref<80xi32, #tpu.memory_space<vmem>>, vector<16xi32>,
        %dma_start3A_693 = arith.constant 0 : i32
        %dma_start3A_694 = arith.constant 0 : i32
        %dma_start3A_695 = tpu.memref_slice %arg3[%dma_start3A_693, %dma_start3A_694] : memref<10000x144xf32, #tpu.memory_space<hbm>> -> memref<10000x144xf32, #tpu.memory_space<hbm>>
        tpu.enqueue_indirect_dma source(%dma_start3A_695 : memref<10000x144xf32, #tpu.memory_space<hbm>>) target(%arg14 : memref<80x144xf32, #tpu.memory_space<vmem>>) offsets(%arg8 : memref<80xi32, #tpu.memory_space<vmem>>) semaphore(%arg21 : memref<!tpu.dma_semaphore, #tpu.memory_space<semaphore_mem>>)
        %dma_start3A_696 = arith.constant 0 : i32
        %dma_start3A_697 = arith.constant 0 : i32
        %dma_start3A_698 = tpu.memref_slice %arg4[%dma_start3A_696, %dma_start3A_697] : memref<10000x16xf32, #tpu.memory_space<hbm>> -> memref<10000x16xf32, #tpu.memory_space<hbm>>
        tpu.enqueue_indirect_dma source(%dma_start3A_698 : memref<10000x16xf32, #tpu.memory_space<hbm>>) target(%arg17 : memref<80x16xf32, #tpu.memory_space<vmem>>) offsets(%arg11 : memref<80xi32, #tpu.memory_space<vmem>>) semaphore(%arg21 : memref<!tpu.dma_semaphore, #tpu.memory_space<semaphore_mem>>)
      } else {
      }
      %add3A_521 = arith.constant 1 : i32
      %add3A_522 = arith.addi %add3A_501, %add3A_521 : i32
      %dma_wait3A_523 = arith.constant 0 : i32
      %dma_wait3A_524 = arith.constant 0 : i32
      %dma_wait3A_525 = tpu.memref_slice %arg3[%dma_wait3A_523, %dma_wait3A_524] : memref<10000x144xf32, #tpu.memory_space<hbm>> -> memref<10000x144xf32, #tpu.memory_space<hbm>>
      tpu.wait_indirect_dma semaphore(%arg20 : memref<!tpu.dma_semaphore, #tpu.memory_space<semaphore_mem>>) src(%dma_wait3A_525 : memref<10000x144xf32, #tpu.memory_space<hbm>>) dst(%arg13 : memref<80x144xf32, #tpu.memory_space<vmem>>)
      %dma_wait3A_526 = arith.constant 0 : i32
      %dma_wait3A_527 = arith.constant 0 : i32
      %dma_wait3A_528 = tpu.memref_slice %arg4[%dma_wait3A_526, %dma_wait3A_527] : memref<10000x16xf32, #tpu.memory_space<hbm>> -> memref<10000x16xf32, #tpu.memory_space<hbm>>
      tpu.wait_indirect_dma semaphore(%arg20 : memref<!tpu.dma_semaphore, #tpu.memory_space<semaphore_mem>>) src(%dma_wait3A_528 : memref<10000x16xf32, #tpu.memory_space<hbm>>) dst(%arg16 : memref<80x16xf32, #tpu.memory_space<vmem>>)
      %parallel_loop3A_529 = arith.constant 0 : i32
      %parallel_loop3A_530 = arith.constant 80 : i32
      %parallel_loop3A_531 = arith.constant 1 : i32
      scf.for %parallel_loop3A_569 = %parallel_loop3A_529 to %parallel_loop3A_530 step %parallel_loop3A_531  : i32 {
        %parallel_loop3A_570 = arith.index_cast %parallel_loop3A_569 : i32 to index
        %parallel_loop3A_571 = arith.constant 128 : index
        %parallel_loop3A_572 = tpu.vector_load %arg13[%parallel_loop3A_570, %parallel_loop3A_571] {strides = array<i32>} : memref<80x144xf32, #tpu.memory_space<vmem>>, vector<1x16xf32>,
        %parallel_loop3A_573 = vector.shape_cast %parallel_loop3A_572 : vector<1x16xf32> to vector<16xf32>
        %parallel_loop3A_574 = arith.index_cast %parallel_loop3A_569 : i32 to index
        %parallel_loop3A_575 = arith.constant 0 : index
        %parallel_loop3A_576 = tpu.vector_load %arg16[%parallel_loop3A_574, %parallel_loop3A_575] {strides = array<i32>} : memref<80x16xf32, #tpu.memory_space<vmem>>, vector<1x16xf32>,
        %parallel_loop3A_577 = vector.shape_cast %parallel_loop3A_576 : vector<1x16xf32> to vector<16xf32>
        %parallel_loop3A_578 = arith.addf %parallel_loop3A_573, %parallel_loop3A_577 : vector<16xf32>
        %parallel_loop3A_579 = arith.constant 2.000000e-01 : f32
        %parallel_loop3A_580 = vector.broadcast %parallel_loop3A_579 : f32 to vector<16xf32>
        %parallel_loop3A_581 = arith.mulf %parallel_loop3A_580, %parallel_loop3A_578 : vector<16xf32>
        %parallel_loop3A_582 = arith.maximumf %parallel_loop3A_578, %parallel_loop3A_581 : vector<16xf32>
        %parallel_loop3A_583 = math.exp %parallel_loop3A_582 : vector<16xf32>
        %parallel_loop3A_584 = arith.index_cast %parallel_loop3A_569 : i32 to index
        %parallel_loop3A_585 = arith.constant 128 : index
        %parallel_loop3A_586 = tpu.vector_load %arg13[%parallel_loop3A_584, %parallel_loop3A_585] {strides = array<i32>} : memref<80x144xf32, #tpu.memory_space<vmem>>, vector<1x16xf32>,
        %parallel_loop3A_587 = vector.shape_cast %parallel_loop3A_586 : vector<1x16xf32> to vector<16xf32>
        %parallel_loop3A_588 = vector.shape_cast %parallel_loop3A_583 : vector<16xf32> to vector<1x16xf32>
        tpu.vector_store %arg13[%parallel_loop3A_584, %parallel_loop3A_585], %parallel_loop3A_588 {strides = array<i32>} : memref<80x144xf32, #tpu.memory_space<vmem>>, vector<1x16xf32>,
        %parallel_loop3A_589 = vector.extract_strided_slice %parallel_loop3A_583 {offsets = [0], sizes = [1], strides = [1]} : vector<16xf32> to vector<1xf32>
        %parallel_loop3A_590 = vector.extract %parallel_loop3A_589[0] : f32 from vector<1xf32>
        %parallel_loop3A_591 = vector.broadcast %parallel_loop3A_590 : f32 to vector<16xf32>
        %parallel_loop3A_592 = arith.index_cast %parallel_loop3A_569 : i32 to index
        %parallel_loop3A_593 = arith.constant 0 : index
        %parallel_loop3A_594 = tpu.vector_load %arg13[%parallel_loop3A_592, %parallel_loop3A_593] {strides = array<i32>} : memref<80x144xf32, #tpu.memory_space<vmem>>, vector<1x16xf32>,
        %parallel_loop3A_595 = vector.shape_cast %parallel_loop3A_594 : vector<1x16xf32> to vector<16xf32>
        %parallel_loop3A_596 = arith.mulf %parallel_loop3A_595, %parallel_loop3A_591 : vector<16xf32>
        %parallel_loop3A_597 = arith.index_cast %parallel_loop3A_569 : i32 to index
        %parallel_loop3A_598 = arith.constant 0 : index
        %parallel_loop3A_599 = tpu.vector_load %arg13[%parallel_loop3A_597, %parallel_loop3A_598] {strides = array<i32>} : memref<80x144xf32, #tpu.memory_space<vmem>>, vector<1x16xf32>,
        %parallel_loop3A_600 = vector.shape_cast %parallel_loop3A_599 : vector<1x16xf32> to vector<16xf32>
        %parallel_loop3A_601 = vector.shape_cast %parallel_loop3A_596 : vector<16xf32> to vector<1x16xf32>
        tpu.vector_store %arg13[%parallel_loop3A_597, %parallel_loop3A_598], %parallel_loop3A_601 {strides = array<i32>} : memref<80x144xf32, #tpu.memory_space<vmem>>, vector<1x16xf32>,
        %parallel_loop3A_602 = vector.extract_strided_slice %parallel_loop3A_583 {offsets = [1], sizes = [1], strides = [1]} : vector<16xf32> to vector<1xf32>
        %parallel_loop3A_603 = vector.extract %parallel_loop3A_602[0] : f32 from vector<1xf32>
        %parallel_loop3A_604 = vector.broadcast %parallel_loop3A_603 : f32 to vector<16xf32>
        %parallel_loop3A_605 = arith.index_cast %parallel_loop3A_569 : i32 to index
        %parallel_loop3A_606 = arith.constant 16 : index
        %parallel_loop3A_607 = tpu.vector_load %arg13[%parallel_loop3A_605, %parallel_loop3A_606] {strides = array<i32>} : memref<80x144xf32, #tpu.memory_space<vmem>>, vector<1x16xf32>,
        %parallel_loop3A_608 = vector.shape_cast %parallel_loop3A_607 : vector<1x16xf32> to vector<16xf32>
        %parallel_loop3A_609 = arith.mulf %parallel_loop3A_608, %parallel_loop3A_604 : vector<16xf32>
        %parallel_loop3A_610 = arith.index_cast %parallel_loop3A_569 : i32 to index
        %parallel_loop3A_611 = arith.constant 16 : index
        %parallel_loop3A_612 = tpu.vector_load %arg13[%parallel_loop3A_610, %parallel_loop3A_611] {strides = array<i32>} : memref<80x144xf32, #tpu.memory_space<vmem>>, vector<1x16xf32>,
        %parallel_loop3A_613 = vector.shape_cast %parallel_loop3A_612 : vector<1x16xf32> to vector<16xf32>
        %parallel_loop3A_614 = vector.shape_cast %parallel_loop3A_609 : vector<16xf32> to vector<1x16xf32>
        tpu.vector_store %arg13[%parallel_loop3A_610, %parallel_loop3A_611], %parallel_loop3A_614 {strides = array<i32>} : memref<80x144xf32, #tpu.memory_space<vmem>>, vector<1x16xf32>,
        %parallel_loop3A_615 = vector.extract_strided_slice %parallel_loop3A_583 {offsets = [2], sizes = [1], strides = [1]} : vector<16xf32> to vector<1xf32>
        %parallel_loop3A_616 = vector.extract %parallel_loop3A_615[0] : f32 from vector<1xf32>
        %parallel_loop3A_617 = vector.broadcast %parallel_loop3A_616 : f32 to vector<16xf32>
        %parallel_loop3A_618 = arith.index_cast %parallel_loop3A_569 : i32 to index
        %parallel_loop3A_619 = arith.constant 32 : index
        %parallel_loop3A_620 = tpu.vector_load %arg13[%parallel_loop3A_618, %parallel_loop3A_619] {strides = array<i32>} : memref<80x144xf32, #tpu.memory_space<vmem>>, vector<1x16xf32>,
        %parallel_loop3A_621 = vector.shape_cast %parallel_loop3A_620 : vector<1x16xf32> to vector<16xf32>
        %parallel_loop3A_622 = arith.mulf %parallel_loop3A_621, %parallel_loop3A_617 : vector<16xf32>
        %parallel_loop3A_623 = arith.index_cast %parallel_loop3A_569 : i32 to index
        %parallel_loop3A_624 = arith.constant 32 : index
        %parallel_loop3A_625 = tpu.vector_load %arg13[%parallel_loop3A_623, %parallel_loop3A_624] {strides = array<i32>} : memref<80x144xf32, #tpu.memory_space<vmem>>, vector<1x16xf32>,
        %parallel_loop3A_626 = vector.shape_cast %parallel_loop3A_625 : vector<1x16xf32> to vector<16xf32>
        %parallel_loop3A_627 = vector.shape_cast %parallel_loop3A_622 : vector<16xf32> to vector<1x16xf32>
        tpu.vector_store %arg13[%parallel_loop3A_623, %parallel_loop3A_624], %parallel_loop3A_627 {strides = array<i32>} : memref<80x144xf32, #tpu.memory_space<vmem>>, vector<1x16xf32>,
        %parallel_loop3A_628 = vector.extract_strided_slice %parallel_loop3A_583 {offsets = [3], sizes = [1], strides = [1]} : vector<16xf32> to vector<1xf32>
        %parallel_loop3A_629 = vector.extract %parallel_loop3A_628[0] : f32 from vector<1xf32>
        %parallel_loop3A_630 = vector.broadcast %parallel_loop3A_629 : f32 to vector<16xf32>
        %parallel_loop3A_631 = arith.index_cast %parallel_loop3A_569 : i32 to index
        %parallel_loop3A_632 = arith.constant 48 : index
        %parallel_loop3A_633 = tpu.vector_load %arg13[%parallel_loop3A_631, %parallel_loop3A_632] {strides = array<i32>} : memref<80x144xf32, #tpu.memory_space<vmem>>, vector<1x16xf32>,
        %parallel_loop3A_634 = vector.shape_cast %parallel_loop3A_633 : vector<1x16xf32> to vector<16xf32>
        %parallel_loop3A_635 = arith.mulf %parallel_loop3A_634, %parallel_loop3A_630 : vector<16xf32>
        %parallel_loop3A_636 = arith.index_cast %parallel_loop3A_569 : i32 to index
        %parallel_loop3A_637 = arith.constant 48 : index
        %parallel_loop3A_638 = tpu.vector_load %arg13[%parallel_loop3A_636, %parallel_loop3A_637] {strides = array<i32>} : memref<80x144xf32, #tpu.memory_space<vmem>>, vector<1x16xf32>,
        %parallel_loop3A_639 = vector.shape_cast %parallel_loop3A_638 : vector<1x16xf32> to vector<16xf32>
        %parallel_loop3A_640 = vector.shape_cast %parallel_loop3A_635 : vector<16xf32> to vector<1x16xf32>
        tpu.vector_store %arg13[%parallel_loop3A_636, %parallel_loop3A_637], %parallel_loop3A_640 {strides = array<i32>} : memref<80x144xf32, #tpu.memory_space<vmem>>, vector<1x16xf32>,
        %parallel_loop3A_641 = vector.extract_strided_slice %parallel_loop3A_583 {offsets = [4], sizes = [1], strides = [1]} : vector<16xf32> to vector<1xf32>
        %parallel_loop3A_642 = vector.extract %parallel_loop3A_641[0] : f32 from vector<1xf32>
        %parallel_loop3A_643 = vector.broadcast %parallel_loop3A_642 : f32 to vector<16xf32>
        %parallel_loop3A_644 = arith.index_cast %parallel_loop3A_569 : i32 to index
        %parallel_loop3A_645 = arith.constant 64 : index
        %parallel_loop3A_646 = tpu.vector_load %arg13[%parallel_loop3A_644, %parallel_loop3A_645] {strides = array<i32>} : memref<80x144xf32, #tpu.memory_space<vmem>>, vector<1x16xf32>,
        %parallel_loop3A_647 = vector.shape_cast %parallel_loop3A_646 : vector<1x16xf32> to vector<16xf32>
        %parallel_loop3A_648 = arith.mulf %parallel_loop3A_647, %parallel_loop3A_643 : vector<16xf32>
        %parallel_loop3A_649 = arith.index_cast %parallel_loop3A_569 : i32 to index
        %parallel_loop3A_650 = arith.constant 64 : index
        %parallel_loop3A_651 = tpu.vector_load %arg13[%parallel_loop3A_649, %parallel_loop3A_650] {strides = array<i32>} : memref<80x144xf32, #tpu.memory_space<vmem>>, vector<1x16xf32>,
        %parallel_loop3A_652 = vector.shape_cast %parallel_loop3A_651 : vector<1x16xf32> to vector<16xf32>
        %parallel_loop3A_653 = vector.shape_cast %parallel_loop3A_648 : vector<16xf32> to vector<1x16xf32>
        tpu.vector_store %arg13[%parallel_loop3A_649, %parallel_loop3A_650], %parallel_loop3A_653 {strides = array<i32>} : memref<80x144xf32, #tpu.memory_space<vmem>>, vector<1x16xf32>,
        %parallel_loop3A_654 = vector.extract_strided_slice %parallel_loop3A_583 {offsets = [5], sizes = [1], strides = [1]} : vector<16xf32> to vector<1xf32>
        %parallel_loop3A_655 = vector.extract %parallel_loop3A_654[0] : f32 from vector<1xf32>
        %parallel_loop3A_656 = vector.broadcast %parallel_loop3A_655 : f32 to vector<16xf32>
        %parallel_loop3A_657 = arith.index_cast %parallel_loop3A_569 : i32 to index
        %parallel_loop3A_658 = arith.constant 80 : index
        %parallel_loop3A_659 = tpu.vector_load %arg13[%parallel_loop3A_657, %parallel_loop3A_658] {strides = array<i32>} : memref<80x144xf32, #tpu.memory_space<vmem>>, vector<1x16xf32>,
        %parallel_loop3A_660 = vector.shape_cast %parallel_loop3A_659 : vector<1x16xf32> to vector<16xf32>
        %parallel_loop3A_661 = arith.mulf %parallel_loop3A_660, %parallel_loop3A_656 : vector<16xf32>
        %parallel_loop3A_662 = arith.index_cast %parallel_loop3A_569 : i32 to index
        %parallel_loop3A_663 = arith.constant 80 : index
        %parallel_loop3A_664 = tpu.vector_load %arg13[%parallel_loop3A_662, %parallel_loop3A_663] {strides = array<i32>} : memref<80x144xf32, #tpu.memory_space<vmem>>, vector<1x16xf32>,
        %parallel_loop3A_665 = vector.shape_cast %parallel_loop3A_664 : vector<1x16xf32> to vector<16xf32>
        %parallel_loop3A_666 = vector.shape_cast %parallel_loop3A_661 : vector<16xf32> to vector<1x16xf32>
        tpu.vector_store %arg13[%parallel_loop3A_662, %parallel_loop3A_663], %parallel_loop3A_666 {strides = array<i32>} : memref<80x144xf32, #tpu.memory_space<vmem>>, vector<1x16xf32>,
        %parallel_loop3A_667 = vector.extract_strided_slice %parallel_loop3A_583 {offsets = [6], sizes = [1], strides = [1]} : vector<16xf32> to vector<1xf32>
        %parallel_loop3A_668 = vector.extract %parallel_loop3A_667[0] : f32 from vector<1xf32>
        %parallel_loop3A_669 = vector.broadcast %parallel_loop3A_668 : f32 to vector<16xf32>
        %parallel_loop3A_670 = arith.index_cast %parallel_loop3A_569 : i32 to index
        %parallel_loop3A_671 = arith.constant 96 : index
        %parallel_loop3A_672 = tpu.vector_load %arg13[%parallel_loop3A_670, %parallel_loop3A_671] {strides = array<i32>} : memref<80x144xf32, #tpu.memory_space<vmem>>, vector<1x16xf32>,
        %parallel_loop3A_673 = vector.shape_cast %parallel_loop3A_672 : vector<1x16xf32> to vector<16xf32>
        %parallel_loop3A_674 = arith.mulf %parallel_loop3A_673, %parallel_loop3A_669 : vector<16xf32>
        %parallel_loop3A_675 = arith.index_cast %parallel_loop3A_569 : i32 to index
        %parallel_loop3A_676 = arith.constant 96 : index
        %parallel_loop3A_677 = tpu.vector_load %arg13[%parallel_loop3A_675, %parallel_loop3A_676] {strides = array<i32>} : memref<80x144xf32, #tpu.memory_space<vmem>>, vector<1x16xf32>,
        %parallel_loop3A_678 = vector.shape_cast %parallel_loop3A_677 : vector<1x16xf32> to vector<16xf32>
        %parallel_loop3A_679 = vector.shape_cast %parallel_loop3A_674 : vector<16xf32> to vector<1x16xf32>
        tpu.vector_store %arg13[%parallel_loop3A_675, %parallel_loop3A_676], %parallel_loop3A_679 {strides = array<i32>} : memref<80x144xf32, #tpu.memory_space<vmem>>, vector<1x16xf32>,
        %parallel_loop3A_680 = vector.extract_strided_slice %parallel_loop3A_583 {offsets = [7], sizes = [1], strides = [1]} : vector<16xf32> to vector<1xf32>
        %parallel_loop3A_681 = vector.extract %parallel_loop3A_680[0] : f32 from vector<1xf32>
        %parallel_loop3A_682 = vector.broadcast %parallel_loop3A_681 : f32 to vector<16xf32>
        %parallel_loop3A_683 = arith.index_cast %parallel_loop3A_569 : i32 to index
        %parallel_loop3A_684 = arith.constant 112 : index
        %parallel_loop3A_685 = tpu.vector_load %arg13[%parallel_loop3A_683, %parallel_loop3A_684] {strides = array<i32>} : memref<80x144xf32, #tpu.memory_space<vmem>>, vector<1x16xf32>,
        %parallel_loop3A_686 = vector.shape_cast %parallel_loop3A_685 : vector<1x16xf32> to vector<16xf32>
        %parallel_loop3A_687 = arith.mulf %parallel_loop3A_686, %parallel_loop3A_682 : vector<16xf32>
        %parallel_loop3A_688 = arith.index_cast %parallel_loop3A_569 : i32 to index
        %parallel_loop3A_689 = arith.constant 112 : index
        %parallel_loop3A_690 = tpu.vector_load %arg13[%parallel_loop3A_688, %parallel_loop3A_689] {strides = array<i32>} : memref<80x144xf32, #tpu.memory_space<vmem>>, vector<1x16xf32>,
        %parallel_loop3A_691 = vector.shape_cast %parallel_loop3A_690 : vector<1x16xf32> to vector<16xf32>
        %parallel_loop3A_692 = vector.shape_cast %parallel_loop3A_687 : vector<16xf32> to vector<1x16xf32>
        tpu.vector_store %arg13[%parallel_loop3A_688, %parallel_loop3A_689], %parallel_loop3A_692 {strides = array<i32>} : memref<80x144xf32, #tpu.memory_space<vmem>>, vector<1x16xf32>,
      } {sc.loop_unroll_factor = 4 : i64, sc.parallel_access}
      %dma_wait3A_532 = arith.constant 0 : i32
      %dma_wait3A_533 = arith.constant 0 : i32
      %dma_wait3A_534 = tpu.memref_slice %arg19[%dma_wait3A_532, %dma_wait3A_533] : memref<10112x144xf32, #tpu.memory_space<vmem_shared>> -> memref<10112x144xf32, #tpu.memory_space<vmem_shared>>
      tpu.wait_indirect_dma semaphore(%arg25 : memref<!tpu.dma_semaphore, #tpu.memory_space<semaphore_mem>>) src(%arg15 : memref<80x144xf32, #tpu.memory_space<vmem>>) dst(%dma_wait3A_534 : memref<10112x144xf32, #tpu.memory_space<vmem_shared>>)
      %dma_start3A_535 = arith.constant 0 : i32
      %dma_start3A_536 = arith.constant 0 : i32
      %dma_start3A_537 = tpu.memref_slice %arg19[%dma_start3A_535, %dma_start3A_536] : memref<10112x144xf32, #tpu.memory_space<vmem_shared>> -> memref<10112x144xf32, #tpu.memory_space<vmem_shared>>
      tpu.enqueue_indirect_dma source(%arg13 : memref<80x144xf32, #tpu.memory_space<vmem>>) target(%dma_start3A_537 : memref<10112x144xf32, #tpu.memory_space<vmem_shared>>) offsets(%arg10 : memref<80xi32, #tpu.memory_space<vmem>>) semaphore(%arg23 : memref<!tpu.dma_semaphore, #tpu.memory_space<semaphore_mem>>) {add = true}
      %add3A_538 = arith.constant 2 : i32
      %add3A_539 = arith.addi %add3A_522, %add3A_538 : i32
      %lt3A_540 = arith.constant 125 : i32
      %lt3A_541 = arith.cmpi slt, %add3A_539, %lt3A_540 : i32
      %convert_element_type3A_542 = arith.extui %lt3A_541 : i1 to i32
      %cond3A_543 = arith.constant 0 : i32
      %cond3A_544 = arith.cmpi ne, %convert_element_type3A_542, %cond3A_543 : i32
      scf.if %cond3A_544 {
        %add3A_569 = arith.constant 2 : i32
        %add3A_570 = arith.addi %add3A_522, %add3A_569 : i32
        %jit3A = arith.constant 5 : i32
        %eq3A = arith.constant 0 : i32
        %eq3A_571 = arith.cmpi eq, %jit3A, %eq3A : i32
        %jit3A_572 = arith.constant 1 : i32
        %select_n3A = arith.select %eq3A_571, %jit3A_572, %jit3A : i32
        %rem3A = arith.remsi %add3A_570, %select_n3A : i32
        %ne3A = arith.constant 0 : i32
        %ne3A_573 = arith.cmpi ne, %rem3A, %ne3A : i32
        %lt3A_574 = arith.constant 0 : i32
        %lt3A_575 = arith.cmpi slt, %rem3A, %lt3A_574 : i32
        %lt3A_576 = arith.constant 0 : i32
        %lt3A_577 = arith.cmpi slt, %select_n3A, %lt3A_576 : i32
        %ne3A_578 = arith.xori %lt3A_575, %lt3A_577 : i1
        %and3A_579 = arith.andi %ne3A_578, %ne3A_573 : i1
        %add3A_580 = arith.addi %rem3A, %select_n3A : i32
        %select_n3A_581 = arith.select %and3A_579, %add3A_580, %rem3A : i32
        %eq3A_582 = arith.constant 0 : i32
        %eq3A_583 = arith.cmpi eq, %select_n3A_581, %eq3A_582 : i32
        %convert_element_type3A_584 = arith.extui %eq3A_583 : i1 to i32
        %cond3A_585 = arith.constant 0 : i32
        %cond3A_586 = arith.cmpi ne, %convert_element_type3A_584, %cond3A_585 : i32
        scf.if %cond3A_586 {
          %jit3A_699 = arith.constant 10 : i32
          %eq3A_700 = arith.constant 0 : i32
          %eq3A_701 = arith.cmpi eq, %jit3A_699, %eq3A_700 : i32
          %jit3A_702 = arith.constant 1 : i32
          %select_n3A_703 = arith.select %eq3A_701, %jit3A_702, %jit3A_699 : i32
          %rem3A_704 = arith.remsi %add3A_570, %select_n3A_703 : i32
          %ne3A_705 = arith.constant 0 : i32
          %ne3A_706 = arith.cmpi ne, %rem3A_704, %ne3A_705 : i32
          %lt3A_707 = arith.constant 0 : i32
          %lt3A_708 = arith.cmpi slt, %rem3A_704, %lt3A_707 : i32
          %lt3A_709 = arith.constant 0 : i32
          %lt3A_710 = arith.cmpi slt, %select_n3A_703, %lt3A_709 : i32
          %ne3A_711 = arith.xori %lt3A_708, %lt3A_710 : i1
          %and3A_712 = arith.andi %ne3A_711, %ne3A_706 : i1
          %add3A_713 = arith.addi %rem3A_704, %select_n3A_703 : i32
          %select_n3A_714 = arith.select %and3A_712, %add3A_713, %rem3A_704 : i32
          %dma_wait3A_715 = arith.constant 0 : i32
          %dma_wait3A_716 = tpu.memref_slice %arg6[%select_n3A_714, %dma_wait3A_715] : memref<10x80xi32, #tpu.memory_space<vmem>> -> memref<5x80xi32, #tpu.memory_space<vmem>>
          %dma_wait3A_717 = arith.constant 0 : i32
          %dma_wait3A_718 = tpu.memref_slice %arg2[%add3A, %add3A_570, %dma_wait3A_717] : memref<32x125x80xi32, #tpu.memory_space<hbm>> -> memref<1x5x80xi32, #tpu.memory_space<hbm>>
          %dma_wait3A_719 = tpu.memref_squeeze %dma_wait3A_718 : memref<1x5x80xi32, #tpu.memory_space<hbm>> -> memref<5x80xi32, #tpu.memory_space<hbm>>
          %dma_wait3A_720 = arith.constant 0 : i32
          %dma_wait3A_721 = tpu.memref_slice %arg6[%select_n3A_714, %dma_wait3A_720] : memref<10x80xi32, #tpu.memory_space<vmem>> -> memref<5x80xi32, #tpu.memory_space<vmem>>
          %dma_wait3A_722 = arith.constant 0 : i32
          %dma_wait3A_723 = tpu.memref_slice %arg2[%add3A, %add3A_570, %dma_wait3A_722] : memref<32x125x80xi32, #tpu.memory_space<hbm>> -> memref<1x5x80xi32, #tpu.memory_space<hbm>>
          %dma_wait3A_724 = tpu.memref_squeeze %dma_wait3A_723 : memref<1x5x80xi32, #tpu.memory_space<hbm>> -> memref<5x80xi32, #tpu.memory_space<hbm>>
          tpu.wait_dma2 semaphore(%arg26 : memref<!tpu.dma_semaphore, #tpu.memory_space<semaphore_mem>>) src(%dma_wait3A_724 : memref<5x80xi32, #tpu.memory_space<hbm>>) dst(%dma_wait3A_721 : memref<5x80xi32, #tpu.memory_space<vmem>>)
          %add3A_725 = arith.constant 5 : i32
          %add3A_726 = arith.addi %add3A_570, %add3A_725 : i32
          %lt3A_727 = arith.constant 125 : i32
          %lt3A_728 = arith.cmpi slt, %add3A_726, %lt3A_727 : i32
          %convert_element_type3A_729 = arith.extui %lt3A_728 : i1 to i32
          %cond3A_730 = arith.constant 0 : i32
          %cond3A_731 = arith.cmpi ne, %convert_element_type3A_729, %cond3A_730 : i32
          scf.if %cond3A_731 {
            %add3A_732 = arith.constant 5 : i32
            %add3A_733 = arith.addi %add3A_570, %add3A_732 : i32
            %jit3A_734 = arith.constant 10 : i32
            %eq3A_735 = arith.constant 0 : i32
            %eq3A_736 = arith.cmpi eq, %jit3A_734, %eq3A_735 : i32
            %jit3A_737 = arith.constant 1 : i32
            %select_n3A_738 = arith.select %eq3A_736, %jit3A_737, %jit3A_734 : i32
            %rem3A_739 = arith.remsi %add3A_733, %select_n3A_738 : i32
            %ne3A_740 = arith.constant 0 : i32
            %ne3A_741 = arith.cmpi ne, %rem3A_739, %ne3A_740 : i32
            %lt3A_742 = arith.constant 0 : i32
            %lt3A_743 = arith.cmpi slt, %rem3A_739, %lt3A_742 : i32
            %lt3A_744 = arith.constant 0 : i32
            %lt3A_745 = arith.cmpi slt, %select_n3A_738, %lt3A_744 : i32
            %ne3A_746 = arith.xori %lt3A_743, %lt3A_745 : i1
            %and3A_747 = arith.andi %ne3A_746, %ne3A_741 : i1
            %add3A_748 = arith.addi %rem3A_739, %select_n3A_738 : i32
            %select_n3A_749 = arith.select %and3A_747, %add3A_748, %rem3A_739 : i32
            %dma_start3A_750 = arith.constant 0 : i32
            %dma_start3A_751 = tpu.memref_slice %arg6[%select_n3A_749, %dma_start3A_750] : memref<10x80xi32, #tpu.memory_space<vmem>> -> memref<5x80xi32, #tpu.memory_space<vmem>>
            %dma_start3A_752 = arith.constant 0 : i32
            %dma_start3A_753 = tpu.memref_slice %arg2[%add3A, %add3A_733, %dma_start3A_752] : memref<32x125x80xi32, #tpu.memory_space<hbm>> -> memref<1x5x80xi32, #tpu.memory_space<hbm>>
            %dma_start3A_754 = tpu.memref_squeeze %dma_start3A_753 : memref<1x5x80xi32, #tpu.memory_space<hbm>> -> memref<5x80xi32, #tpu.memory_space<hbm>>
            %dma_start3A_755 = arith.constant 0 : i32
            %dma_start3A_756 = tpu.memref_slice %arg6[%select_n3A_749, %dma_start3A_755] : memref<10x80xi32, #tpu.memory_space<vmem>> -> memref<5x80xi32, #tpu.memory_space<vmem>>
            %dma_start3A_757 = arith.constant 0 : i32
            %dma_start3A_758 = tpu.memref_slice %arg2[%add3A, %add3A_733, %dma_start3A_757] : memref<32x125x80xi32, #tpu.memory_space<hbm>> -> memref<1x5x80xi32, #tpu.memory_space<hbm>>
            %dma_start3A_759 = tpu.memref_squeeze %dma_start3A_758 : memref<1x5x80xi32, #tpu.memory_space<hbm>> -> memref<5x80xi32, #tpu.memory_space<hbm>>
            tpu.enqueue_dma source(%dma_start3A_759 : memref<5x80xi32, #tpu.memory_space<hbm>>) target(%dma_start3A_756 : memref<5x80xi32, #tpu.memory_space<vmem>>) target_semaphore(%arg26 : memref<!tpu.dma_semaphore, #tpu.memory_space<semaphore_mem>>)
          } else {
          }
        } else {
        }
        %jit3A_587 = arith.constant 10 : i32
        %eq3A_588 = arith.constant 0 : i32
        %eq3A_589 = arith.cmpi eq, %jit3A_587, %eq3A_588 : i32
        %jit3A_590 = arith.constant 1 : i32
        %select_n3A_591 = arith.select %eq3A_589, %jit3A_590, %jit3A_587 : i32
        %rem3A_592 = arith.remsi %add3A_570, %select_n3A_591 : i32
        %ne3A_593 = arith.constant 0 : i32
        %ne3A_594 = arith.cmpi ne, %rem3A_592, %ne3A_593 : i32
        %lt3A_595 = arith.constant 0 : i32
        %lt3A_596 = arith.cmpi slt, %rem3A_592, %lt3A_595 : i32
        %lt3A_597 = arith.constant 0 : i32
        %lt3A_598 = arith.cmpi slt, %select_n3A_591, %lt3A_597 : i32
        %ne3A_599 = arith.xori %lt3A_596, %lt3A_598 : i1
        %and3A_600 = arith.andi %ne3A_599, %ne3A_594 : i1
        %add3A_601 = arith.addi %rem3A_592, %select_n3A_591 : i32
        %select_n3A_602 = arith.select %and3A_600, %add3A_601, %rem3A_592 : i32
        %get3A_603 = arith.index_cast %select_n3A_602 : i32 to index
        %get3A_604 = arith.constant 0 : index
        %get3A_605 = tpu.vector_load %arg6[%get3A_603, %get3A_604] {strides = array<i32>} : memref<10x80xi32, #tpu.memory_space<vmem>>, vector<1x16xi32>,
        %get3A_606 = vector.shape_cast %get3A_605 : vector<1x16xi32> to vector<16xi32>
        %and3A_607 = arith.constant 65535 : i32
        %and3A_608 = vector.broadcast %and3A_607 : i32 to vector<16xi32>
        %and3A_609 = arith.andi %get3A_606, %and3A_608 : vector<16xi32>
        %swap3A_610 = arith.constant 0 : index
        %swap3A_611 = tpu.vector_load %arg9[%swap3A_610] {strides = array<i32>} : memref<80xi32, #tpu.memory_space<vmem>>, vector<16xi32>,
        %swap3A_612 = vector.shape_cast %swap3A_611 : vector<16xi32> to vector<16xi32>
        %swap3A_613 = vector.shape_cast %and3A_609 : vector<16xi32> to vector<16xi32>
        tpu.vector_store %arg9[%swap3A_610], %swap3A_613 {strides = array<i32>} : memref<80xi32, #tpu.memory_space<vmem>>, vector<16xi32>,
        %shift_right_arithmetic3A_614 = arith.constant 16 : i32
        %shift_right_arithmetic3A_615 = vector.broadcast %shift_right_arithmetic3A_614 : i32 to vector<16xi32>
        %shift_right_arithmetic3A_616 = arith.shrsi %get3A_606, %shift_right_arithmetic3A_615 : vector<16xi32>
        %swap3A_617 = arith.constant 0 : index
        %swap3A_618 = tpu.vector_load %arg12[%swap3A_617] {strides = array<i32>} : memref<80xi32, #tpu.memory_space<vmem>>, vector<16xi32>,
        %swap3A_619 = vector.shape_cast %swap3A_618 : vector<16xi32> to vector<16xi32>
        %swap3A_620 = vector.shape_cast %shift_right_arithmetic3A_616 : vector<16xi32> to vector<16xi32>
        tpu.vector_store %arg12[%swap3A_617], %swap3A_620 {strides = array<i32>} : memref<80xi32, #tpu.memory_space<vmem>>, vector<16xi32>,
        %get3A_621 = arith.index_cast %select_n3A_602 : i32 to index
        %get3A_622 = arith.constant 16 : index
        %get3A_623 = tpu.vector_load %arg6[%get3A_621, %get3A_622] {strides = array<i32>} : memref<10x80xi32, #tpu.memory_space<vmem>>, vector<1x16xi32>,
        %get3A_624 = vector.shape_cast %get3A_623 : vector<1x16xi32> to vector<16xi32>
        %and3A_625 = arith.constant 65535 : i32
        %and3A_626 = vector.broadcast %and3A_625 : i32 to vector<16xi32>
        %and3A_627 = arith.andi %get3A_624, %and3A_626 : vector<16xi32>
        %swap3A_628 = arith.constant 16 : index
        %swap3A_629 = tpu.vector_load %arg9[%swap3A_628] {strides = array<i32>} : memref<80xi32, #tpu.memory_space<vmem>>, vector<16xi32>,
        %swap3A_630 = vector.shape_cast %swap3A_629 : vector<16xi32> to vector<16xi32>
        %swap3A_631 = vector.shape_cast %and3A_627 : vector<16xi32> to vector<16xi32>
        tpu.vector_store %arg9[%swap3A_628], %swap3A_631 {strides = array<i32>} : memref<80xi32, #tpu.memory_space<vmem>>, vector<16xi32>,
        %shift_right_arithmetic3A_632 = arith.constant 16 : i32
        %shift_right_arithmetic3A_633 = vector.broadcast %shift_right_arithmetic3A_632 : i32 to vector<16xi32>
        %shift_right_arithmetic3A_634 = arith.shrsi %get3A_624, %shift_right_arithmetic3A_633 : vector<16xi32>
        %swap3A_635 = arith.constant 16 : index
        %swap3A_636 = tpu.vector_load %arg12[%swap3A_635] {strides = array<i32>} : memref<80xi32, #tpu.memory_space<vmem>>, vector<16xi32>,
        %swap3A_637 = vector.shape_cast %swap3A_636 : vector<16xi32> to vector<16xi32>
        %swap3A_638 = vector.shape_cast %shift_right_arithmetic3A_634 : vector<16xi32> to vector<16xi32>
        tpu.vector_store %arg12[%swap3A_635], %swap3A_638 {strides = array<i32>} : memref<80xi32, #tpu.memory_space<vmem>>, vector<16xi32>,
        %get3A_639 = arith.index_cast %select_n3A_602 : i32 to index
        %get3A_640 = arith.constant 32 : index
        %get3A_641 = tpu.vector_load %arg6[%get3A_639, %get3A_640] {strides = array<i32>} : memref<10x80xi32, #tpu.memory_space<vmem>>, vector<1x16xi32>,
        %get3A_642 = vector.shape_cast %get3A_641 : vector<1x16xi32> to vector<16xi32>
        %and3A_643 = arith.constant 65535 : i32
        %and3A_644 = vector.broadcast %and3A_643 : i32 to vector<16xi32>
        %and3A_645 = arith.andi %get3A_642, %and3A_644 : vector<16xi32>
        %swap3A_646 = arith.constant 32 : index
        %swap3A_647 = tpu.vector_load %arg9[%swap3A_646] {strides = array<i32>} : memref<80xi32, #tpu.memory_space<vmem>>, vector<16xi32>,
        %swap3A_648 = vector.shape_cast %swap3A_647 : vector<16xi32> to vector<16xi32>
        %swap3A_649 = vector.shape_cast %and3A_645 : vector<16xi32> to vector<16xi32>
        tpu.vector_store %arg9[%swap3A_646], %swap3A_649 {strides = array<i32>} : memref<80xi32, #tpu.memory_space<vmem>>, vector<16xi32>,
        %shift_right_arithmetic3A_650 = arith.constant 16 : i32
        %shift_right_arithmetic3A_651 = vector.broadcast %shift_right_arithmetic3A_650 : i32 to vector<16xi32>
        %shift_right_arithmetic3A_652 = arith.shrsi %get3A_642, %shift_right_arithmetic3A_651 : vector<16xi32>
        %swap3A_653 = arith.constant 32 : index
        %swap3A_654 = tpu.vector_load %arg12[%swap3A_653] {strides = array<i32>} : memref<80xi32, #tpu.memory_space<vmem>>, vector<16xi32>,
        %swap3A_655 = vector.shape_cast %swap3A_654 : vector<16xi32> to vector<16xi32>
        %swap3A_656 = vector.shape_cast %shift_right_arithmetic3A_652 : vector<16xi32> to vector<16xi32>
        tpu.vector_store %arg12[%swap3A_653], %swap3A_656 {strides = array<i32>} : memref<80xi32, #tpu.memory_space<vmem>>, vector<16xi32>,
        %get3A_657 = arith.index_cast %select_n3A_602 : i32 to index
        %get3A_658 = arith.constant 48 : index
        %get3A_659 = tpu.vector_load %arg6[%get3A_657, %get3A_658] {strides = array<i32>} : memref<10x80xi32, #tpu.memory_space<vmem>>, vector<1x16xi32>,
        %get3A_660 = vector.shape_cast %get3A_659 : vector<1x16xi32> to vector<16xi32>
        %and3A_661 = arith.constant 65535 : i32
        %and3A_662 = vector.broadcast %and3A_661 : i32 to vector<16xi32>
        %and3A_663 = arith.andi %get3A_660, %and3A_662 : vector<16xi32>
        %swap3A_664 = arith.constant 48 : index
        %swap3A_665 = tpu.vector_load %arg9[%swap3A_664] {strides = array<i32>} : memref<80xi32, #tpu.memory_space<vmem>>, vector<16xi32>,
        %swap3A_666 = vector.shape_cast %swap3A_665 : vector<16xi32> to vector<16xi32>
        %swap3A_667 = vector.shape_cast %and3A_663 : vector<16xi32> to vector<16xi32>
        tpu.vector_store %arg9[%swap3A_664], %swap3A_667 {strides = array<i32>} : memref<80xi32, #tpu.memory_space<vmem>>, vector<16xi32>,
        %shift_right_arithmetic3A_668 = arith.constant 16 : i32
        %shift_right_arithmetic3A_669 = vector.broadcast %shift_right_arithmetic3A_668 : i32 to vector<16xi32>
        %shift_right_arithmetic3A_670 = arith.shrsi %get3A_660, %shift_right_arithmetic3A_669 : vector<16xi32>
        %swap3A_671 = arith.constant 48 : index
        %swap3A_672 = tpu.vector_load %arg12[%swap3A_671] {strides = array<i32>} : memref<80xi32, #tpu.memory_space<vmem>>, vector<16xi32>,
        %swap3A_673 = vector.shape_cast %swap3A_672 : vector<16xi32> to vector<16xi32>
        %swap3A_674 = vector.shape_cast %shift_right_arithmetic3A_670 : vector<16xi32> to vector<16xi32>
        tpu.vector_store %arg12[%swap3A_671], %swap3A_674 {strides = array<i32>} : memref<80xi32, #tpu.memory_space<vmem>>, vector<16xi32>,
        %get3A_675 = arith.index_cast %select_n3A_602 : i32 to index
        %get3A_676 = arith.constant 64 : index
        %get3A_677 = tpu.vector_load %arg6[%get3A_675, %get3A_676] {strides = array<i32>} : memref<10x80xi32, #tpu.memory_space<vmem>>, vector<1x16xi32>,
        %get3A_678 = vector.shape_cast %get3A_677 : vector<1x16xi32> to vector<16xi32>
        %and3A_679 = arith.constant 65535 : i32
        %and3A_680 = vector.broadcast %and3A_679 : i32 to vector<16xi32>
        %and3A_681 = arith.andi %get3A_678, %and3A_680 : vector<16xi32>
        %swap3A_682 = arith.constant 64 : index
        %swap3A_683 = tpu.vector_load %arg9[%swap3A_682] {strides = array<i32>} : memref<80xi32, #tpu.memory_space<vmem>>, vector<16xi32>,
        %swap3A_684 = vector.shape_cast %swap3A_683 : vector<16xi32> to vector<16xi32>
        %swap3A_685 = vector.shape_cast %and3A_681 : vector<16xi32> to vector<16xi32>
        tpu.vector_store %arg9[%swap3A_682], %swap3A_685 {strides = array<i32>} : memref<80xi32, #tpu.memory_space<vmem>>, vector<16xi32>,
        %shift_right_arithmetic3A_686 = arith.constant 16 : i32
        %shift_right_arithmetic3A_687 = vector.broadcast %shift_right_arithmetic3A_686 : i32 to vector<16xi32>
        %shift_right_arithmetic3A_688 = arith.shrsi %get3A_678, %shift_right_arithmetic3A_687 : vector<16xi32>
        %swap3A_689 = arith.constant 64 : index
        %swap3A_690 = tpu.vector_load %arg12[%swap3A_689] {strides = array<i32>} : memref<80xi32, #tpu.memory_space<vmem>>, vector<16xi32>,
        %swap3A_691 = vector.shape_cast %swap3A_690 : vector<16xi32> to vector<16xi32>
        %swap3A_692 = vector.shape_cast %shift_right_arithmetic3A_688 : vector<16xi32> to vector<16xi32>
        tpu.vector_store %arg12[%swap3A_689], %swap3A_692 {strides = array<i32>} : memref<80xi32, #tpu.memory_space<vmem>>, vector<16xi32>,
        %dma_start3A_693 = arith.constant 0 : i32
        %dma_start3A_694 = arith.constant 0 : i32
        %dma_start3A_695 = tpu.memref_slice %arg3[%dma_start3A_693, %dma_start3A_694] : memref<10000x144xf32, #tpu.memory_space<hbm>> -> memref<10000x144xf32, #tpu.memory_space<hbm>>
        tpu.enqueue_indirect_dma source(%dma_start3A_695 : memref<10000x144xf32, #tpu.memory_space<hbm>>) target(%arg15 : memref<80x144xf32, #tpu.memory_space<vmem>>) offsets(%arg9 : memref<80xi32, #tpu.memory_space<vmem>>) semaphore(%arg22 : memref<!tpu.dma_semaphore, #tpu.memory_space<semaphore_mem>>)
        %dma_start3A_696 = arith.constant 0 : i32
        %dma_start3A_697 = arith.constant 0 : i32
        %dma_start3A_698 = tpu.memref_slice %arg4[%dma_start3A_696, %dma_start3A_697] : memref<10000x16xf32, #tpu.memory_space<hbm>> -> memref<10000x16xf32, #tpu.memory_space<hbm>>
        tpu.enqueue_indirect_dma source(%dma_start3A_698 : memref<10000x16xf32, #tpu.memory_space<hbm>>) target(%arg18 : memref<80x16xf32, #tpu.memory_space<vmem>>) offsets(%arg12 : memref<80xi32, #tpu.memory_space<vmem>>) semaphore(%arg22 : memref<!tpu.dma_semaphore, #tpu.memory_space<semaphore_mem>>)
      } else {
      }
      %add3A_545 = arith.constant 2 : i32
      %add3A_546 = arith.addi %add3A_501, %add3A_545 : i32
      %dma_wait3A_547 = arith.constant 0 : i32
      %dma_wait3A_548 = arith.constant 0 : i32
      %dma_wait3A_549 = tpu.memref_slice %arg3[%dma_wait3A_547, %dma_wait3A_548] : memref<10000x144xf32, #tpu.memory_space<hbm>> -> memref<10000x144xf32, #tpu.memory_space<hbm>>
      tpu.wait_indirect_dma semaphore(%arg21 : memref<!tpu.dma_semaphore, #tpu.memory_space<semaphore_mem>>) src(%dma_wait3A_549 : memref<10000x144xf32, #tpu.memory_space<hbm>>) dst(%arg14 : memref<80x144xf32, #tpu.memory_space<vmem>>)
      %dma_wait3A_550 = arith.constant 0 : i32
      %dma_wait3A_551 = arith.constant 0 : i32
      %dma_wait3A_552 = tpu.memref_slice %arg4[%dma_wait3A_550, %dma_wait3A_551] : memref<10000x16xf32, #tpu.memory_space<hbm>> -> memref<10000x16xf32, #tpu.memory_space<hbm>>
      tpu.wait_indirect_dma semaphore(%arg21 : memref<!tpu.dma_semaphore, #tpu.memory_space<semaphore_mem>>) src(%dma_wait3A_552 : memref<10000x16xf32, #tpu.memory_space<hbm>>) dst(%arg17 : memref<80x16xf32, #tpu.memory_space<vmem>>)
      %parallel_loop3A_553 = arith.constant 0 : i32
      %parallel_loop3A_554 = arith.constant 80 : i32
      %parallel_loop3A_555 = arith.constant 1 : i32
      scf.for %parallel_loop3A_569 = %parallel_loop3A_553 to %parallel_loop3A_554 step %parallel_loop3A_555  : i32 {
        %parallel_loop3A_570 = arith.index_cast %parallel_loop3A_569 : i32 to index
        %parallel_loop3A_571 = arith.constant 128 : index
        %parallel_loop3A_572 = tpu.vector_load %arg14[%parallel_loop3A_570, %parallel_loop3A_571] {strides = array<i32>} : memref<80x144xf32, #tpu.memory_space<vmem>>, vector<1x16xf32>,
        %parallel_loop3A_573 = vector.shape_cast %parallel_loop3A_572 : vector<1x16xf32> to vector<16xf32>
        %parallel_loop3A_574 = arith.index_cast %parallel_loop3A_569 : i32 to index
        %parallel_loop3A_575 = arith.constant 0 : index
        %parallel_loop3A_576 = tpu.vector_load %arg17[%parallel_loop3A_574, %parallel_loop3A_575] {strides = array<i32>} : memref<80x16xf32, #tpu.memory_space<vmem>>, vector<1x16xf32>,
        %parallel_loop3A_577 = vector.shape_cast %parallel_loop3A_576 : vector<1x16xf32> to vector<16xf32>
        %parallel_loop3A_578 = arith.addf %parallel_loop3A_573, %parallel_loop3A_577 : vector<16xf32>
        %parallel_loop3A_579 = arith.constant 2.000000e-01 : f32
        %parallel_loop3A_580 = vector.broadcast %parallel_loop3A_579 : f32 to vector<16xf32>
        %parallel_loop3A_581 = arith.mulf %parallel_loop3A_580, %parallel_loop3A_578 : vector<16xf32>
        %parallel_loop3A_582 = arith.maximumf %parallel_loop3A_578, %parallel_loop3A_581 : vector<16xf32>
        %parallel_loop3A_583 = math.exp %parallel_loop3A_582 : vector<16xf32>
        %parallel_loop3A_584 = arith.index_cast %parallel_loop3A_569 : i32 to index
        %parallel_loop3A_585 = arith.constant 128 : index
        %parallel_loop3A_586 = tpu.vector_load %arg14[%parallel_loop3A_584, %parallel_loop3A_585] {strides = array<i32>} : memref<80x144xf32, #tpu.memory_space<vmem>>, vector<1x16xf32>,
        %parallel_loop3A_587 = vector.shape_cast %parallel_loop3A_586 : vector<1x16xf32> to vector<16xf32>
        %parallel_loop3A_588 = vector.shape_cast %parallel_loop3A_583 : vector<16xf32> to vector<1x16xf32>
        tpu.vector_store %arg14[%parallel_loop3A_584, %parallel_loop3A_585], %parallel_loop3A_588 {strides = array<i32>} : memref<80x144xf32, #tpu.memory_space<vmem>>, vector<1x16xf32>,
        %parallel_loop3A_589 = vector.extract_strided_slice %parallel_loop3A_583 {offsets = [0], sizes = [1], strides = [1]} : vector<16xf32> to vector<1xf32>
        %parallel_loop3A_590 = vector.extract %parallel_loop3A_589[0] : f32 from vector<1xf32>
        %parallel_loop3A_591 = vector.broadcast %parallel_loop3A_590 : f32 to vector<16xf32>
        %parallel_loop3A_592 = arith.index_cast %parallel_loop3A_569 : i32 to index
        %parallel_loop3A_593 = arith.constant 0 : index
        %parallel_loop3A_594 = tpu.vector_load %arg14[%parallel_loop3A_592, %parallel_loop3A_593] {strides = array<i32>} : memref<80x144xf32, #tpu.memory_space<vmem>>, vector<1x16xf32>,
        %parallel_loop3A_595 = vector.shape_cast %parallel_loop3A_594 : vector<1x16xf32> to vector<16xf32>
        %parallel_loop3A_596 = arith.mulf %parallel_loop3A_595, %parallel_loop3A_591 : vector<16xf32>
        %parallel_loop3A_597 = arith.index_cast %parallel_loop3A_569 : i32 to index
        %parallel_loop3A_598 = arith.constant 0 : index
        %parallel_loop3A_599 = tpu.vector_load %arg14[%parallel_loop3A_597, %parallel_loop3A_598] {strides = array<i32>} : memref<80x144xf32, #tpu.memory_space<vmem>>, vector<1x16xf32>,
        %parallel_loop3A_600 = vector.shape_cast %parallel_loop3A_599 : vector<1x16xf32> to vector<16xf32>
        %parallel_loop3A_601 = vector.shape_cast %parallel_loop3A_596 : vector<16xf32> to vector<1x16xf32>
        tpu.vector_store %arg14[%parallel_loop3A_597, %parallel_loop3A_598], %parallel_loop3A_601 {strides = array<i32>} : memref<80x144xf32, #tpu.memory_space<vmem>>, vector<1x16xf32>,
        %parallel_loop3A_602 = vector.extract_strided_slice %parallel_loop3A_583 {offsets = [1], sizes = [1], strides = [1]} : vector<16xf32> to vector<1xf32>
        %parallel_loop3A_603 = vector.extract %parallel_loop3A_602[0] : f32 from vector<1xf32>
        %parallel_loop3A_604 = vector.broadcast %parallel_loop3A_603 : f32 to vector<16xf32>
        %parallel_loop3A_605 = arith.index_cast %parallel_loop3A_569 : i32 to index
        %parallel_loop3A_606 = arith.constant 16 : index
        %parallel_loop3A_607 = tpu.vector_load %arg14[%parallel_loop3A_605, %parallel_loop3A_606] {strides = array<i32>} : memref<80x144xf32, #tpu.memory_space<vmem>>, vector<1x16xf32>,
        %parallel_loop3A_608 = vector.shape_cast %parallel_loop3A_607 : vector<1x16xf32> to vector<16xf32>
        %parallel_loop3A_609 = arith.mulf %parallel_loop3A_608, %parallel_loop3A_604 : vector<16xf32>
        %parallel_loop3A_610 = arith.index_cast %parallel_loop3A_569 : i32 to index
        %parallel_loop3A_611 = arith.constant 16 : index
        %parallel_loop3A_612 = tpu.vector_load %arg14[%parallel_loop3A_610, %parallel_loop3A_611] {strides = array<i32>} : memref<80x144xf32, #tpu.memory_space<vmem>>, vector<1x16xf32>,
        %parallel_loop3A_613 = vector.shape_cast %parallel_loop3A_612 : vector<1x16xf32> to vector<16xf32>
        %parallel_loop3A_614 = vector.shape_cast %parallel_loop3A_609 : vector<16xf32> to vector<1x16xf32>
        tpu.vector_store %arg14[%parallel_loop3A_610, %parallel_loop3A_611], %parallel_loop3A_614 {strides = array<i32>} : memref<80x144xf32, #tpu.memory_space<vmem>>, vector<1x16xf32>,
        %parallel_loop3A_615 = vector.extract_strided_slice %parallel_loop3A_583 {offsets = [2], sizes = [1], strides = [1]} : vector<16xf32> to vector<1xf32>
        %parallel_loop3A_616 = vector.extract %parallel_loop3A_615[0] : f32 from vector<1xf32>
        %parallel_loop3A_617 = vector.broadcast %parallel_loop3A_616 : f32 to vector<16xf32>
        %parallel_loop3A_618 = arith.index_cast %parallel_loop3A_569 : i32 to index
        %parallel_loop3A_619 = arith.constant 32 : index
        %parallel_loop3A_620 = tpu.vector_load %arg14[%parallel_loop3A_618, %parallel_loop3A_619] {strides = array<i32>} : memref<80x144xf32, #tpu.memory_space<vmem>>, vector<1x16xf32>,
        %parallel_loop3A_621 = vector.shape_cast %parallel_loop3A_620 : vector<1x16xf32> to vector<16xf32>
        %parallel_loop3A_622 = arith.mulf %parallel_loop3A_621, %parallel_loop3A_617 : vector<16xf32>
        %parallel_loop3A_623 = arith.index_cast %parallel_loop3A_569 : i32 to index
        %parallel_loop3A_624 = arith.constant 32 : index
        %parallel_loop3A_625 = tpu.vector_load %arg14[%parallel_loop3A_623, %parallel_loop3A_624] {strides = array<i32>} : memref<80x144xf32, #tpu.memory_space<vmem>>, vector<1x16xf32>,
        %parallel_loop3A_626 = vector.shape_cast %parallel_loop3A_625 : vector<1x16xf32> to vector<16xf32>
        %parallel_loop3A_627 = vector.shape_cast %parallel_loop3A_622 : vector<16xf32> to vector<1x16xf32>
        tpu.vector_store %arg14[%parallel_loop3A_623, %parallel_loop3A_624], %parallel_loop3A_627 {strides = array<i32>} : memref<80x144xf32, #tpu.memory_space<vmem>>, vector<1x16xf32>,
        %parallel_loop3A_628 = vector.extract_strided_slice %parallel_loop3A_583 {offsets = [3], sizes = [1], strides = [1]} : vector<16xf32> to vector<1xf32>
        %parallel_loop3A_629 = vector.extract %parallel_loop3A_628[0] : f32 from vector<1xf32>
        %parallel_loop3A_630 = vector.broadcast %parallel_loop3A_629 : f32 to vector<16xf32>
        %parallel_loop3A_631 = arith.index_cast %parallel_loop3A_569 : i32 to index
        %parallel_loop3A_632 = arith.constant 48 : index
        %parallel_loop3A_633 = tpu.vector_load %arg14[%parallel_loop3A_631, %parallel_loop3A_632] {strides = array<i32>} : memref<80x144xf32, #tpu.memory_space<vmem>>, vector<1x16xf32>,
        %parallel_loop3A_634 = vector.shape_cast %parallel_loop3A_633 : vector<1x16xf32> to vector<16xf32>
        %parallel_loop3A_635 = arith.mulf %parallel_loop3A_634, %parallel_loop3A_630 : vector<16xf32>
        %parallel_loop3A_636 = arith.index_cast %parallel_loop3A_569 : i32 to index
        %parallel_loop3A_637 = arith.constant 48 : index
        %parallel_loop3A_638 = tpu.vector_load %arg14[%parallel_loop3A_636, %parallel_loop3A_637] {strides = array<i32>} : memref<80x144xf32, #tpu.memory_space<vmem>>, vector<1x16xf32>,
        %parallel_loop3A_639 = vector.shape_cast %parallel_loop3A_638 : vector<1x16xf32> to vector<16xf32>
        %parallel_loop3A_640 = vector.shape_cast %parallel_loop3A_635 : vector<16xf32> to vector<1x16xf32>
        tpu.vector_store %arg14[%parallel_loop3A_636, %parallel_loop3A_637], %parallel_loop3A_640 {strides = array<i32>} : memref<80x144xf32, #tpu.memory_space<vmem>>, vector<1x16xf32>,
        %parallel_loop3A_641 = vector.extract_strided_slice %parallel_loop3A_583 {offsets = [4], sizes = [1], strides = [1]} : vector<16xf32> to vector<1xf32>
        %parallel_loop3A_642 = vector.extract %parallel_loop3A_641[0] : f32 from vector<1xf32>
        %parallel_loop3A_643 = vector.broadcast %parallel_loop3A_642 : f32 to vector<16xf32>
        %parallel_loop3A_644 = arith.index_cast %parallel_loop3A_569 : i32 to index
        %parallel_loop3A_645 = arith.constant 64 : index
        %parallel_loop3A_646 = tpu.vector_load %arg14[%parallel_loop3A_644, %parallel_loop3A_645] {strides = array<i32>} : memref<80x144xf32, #tpu.memory_space<vmem>>, vector<1x16xf32>,
        %parallel_loop3A_647 = vector.shape_cast %parallel_loop3A_646 : vector<1x16xf32> to vector<16xf32>
        %parallel_loop3A_648 = arith.mulf %parallel_loop3A_647, %parallel_loop3A_643 : vector<16xf32>
        %parallel_loop3A_649 = arith.index_cast %parallel_loop3A_569 : i32 to index
        %parallel_loop3A_650 = arith.constant 64 : index
        %parallel_loop3A_651 = tpu.vector_load %arg14[%parallel_loop3A_649, %parallel_loop3A_650] {strides = array<i32>} : memref<80x144xf32, #tpu.memory_space<vmem>>, vector<1x16xf32>,
        %parallel_loop3A_652 = vector.shape_cast %parallel_loop3A_651 : vector<1x16xf32> to vector<16xf32>
        %parallel_loop3A_653 = vector.shape_cast %parallel_loop3A_648 : vector<16xf32> to vector<1x16xf32>
        tpu.vector_store %arg14[%parallel_loop3A_649, %parallel_loop3A_650], %parallel_loop3A_653 {strides = array<i32>} : memref<80x144xf32, #tpu.memory_space<vmem>>, vector<1x16xf32>,
        %parallel_loop3A_654 = vector.extract_strided_slice %parallel_loop3A_583 {offsets = [5], sizes = [1], strides = [1]} : vector<16xf32> to vector<1xf32>
        %parallel_loop3A_655 = vector.extract %parallel_loop3A_654[0] : f32 from vector<1xf32>
        %parallel_loop3A_656 = vector.broadcast %parallel_loop3A_655 : f32 to vector<16xf32>
        %parallel_loop3A_657 = arith.index_cast %parallel_loop3A_569 : i32 to index
        %parallel_loop3A_658 = arith.constant 80 : index
        %parallel_loop3A_659 = tpu.vector_load %arg14[%parallel_loop3A_657, %parallel_loop3A_658] {strides = array<i32>} : memref<80x144xf32, #tpu.memory_space<vmem>>, vector<1x16xf32>,
        %parallel_loop3A_660 = vector.shape_cast %parallel_loop3A_659 : vector<1x16xf32> to vector<16xf32>
        %parallel_loop3A_661 = arith.mulf %parallel_loop3A_660, %parallel_loop3A_656 : vector<16xf32>
        %parallel_loop3A_662 = arith.index_cast %parallel_loop3A_569 : i32 to index
        %parallel_loop3A_663 = arith.constant 80 : index
        %parallel_loop3A_664 = tpu.vector_load %arg14[%parallel_loop3A_662, %parallel_loop3A_663] {strides = array<i32>} : memref<80x144xf32, #tpu.memory_space<vmem>>, vector<1x16xf32>,
        %parallel_loop3A_665 = vector.shape_cast %parallel_loop3A_664 : vector<1x16xf32> to vector<16xf32>
        %parallel_loop3A_666 = vector.shape_cast %parallel_loop3A_661 : vector<16xf32> to vector<1x16xf32>
        tpu.vector_store %arg14[%parallel_loop3A_662, %parallel_loop3A_663], %parallel_loop3A_666 {strides = array<i32>} : memref<80x144xf32, #tpu.memory_space<vmem>>, vector<1x16xf32>,
        %parallel_loop3A_667 = vector.extract_strided_slice %parallel_loop3A_583 {offsets = [6], sizes = [1], strides = [1]} : vector<16xf32> to vector<1xf32>
        %parallel_loop3A_668 = vector.extract %parallel_loop3A_667[0] : f32 from vector<1xf32>
        %parallel_loop3A_669 = vector.broadcast %parallel_loop3A_668 : f32 to vector<16xf32>
        %parallel_loop3A_670 = arith.index_cast %parallel_loop3A_569 : i32 to index
        %parallel_loop3A_671 = arith.constant 96 : index
        %parallel_loop3A_672 = tpu.vector_load %arg14[%parallel_loop3A_670, %parallel_loop3A_671] {strides = array<i32>} : memref<80x144xf32, #tpu.memory_space<vmem>>, vector<1x16xf32>,
        %parallel_loop3A_673 = vector.shape_cast %parallel_loop3A_672 : vector<1x16xf32> to vector<16xf32>
        %parallel_loop3A_674 = arith.mulf %parallel_loop3A_673, %parallel_loop3A_669 : vector<16xf32>
        %parallel_loop3A_675 = arith.index_cast %parallel_loop3A_569 : i32 to index
        %parallel_loop3A_676 = arith.constant 96 : index
        %parallel_loop3A_677 = tpu.vector_load %arg14[%parallel_loop3A_675, %parallel_loop3A_676] {strides = array<i32>} : memref<80x144xf32, #tpu.memory_space<vmem>>, vector<1x16xf32>,
        %parallel_loop3A_678 = vector.shape_cast %parallel_loop3A_677 : vector<1x16xf32> to vector<16xf32>
        %parallel_loop3A_679 = vector.shape_cast %parallel_loop3A_674 : vector<16xf32> to vector<1x16xf32>
        tpu.vector_store %arg14[%parallel_loop3A_675, %parallel_loop3A_676], %parallel_loop3A_679 {strides = array<i32>} : memref<80x144xf32, #tpu.memory_space<vmem>>, vector<1x16xf32>,
        %parallel_loop3A_680 = vector.extract_strided_slice %parallel_loop3A_583 {offsets = [7], sizes = [1], strides = [1]} : vector<16xf32> to vector<1xf32>
        %parallel_loop3A_681 = vector.extract %parallel_loop3A_680[0] : f32 from vector<1xf32>
        %parallel_loop3A_682 = vector.broadcast %parallel_loop3A_681 : f32 to vector<16xf32>
        %parallel_loop3A_683 = arith.index_cast %parallel_loop3A_569 : i32 to index
        %parallel_loop3A_684 = arith.constant 112 : index
        %parallel_loop3A_685 = tpu.vector_load %arg14[%parallel_loop3A_683, %parallel_loop3A_684] {strides = array<i32>} : memref<80x144xf32, #tpu.memory_space<vmem>>, vector<1x16xf32>,
        %parallel_loop3A_686 = vector.shape_cast %parallel_loop3A_685 : vector<1x16xf32> to vector<16xf32>
        %parallel_loop3A_687 = arith.mulf %parallel_loop3A_686, %parallel_loop3A_682 : vector<16xf32>
        %parallel_loop3A_688 = arith.index_cast %parallel_loop3A_569 : i32 to index
        %parallel_loop3A_689 = arith.constant 112 : index
        %parallel_loop3A_690 = tpu.vector_load %arg14[%parallel_loop3A_688, %parallel_loop3A_689] {strides = array<i32>} : memref<80x144xf32, #tpu.memory_space<vmem>>, vector<1x16xf32>,
        %parallel_loop3A_691 = vector.shape_cast %parallel_loop3A_690 : vector<1x16xf32> to vector<16xf32>
        %parallel_loop3A_692 = vector.shape_cast %parallel_loop3A_687 : vector<16xf32> to vector<1x16xf32>
        tpu.vector_store %arg14[%parallel_loop3A_688, %parallel_loop3A_689], %parallel_loop3A_692 {strides = array<i32>} : memref<80x144xf32, #tpu.memory_space<vmem>>, vector<1x16xf32>,
      } {sc.loop_unroll_factor = 4 : i64, sc.parallel_access}
      %dma_wait3A_556 = arith.constant 0 : i32
      %dma_wait3A_557 = arith.constant 0 : i32
      %dma_wait3A_558 = tpu.memref_slice %arg19[%dma_wait3A_556, %dma_wait3A_557] : memref<10112x144xf32, #tpu.memory_space<vmem_shared>> -> memref<10112x144xf32, #tpu.memory_space<vmem_shared>>
      tpu.wait_indirect_dma semaphore(%arg23 : memref<!tpu.dma_semaphore, #tpu.memory_space<semaphore_mem>>) src(%arg13 : memref<80x144xf32, #tpu.memory_space<vmem>>) dst(%dma_wait3A_558 : memref<10112x144xf32, #tpu.memory_space<vmem_shared>>)
      %dma_start3A_559 = arith.constant 0 : i32
      %dma_start3A_560 = arith.constant 0 : i32
      %dma_start3A_561 = tpu.memref_slice %arg19[%dma_start3A_559, %dma_start3A_560] : memref<10112x144xf32, #tpu.memory_space<vmem_shared>> -> memref<10112x144xf32, #tpu.memory_space<vmem_shared>>
      tpu.enqueue_indirect_dma source(%arg14 : memref<80x144xf32, #tpu.memory_space<vmem>>) target(%dma_start3A_561 : memref<10112x144xf32, #tpu.memory_space<vmem_shared>>) offsets(%arg11 : memref<80xi32, #tpu.memory_space<vmem>>) semaphore(%arg24 : memref<!tpu.dma_semaphore, #tpu.memory_space<semaphore_mem>>) {add = true}
      %add3A_562 = arith.constant 2 : i32
      %add3A_563 = arith.addi %add3A_546, %add3A_562 : i32
      %lt3A_564 = arith.constant 125 : i32
      %lt3A_565 = arith.cmpi slt, %add3A_563, %lt3A_564 : i32
      %convert_element_type3A_566 = arith.extui %lt3A_565 : i1 to i32
      %cond3A_567 = arith.constant 0 : i32
      %cond3A_568 = arith.cmpi ne, %convert_element_type3A_566, %cond3A_567 : i32
      scf.if %cond3A_568 {
        %add3A_569 = arith.constant 2 : i32
        %add3A_570 = arith.addi %add3A_546, %add3A_569 : i32
        %jit3A = arith.constant 5 : i32
        %eq3A = arith.constant 0 : i32
        %eq3A_571 = arith.cmpi eq, %jit3A, %eq3A : i32
        %jit3A_572 = arith.constant 1 : i32
        %select_n3A = arith.select %eq3A_571, %jit3A_572, %jit3A : i32
        %rem3A = arith.remsi %add3A_570, %select_n3A : i32
        %ne3A = arith.constant 0 : i32
        %ne3A_573 = arith.cmpi ne, %rem3A, %ne3A : i32
        %lt3A_574 = arith.constant 0 : i32
        %lt3A_575 = arith.cmpi slt, %rem3A, %lt3A_574 : i32
        %lt3A_576 = arith.constant 0 : i32
        %lt3A_577 = arith.cmpi slt, %select_n3A, %lt3A_576 : i32
        %ne3A_578 = arith.xori %lt3A_575, %lt3A_577 : i1
        %and3A_579 = arith.andi %ne3A_578, %ne3A_573 : i1
        %add3A_580 = arith.addi %rem3A, %select_n3A : i32
        %select_n3A_581 = arith.select %and3A_579, %add3A_580, %rem3A : i32
        %eq3A_582 = arith.constant 0 : i32
        %eq3A_583 = arith.cmpi eq, %select_n3A_581, %eq3A_582 : i32
        %convert_element_type3A_584 = arith.extui %eq3A_583 : i1 to i32
        %cond3A_585 = arith.constant 0 : i32
        %cond3A_586 = arith.cmpi ne, %convert_element_type3A_584, %cond3A_585 : i32
        scf.if %cond3A_586 {
          %jit3A_699 = arith.constant 10 : i32
          %eq3A_700 = arith.constant 0 : i32
          %eq3A_701 = arith.cmpi eq, %jit3A_699, %eq3A_700 : i32
          %jit3A_702 = arith.constant 1 : i32
          %select_n3A_703 = arith.select %eq3A_701, %jit3A_702, %jit3A_699 : i32
          %rem3A_704 = arith.remsi %add3A_570, %select_n3A_703 : i32
          %ne3A_705 = arith.constant 0 : i32
          %ne3A_706 = arith.cmpi ne, %rem3A_704, %ne3A_705 : i32
          %lt3A_707 = arith.constant 0 : i32
          %lt3A_708 = arith.cmpi slt, %rem3A_704, %lt3A_707 : i32
          %lt3A_709 = arith.constant 0 : i32
          %lt3A_710 = arith.cmpi slt, %select_n3A_703, %lt3A_709 : i32
          %ne3A_711 = arith.xori %lt3A_708, %lt3A_710 : i1
          %and3A_712 = arith.andi %ne3A_711, %ne3A_706 : i1
          %add3A_713 = arith.addi %rem3A_704, %select_n3A_703 : i32
          %select_n3A_714 = arith.select %and3A_712, %add3A_713, %rem3A_704 : i32
          %dma_wait3A_715 = arith.constant 0 : i32
          %dma_wait3A_716 = tpu.memref_slice %arg6[%select_n3A_714, %dma_wait3A_715] : memref<10x80xi32, #tpu.memory_space<vmem>> -> memref<5x80xi32, #tpu.memory_space<vmem>>
          %dma_wait3A_717 = arith.constant 0 : i32
          %dma_wait3A_718 = tpu.memref_slice %arg2[%add3A, %add3A_570, %dma_wait3A_717] : memref<32x125x80xi32, #tpu.memory_space<hbm>> -> memref<1x5x80xi32, #tpu.memory_space<hbm>>
          %dma_wait3A_719 = tpu.memref_squeeze %dma_wait3A_718 : memref<1x5x80xi32, #tpu.memory_space<hbm>> -> memref<5x80xi32, #tpu.memory_space<hbm>>
          %dma_wait3A_720 = arith.constant 0 : i32
          %dma_wait3A_721 = tpu.memref_slice %arg6[%select_n3A_714, %dma_wait3A_720] : memref<10x80xi32, #tpu.memory_space<vmem>> -> memref<5x80xi32, #tpu.memory_space<vmem>>
          %dma_wait3A_722 = arith.constant 0 : i32
          %dma_wait3A_723 = tpu.memref_slice %arg2[%add3A, %add3A_570, %dma_wait3A_722] : memref<32x125x80xi32, #tpu.memory_space<hbm>> -> memref<1x5x80xi32, #tpu.memory_space<hbm>>
          %dma_wait3A_724 = tpu.memref_squeeze %dma_wait3A_723 : memref<1x5x80xi32, #tpu.memory_space<hbm>> -> memref<5x80xi32, #tpu.memory_space<hbm>>
          tpu.wait_dma2 semaphore(%arg26 : memref<!tpu.dma_semaphore, #tpu.memory_space<semaphore_mem>>) src(%dma_wait3A_724 : memref<5x80xi32, #tpu.memory_space<hbm>>) dst(%dma_wait3A_721 : memref<5x80xi32, #tpu.memory_space<vmem>>)
          %add3A_725 = arith.constant 5 : i32
          %add3A_726 = arith.addi %add3A_570, %add3A_725 : i32
          %lt3A_727 = arith.constant 125 : i32
          %lt3A_728 = arith.cmpi slt, %add3A_726, %lt3A_727 : i32
          %convert_element_type3A_729 = arith.extui %lt3A_728 : i1 to i32
          %cond3A_730 = arith.constant 0 : i32
          %cond3A_731 = arith.cmpi ne, %convert_element_type3A_729, %cond3A_730 : i32
          scf.if %cond3A_731 {
            %add3A_732 = arith.constant 5 : i32
            %add3A_733 = arith.addi %add3A_570, %add3A_732 : i32
            %jit3A_734 = arith.constant 10 : i32
            %eq3A_735 = arith.constant 0 : i32
            %eq3A_736 = arith.cmpi eq, %jit3A_734, %eq3A_735 : i32
            %jit3A_737 = arith.constant 1 : i32
            %select_n3A_738 = arith.select %eq3A_736, %jit3A_737, %jit3A_734 : i32
            %rem3A_739 = arith.remsi %add3A_733, %select_n3A_738 : i32
            %ne3A_740 = arith.constant 0 : i32
            %ne3A_741 = arith.cmpi ne, %rem3A_739, %ne3A_740 : i32
            %lt3A_742 = arith.constant 0 : i32
            %lt3A_743 = arith.cmpi slt, %rem3A_739, %lt3A_742 : i32
            %lt3A_744 = arith.constant 0 : i32
            %lt3A_745 = arith.cmpi slt, %select_n3A_738, %lt3A_744 : i32
            %ne3A_746 = arith.xori %lt3A_743, %lt3A_745 : i1
            %and3A_747 = arith.andi %ne3A_746, %ne3A_741 : i1
            %add3A_748 = arith.addi %rem3A_739, %select_n3A_738 : i32
            %select_n3A_749 = arith.select %and3A_747, %add3A_748, %rem3A_739 : i32
            %dma_start3A_750 = arith.constant 0 : i32
            %dma_start3A_751 = tpu.memref_slice %arg6[%select_n3A_749, %dma_start3A_750] : memref<10x80xi32, #tpu.memory_space<vmem>> -> memref<5x80xi32, #tpu.memory_space<vmem>>
            %dma_start3A_752 = arith.constant 0 : i32
            %dma_start3A_753 = tpu.memref_slice %arg2[%add3A, %add3A_733, %dma_start3A_752] : memref<32x125x80xi32, #tpu.memory_space<hbm>> -> memref<1x5x80xi32, #tpu.memory_space<hbm>>
            %dma_start3A_754 = tpu.memref_squeeze %dma_start3A_753 : memref<1x5x80xi32, #tpu.memory_space<hbm>> -> memref<5x80xi32, #tpu.memory_space<hbm>>
            %dma_start3A_755 = arith.constant 0 : i32
            %dma_start3A_756 = tpu.memref_slice %arg6[%select_n3A_749, %dma_start3A_755] : memref<10x80xi32, #tpu.memory_space<vmem>> -> memref<5x80xi32, #tpu.memory_space<vmem>>
            %dma_start3A_757 = arith.constant 0 : i32
            %dma_start3A_758 = tpu.memref_slice %arg2[%add3A, %add3A_733, %dma_start3A_757] : memref<32x125x80xi32, #tpu.memory_space<hbm>> -> memref<1x5x80xi32, #tpu.memory_space<hbm>>
            %dma_start3A_759 = tpu.memref_squeeze %dma_start3A_758 : memref<1x5x80xi32, #tpu.memory_space<hbm>> -> memref<5x80xi32, #tpu.memory_space<hbm>>
            tpu.enqueue_dma source(%dma_start3A_759 : memref<5x80xi32, #tpu.memory_space<hbm>>) target(%dma_start3A_756 : memref<5x80xi32, #tpu.memory_space<vmem>>) target_semaphore(%arg26 : memref<!tpu.dma_semaphore, #tpu.memory_space<semaphore_mem>>)
          } else {
          }
        } else {
        }
        %jit3A_587 = arith.constant 10 : i32
        %eq3A_588 = arith.constant 0 : i32
        %eq3A_589 = arith.cmpi eq, %jit3A_587, %eq3A_588 : i32
        %jit3A_590 = arith.constant 1 : i32
        %select_n3A_591 = arith.select %eq3A_589, %jit3A_590, %jit3A_587 : i32
        %rem3A_592 = arith.remsi %add3A_570, %select_n3A_591 : i32
        %ne3A_593 = arith.constant 0 : i32
        %ne3A_594 = arith.cmpi ne, %rem3A_592, %ne3A_593 : i32
        %lt3A_595 = arith.constant 0 : i32
        %lt3A_596 = arith.cmpi slt, %rem3A_592, %lt3A_595 : i32
        %lt3A_597 = arith.constant 0 : i32
        %lt3A_598 = arith.cmpi slt, %select_n3A_591, %lt3A_597 : i32
        %ne3A_599 = arith.xori %lt3A_596, %lt3A_598 : i1
        %and3A_600 = arith.andi %ne3A_599, %ne3A_594 : i1
        %add3A_601 = arith.addi %rem3A_592, %select_n3A_591 : i32
        %select_n3A_602 = arith.select %and3A_600, %add3A_601, %rem3A_592 : i32
        %get3A_603 = arith.index_cast %select_n3A_602 : i32 to index
        %get3A_604 = arith.constant 0 : index
        %get3A_605 = tpu.vector_load %arg6[%get3A_603, %get3A_604] {strides = array<i32>} : memref<10x80xi32, #tpu.memory_space<vmem>>, vector<1x16xi32>,
        %get3A_606 = vector.shape_cast %get3A_605 : vector<1x16xi32> to vector<16xi32>
        %and3A_607 = arith.constant 65535 : i32
        %and3A_608 = vector.broadcast %and3A_607 : i32 to vector<16xi32>
        %and3A_609 = arith.andi %get3A_606, %and3A_608 : vector<16xi32>
        %swap3A_610 = arith.constant 0 : index
        %swap3A_611 = tpu.vector_load %arg7[%swap3A_610] {strides = array<i32>} : memref<80xi32, #tpu.memory_space<vmem>>, vector<16xi32>,
        %swap3A_612 = vector.shape_cast %swap3A_611 : vector<16xi32> to vector<16xi32>
        %swap3A_613 = vector.shape_cast %and3A_609 : vector<16xi32> to vector<16xi32>
        tpu.vector_store %arg7[%swap3A_610], %swap3A_613 {strides = array<i32>} : memref<80xi32, #tpu.memory_space<vmem>>, vector<16xi32>,
        %shift_right_arithmetic3A_614 = arith.constant 16 : i32
        %shift_right_arithmetic3A_615 = vector.broadcast %shift_right_arithmetic3A_614 : i32 to vector<16xi32>
        %shift_right_arithmetic3A_616 = arith.shrsi %get3A_606, %shift_right_arithmetic3A_615 : vector<16xi32>
        %swap3A_617 = arith.constant 0 : index
        %swap3A_618 = tpu.vector_load %arg10[%swap3A_617] {strides = array<i32>} : memref<80xi32, #tpu.memory_space<vmem>>, vector<16xi32>,
        %swap3A_619 = vector.shape_cast %swap3A_618 : vector<16xi32> to vector<16xi32>
        %swap3A_620 = vector.shape_cast %shift_right_arithmetic3A_616 : vector<16xi32> to vector<16xi32>
        tpu.vector_store %arg10[%swap3A_617], %swap3A_620 {strides = array<i32>} : memref<80xi32, #tpu.memory_space<vmem>>, vector<16xi32>,
        %get3A_621 = arith.index_cast %select_n3A_602 : i32 to index
        %get3A_622 = arith.constant 16 : index
        %get3A_623 = tpu.vector_load %arg6[%get3A_621, %get3A_622] {strides = array<i32>} : memref<10x80xi32, #tpu.memory_space<vmem>>, vector<1x16xi32>,
        %get3A_624 = vector.shape_cast %get3A_623 : vector<1x16xi32> to vector<16xi32>
        %and3A_625 = arith.constant 65535 : i32
        %and3A_626 = vector.broadcast %and3A_625 : i32 to vector<16xi32>
        %and3A_627 = arith.andi %get3A_624, %and3A_626 : vector<16xi32>
        %swap3A_628 = arith.constant 16 : index
        %swap3A_629 = tpu.vector_load %arg7[%swap3A_628] {strides = array<i32>} : memref<80xi32, #tpu.memory_space<vmem>>, vector<16xi32>,
        %swap3A_630 = vector.shape_cast %swap3A_629 : vector<16xi32> to vector<16xi32>
        %swap3A_631 = vector.shape_cast %and3A_627 : vector<16xi32> to vector<16xi32>
        tpu.vector_store %arg7[%swap3A_628], %swap3A_631 {strides = array<i32>} : memref<80xi32, #tpu.memory_space<vmem>>, vector<16xi32>,
        %shift_right_arithmetic3A_632 = arith.constant 16 : i32
        %shift_right_arithmetic3A_633 = vector.broadcast %shift_right_arithmetic3A_632 : i32 to vector<16xi32>
        %shift_right_arithmetic3A_634 = arith.shrsi %get3A_624, %shift_right_arithmetic3A_633 : vector<16xi32>
        %swap3A_635 = arith.constant 16 : index
        %swap3A_636 = tpu.vector_load %arg10[%swap3A_635] {strides = array<i32>} : memref<80xi32, #tpu.memory_space<vmem>>, vector<16xi32>,
        %swap3A_637 = vector.shape_cast %swap3A_636 : vector<16xi32> to vector<16xi32>
        %swap3A_638 = vector.shape_cast %shift_right_arithmetic3A_634 : vector<16xi32> to vector<16xi32>
        tpu.vector_store %arg10[%swap3A_635], %swap3A_638 {strides = array<i32>} : memref<80xi32, #tpu.memory_space<vmem>>, vector<16xi32>,
        %get3A_639 = arith.index_cast %select_n3A_602 : i32 to index
        %get3A_640 = arith.constant 32 : index
        %get3A_641 = tpu.vector_load %arg6[%get3A_639, %get3A_640] {strides = array<i32>} : memref<10x80xi32, #tpu.memory_space<vmem>>, vector<1x16xi32>,
        %get3A_642 = vector.shape_cast %get3A_641 : vector<1x16xi32> to vector<16xi32>
        %and3A_643 = arith.constant 65535 : i32
        %and3A_644 = vector.broadcast %and3A_643 : i32 to vector<16xi32>
        %and3A_645 = arith.andi %get3A_642, %and3A_644 : vector<16xi32>
        %swap3A_646 = arith.constant 32 : index
        %swap3A_647 = tpu.vector_load %arg7[%swap3A_646] {strides = array<i32>} : memref<80xi32, #tpu.memory_space<vmem>>, vector<16xi32>,
        %swap3A_648 = vector.shape_cast %swap3A_647 : vector<16xi32> to vector<16xi32>
        %swap3A_649 = vector.shape_cast %and3A_645 : vector<16xi32> to vector<16xi32>
        tpu.vector_store %arg7[%swap3A_646], %swap3A_649 {strides = array<i32>} : memref<80xi32, #tpu.memory_space<vmem>>, vector<16xi32>,
        %shift_right_arithmetic3A_650 = arith.constant 16 : i32
        %shift_right_arithmetic3A_651 = vector.broadcast %shift_right_arithmetic3A_650 : i32 to vector<16xi32>
        %shift_right_arithmetic3A_652 = arith.shrsi %get3A_642, %shift_right_arithmetic3A_651 : vector<16xi32>
        %swap3A_653 = arith.constant 32 : index
        %swap3A_654 = tpu.vector_load %arg10[%swap3A_653] {strides = array<i32>} : memref<80xi32, #tpu.memory_space<vmem>>, vector<16xi32>,
        %swap3A_655 = vector.shape_cast %swap3A_654 : vector<16xi32> to vector<16xi32>
        %swap3A_656 = vector.shape_cast %shift_right_arithmetic3A_652 : vector<16xi32> to vector<16xi32>
        tpu.vector_store %arg10[%swap3A_653], %swap3A_656 {strides = array<i32>} : memref<80xi32, #tpu.memory_space<vmem>>, vector<16xi32>,
        %get3A_657 = arith.index_cast %select_n3A_602 : i32 to index
        %get3A_658 = arith.constant 48 : index
        %get3A_659 = tpu.vector_load %arg6[%get3A_657, %get3A_658] {strides = array<i32>} : memref<10x80xi32, #tpu.memory_space<vmem>>, vector<1x16xi32>,
        %get3A_660 = vector.shape_cast %get3A_659 : vector<1x16xi32> to vector<16xi32>
        %and3A_661 = arith.constant 65535 : i32
        %and3A_662 = vector.broadcast %and3A_661 : i32 to vector<16xi32>
        %and3A_663 = arith.andi %get3A_660, %and3A_662 : vector<16xi32>
        %swap3A_664 = arith.constant 48 : index
        %swap3A_665 = tpu.vector_load %arg7[%swap3A_664] {strides = array<i32>} : memref<80xi32, #tpu.memory_space<vmem>>, vector<16xi32>,
        %swap3A_666 = vector.shape_cast %swap3A_665 : vector<16xi32> to vector<16xi32>
        %swap3A_667 = vector.shape_cast %and3A_663 : vector<16xi32> to vector<16xi32>
        tpu.vector_store %arg7[%swap3A_664], %swap3A_667 {strides = array<i32>} : memref<80xi32, #tpu.memory_space<vmem>>, vector<16xi32>,
        %shift_right_arithmetic3A_668 = arith.constant 16 : i32
        %shift_right_arithmetic3A_669 = vector.broadcast %shift_right_arithmetic3A_668 : i32 to vector<16xi32>
        %shift_right_arithmetic3A_670 = arith.shrsi %get3A_660, %shift_right_arithmetic3A_669 : vector<16xi32>
        %swap3A_671 = arith.constant 48 : index
        %swap3A_672 = tpu.vector_load %arg10[%swap3A_671] {strides = array<i32>} : memref<80xi32, #tpu.memory_space<vmem>>, vector<16xi32>,
        %swap3A_673 = vector.shape_cast %swap3A_672 : vector<16xi32> to vector<16xi32>
        %swap3A_674 = vector.shape_cast %shift_right_arithmetic3A_670 : vector<16xi32> to vector<16xi32>
        tpu.vector_store %arg10[%swap3A_671], %swap3A_674 {strides = array<i32>} : memref<80xi32, #tpu.memory_space<vmem>>, vector<16xi32>,
        %get3A_675 = arith.index_cast %select_n3A_602 : i32 to index
        %get3A_676 = arith.constant 64 : index
        %get3A_677 = tpu.vector_load %arg6[%get3A_675, %get3A_676] {strides = array<i32>} : memref<10x80xi32, #tpu.memory_space<vmem>>, vector<1x16xi32>,
        %get3A_678 = vector.shape_cast %get3A_677 : vector<1x16xi32> to vector<16xi32>
        %and3A_679 = arith.constant 65535 : i32
        %and3A_680 = vector.broadcast %and3A_679 : i32 to vector<16xi32>
        %and3A_681 = arith.andi %get3A_678, %and3A_680 : vector<16xi32>
        %swap3A_682 = arith.constant 64 : index
        %swap3A_683 = tpu.vector_load %arg7[%swap3A_682] {strides = array<i32>} : memref<80xi32, #tpu.memory_space<vmem>>, vector<16xi32>,
        %swap3A_684 = vector.shape_cast %swap3A_683 : vector<16xi32> to vector<16xi32>
        %swap3A_685 = vector.shape_cast %and3A_681 : vector<16xi32> to vector<16xi32>
        tpu.vector_store %arg7[%swap3A_682], %swap3A_685 {strides = array<i32>} : memref<80xi32, #tpu.memory_space<vmem>>, vector<16xi32>,
        %shift_right_arithmetic3A_686 = arith.constant 16 : i32
        %shift_right_arithmetic3A_687 = vector.broadcast %shift_right_arithmetic3A_686 : i32 to vector<16xi32>
        %shift_right_arithmetic3A_688 = arith.shrsi %get3A_678, %shift_right_arithmetic3A_687 : vector<16xi32>
        %swap3A_689 = arith.constant 64 : index
        %swap3A_690 = tpu.vector_load %arg10[%swap3A_689] {strides = array<i32>} : memref<80xi32, #tpu.memory_space<vmem>>, vector<16xi32>,
        %swap3A_691 = vector.shape_cast %swap3A_690 : vector<16xi32> to vector<16xi32>
        %swap3A_692 = vector.shape_cast %shift_right_arithmetic3A_688 : vector<16xi32> to vector<16xi32>
        tpu.vector_store %arg10[%swap3A_689], %swap3A_692 {strides = array<i32>} : memref<80xi32, #tpu.memory_space<vmem>>, vector<16xi32>,
        %dma_start3A_693 = arith.constant 0 : i32
        %dma_start3A_694 = arith.constant 0 : i32
        %dma_start3A_695 = tpu.memref_slice %arg3[%dma_start3A_693, %dma_start3A_694] : memref<10000x144xf32, #tpu.memory_space<hbm>> -> memref<10000x144xf32, #tpu.memory_space<hbm>>
        tpu.enqueue_indirect_dma source(%dma_start3A_695 : memref<10000x144xf32, #tpu.memory_space<hbm>>) target(%arg13 : memref<80x144xf32, #tpu.memory_space<vmem>>) offsets(%arg7 : memref<80xi32, #tpu.memory_space<vmem>>) semaphore(%arg20 : memref<!tpu.dma_semaphore, #tpu.memory_space<semaphore_mem>>)
        %dma_start3A_696 = arith.constant 0 : i32
        %dma_start3A_697 = arith.constant 0 : i32
        %dma_start3A_698 = tpu.memref_slice %arg4[%dma_start3A_696, %dma_start3A_697] : memref<10000x16xf32, #tpu.memory_space<hbm>> -> memref<10000x16xf32, #tpu.memory_space<hbm>>
        tpu.enqueue_indirect_dma source(%dma_start3A_698 : memref<10000x16xf32, #tpu.memory_space<hbm>>) target(%arg16 : memref<80x16xf32, #tpu.memory_space<vmem>>) offsets(%arg10 : memref<80xi32, #tpu.memory_space<vmem>>) semaphore(%arg20 : memref<!tpu.dma_semaphore, #tpu.memory_space<semaphore_mem>>)
      } else {
      }
    }
    %scan3A_492 = arith.constant 41 : i32
    %dma_wait3A_493 = arith.constant 0 : i32
    %dma_wait3A_494 = arith.constant 0 : i32
    %dma_wait3A_495 = tpu.memref_slice %arg19[%dma_wait3A_493, %dma_wait3A_494] : memref<10112x144xf32, #tpu.memory_space<vmem_shared>> -> memref<10112x144xf32, #tpu.memory_space<vmem_shared>>
    tpu.wait_indirect_dma semaphore(%arg24 : memref<!tpu.dma_semaphore, #tpu.memory_space<semaphore_mem>>) src(%arg14 : memref<80x144xf32, #tpu.memory_space<vmem>>) dst(%dma_wait3A_495 : memref<10112x144xf32, #tpu.memory_space<vmem_shared>>)
    %barrier3A_496 = arith.constant 0 : index
    tpu.barrier barrier_id(%barrier3A_496)
    "tpu.region"() ({
      %run_scoped3A = tpu.sem_alloc : memref<!tpu.dma_semaphore, #tpu.memory_space<semaphore_mem>>
      %dma_start3A_497 = arith.constant 0 : i32
      %dma_start3A_498 = tpu.memref_slice %arg5[%arg0, %mul3A_4, %dma_start3A_497] : memref<2x10112x144xf32, #tpu.memory_space<hbm>> -> memref<1x632x144xf32, #tpu.memory_space<hbm>>
      %dma_start3A_499 = tpu.memref_squeeze %dma_start3A_498 : memref<1x632x144xf32, #tpu.memory_space<hbm>> -> memref<632x144xf32, #tpu.memory_space<hbm>>
      %dma_start3A_500 = arith.constant 0 : i32
      %dma_start3A_501 = tpu.memref_slice %arg19[%mul3A_4, %dma_start3A_500] : memref<10112x144xf32, #tpu.memory_space<vmem_shared>> -> memref<632x144xf32, #tpu.memory_space<vmem_shared>>
      tpu.enqueue_dma source(%dma_start3A_501 : memref<632x144xf32, #tpu.memory_space<vmem_shared>>) target(%dma_start3A_499 : memref<632x144xf32, #tpu.memory_space<hbm>>) target_semaphore(%run_scoped3A : memref<!tpu.dma_semaphore, #tpu.memory_space<semaphore_mem>>)
      %dma_wait3A_502 = arith.constant 0 : i32
      %dma_wait3A_503 = tpu.memref_slice %arg5[%arg0, %mul3A_4, %dma_wait3A_502] : memref<2x10112x144xf32, #tpu.memory_space<hbm>> -> memref<1x632x144xf32, #tpu.memory_space<hbm>>
      %dma_wait3A_504 = tpu.memref_squeeze %dma_wait3A_503 : memref<1x632x144xf32, #tpu.memory_space<hbm>> -> memref<632x144xf32, #tpu.memory_space<hbm>>
      %dma_wait3A_505 = arith.constant 0 : i32
      %dma_wait3A_506 = tpu.memref_slice %arg19[%mul3A_4, %dma_wait3A_505] : memref<10112x144xf32, #tpu.memory_space<vmem_shared>> -> memref<632x144xf32, #tpu.memory_space<vmem_shared>>
      tpu.wait_dma2 semaphore(%run_scoped3A : memref<!tpu.dma_semaphore, #tpu.memory_space<semaphore_mem>>) src(%dma_wait3A_506 : memref<632x144xf32, #tpu.memory_space<vmem_shared>>) dst(%dma_wait3A_504 : memref<632x144xf32, #tpu.memory_space<hbm>>)
      tpu.yield
    }) : () -> ()
    return
  }
}

module attributes {stable_mosaic.version = 14 : i64} {
  func.func @body(%arg0: i32, %arg1: memref<1000x128xf32, #tpu.memory_space<vmem>>, %arg2: memref<128x128xf32, #tpu.memory_space<vmem>>, %arg3: memref<128x16xf32, #tpu.memory_space<vmem>>, %arg4: memref<128x16xf32, #tpu.memory_space<vmem>>, %arg5: memref<1000x144xf32, #tpu.memory_space<vmem>>, %arg6: memref<1000x16xf32, #tpu.memory_space<vmem>>) attributes {dimension_semantics = [#tpu.dimension_semantics<arbitrary>], iteration_bounds = array<i64: 10>, scalar_prefetch = 0 : i64, scratch_operands = 0 : i64, tpu.core_type = #tpu.core_type<tc>, window_params = [{transform_indices = @transform_0, window_bounds = array<i64: 1000, 128>}, {pipeline_mode = #tpu.pipeline_mode<synchronous>, transform_indices = @transform_1, window_bounds = array<i64: 128, 128>}, {pipeline_mode = #tpu.pipeline_mode<synchronous>, transform_indices = @transform_2, window_bounds = array<i64: 128, 16>}, {pipeline_mode = #tpu.pipeline_mode<synchronous>, transform_indices = @transform_3, window_bounds = array<i64: 128, 16>}, {transform_indices = @transform_4, window_bounds = array<i64: 1000, 144>}, {transform_indices = @transform_5, window_bounds = array<i64: 1000, 16>}]} {
    %get3A = arith.constant 0 : index
    %get3A_0 = arith.constant 0 : index
    %get3A_1 = vector.load %arg1[%get3A, %get3A_0] : memref<1000x128xf32, #tpu.memory_space<vmem>>, vector<1000x128xf32>
    %get3A_2 = arith.constant 0 : index
    %get3A_3 = arith.constant 0 : index
    %get3A_4 = vector.load %arg2[%get3A_2, %get3A_3] : memref<128x128xf32, #tpu.memory_space<vmem>>, vector<128x128xf32>
    %dot_general3A = arith.constant dense<0.000000e+00> : vector<1000x128xf32>
    %dot_general3A_5 = tpu.matmul %get3A_1, %get3A_4, %dot_general3A {dimension_numbers = #tpu.dot_dimension_numbers<[1], [0], [0], [1], [0, 0, 1, 1], [], []>, transpose_lhs_hint = false} : vector<1000x128xf32>, vector<128x128xf32>, vector<1000x128xf32> -> vector<1000x128xf32>
    %get3A_6 = arith.constant 0 : index
    %get3A_7 = arith.constant 0 : index
    %get3A_8 = vector.load %arg3[%get3A_6, %get3A_7] : memref<128x16xf32, #tpu.memory_space<vmem>>, vector<128x16xf32>
    %dot_general3A_9 = arith.constant dense<0.000000e+00> : vector<1000x16xf32>
    %dot_general3A_10 = tpu.matmul %dot_general3A_5, %get3A_8, %dot_general3A_9 {dimension_numbers = #tpu.dot_dimension_numbers<[1], [0], [0], [1], [0, 0, 1, 1], [], []>, transpose_lhs_hint = false} : vector<1000x128xf32>, vector<128x16xf32>, vector<1000x16xf32> -> vector<1000x16xf32>
    %get3A_11 = arith.constant 0 : index
    %get3A_12 = arith.constant 0 : index
    %get3A_13 = vector.load %arg4[%get3A_11, %get3A_12] : memref<128x16xf32, #tpu.memory_space<vmem>>, vector<128x16xf32>
    %dot_general3A_14 = arith.constant dense<0.000000e+00> : vector<1000x16xf32>
    %dot_general3A_15 = tpu.matmul %dot_general3A_5, %get3A_13, %dot_general3A_14 {dimension_numbers = #tpu.dot_dimension_numbers<[1], [0], [0], [1], [0, 0, 1, 1], [], []>, transpose_lhs_hint = false} : vector<1000x128xf32>, vector<128x16xf32>, vector<1000x16xf32> -> vector<1000x16xf32>
    %concatenate3A = tpu.concatenate %dot_general3A_5, %dot_general3A_10 in 1 : vector<1000x128xf32>, vector<1000x16xf32> -> vector<1000x144xf32>
    %swap3A = arith.constant 0 : index
    %swap3A_16 = arith.constant 0 : index
    %swap3A_17 = vector.load %arg5[%swap3A, %swap3A_16] : memref<1000x144xf32, #tpu.memory_space<vmem>>, vector<1000x144xf32>
    tpu.vector_store %arg5[%swap3A, %swap3A_16], %concatenate3A {strides = array<i32>} : memref<1000x144xf32, #tpu.memory_space<vmem>>, vector<1000x144xf32>,
    %swap3A_18 = arith.constant 0 : index
    %swap3A_19 = arith.constant 0 : index
    %swap3A_20 = vector.load %arg6[%swap3A_18, %swap3A_19] : memref<1000x16xf32, #tpu.memory_space<vmem>>, vector<1000x16xf32>
    tpu.vector_store %arg6[%swap3A_18, %swap3A_19], %dot_general3A_15 {strides = array<i32>} : memref<1000x16xf32, #tpu.memory_space<vmem>>, vector<1000x16xf32>,
    return
  }
  func.func @transform_0(%arg0: i32) -> (i32, i32) {
    %c0_i32 = arith.constant 0 : i32
    %c0_i32_0 = arith.constant 0 : i32
    return %arg0, %c0_i32 : i32, i32
  }
  func.func @transform_1(%arg0: i32) -> (i32, i32) {
    %c0_i32 = arith.constant 0 : i32
    %c0_i32_0 = arith.constant 0 : i32
    %c0_i32_1 = arith.constant 0 : i32
    return %c0_i32, %c0_i32_0 : i32, i32
  }
  func.func @transform_2(%arg0: i32) -> (i32, i32) {
    %c0_i32 = arith.constant 0 : i32
    %c0_i32_0 = arith.constant 0 : i32
    %c0_i32_1 = arith.constant 0 : i32
    return %c0_i32, %c0_i32_0 : i32, i32
  }
  func.func @transform_3(%arg0: i32) -> (i32, i32) {
    %c0_i32 = arith.constant 0 : i32
    %c0_i32_0 = arith.constant 0 : i32
    %c0_i32_1 = arith.constant 0 : i32
    return %c0_i32, %c0_i32_0 : i32, i32
  }
  func.func @transform_4(%arg0: i32) -> (i32, i32) {
    %c0_i32 = arith.constant 0 : i32
    %c0_i32_0 = arith.constant 0 : i32
    return %arg0, %c0_i32 : i32, i32
  }
  func.func @transform_5(%arg0: i32) -> (i32, i32) {
    %c0_i32 = arith.constant 0 : i32
    %c0_i32_0 = arith.constant 0 : i32
    return %arg0, %c0_i32 : i32, i32
  }
}

module attributes {stable_mosaic.version = 14 : i64} {
  func.func @body(%arg0: i32, %arg1: memref<2x1000x144xf32, #tpu.memory_space<vmem>>, %arg2: memref<1000x144xf32, #tpu.memory_space<vmem>>, %arg3: memref<1000x16xf32, #tpu.memory_space<vmem>>, %arg4: memref<1x128xf32, #tpu.memory_space<vmem>>, %arg5: memref<8x128xf32, #tpu.memory_space<vmem>>, %arg6: memref<1000x128xf32, #tpu.memory_space<vmem>>) attributes {dimension_semantics = [#tpu.dimension_semantics<arbitrary>], iteration_bounds = array<i64: 10>, scalar_prefetch = 0 : i64, scratch_operands = 0 : i64, tpu.core_type = #tpu.core_type<tc>, window_params = [{transform_indices = @transform_0, window_bounds = array<i64: 2, 1000, 144>}, {transform_indices = @transform_1, window_bounds = array<i64: 1000, 144>}, {transform_indices = @transform_2, window_bounds = array<i64: 1000, 16>}, {pipeline_mode = #tpu.pipeline_mode<synchronous>, transform_indices = @transform_3, window_bounds = array<i64: 1, 128>}, {pipeline_mode = #tpu.pipeline_mode<synchronous>, transform_indices = @transform_4, window_bounds = array<i64: 8, 128>}, {transform_indices = @transform_5, window_bounds = array<i64: 1000, 128>}]} {
    %get3A = arith.constant 0 : i32
    %get3A_0 = arith.constant 0 : i32
    %get3A_1 = arith.constant 0 : i32
    %get3A_2 = tpu.memref_slice %arg1[%get3A, %get3A_0, %get3A_1] : memref<2x1000x144xf32, #tpu.memory_space<vmem>> -> memref<1x1000x144xf32, #tpu.memory_space<vmem>>
    %get3A_3 = tpu.memref_squeeze %get3A_2 : memref<1x1000x144xf32, #tpu.memory_space<vmem>> -> memref<1000x144xf32, #tpu.memory_space<vmem>>
    %get3A_4 = arith.constant 0 : index
    %get3A_5 = arith.constant 0 : index
    %get3A_6 = vector.load %get3A_3[%get3A_4, %get3A_5] : memref<1000x144xf32, #tpu.memory_space<vmem>>, vector<1000x128xf32>
    %get3A_7 = arith.constant 1 : i32
    %get3A_8 = arith.constant 0 : i32
    %get3A_9 = arith.constant 0 : i32
    %get3A_10 = tpu.memref_slice %arg1[%get3A_7, %get3A_8, %get3A_9] : memref<2x1000x144xf32, #tpu.memory_space<vmem>> -> memref<1x1000x144xf32, #tpu.memory_space<vmem>>
    %get3A_11 = tpu.memref_squeeze %get3A_10 : memref<1x1000x144xf32, #tpu.memory_space<vmem>> -> memref<1000x144xf32, #tpu.memory_space<vmem>>
    %get3A_12 = arith.constant 0 : index
    %get3A_13 = arith.constant 0 : index
    %get3A_14 = vector.load %get3A_11[%get3A_12, %get3A_13] : memref<1000x144xf32, #tpu.memory_space<vmem>>, vector<1000x128xf32>
    %add3A = arith.addf %get3A_6, %get3A_14 : vector<1000x128xf32>
    %get3A_15 = arith.constant 0 : i32
    %get3A_16 = arith.constant 0 : i32
    %get3A_17 = arith.constant 0 : i32
    %get3A_18 = tpu.memref_slice %arg1[%get3A_15, %get3A_16, %get3A_17] : memref<2x1000x144xf32, #tpu.memory_space<vmem>> -> memref<1x1000x144xf32, #tpu.memory_space<vmem>>
    %get3A_19 = tpu.memref_squeeze %get3A_18 : memref<1x1000x144xf32, #tpu.memory_space<vmem>> -> memref<1000x144xf32, #tpu.memory_space<vmem>>
    %get3A_20 = arith.constant 0 : index
    %get3A_21 = arith.constant 128 : index
    %get3A_22 = vector.load %get3A_19[%get3A_20, %get3A_21] : memref<1000x144xf32, #tpu.memory_space<vmem>>, vector<1000x8xf32>
    %get3A_23 = arith.constant 1 : i32
    %get3A_24 = arith.constant 0 : i32
    %get3A_25 = arith.constant 0 : i32
    %get3A_26 = tpu.memref_slice %arg1[%get3A_23, %get3A_24, %get3A_25] : memref<2x1000x144xf32, #tpu.memory_space<vmem>> -> memref<1x1000x144xf32, #tpu.memory_space<vmem>>
    %get3A_27 = tpu.memref_squeeze %get3A_26 : memref<1x1000x144xf32, #tpu.memory_space<vmem>> -> memref<1000x144xf32, #tpu.memory_space<vmem>>
    %get3A_28 = arith.constant 0 : index
    %get3A_29 = arith.constant 128 : index
    %get3A_30 = vector.load %get3A_27[%get3A_28, %get3A_29] : memref<1000x144xf32, #tpu.memory_space<vmem>>, vector<1000x8xf32>
    %add3A_31 = arith.addf %get3A_22, %get3A_30 : vector<1000x8xf32>
    %get3A_32 = arith.constant 0 : index
    %get3A_33 = arith.constant 128 : index
    %get3A_34 = vector.load %arg2[%get3A_32, %get3A_33] : memref<1000x144xf32, #tpu.memory_space<vmem>>, vector<1000x8xf32>
    %get3A_35 = arith.constant 0 : index
    %get3A_36 = arith.constant 0 : index
    %get3A_37 = vector.load %arg3[%get3A_35, %get3A_36] : memref<1000x16xf32, #tpu.memory_space<vmem>>, vector<1000x8xf32>
    %add3A_38 = arith.addf %get3A_34, %get3A_37 : vector<1000x8xf32>
    %mul3A = arith.constant 2.000000e-01 : f32
    %mul3A_39 = vector.broadcast %mul3A : f32 to vector<1000x8xf32>
    %mul3A_40 = arith.mulf %mul3A_39, %add3A_38 : vector<1000x8xf32>
    %max3A = arith.maximumf %add3A_38, %mul3A_40 : vector<1000x8xf32>
    %exp3A = math.exp %max3A : vector<1000x8xf32>
    %get3A_41 = arith.constant 0 : index
    %get3A_42 = arith.constant 0 : index
    %get3A_43 = vector.load %arg2[%get3A_41, %get3A_42] : memref<1000x144xf32, #tpu.memory_space<vmem>>, vector<1000x128xf32>
    %get3A_44 = arith.constant 0 : index
    %get3A_45 = arith.constant 0 : index
    %get3A_46 = vector.load %arg5[%get3A_44, %get3A_45] : memref<8x128xf32, #tpu.memory_space<vmem>>, vector<8x128xf32>
    %dot_general3A = arith.constant dense<0.000000e+00> : vector<1000x128xf32>
    %dot_general3A_47 = tpu.matmul %exp3A, %get3A_46, %dot_general3A {dimension_numbers = #tpu.dot_dimension_numbers<[1], [0], [0], [1], [0, 0, 1, 1], [], []>, transpose_lhs_hint = false} : vector<1000x8xf32>, vector<8x128xf32>, vector<1000x128xf32> -> vector<1000x128xf32>
    %add3A_48 = arith.addf %add3A_31, %exp3A : vector<1000x8xf32>
    %get3A_49 = arith.constant 0 : index
    %get3A_50 = arith.constant 0 : index
    %get3A_51 = vector.load %arg5[%get3A_49, %get3A_50] : memref<8x128xf32, #tpu.memory_space<vmem>>, vector<8x128xf32>
    %dot_general3A_52 = arith.constant dense<0.000000e+00> : vector<1000x128xf32>
    %dot_general3A_53 = tpu.matmul %add3A_48, %get3A_51, %dot_general3A_52 {dimension_numbers = #tpu.dot_dimension_numbers<[1], [0], [0], [1], [0, 0, 1, 1], [], []>, transpose_lhs_hint = false} : vector<1000x8xf32>, vector<8x128xf32>, vector<1000x128xf32> -> vector<1000x128xf32>
    %mul3A_54 = arith.mulf %dot_general3A_47, %get3A_43 : vector<1000x128xf32>
    %add3A_55 = arith.addf %add3A, %mul3A_54 : vector<1000x128xf32>
    %add3A_56 = arith.constant 1.000000e-16 : f32
    %add3A_57 = vector.broadcast %add3A_56 : f32 to vector<1000x128xf32>
    %add3A_58 = arith.addf %dot_general3A_53, %add3A_57 : vector<1000x128xf32>
    %div3A = arith.divf %add3A_55, %add3A_58 : vector<1000x128xf32>
    %get3A_59 = arith.constant 0 : index
    %get3A_60 = arith.constant 0 : index
    %get3A_61 = vector.load %arg4[%get3A_59, %get3A_60] : memref<1x128xf32, #tpu.memory_space<vmem>>, vector<1x128xf32>
    %add3A_62 = vector.broadcast %get3A_61 : vector<1x128xf32> to vector<1000x128xf32>
    %add3A_63 = arith.addf %div3A, %add3A_62 : vector<1000x128xf32>
    %swap3A = arith.constant 0 : index
    %swap3A_64 = arith.constant 0 : index
    %swap3A_65 = vector.load %arg6[%swap3A, %swap3A_64] : memref<1000x128xf32, #tpu.memory_space<vmem>>, vector<1000x128xf32>
    tpu.vector_store %arg6[%swap3A, %swap3A_64], %add3A_63 {strides = array<i32>} : memref<1000x128xf32, #tpu.memory_space<vmem>>, vector<1000x128xf32>,
    return
  }
  func.func @transform_0(%arg0: i32) -> (i32, i32, i32) {
    %c0_i32 = arith.constant 0 : i32
    %c0_i32_0 = arith.constant 0 : i32
    %c0_i32_1 = arith.constant 0 : i32
    return %c0_i32, %arg0, %c0_i32_0 : i32, i32, i32
  }
  func.func @transform_1(%arg0: i32) -> (i32, i32) {
    %c0_i32 = arith.constant 0 : i32
    %c0_i32_0 = arith.constant 0 : i32
    return %arg0, %c0_i32 : i32, i32
  }
  func.func @transform_2(%arg0: i32) -> (i32, i32) {
    %c0_i32 = arith.constant 0 : i32
    %c0_i32_0 = arith.constant 0 : i32
    return %arg0, %c0_i32 : i32, i32
  }
  func.func @transform_3(%arg0: i32) -> (i32, i32) {
    %c0_i32 = arith.constant 0 : i32
    %c0_i32_0 = arith.constant 0 : i32
    %c0_i32_1 = arith.constant 0 : i32
    return %c0_i32, %c0_i32_0 : i32, i32
  }
  func.func @transform_4(%arg0: i32) -> (i32, i32) {
    %c0_i32 = arith.constant 0 : i32
    %c0_i32_0 = arith.constant 0 : i32
    %c0_i32_1 = arith.constant 0 : i32
    return %c0_i32, %c0_i32_0 : i32, i32
  }
  func.func @transform_5(%arg0: i32) -> (i32, i32) {
    %c0_i32 = arith.constant 0 : i32
    %c0_i32_0 = arith.constant 0 : i32
    return %arg0, %c0_i32 : i32, i32
  }
}

</mosaic_0001>

<sc_bundles>
// kernel: kernel.5.cloned.1.call-start
scs
__scs_entry_jumppad:
0x0: {  	(pc) =	sbr.rel $0x88, $3  }
0x1: {  	(tag) =	ssettag $0x0;
	lr =	simm.s32 $0x1  }
0x2: {  	[smem:$0x3F9B] =	sst lr;
	_ =	strace $0xD0000000  }
0x3: {  	_ = 	snop  }
0x4: {  	_ = 	snop  }
0x5: {  	_ = 	snop  }
0x6: {  	_ = 	snop  }
0x7: {  	_ = 	snop  }
__scs_overlays_trampoline_lowered:
0x8: {  	[smem:$0x3FAA] =	sst s0  }
0x9: {  	[smem:$0x3FAB] =	sst s1  }
0xa: {  	[smem:$0x3FAC] =	sst s2  }
0xb: {  	[smem:$0x3FAD] =	sst s3  }
0xc: {  	[smem:$0x3FAE] =	sst s4  }
0xd: {  	[smem:$0x3FAF] =	sst s5  }
0xe: {  	[smem:$0x3FB0] =	sst s6  }
0xf: {  	[smem:$0x3FB1] =	sst s7  }
0x10: {  	[smem:$0x3FB2] =	sst s8  }
0x11: {  	[smem:$0x3FB3] =	sst s9;
	s0 =	simm.s32 @!p0 $0x0  }
0x12: {  	s1 =	sld [smem:$0x3F99];
	s0 =	simm.s32 @p0 $0x1  }
0x13: {  	[smem:$0x3FB4] =	sst s0;
	s0 =	simm.s32 @!p1 $0x0  }
0x14: {  	s2 =	sld [smem:$0x3F98];
	s0 =	simm.s32 @p1 $0x1  }
0x15: {  	[smem:$0x3FB5] =	sst s0;
	s0 =	simm.s32 @!p2 $0x0  }
0x16: {  	s3 =	sld [smem:$0x3FDB];
	s0 =	simm.s32 @p2 $0x1  }
0x17: {  	s4 =	simm.s32 $0x1BF5;
	[smem:$0x3FB7] =	sst s0  }
0x18: {  	s0 =	sld [smem:$0x3F9A];
	_ =	swait.ge [sflag:s4], $0x0  }
0x19: {  	s7 =	sld [smem:$0x3F9B]  }
0x1a: {  	s8 =	sadd.s32 $0xFFFFE003, lr  }
0x1b: {  	s9 =	sadd.s32 $0xFFFFFEF7, lr;
	s5 =	simm.s32 $0xFFFFFFFF;
	p2 =	slt.u32 s8, $0xFFFFF086  }
0x1c: {  	p1 =	slt.u32 s9, $0xF7A;
	s5 =	simm.s32 @!p2 $0x0  }
0x1d: {  	s5 =	simm.s32 @p1 $0x1;
	p0 =	seq.s32 s7, s2  }
0x1e: {  	s7 =	smul.u32 @!p0 $0xF7A, s2;
	p2 =	seq.s32 @!p0 s5, $0x0  }
0x1f: {  	s9 =	smul.u32 $0xF7A, s1;
	s8 =	simm.s32 @!p0 $0x1BF5;
	p2 =	por !p2, p0  }
0x20: {  	[sflag:s8] =	ssyncset.s32 @!p0 $0xFFFFF086;
	s6 =	sadd.s32 @!p0 s3, s7;
	s7 =	simm.s32 @!p0 $0x108  }
0x21: {  	s3 =	sadd.s32 s3, s9;
	s6 =	sadd.s32 @!p0 $0x88, s6;
	s7 =	simm.s32 @p2 $0x1082  }
0x22: {  	[simem:s7], [sflag:s8] =	dma.local @!p0 [hbm:s6], $0xF7A  }
0x23: {  	s9 =	sor.u32 $0xD0000000, s2;
	s6 =	simm.s32 $0x108;
	_ =	swait.ge @!p0 [sflag:s8], $0x0  }
0x24: {  	s3 =	sadd.s32 $0x88, s3;
	s6 =	simm.s32 @!p1 $0x1082;
	[sflag:s4] =	ssyncset.s32 $0xFFFFF086  }
0x25: {  	[simem:s6], [sflag:s4] =	dma.local [hbm:s3], $0xF7A  }
0x26: {  	[smem:$0x3F9B] =	sst s1;
	(tag) =	ssettag s2;
	_ =	strace s9  }
0x27: {  	s1 =	sld [smem:$0x3FAB]  }
0x28: {  	s2 =	sld [smem:$0x3FAC]  }
0x29: {  	s4 =	sld [smem:$0x3FAE]  }
0x2a: {  	p0 =	seq.s32 s5, $0x0;
	s5 =	sld [smem:$0x3FAF]  }
0x2b: {  	s6 =	sld [smem:$0x3FB0]  }
0x2c: {  	s7 =	sld [smem:$0x3FB1]  }
0x2d: {  	s3 =	simm.s32 $0x108;
	s8 =	sld [smem:$0x3FB2]  }
0x2e: {  	s3 =	simm.s32 @!p0 $0x1082;
	s9 =	sld [smem:$0x3FB3]  }
0x2f: {  	lr =	sadd.s32 s0, s3;
	s0 =	sld [smem:$0x3FAA]  }
0x30: {  	s3 =	sld [smem:$0x3FAD]  }
0x31: {  	[smem:$0x3FB6] =	sst s10  }
0x32: {  	s10 =	sld [smem:$0x3FB4];
	_ =	sdelay $0x3  }
0x33: {  	p0 =	seq.s32 s10, $0x1;
	s10 =	sld [smem:$0x3FB6];
	_ =	sdelay $0x3  }
0x34: {  	[smem:$0x3FB6] =	sst s10  }
0x35: {  	s10 =	sld [smem:$0x3FB5];
	_ =	sdelay $0x3  }
0x36: {  	p1 =	seq.s32 s10, $0x1;
	s10 =	sld [smem:$0x3FB6];
	_ =	sdelay $0x3  }
0x37: {  	[smem:$0x3FB6] =	sst s10  }
0x38: {  	s10 =	sld [smem:$0x3FB7]  }
0x39: {  	_ = 	snop;
	(pc) =	sbr.ind lr, $3  }
0x3a: {  	_ = 	snop  }
0x3b: {  	_ = 	snop  }
0x3c: {  	p2 =	seq.s32 s10, $0x1;
	s10 =	sld [smem:$0x3FB6]  }
0x3d: {  	_ =	shalt  }
0x3e: {  	_ =	shalt  }
0x3f: {  	_ =	shalt  }
0x40: {  	_ =	shalt  }
0x41: {  	_ =	shalt  }
0x42: {  	_ =	shalt  }
0x43: {  	_ =	shalt  }
0x44: {  	_ =	shalt  }
0x45: {  	_ =	shalt  }
0x46: {  	_ =	shalt  }
0x47: {  	_ =	shalt  }
0x48: {  	_ =	shalt  }
0x49: {  	_ =	shalt  }
0x4a: {  	_ =	shalt  }
0x4b: {  	_ =	shalt  }
0x4c: {  	_ =	shalt  }
0x4d: {  	_ =	shalt  }
0x4e: {  	_ =	shalt  }
0x4f: {  	_ =	shalt  }
0x50: {  	_ =	shalt  }
0x51: {  	_ =	shalt  }
0x52: {  	_ =	shalt  }
0x53: {  	_ =	shalt  }
0x54: {  	_ =	shalt  }
0x55: {  	_ =	shalt  }
0x56: {  	_ =	shalt  }
0x57: {  	_ =	shalt  }
0x58: {  	_ =	shalt  }
0x59: {  	_ =	shalt  }
0x5a: {  	_ =	shalt  }
0x5b: {  	_ =	shalt  }
0x5c: {  	_ =	shalt  }
0x5d: {  	_ =	shalt  }
0x5e: {  	_ =	shalt  }
0x5f: {  	_ =	shalt  }
0x60: {  	_ =	shalt  }
0x61: {  	_ =	shalt  }
0x62: {  	_ =	shalt  }
0x63: {  	_ =	shalt  }
0x64: {  	_ =	shalt  }
0x65: {  	_ =	shalt  }
0x66: {  	_ =	shalt  }
0x67: {  	_ =	shalt  }
0x68: {  	_ =	shalt  }
0x69: {  	_ =	shalt  }
0x6a: {  	_ =	shalt  }
0x6b: {  	_ =	shalt  }
0x6c: {  	_ =	shalt  }
0x6d: {  	_ =	shalt  }
0x6e: {  	_ =	shalt  }
0x6f: {  	_ =	shalt  }
0x70: {  	_ =	shalt  }
0x71: {  	_ =	shalt  }
0x72: {  	_ =	shalt  }
0x73: {  	_ =	shalt  }
0x74: {  	_ =	shalt  }
0x75: {  	_ =	shalt  }
0x76: {  	_ =	shalt  }
0x77: {  	_ =	shalt  }
0x78: {  	_ =	shalt  }
0x79: {  	_ =	shalt  }
0x7a: {  	_ =	shalt  }
0x7b: {  	_ =	shalt  }
0x7c: {  	_ =	shalt  }
0x7d: {  	_ =	shalt  }
0x7e: {  	_ =	shalt  }
0x7f: {  	_ =	shalt  }
0x80: {  	_ =	shalt  }
0x81: {  	_ =	shalt  }
0x82: {  	_ =	shalt  }
0x83: {  	_ =	shalt  }
0x84: {  	_ =	shalt  }
0x85: {  	_ =	shalt  }
0x86: {  	_ =	shalt  }
0x87: {  	_ =	shalt  }
.Lfunc_end0:
.L_simem_size_0:
called_computation_lowered:
.L_overlay_start_0:
0x88: {  	s2 =	sld [smem:$0x3FD9]  }
0x89: {  	s3 =	sld [smem:$0x3FFE];
	_ =	sdelay $0x1  }
0x8a: {  	s1 =	srdreg.scid  }
0x8b: {  	s0 =	sand.u32 $0x1, s1  }
0x8c: {  	s17 =	sshll.u32 s0, $0xA;
	s2 =	sadd.s32 s3, s2  }
0x8d: {  	s2 =	sadd.s32 s2, s17  }
0x8e: {  	[smem:$0x3FC2] =	sst s2  }
0x8f: {  	_ = 	snop  }
0x90: {  	s2 =	sld [smem:$0x3FD0];
	(tm) =	ssettm $0x1  }
0x91: {  	s18 =	sld [smem:$0x3FFB];
	_ =	sdelay $0x3  }
0x92: {  	_ =	strace s18  }
0x93: {  	s3 =	sld [smem:$0x3FFC];
	_ =	sdelay $0x3  }
0x94: {  	_ =	strace s3  }
0x95: {  	s3 =	sld [smem:$0x3FFD];
	_ =	sdelay $0x3  }
0x96: {  	_ =	strace s3  }
0x97: {  	_ =	strace $0x8FFFFFFF  }
0x98: {  	s19 =	sld [smem:$0x3FDB];
	_ =	sdelay $0x1  }
0x99: {  	s4 =	simm.s32 $_scs_section_size  }
0x9a: {  	s5 =	simm.s32 $_size__tile_overlayer_lowered;
	s6 =	simm.s32 $_tile_overlayer_lowered  }
0x9b: {  	s22 =	simm.s32 $0x1BFF;
	s21 =	sshll.u32 s6, $0x1;
	s3 =	sadd.s32 s4, s19  }
0x9c: {  	s7 =	simm.s32 $0x0;
	s20 =	sshll.u32 s5, $0x1;
	s5 =	sadd.s32 s21, s3  }
0x9d: {  	[timem:s7], [sflag:s22] =	dma.local [hbm:s5], s20  }
0x9e: {  	_ =	swait.ge [sflag:s22], s20  }
0x9f: {  	s4 =	ssub.s32 $0x0, s20;
	[sflag:s22] =	ssyncset.done $0x0  }
0xa0: {  	[sflag:s22] =	ssyncadd.s32 s4;
	_ =	sdelay $0x1  }
0xa1: {  	s23 =	simm.s32 $0x1B8B  }
0xa2: {  	_ =	swait.ge [sflag:s23], $0x1  }
0xa3: {  	[sflag:s23] =	ssyncset.done $0x0  }
0xa4: {  	s25 =	simm.s32 $0x1B8E;
	s24 =	sld [smem:$0x3FFE];
	[sflag:s23] =	ssyncadd.s32 $0xFFFFFFFF  }
0xa5: {  	s26 =	simm.s32 $execute0_lowered;
	[smem:$0x3FD2] =	sst s25  }
0xa6: {  	s5 =	sshll.u32 s26, $0x1;
	_ =	strace $0x80000046;
	[dreg:$0x1] =	wrdreg $0xFFFFFFFF  }
0xa7: {  	s28 =	simm.s32 $_size_execute0_lowered;
	s3 =	sadd.s32 s3, s5;
	[dreg:$0x0] =	wrdreg $0x0  }
0xa8: {  	s5 =	sshll.u32 s28, $0x1;
	[dreg:$0x2] =	wrdreg s3  }
0xa9: {  	[dreg:$0x3] =	wrdreg s5  }
0xaa: {  	[dreg:$0x4] =	wrdreg $0xC0  }
0xab: {  	_ =	task [dreg:s7], $0x5FFFF  }
0xac: {  	[dreg:$0x1] =	wrdreg $0xFFFFFFFF  }
0xad: {  	[dreg:$0x0] =	wrdreg $0x60  }
0xae: {  	[dreg:$0x2] =	wrdreg s2  }
0xaf: {  	[dreg:$0x3] =	wrdreg s24  }
0xb0: {  	[dreg:$0x4] =	wrdreg $0x9B000  }
0xb1: {  	[dreg:$0x5] =	wrdreg $0x9  }
0xb2: {  	_ =	task.clear_ibuf [dreg:s7], $0x6FFFF;
	_ =	strace $0x90000046  }
0xb3: {  	s29 =	simm.s32 $0x9;
	_ =	strace $0x80000048  }
0xb4: {  	_ =	swait.ge [sflag:s29], $0x1  }
0xb5: {  	[sflag:s29] =	ssyncadd.s32 $0xFFFFFFFF  }
0xb6: {  	_ =	strace $0x90000048  }
0xb7: {  	_ =	sfence  }
0xb8: {  	s30 =	sld [smem:$0x0];
	_ =	sdelay $0x2  }
0xb9: {  	s31 =	sshll.u32 s1, $0xD;
	s1 =	sshrl.u32 s1, $0x2  }
0xba: {  	s3 =	sand.u32 $0x4000, s31;
	s1 =	sadd.s32 s1, s30  }
0xbb: {  	s0 =	sor.u32 s3, s0;
	s1 =	sshll.u32 s1, $0x11  }
0xbc: {  	s0 =	sor.u32 s1, s0  }
0xbd: {  	s0 =	sadd.s32 $0x8F2B, s0  }
0xbe: {  	[sflag:s0] =	ssyncadd.remote.s32 $0x1  }
0xbf: {  	_ =	sfence.sel $0xFFFF  }
0xc0: {  	[dreg:$0x0] =	wrdreg $0xFFFFFFFF;
	(pc) =	sbr.abs _section_cstart, $3  }
0xc1: {  	[dreg:$0x1] =	wrdreg $0xFFFFFFFF  }
0xc2: {  	_ =	task.clear_ibuf [dreg:s7], $0x2FFFF;
	_ =	strace $0x9FFFFFFF  }
0xc3: {  	(tm) =	ssettm $0x7FFFFFFF  }
tec
execute0_lowered:
.L_overlay_start_1:
0x0: {  	(tag) =	ssettag $0x1  }
0x1: {  	s1 =	rddreg [dreg:$0x0]  }
0x2: {  	s0 =	rddreg [dreg:$0x1];
	s2 =	srdreg.scid  }
0x3: {  	s9 =	stileid.u32;
	s3 =	rddreg [dreg:$0x2]  }
0x4: {  	s5 =	simm.s32 $0x0;
	s29 =	simm.s32 $0x370;
	s30 =	simm.s32 $0x3200  }
0x5: {  	s31 =	simm.s32 $0x460;
	s28 =	simm.s32 $0x9600;
	s11 =	simm.s32 $0x3  }
0x6: {  	s12 =	simm.s32 $0x5;
	s13 =	simm.s32 $0x6;
	s4 =	smul.u32 $0x16380, s9  }
0x7: {  	s2 =	sand.u32 $0x1, s2;
	[smem:$0x7FF] =	sst s5;
	s8 =	smul.u32 $0x58E00, s9  }
0x8: {  	s5 =	sadd.s32 $0x5A00, s0;
	s9 =	sshll.u32 s9, $0x1;
	s6 =	smul.u32 $0x163800, s2  }
0x9: {  	_ =	strace $0x80000047;
	s14 =	ssub.s32 $0x2, s2;
	s2 =	sor.u32 s2, s9  }
0xa: {  	s9 =	simm.s32 $0x2;
	s10 =	sshrl.u32 s14, $0x1;
	s8 =	sshrl.u32 s8, $0x2  }
0xb: {  	s17 =	sadd.s32 s4, s3;
	s7 =	sadd.s32 s4, s6;
	s16 =	sadd.s32 s8, s3  }
0xc: {  	s6 =	sadd.s32 $0xA00, s0;
	[dreg:$0x4] =	wrdreg s17;
	s18 =	sadd.s32 $0x2D00, s16  }
0xd: {  	s15 =	ssub.s32 s14, s10;
	s19 =	sadd.s32 $0x5A00, s16;
	[dreg:$0x5] =	wrdreg s18  }
0xe: {  	s4 =	simm.s32 $0x4B0;
	s20 =	sadd.s32 $0x8700, s16;
	[dreg:$0x6] =	wrdreg s19  }
0xf: {  	s10 =	simm.s32 $0x4;
	s21 =	sadd.s32 $0xB400, s16;
	[dreg:$0x7] =	wrdreg s20  }
0x10: {  	s14 =	simm.s32 $0x0;
	s23 =	sadd.s32 $0xE100, s16;
	[dreg:$0x8] =	wrdreg s21  }
0x11: {  	s7 =	sshrl.u32 s7, $0x3;
	s24 =	sadd.s32 $0x10E00, s16;
	[dreg:$0x9] =	wrdreg s23  }
0x12: {  	s25 =	sadd.s32 $0x13B00, s16;
	s26 =	smax.u32 s15, $0x1;
	[dreg:$0xa] =	wrdreg s24  }
0x13: {  	s0 =	sadd.s32 s7, s0;
	s7 =	smul.u32 $0x2710, s2;
	[dreg:$0xc] =	wrdreg s25  }
0x14: {  	[dreg:$0xf] =	wrdreg s26;
	s20 =	simm.s32 $0x500;
	s21 =	simm.s32 $0x8  }
0x15: {  	s24 =	simm.s32 $0x50;
	s19 =	simm.s32 $0x320;
	s26 =	simm.s32 $0x410  }
0x16: {  	s23 =	simm.s32 $0x1;
	s0 =	sadd.s32 $0x31A00, s0;
	s22 =	sshrl.u32 s7, $0x3  }
0x17: {  	s25 =	simm.s32 $0x5F00;
	[dreg:$0xe] =	wrdreg s0;
	s2 =	sadd.s32 s1, s22  }
0x18: {  	s0 =	simm.s32 $0x3C0;
	[dreg:$0xb] =	wrdreg s2;
	s2 =	sadd.s32 $0x32, s2  }
0x19: {  	v0 =	vimm.f32 $0.0e+00;
	s22 =	simm.s32 $0x8C00;
	[dreg:$0xd] =	wrdreg s2;
	s2 =	simm.s32 $0x9100  }
.LBB2_1:
0x1a: {  	s15 =	simm.s32 $0x0;
	s16 =	simm.s32 $0x240  }
.LBB2_2:
0x1b: {  	p0 =	sne.s32 s16, $0xB1C0;
	[tilespmem:s15+$0x580] =	vst v0  }
0x1c: {  	[tilespmem:s15+$0x500] =	vst v0  }
0x1d: {  	[tilespmem:s15+$0x510] =	vst v0  }
0x1e: {  	[tilespmem:s15+$0x520] =	vst v0  }
.Ltmp0:
0x1f: {  	[tilespmem:s15+$0x530] =	vst v0;
	(pc) =	sbr.rel @p0 .LBB2_2-.Ltmp0, $4  }
0x20: {  	[tilespmem:s15+$0x540] =	vst v0  }
0x21: {  	[tilespmem:s15+$0x550] =	vst v0  }
0x22: {  	[tilespmem:s15+$0x560] =	vst v0  }
0x23: {  	[tilespmem:s15+$0x570] =	vst v0;
	s15 =	sshra.s32 s16, $0x2;
	s16 =	sadd.s32 $0x240, s16  }
0x24: {  	[tilespmem:s15+$0x580] =	vst v0  }
0x25: {  	[tilespmem:s15+$0x500] =	vst v0  }
0x26: {  	[tilespmem:s15+$0x510] =	vst v0  }
0x27: {  	[tilespmem:s15+$0x520] =	vst v0  }
0x28: {  	[tilespmem:s15+$0x530] =	vst v0  }
0x29: {  	[tilespmem:s15+$0x540] =	vst v0  }
0x2a: {  	[tilespmem:s15+$0x550] =	vst v0  }
0x2b: {  	[tilespmem:s15+$0x560] =	vst v0  }
0x2c: {  	[tilespmem:s15+$0x570] =	vst v0  }
0x2d: {  	[spmem:s17] =	stream.linear.scatter [tilespmem:s20], [sflag:$0x8], $0x2D00, $0x38;
	[tilespmem:$0x1FE80] =	vst v63  }
0x2e: {  	_ =	swait.ge [sflag:s21], $0x2D00  }
0x2f: {  	[sflag:s21] =	ssyncset.done $0x0  }
0x30: {  	s8 =	rddreg [dreg:$0x5];
	[sflag:s21] =	ssyncadd.s32 $0xFFFFD300  }
0x31: {  	[spmem:s8] =	stream.linear.scatter [tilespmem:s20], [sflag:$0x8], $0x2D00, $0x38;
	[tilespmem:$0x1FE80] =	vst v63  }
0x32: {  	_ =	swait.ge [sflag:s21], $0x2D00  }
0x33: {  	[sflag:s21] =	ssyncset.done $0x0  }
0x34: {  	s18 =	rddreg [dreg:$0x6];
	[sflag:s21] =	ssyncadd.s32 $0xFFFFD300  }
0x35: {  	[spmem:s18] =	stream.linear.scatter [tilespmem:s20], [sflag:$0x8], $0x2D00, $0x38;
	[tilespmem:$0x1FE80] =	vst v63  }
0x36: {  	_ =	swait.ge [sflag:s21], $0x2D00  }
0x37: {  	[sflag:s21] =	ssyncset.done $0x0  }
0x38: {  	s15 =	rddreg [dreg:$0x7];
	[sflag:s21] =	ssyncadd.s32 $0xFFFFD300  }
0x39: {  	[spmem:s15] =	stream.linear.scatter [tilespmem:s20], [sflag:$0x8], $0x2D00, $0x38;
	[tilespmem:$0x1FE80] =	vst v63  }
0x3a: {  	_ =	swait.ge [sflag:s21], $0x2D00  }
0x3b: {  	[sflag:s21] =	ssyncset.done $0x0  }
0x3c: {  	s16 =	rddreg [dreg:$0x8];
	[sflag:s21] =	ssyncadd.s32 $0xFFFFD300  }
0x3d: {  	[spmem:s16] =	stream.linear.scatter [tilespmem:s20], [sflag:$0x8], $0x2D00, $0x38;
	[tilespmem:$0x1FE80] =	vst v63  }
0x3e: {  	_ =	swait.ge [sflag:s21], $0x2D00  }
0x3f: {  	[sflag:s21] =	ssyncset.done $0x0  }
0x40: {  	s17 =	rddreg [dreg:$0x9];
	[sflag:s21] =	ssyncadd.s32 $0xFFFFD300  }
0x41: {  	[spmem:s17] =	stream.linear.scatter [tilespmem:s20], [sflag:$0x8], $0x2D00, $0x38;
	[tilespmem:$0x1FE80] =	vst v63  }
0x42: {  	_ =	swait.ge [sflag:s21], $0x2D00  }
0x43: {  	[sflag:s21] =	ssyncset.done $0x0  }
0x44: {  	s18 =	rddreg [dreg:$0xa];
	[sflag:s21] =	ssyncadd.s32 $0xFFFFD300  }
0x45: {  	[spmem:s18] =	stream.linear.scatter [tilespmem:s20], [sflag:$0x8], $0x2D00, $0x38;
	[tilespmem:$0x1FE80] =	vst v63  }
0x46: {  	_ =	swait.ge [sflag:s21], $0x2D00  }
0x47: {  	[sflag:s21] =	ssyncset.done $0x0  }
0x48: {  	s15 =	rddreg [dreg:$0xc];
	[sflag:s21] =	ssyncadd.s32 $0xFFFFD300  }
0x49: {  	[spmem:s15] =	stream.linear.scatter [tilespmem:s20], [sflag:$0x8], $0x2880, $0x38;
	[tilespmem:$0x1FE80] =	vst v63  }
0x4a: {  	_ =	swait.ge [sflag:s21], $0x2880  }
0x4b: {  	[sflag:s21] =	ssyncset.done $0x0  }
0x4c: {  	[sflag:s21] =	ssyncadd.s32 $0xFFFFD780  }
0x4d: {  	[bflag:$0x0] =	sbarrier.arrive $0xFFFF  }
0x4e: {  	s8 =	simm.s32 $0x0;
	s17 =	simm.s32 $0x7;
	s16 =	rddreg [dreg:$0xb]  }
0x4f: {  	[tilespmem:s8], [sflag:$0x7] =	stream.linear.gather [hbm4b:s16+s8], $0x190, $0x38;
	[tilespmem:$0x1FE80] =	vst v63  }
0x50: {  	_ =	swait.ge [sflag:s17], $0x190  }
0x51: {  	[sflag:s17] =	ssyncset.done $0x0  }
0x52: {  	s16 =	simm.s32 $0x190;
	s18 =	rddreg [dreg:$0xd];
	[sflag:s17] =	ssyncadd.s32 $0xFFFFFE70  }
0x53: {  	[tilespmem:s16], [sflag:$0x7] =	stream.linear.gather [hbm4b:s18+s8], $0x190, $0x38;
	[tilespmem:$0x1FE80] =	vst v63  }
0x54: {  	v1 =	vld [tilespmem:$0x0];
	_ =	sdelay $0x1  }
0x55: {  	v2 =	vld [tilespmem:$0x10];
	_ =	sdelay $0x1  }
0x56: {  	v3 =	vld [tilespmem:$0x20]  }
0x57: {  	v4 =	vand.u32 $0xFFFF, v1  }
0x58: {  	v1 =	vshra.s32 v1, $0x10;
	[tilespmem:$0x320] =	vst v4;
	v4 =	vld [tilespmem:$0x30]  }
0x59: {  	[tilespmem:$0x410] =	vst v1;
	v1 =	vand.u32 $0xFFFF, v2  }
0x5a: {  	[tilespmem:$0x330] =	vst v1;
	v1 =	vshra.s32 v2, $0x10;
	v2 =	vld [tilespmem:$0x40]  }
0x5b: {  	[tilespmem:$0x420] =	vst v1;
	v1 =	vand.u32 $0xFFFF, v3  }
0x5c: {  	[tilespmem:$0x340] =	vst v1;
	v1 =	vshra.s32 v3, $0x10  }
0x5d: {  	[tilespmem:$0x430] =	vst v1;
	v1 =	vand.u32 $0xFFFF, v4  }
0x5e: {  	[tilespmem:$0x350] =	vst v1;
	v1 =	vshra.s32 v4, $0x10  }
0x5f: {  	[tilespmem:$0x440] =	vst v1;
	v1 =	vand.u32 $0xFFFF, v2  }
0x60: {  	[tilespmem:$0x360] =	vst v1;
	v1 =	vshra.s32 v2, $0x10  }
0x61: {  	[tilespmem:$0x450] =	vst v1  }
0x62: {  	[tilespmem:s20], [sflag:$0x1] =	stream.indirect.gather [hbm4b:s5+s24], $0x90, s19, s24, $0xb8;
	[tilespmem:$0x1FE80] =	vst v63  }
0x63: {  	_ = 	snop  }
0x64: {  	[tilespmem:s22], [sflag:$0x1] =	stream.indirect.gather [hbm4b:s6+s24], $0x10, s26, s24, $0xb8;
	[tilespmem:$0x1FE80] =	vst v63  }
0x65: {  	v1 =	vld [tilespmem:$0x50];
	_ =	sdelay $0x1  }
0x66: {  	v2 =	vld [tilespmem:$0x60];
	_ =	sdelay $0x1  }
0x67: {  	v3 =	vld [tilespmem:$0x70]  }
0x68: {  	v4 =	vand.u32 $0xFFFF, v1  }
0x69: {  	v1 =	vshra.s32 v1, $0x10;
	[tilespmem:$0x370] =	vst v4;
	v4 =	vld [tilespmem:$0x80]  }
0x6a: {  	[tilespmem:$0x460] =	vst v1;
	v1 =	vand.u32 $0xFFFF, v2  }
0x6b: {  	[tilespmem:$0x380] =	vst v1;
	v1 =	vshra.s32 v2, $0x10;
	v2 =	vld [tilespmem:$0x90]  }
0x6c: {  	[tilespmem:$0x470] =	vst v1;
	v1 =	vand.u32 $0xFFFF, v3  }
0x6d: {  	[tilespmem:$0x390] =	vst v1;
	v1 =	vshra.s32 v3, $0x10  }
0x6e: {  	[tilespmem:$0x480] =	vst v1;
	v1 =	vand.u32 $0xFFFF, v4  }
0x6f: {  	[tilespmem:$0x3A0] =	vst v1;
	v1 =	vshra.s32 v4, $0x10  }
0x70: {  	[tilespmem:$0x490] =	vst v1;
	v1 =	vand.u32 $0xFFFF, v2  }
0x71: {  	[tilespmem:$0x3B0] =	vst v1;
	v1 =	vshra.s32 v2, $0x10  }
0x72: {  	[tilespmem:$0x4A0] =	vst v1  }
0x73: {  	[tilespmem:s30], [sflag:$0x2] =	stream.indirect.gather [hbm4b:s5+s24], $0x90, s29, s24, $0xb8;
	[tilespmem:$0x1FE80] =	vst v63  }
0x74: {  	_ = 	snop  }
0x75: {  	[tilespmem:s2], [sflag:$0x2] =	stream.indirect.gather [hbm4b:s6+s24], $0x10, s31, s24, $0xb8;
	[tilespmem:$0x1FE80] =	vst v63  }
0x76: {  	_ =	swait.ge [sflag:s23], $0x2D00  }
0x77: {  	[sflag:s23] =	ssyncset.done $0x0  }
0x78: {  	[sflag:s23] =	ssyncadd.s32 $0xFFFFD300  }
0x79: {  	_ =	swait.ge [sflag:s23], $0x500  }
0x7a: {  	[sflag:s23] =	ssyncset.done $0x0  }
0x7b: {  	s16 =	simm.s32 $0x620;
	[sflag:s23] =	ssyncadd.s32 $0xFFFFFB00  }
0x7c: {  	s17 =	simm.s32 $0x8C20;
	v1 =	vld [tilespmem:s16+$0x110]  }
0x7d: {  	v2 =	vld [tilespmem:s17+$0x10]  }
0x7e: {  	v3 =	vld [tilespmem:s17+$0xFFFFFFE0]  }
0x7f: {  	v4 =	vld [tilespmem:s16+$0xFFFFFFF0]  }
0x80: {  	v6 =	vld [tilespmem:s17+$0xFFFFFFF0]  }
0x81: {  	v8 =	vld [tilespmem:s16+$0x80]  }
0x82: {  	v9 =	vld [tilespmem:s17+$0x0];
	v1 =	vadd.f32 v2, v1  }
0x83: {  	v35 =	vld [tilespmem:s16+$0xFFFFFEE0]  }
0x84: {  	v2 =	vld [tilespmem:s16+$0xFFFFFF60];
	v7 =	vmul.f32 $2.000000030e-01, v1  }
0x85: {  	v5 =	vld [tilespmem:s16+$0xFFFFFEF0];
	v4 =	vadd.f32 v6, v4  }
0x86: {  	v11 =	vld [tilespmem:s16+$0xFFFFFF50];
	v1 =	vmax.f32 v1, v7  }
0x87: {  	v13 =	vld [tilespmem:s16+$0xFFFFFF80];
	v10 =	vmul.f32 $2.000000030e-01, v4;
	v1 =	vmul.f32 $1.442695020e+00, v1  }
0x88: {  	v14 =	vld [tilespmem:s16+$0xFFFFFF90]  }
0x89: {  	v15 =	vld [tilespmem:s16+$0xFFFFFFA0];
	v2 =	vadd.f32 v3, v2;
	v3 =	vmax.f32 v4, v10;
	(erf) = vpow2.f32 v1  }
0x8a: {  	v21 =	vld [tilespmem:s16+$0x100];
	v12 =	vadd.f32 v9, v8;
	v3 =	vmul.f32 $1.442695020e+00, v3  }
0x8b: {  	v17 =	vld [tilespmem:s16+$0xFFFFFFB0]  }
0x8c: {  	v16 =	vld [tilespmem:s16+$0xFFFFFFC0];
	v4 =	vmul.f32 $2.000000030e-01, v12;
	(erf) = vpow2.f32 v3  }
0x8d: {  	v18 =	vld [tilespmem:s16+$0xFFFFFFD0];
	v1 =	vmul.f32 $2.000000030e-01, v2  }
0x8e: {  	v19 =	vld [tilespmem:s16+$0xFFFFFFE0];
	v4 =	vmax.f32 v12, v4  }
0x8f: {  	v20 =	vld [tilespmem:s16+$0x0];
	v1 =	vmax.f32 v2, v1;
	v2 =	vmul.f32 $1.442695020e+00, v4  }
0x90: {  	v25 =	vld [tilespmem:s16+$0x30];
	v1 =	vmul.f32 $1.442695020e+00, v1  }
0x91: {  	v26 =	vld [tilespmem:s16+$0x40];
	(erf) = vpow2.f32 v2  }
0x92: {  	v33 =	vld [tilespmem:s16+$0x50];
	(erf) = vpow2.f32 v1;
	v36 =	vpop (erf)  }
0x93: {  	v29 =	vld [tilespmem:s16+$0x60];
	v3 =	vbroadcast v36, $0x0;
	v22 =	vbroadcast v36, $0x7  }
0x94: {  	v27 =	vld [tilespmem:s16+$0xA0];
	v4 =	vbroadcast v36, $0x1;
	v2 =	vbroadcast v36, $0x2  }
0x95: {  	v24 =	vld [tilespmem:s16+$0xB0];
	v1 =	vbroadcast v36, $0x3;
	v31 =	vpop (erf);
	v34 =	vbroadcast v36, $0x4  }
0x96: {  	v37 =	vld [tilespmem:s16+$0x70];
	v43 =	vbroadcast v31, $0x0;
	v40 =	vbroadcast v31, $0x1  }
0x97: {  	v28 =	vld [tilespmem:s16+$0xC0];
	v42 =	vbroadcast v31, $0x2;
	v38 =	vbroadcast v31, $0x3  }
0x98: {  	v32 =	vld [tilespmem:s16+$0xE0];
	v44 =	vbroadcast v31, $0x4;
	v39 =	vbroadcast v31, $0x5  }
0x99: {  	v6 =	vld [tilespmem:s16+$0xFFFFFF00];
	v54 =	vbroadcast v31, $0x6;
	v52 =	vbroadcast v31, $0x7  }
0x9a: {  	v9 =	vld [tilespmem:s16+$0xFFFFFF20];
	[tilespmem:s16+$0xFFFFFFF0] =	vst v31;
	v31 =	vbroadcast v36, $0x5;
	v23 =	vmul.f32 v21, v22;
	v41 =	vpop (erf)  }
0x9b: {  	v8 =	vld [tilespmem:s16+$0xFFFFFF30];
	v53 =	vbroadcast v41, $0x0;
	v50 =	vbroadcast v41, $0x1  }
0x9c: {  	v7 =	vld [tilespmem:s16+$0xFFFFFF10];
	v51 =	vbroadcast v41, $0x2;
	v49 =	vbroadcast v41, $0x3  }
0x9d: {  	v10 =	vld [tilespmem:s16+$0xFFFFFF40];
	v48 =	vbroadcast v41, $0x4;
	v47 =	vbroadcast v41, $0x5  }
0x9e: {  	v12 =	vld [tilespmem:s16+$0xFFFFFF70];
	v30 =	vpop (erf);
	v46 =	vbroadcast v41, $0x6;
	v45 =	vbroadcast v41, $0x7  }
0x9f: {  	v21 =	vld [tilespmem:s16+$0x10];
	v62 =	vbroadcast v30, $0x0;
	v58 =	vbroadcast v30, $0x1  }
0xa0: {  	[tilespmem:s16+$0x110] =	vst v36;
	v22 =	vld [tilespmem:s16+$0x20];
	v61 =	vbroadcast v30, $0x2;
	v57 =	vbroadcast v30, $0x3  }
0xa1: {  	[tilespmem:s16+$0x100] =	vst v23;
	v23 =	vld [tilespmem:s16+$0x90];
	v60 =	vbroadcast v30, $0x4;
	v56 =	vbroadcast v30, $0x5  }
0xa2: {  	v59 =	vbroadcast v30, $0x6;
	v55 =	vbroadcast v30, $0x7;
	[tilespmem:s16+$0xFFFFFF60] =	vst v30;
	v30 =	vld [tilespmem:s16+$0xD0]  }
0xa3: {  	s15 =	simm.s32 $0x860;
	s18 =	simm.s32 $0x0;
	[tilespmem:s16+$0x80] =	vst v41;
	v41 =	vmul.f32 v62, v35;
	v35 =	vbroadcast v36, $0x6;
	v36 =	vld [tilespmem:s16+$0xF0]  }
.LBB2_4:
0xa4: {  	v62 =	vld [tilespmem:s15+$0x110];
	v5 =	vmul.f32 v58, v5;
	v6 =	vmul.f32 v61, v6;
	s17 =	sadd.s32 $0x40, s17  }
0xa5: {  	s18 =	sadd.s32 $0x4, s18;
	v7 =	vmul.f32 v7, v57;
	v9 =	vmul.f32 v9, v60;
	v58 =	vld [tilespmem:s17+$0x10];
	[tilespmem:s16+$0xFFFFFEE0] =	vst v41  }
0xa6: {  	p0 =	slt.u32 s18, $0x4C;
	v57 =	vld [tilespmem:s17+$0xFFFFFFE0];
	[tilespmem:s16+$0xFFFFFEF0] =	vst v5;
	v5 =	vmul.f32 v8, v56;
	v8 =	vmul.f32 v10, v59  }
0xa7: {  	v10 =	vld [tilespmem:s15+$0xFFFFFFF0];
	[tilespmem:s16+$0xFFFFFF00] =	vst v6;
	v6 =	vmul.f32 v11, v55;
	v11 =	vmul.f32 v43, v12  }
0xa8: {  	v12 =	vld [tilespmem:s17+$0xFFFFFFF0];
	[tilespmem:s16+$0xFFFFFF10] =	vst v7;
	v7 =	vmul.f32 v40, v13;
	v13 =	vmul.f32 v42, v14  }
0xa9: {  	v15 =	vmul.f32 v15, v38;
	v17 =	vmul.f32 v17, v44;
	v14 =	vld [tilespmem:s15+$0x80];
	[tilespmem:s16+$0xFFFFFF20] =	vst v9  }
0xaa: {  	v16 =	vmul.f32 v16, v39;
	v18 =	vmul.f32 v18, v54;
	v9 =	vld [tilespmem:s17+$0x0];
	v38 =	vadd.f32 v58, v62;
	[tilespmem:s16+$0xFFFFFF30] =	vst v5  }
0xab: {  	v19 =	vmul.f32 v19, v52;
	v20 =	vmul.f32 v53, v20;
	v39 =	vld [tilespmem:s15+$0xFFFFFF60];
	[tilespmem:s16+$0xFFFFFF40] =	vst v8  }
0xac: {  	v21 =	vmul.f32 v50, v21;
	v41 =	vld [tilespmem:s15+$0xFFFFFEE0];
	v8 =	vmul.f32 $2.000000030e-01, v38;
	[tilespmem:s16+$0xFFFFFF50] =	vst v6  }
0xad: {  	v22 =	vmul.f32 v51, v22;
	v25 =	vmul.f32 v25, v49;
	v5 =	vld [tilespmem:s15+$0xFFFFFEF0];
	v10 =	vadd.f32 v12, v10;
	[tilespmem:s16+$0xFFFFFF70] =	vst v11  }
0xae: {  	v26 =	vmul.f32 v26, v48;
	v33 =	vmul.f32 v33, v47;
	v6 =	vld [tilespmem:s15+$0xFFFFFF00];
	v8 =	vmax.f32 v38, v8;
	[tilespmem:s16+$0xFFFFFF80] =	vst v7  }
0xaf: {  	v7 =	vld [tilespmem:s15+$0xFFFFFF10];
	v11 =	vmul.f32 $2.000000030e-01, v10;
	v12 =	vadd.f32 v9, v14;
	v14 =	vmul.f32 $1.442695020e+00, v8;
	[tilespmem:s16+$0xFFFFFF90] =	vst v13  }
0xb0: {  	v29 =	vmul.f32 v29, v46;
	v37 =	vmul.f32 v37, v45;
	v13 =	vadd.f32 v57, v39;
	v9 =	vld [tilespmem:s15+$0xFFFFFF20];
	[tilespmem:s16+$0xFFFFFFA0] =	vst v15  }
0xb1: {  	v8 =	vld [tilespmem:s15+$0xFFFFFF30];
	v11 =	vmax.f32 v10, v11;
	v15 =	vmul.f32 $2.000000030e-01, v12;
	(erf) = vpow2.f32 v14;
	[tilespmem:s16+$0xFFFFFFB0] =	vst v17  }
0xb2: {  	v14 =	vmul.f32 $2.000000030e-01, v13;
	v10 =	vld [tilespmem:s15+$0xFFFFFF40];
	v17 =	vmul.f32 $1.442695020e+00, v11;
	[tilespmem:s16+$0xFFFFFFC0] =	vst v16  }
0xb3: {  	v23 =	vmul.f32 v3, v23;
	v27 =	vmul.f32 v4, v27;
	v11 =	vld [tilespmem:s15+$0xFFFFFF50];
	v15 =	vmax.f32 v12, v15;
	[tilespmem:s16+$0xFFFFFFD0] =	vst v18  }
0xb4: {  	v3 =	vmax.f32 v13, v14;
	v12 =	vld [tilespmem:s15+$0xFFFFFF70];
	v4 =	vmul.f32 $1.442695020e+00, v15;
	(erf) = vpow2.f32 v17;
	[tilespmem:s16+$0xFFFFFFE0] =	vst v19  }
0xb5: {  	v24 =	vmul.f32 v2, v24;
	v3 =	vmul.f32 $1.442695020e+00, v3;
	v13 =	vld [tilespmem:s15+$0xFFFFFF80];
	[tilespmem:s16+$0x0] =	vst v20  }
0xb6: {  	v28 =	vmul.f32 v28, v1;
	v14 =	vld [tilespmem:s15+$0xFFFFFF90];
	(erf) = vpow2.f32 v4;
	[tilespmem:s16+$0x10] =	vst v21  }
0xb7: {  	v30 =	vmul.f32 v30, v34;
	v15 =	vld [tilespmem:s15+$0xFFFFFFA0];
	(erf) = vpow2.f32 v3;
	[tilespmem:s16+$0x20] =	vst v22  }
0xb8: {  	v31 =	vmul.f32 v32, v31;
	v32 =	vmul.f32 v36, v35;
	v21 =	vld [tilespmem:s15+$0x100];
	[tilespmem:s16+$0x30] =	vst v25  }
0xb9: {  	v17 =	vld [tilespmem:s15+$0xFFFFFFB0];
	[tilespmem:s16+$0x40] =	vst v26  }
0xba: {  	v16 =	vld [tilespmem:s15+$0xFFFFFFC0];
	v35 =	vpop (erf);
	[tilespmem:s16+$0x50] =	vst v33  }
0xbb: {  	v18 =	vld [tilespmem:s15+$0xFFFFFFD0];
	v3 =	vbroadcast v35, $0x0;
	v22 =	vbroadcast v35, $0x7;
	[tilespmem:s16+$0x60] =	vst v29  }
0xbc: {  	v4 =	vbroadcast v35, $0x1;
	v2 =	vbroadcast v35, $0x2;
	v19 =	vld [tilespmem:s15+$0xFFFFFFE0];
	[tilespmem:s16+$0x70] =	vst v37  }
0xbd: {  	v1 =	vbroadcast v35, $0x3;
	v20 =	vld [tilespmem:s15+$0x0];
	v25 =	vmul.f32 v21, v22;
	v34 =	vpop (erf);
	[tilespmem:s16+$0x90] =	vst v23  }
0xbe: {  	v43 =	vbroadcast v34, $0x0;
	v40 =	vbroadcast v34, $0x1;
	v21 =	vld [tilespmem:s15+$0x10];
	[tilespmem:s16+$0xA0] =	vst v27  }
0xbf: {  	v42 =	vbroadcast v34, $0x2;
	v38 =	vbroadcast v34, $0x3;
	v22 =	vld [tilespmem:s15+$0x20];
	[tilespmem:s15+$0x100] =	vst v25;
	v36 =	vpop (erf)  }
0xc0: {  	v44 =	vbroadcast v34, $0x4;
	v39 =	vbroadcast v34, $0x5;
	v25 =	vld [tilespmem:s15+$0x30];
	v23 =	vpop (erf);
	[tilespmem:s16+$0xB0] =	vst v24  }
0xc1: {  	v62 =	vbroadcast v23, $0x0;
	v58 =	vbroadcast v23, $0x1;
	v26 =	vld [tilespmem:s15+$0x40];
	[tilespmem:s16+$0xC0] =	vst v28  }
0xc2: {  	v61 =	vbroadcast v23, $0x2;
	v57 =	vbroadcast v23, $0x3;
	v33 =	vld [tilespmem:s15+$0x50];
	[tilespmem:s16+$0xD0] =	vst v30  }
0xc3: {  	v60 =	vbroadcast v23, $0x4;
	v56 =	vbroadcast v23, $0x5;
	v29 =	vld [tilespmem:s15+$0x60];
	[tilespmem:s16+$0xE0] =	vst v31  }
0xc4: {  	v59 =	vbroadcast v23, $0x6;
	v55 =	vbroadcast v23, $0x7;
	v37 =	vld [tilespmem:s15+$0x70];
	[tilespmem:s16+$0xF0] =	vst v32;
	s16 =	smov.u32 s15  }
0xc5: {  	v54 =	vbroadcast v34, $0x6;
	v52 =	vbroadcast v34, $0x7;
	[tilespmem:s15+$0xFFFFFF60] =	vst v23;
	v23 =	vld [tilespmem:s15+$0x90]  }
0xc6: {  	v53 =	vbroadcast v36, $0x0;
	v50 =	vbroadcast v36, $0x1;
	[tilespmem:s15+$0xFFFFFFF0] =	vst v34;
	v27 =	vld [tilespmem:s15+$0xA0]  }
.Ltmp1:
0xc7: {  	v51 =	vbroadcast v36, $0x2;
	v49 =	vbroadcast v36, $0x3;
	[tilespmem:s15+$0x80] =	vst v36;
	v24 =	vld [tilespmem:s15+$0xB0];
	(pc) =	sbr.rel @p0 .LBB2_4-.Ltmp1, $4  }
0xc8: {  	v48 =	vbroadcast v36, $0x4;
	v47 =	vbroadcast v36, $0x5;
	[tilespmem:s15+$0x110] =	vst v35;
	v28 =	vld [tilespmem:s15+$0xC0]  }
0xc9: {  	v46 =	vbroadcast v36, $0x6;
	v45 =	vbroadcast v36, $0x7;
	v30 =	vld [tilespmem:s15+$0xD0]  }
0xca: {  	v31 =	vbroadcast v35, $0x5;
	v34 =	vbroadcast v35, $0x4;
	v32 =	vld [tilespmem:s15+$0xE0]  }
0xcb: {  	v41 =	vmul.f32 v62, v41;
	v35 =	vbroadcast v35, $0x6;
	s15 =	sadd.s32 $0x240, s15;
	v36 =	vld [tilespmem:s16+$0xF0]  }
0xcc: {  	v5 =	vmul.f32 v58, v5  }
0xcd: {  	v6 =	vmul.f32 v61, v6;
	[tilespmem:s16+$0xFFFFFEE0] =	vst v41  }
0xce: {  	v7 =	vmul.f32 v7, v57;
	[tilespmem:s16+$0xFFFFFEF0] =	vst v5  }
0xcf: {  	v3 =	vmul.f32 v3, v23;
	[tilespmem:s16+$0xFFFFFF00] =	vst v6  }
0xd0: {  	v4 =	vmul.f32 v4, v27;
	[tilespmem:s16+$0xFFFFFF10] =	vst v7  }
0xd1: {  	v2 =	vmul.f32 v2, v24;
	[tilespmem:s16+$0x90] =	vst v3  }
0xd2: {  	v1 =	vmul.f32 v28, v1;
	[tilespmem:s16+$0xA0] =	vst v4  }
0xd3: {  	v5 =	vmul.f32 v9, v60;
	[tilespmem:s16+$0xB0] =	vst v2  }
0xd4: {  	v6 =	vmul.f32 v8, v56;
	[tilespmem:s16+$0xC0] =	vst v1  }
0xd5: {  	v7 =	vmul.f32 v10, v59;
	[tilespmem:s16+$0xFFFFFF20] =	vst v5  }
0xd6: {  	v3 =	vmul.f32 v30, v34;
	[tilespmem:s16+$0xFFFFFF30] =	vst v6  }
0xd7: {  	v2 =	vmul.f32 v32, v31;
	[tilespmem:s16+$0xFFFFFF40] =	vst v7  }
0xd8: {  	v5 =	vmul.f32 v11, v55;
	[tilespmem:s16+$0xD0] =	vst v3  }
0xd9: {  	v6 =	vmul.f32 v43, v12;
	[tilespmem:s16+$0xE0] =	vst v2  }
0xda: {  	v7 =	vmul.f32 v40, v13;
	[tilespmem:s16+$0xFFFFFF50] =	vst v5  }
0xdb: {  	v1 =	vmul.f32 v36, v35;
	[tilespmem:s16+$0xFFFFFF70] =	vst v6  }
0xdc: {  	v5 =	vmul.f32 v42, v14;
	[tilespmem:s16+$0xFFFFFF80] =	vst v7  }
0xdd: {  	v6 =	vmul.f32 v15, v38;
	[tilespmem:s16+$0xF0] =	vst v1  }
0xde: {  	v7 =	vmul.f32 v17, v44;
	[tilespmem:s16+$0xFFFFFF90] =	vst v5  }
0xdf: {  	v5 =	vmul.f32 v16, v39;
	[tilespmem:s16+$0xFFFFFFA0] =	vst v6  }
0xe0: {  	v6 =	vmul.f32 v18, v54;
	[tilespmem:s16+$0xFFFFFFB0] =	vst v7  }
0xe1: {  	v7 =	vmul.f32 v19, v52;
	[tilespmem:s16+$0xFFFFFFC0] =	vst v5  }
0xe2: {  	v5 =	vmul.f32 v53, v20;
	[tilespmem:s16+$0xFFFFFFD0] =	vst v6  }
0xe3: {  	v6 =	vmul.f32 v50, v21;
	[tilespmem:s16+$0xFFFFFFE0] =	vst v7  }
0xe4: {  	v7 =	vmul.f32 v51, v22;
	[tilespmem:s16+$0x0] =	vst v5  }
0xe5: {  	v5 =	vmul.f32 v25, v49;
	[tilespmem:s16+$0x10] =	vst v6  }
0xe6: {  	v6 =	vmul.f32 v26, v48;
	[tilespmem:s16+$0x20] =	vst v7  }
0xe7: {  	v7 =	vmul.f32 v33, v47;
	[tilespmem:s16+$0x30] =	vst v5  }
0xe8: {  	v5 =	vmul.f32 v29, v46;
	[tilespmem:s16+$0x40] =	vst v6  }
0xe9: {  	v6 =	vmul.f32 v37, v45;
	[tilespmem:s16+$0x50] =	vst v7  }
0xea: {  	[tilespmem:s16+$0x60] =	vst v5  }
0xeb: {  	[tilespmem:s16+$0x70] =	vst v6  }
0xec: {  	[spmem:s3] =	stream.indirect.scatter.add.f32 [tilespmem:s20], [sflag:$0x4], $0x90, s26, s24, $0xb8;
	[tilespmem:$0x1FE80] =	vst v63  }
0xed: {  	v1 =	vld [tilespmem:$0xA0];
	_ =	sdelay $0x1  }
0xee: {  	v2 =	vld [tilespmem:$0xB0];
	_ =	sdelay $0x1  }
0xef: {  	v3 =	vld [tilespmem:$0xC0]  }
0xf0: {  	v4 =	vand.u32 $0xFFFF, v1  }
0xf1: {  	v1 =	vshra.s32 v1, $0x10;
	[tilespmem:$0x3C0] =	vst v4;
	v4 =	vld [tilespmem:$0xD0]  }
0xf2: {  	[tilespmem:$0x4B0] =	vst v1;
	v1 =	vand.u32 $0xFFFF, v2  }
0xf3: {  	[tilespmem:$0x3D0] =	vst v1;
	v1 =	vshra.s32 v2, $0x10;
	v2 =	vld [tilespmem:$0xE0]  }
0xf4: {  	[tilespmem:$0x4C0] =	vst v1;
	v1 =	vand.u32 $0xFFFF, v3  }
0xf5: {  	[tilespmem:$0x3E0] =	vst v1;
	v1 =	vshra.s32 v3, $0x10  }
0xf6: {  	[tilespmem:$0x4D0] =	vst v1;
	v1 =	vand.u32 $0xFFFF, v4  }
0xf7: {  	[tilespmem:$0x3F0] =	vst v1;
	v1 =	vshra.s32 v4, $0x10  }
0xf8: {  	[tilespmem:$0x4E0] =	vst v1;
	v1 =	vand.u32 $0xFFFF, v2  }
0xf9: {  	[tilespmem:$0x400] =	vst v1;
	v1 =	vshra.s32 v2, $0x10  }
0xfa: {  	[tilespmem:$0x4F0] =	vst v1  }
0xfb: {  	[tilespmem:s25], [sflag:$0x3] =	stream.indirect.gather [hbm4b:s5+s24], $0x90, s0, s24, $0xb8;
	[tilespmem:$0x1FE80] =	vst v63  }
0xfc: {  	_ = 	snop  }
0xfd: {  	[tilespmem:s28], [sflag:$0x3] =	stream.indirect.gather [hbm4b:s6+s24], $0x10, s4, s24, $0xb8;
	[tilespmem:$0x1FE80] =	vst v63  }
0xfe: {  	_ =	swait.ge [sflag:s9], $0x2D00  }
0xff: {  	[sflag:s9] =	ssyncset.done $0x0  }
0x100: {  	[sflag:s9] =	ssyncadd.s32 $0xFFFFD300  }
0x101: {  	_ =	swait.ge [sflag:s9], $0x500  }
0x102: {  	[sflag:s9] =	ssyncset.done $0x0  }
0x103: {  	s16 =	simm.s32 $0x3320;
	[sflag:s9] =	ssyncadd.s32 $0xFFFFFB00  }
0x104: {  	s17 =	simm.s32 $0x9120;
	v1 =	vld [tilespmem:s16+$0x110]  }
0x105: {  	v2 =	vld [tilespmem:s17+$0x10]  }
0x106: {  	v3 =	vld [tilespmem:s17+$0xFFFFFFE0]  }
0x107: {  	v4 =	vld [tilespmem:s16+$0xFFFFFFF0]  }
0x108: {  	v6 =	vld [tilespmem:s17+$0xFFFFFFF0]  }
0x109: {  	v8 =	vld [tilespmem:s16+$0x80]  }
0x10a: {  	v9 =	vld [tilespmem:s17+$0x0];
	v1 =	vadd.f32 v2, v1  }
0x10b: {  	v35 =	vld [tilespmem:s16+$0xFFFFFEE0]  }
0x10c: {  	v2 =	vld [tilespmem:s16+$0xFFFFFF60];
	v7 =	vmul.f32 $2.000000030e-01, v1  }
0x10d: {  	v5 =	vld [tilespmem:s16+$0xFFFFFEF0];
	v4 =	vadd.f32 v6, v4  }
0x10e: {  	v11 =	vld [tilespmem:s16+$0xFFFFFF50];
	v1 =	vmax.f32 v1, v7  }
0x10f: {  	v13 =	vld [tilespmem:s16+$0xFFFFFF80];
	v10 =	vmul.f32 $2.000000030e-01, v4;
	v1 =	vmul.f32 $1.442695020e+00, v1  }
0x110: {  	v14 =	vld [tilespmem:s16+$0xFFFFFF90]  }
0x111: {  	v15 =	vld [tilespmem:s16+$0xFFFFFFA0];
	v2 =	vadd.f32 v3, v2;
	v3 =	vmax.f32 v4, v10;
	(erf) = vpow2.f32 v1  }
0x112: {  	v21 =	vld [tilespmem:s16+$0x100];
	v12 =	vadd.f32 v9, v8;
	v3 =	vmul.f32 $1.442695020e+00, v3  }
0x113: {  	v17 =	vld [tilespmem:s16+$0xFFFFFFB0]  }
0x114: {  	v16 =	vld [tilespmem:s16+$0xFFFFFFC0];
	v4 =	vmul.f32 $2.000000030e-01, v12;
	(erf) = vpow2.f32 v3  }
0x115: {  	v18 =	vld [tilespmem:s16+$0xFFFFFFD0];
	v1 =	vmul.f32 $2.000000030e-01, v2  }
0x116: {  	v19 =	vld [tilespmem:s16+$0xFFFFFFE0];
	v4 =	vmax.f32 v12, v4  }
0x117: {  	v20 =	vld [tilespmem:s16+$0x0];
	v1 =	vmax.f32 v2, v1;
	v2 =	vmul.f32 $1.442695020e+00, v4  }
0x118: {  	v25 =	vld [tilespmem:s16+$0x30];
	v1 =	vmul.f32 $1.442695020e+00, v1  }
0x119: {  	v26 =	vld [tilespmem:s16+$0x40];
	(erf) = vpow2.f32 v2  }
0x11a: {  	v33 =	vld [tilespmem:s16+$0x50];
	(erf) = vpow2.f32 v1;
	v36 =	vpop (erf)  }
0x11b: {  	v29 =	vld [tilespmem:s16+$0x60];
	v3 =	vbroadcast v36, $0x0;
	v22 =	vbroadcast v36, $0x7  }
0x11c: {  	v27 =	vld [tilespmem:s16+$0xA0];
	v4 =	vbroadcast v36, $0x1;
	v2 =	vbroadcast v36, $0x2  }
0x11d: {  	v24 =	vld [tilespmem:s16+$0xB0];
	v1 =	vbroadcast v36, $0x3;
	v31 =	vpop (erf);
	v34 =	vbroadcast v36, $0x4  }
0x11e: {  	v37 =	vld [tilespmem:s16+$0x70];
	v43 =	vbroadcast v31, $0x0;
	v40 =	vbroadcast v31, $0x1  }
0x11f: {  	v28 =	vld [tilespmem:s16+$0xC0];
	v42 =	vbroadcast v31, $0x2;
	v38 =	vbroadcast v31, $0x3  }
0x120: {  	v32 =	vld [tilespmem:s16+$0xE0];
	v44 =	vbroadcast v31, $0x4;
	v39 =	vbroadcast v31, $0x5  }
0x121: {  	v6 =	vld [tilespmem:s16+$0xFFFFFF00];
	v54 =	vbroadcast v31, $0x6;
	v52 =	vbroadcast v31, $0x7  }
0x122: {  	v9 =	vld [tilespmem:s16+$0xFFFFFF20];
	[tilespmem:s16+$0xFFFFFFF0] =	vst v31;
	v31 =	vbroadcast v36, $0x5;
	v23 =	vmul.f32 v21, v22;
	v41 =	vpop (erf)  }
0x123: {  	v8 =	vld [tilespmem:s16+$0xFFFFFF30];
	v53 =	vbroadcast v41, $0x0;
	v50 =	vbroadcast v41, $0x1  }
0x124: {  	v7 =	vld [tilespmem:s16+$0xFFFFFF10];
	v51 =	vbroadcast v41, $0x2;
	v49 =	vbroadcast v41, $0x3  }
0x125: {  	v10 =	vld [tilespmem:s16+$0xFFFFFF40];
	v48 =	vbroadcast v41, $0x4;
	v47 =	vbroadcast v41, $0x5  }
0x126: {  	v12 =	vld [tilespmem:s16+$0xFFFFFF70];
	v30 =	vpop (erf);
	v46 =	vbroadcast v41, $0x6;
	v45 =	vbroadcast v41, $0x7  }
0x127: {  	v21 =	vld [tilespmem:s16+$0x10];
	v62 =	vbroadcast v30, $0x0;
	v58 =	vbroadcast v30, $0x1  }
0x128: {  	[tilespmem:s16+$0x110] =	vst v36;
	v22 =	vld [tilespmem:s16+$0x20];
	v61 =	vbroadcast v30, $0x2;
	v57 =	vbroadcast v30, $0x3  }
0x129: {  	[tilespmem:s16+$0x100] =	vst v23;
	v23 =	vld [tilespmem:s16+$0x90];
	v60 =	vbroadcast v30, $0x4;
	v56 =	vbroadcast v30, $0x5  }
0x12a: {  	v59 =	vbroadcast v30, $0x6;
	v55 =	vbroadcast v30, $0x7;
	[tilespmem:s16+$0xFFFFFF60] =	vst v30;
	v30 =	vld [tilespmem:s16+$0xD0]  }
0x12b: {  	s18 =	simm.s32 $0x0;
	s15 =	simm.s32 $0x3560;
	[tilespmem:s16+$0x80] =	vst v41;
	v41 =	vmul.f32 v62, v35;
	v35 =	vbroadcast v36, $0x6;
	v36 =	vld [tilespmem:s16+$0xF0]  }
.LBB2_6:
0x12c: {  	v62 =	vld [tilespmem:s15+$0x110];
	v5 =	vmul.f32 v58, v5;
	v6 =	vmul.f32 v61, v6;
	s17 =	sadd.s32 $0x40, s17  }
0x12d: {  	s18 =	sadd.s32 $0x4, s18;
	v7 =	vmul.f32 v7, v57;
	v9 =	vmul.f32 v9, v60;
	v58 =	vld [tilespmem:s17+$0x10];
	[tilespmem:s16+$0xFFFFFEE0] =	vst v41  }
0x12e: {  	p0 =	slt.u32 s18, $0x4C;
	v57 =	vld [tilespmem:s17+$0xFFFFFFE0];
	[tilespmem:s16+$0xFFFFFEF0] =	vst v5;
	v5 =	vmul.f32 v8, v56;
	v8 =	vmul.f32 v10, v59  }
0x12f: {  	v10 =	vld [tilespmem:s15+$0xFFFFFFF0];
	[tilespmem:s16+$0xFFFFFF00] =	vst v6;
	v6 =	vmul.f32 v11, v55;
	v11 =	vmul.f32 v43, v12  }
0x130: {  	v12 =	vld [tilespmem:s17+$0xFFFFFFF0];
	[tilespmem:s16+$0xFFFFFF10] =	vst v7;
	v7 =	vmul.f32 v40, v13;
	v13 =	vmul.f32 v42, v14  }
0x131: {  	v15 =	vmul.f32 v15, v38;
	v17 =	vmul.f32 v17, v44;
	v14 =	vld [tilespmem:s15+$0x80];
	[tilespmem:s16+$0xFFFFFF20] =	vst v9  }
0x132: {  	v16 =	vmul.f32 v16, v39;
	v18 =	vmul.f32 v18, v54;
	v9 =	vld [tilespmem:s17+$0x0];
	v38 =	vadd.f32 v58, v62;
	[tilespmem:s16+$0xFFFFFF30] =	vst v5  }
0x133: {  	v19 =	vmul.f32 v19, v52;
	v20 =	vmul.f32 v53, v20;
	v39 =	vld [tilespmem:s15+$0xFFFFFF60];
	[tilespmem:s16+$0xFFFFFF40] =	vst v8  }
0x134: {  	v21 =	vmul.f32 v50, v21;
	v41 =	vld [tilespmem:s15+$0xFFFFFEE0];
	v8 =	vmul.f32 $2.000000030e-01, v38;
	[tilespmem:s16+$0xFFFFFF50] =	vst v6  }
0x135: {  	v22 =	vmul.f32 v51, v22;
	v25 =	vmul.f32 v25, v49;
	v5 =	vld [tilespmem:s15+$0xFFFFFEF0];
	v10 =	vadd.f32 v12, v10;
	[tilespmem:s16+$0xFFFFFF70] =	vst v11  }
0x136: {  	v26 =	vmul.f32 v26, v48;
	v33 =	vmul.f32 v33, v47;
	v6 =	vld [tilespmem:s15+$0xFFFFFF00];
	v8 =	vmax.f32 v38, v8;
	[tilespmem:s16+$0xFFFFFF80] =	vst v7  }
0x137: {  	v7 =	vld [tilespmem:s15+$0xFFFFFF10];
	v11 =	vmul.f32 $2.000000030e-01, v10;
	v12 =	vadd.f32 v9, v14;
	v14 =	vmul.f32 $1.442695020e+00, v8;
	[tilespmem:s16+$0xFFFFFF90] =	vst v13  }
0x138: {  	v29 =	vmul.f32 v29, v46;
	v37 =	vmul.f32 v37, v45;
	v13 =	vadd.f32 v57, v39;
	v9 =	vld [tilespmem:s15+$0xFFFFFF20];
	[tilespmem:s16+$0xFFFFFFA0] =	vst v15  }
0x139: {  	v8 =	vld [tilespmem:s15+$0xFFFFFF30];
	v11 =	vmax.f32 v10, v11;
	v15 =	vmul.f32 $2.000000030e-01, v12;
	(erf) = vpow2.f32 v14;
	[tilespmem:s16+$0xFFFFFFB0] =	vst v17  }
0x13a: {  	v14 =	vmul.f32 $2.000000030e-01, v13;
	v10 =	vld [tilespmem:s15+$0xFFFFFF40];
	v17 =	vmul.f32 $1.442695020e+00, v11;
	[tilespmem:s16+$0xFFFFFFC0] =	vst v16  }
0x13b: {  	v23 =	vmul.f32 v3, v23;
	v27 =	vmul.f32 v4, v27;
	v11 =	vld [tilespmem:s15+$0xFFFFFF50];
	v15 =	vmax.f32 v12, v15;
	[tilespmem:s16+$0xFFFFFFD0] =	vst v18  }
0x13c: {  	v3 =	vmax.f32 v13, v14;
	v12 =	vld [tilespmem:s15+$0xFFFFFF70];
	v4 =	vmul.f32 $1.442695020e+00, v15;
	(erf) = vpow2.f32 v17;
	[tilespmem:s16+$0xFFFFFFE0] =	vst v19  }
0x13d: {  	v24 =	vmul.f32 v2, v24;
	v3 =	vmul.f32 $1.442695020e+00, v3;
	v13 =	vld [tilespmem:s15+$0xFFFFFF80];
	[tilespmem:s16+$0x0] =	vst v20  }
0x13e: {  	v28 =	vmul.f32 v28, v1;
	v14 =	vld [tilespmem:s15+$0xFFFFFF90];
	(erf) = vpow2.f32 v4;
	[tilespmem:s16+$0x10] =	vst v21  }
0x13f: {  	v30 =	vmul.f32 v30, v34;
	v15 =	vld [tilespmem:s15+$0xFFFFFFA0];
	(erf) = vpow2.f32 v3;
	[tilespmem:s16+$0x20] =	vst v22  }
0x140: {  	v31 =	vmul.f32 v32, v31;
	v32 =	vmul.f32 v36, v35;
	v21 =	vld [tilespmem:s15+$0x100];
	[tilespmem:s16+$0x30] =	vst v25  }
0x141: {  	v17 =	vld [tilespmem:s15+$0xFFFFFFB0];
	[tilespmem:s16+$0x40] =	vst v26  }
0x142: {  	v16 =	vld [tilespmem:s15+$0xFFFFFFC0];
	v35 =	vpop (erf);
	[tilespmem:s16+$0x50] =	vst v33  }
0x143: {  	v18 =	vld [tilespmem:s15+$0xFFFFFFD0];
	v3 =	vbroadcast v35, $0x0;
	v22 =	vbroadcast v35, $0x7;
	[tilespmem:s16+$0x60] =	vst v29  }
0x144: {  	v4 =	vbroadcast v35, $0x1;
	v2 =	vbroadcast v35, $0x2;
	v19 =	vld [tilespmem:s15+$0xFFFFFFE0];
	[tilespmem:s16+$0x70] =	vst v37  }
0x145: {  	v1 =	vbroadcast v35, $0x3;
	v20 =	vld [tilespmem:s15+$0x0];
	v25 =	vmul.f32 v21, v22;
	v34 =	vpop (erf);
	[tilespmem:s16+$0x90] =	vst v23  }
0x146: {  	v43 =	vbroadcast v34, $0x0;
	v40 =	vbroadcast v34, $0x1;
	v21 =	vld [tilespmem:s15+$0x10];
	[tilespmem:s16+$0xA0] =	vst v27  }
0x147: {  	v42 =	vbroadcast v34, $0x2;
	v38 =	vbroadcast v34, $0x3;
	v22 =	vld [tilespmem:s15+$0x20];
	[tilespmem:s15+$0x100] =	vst v25;
	v36 =	vpop (erf)  }
0x148: {  	v44 =	vbroadcast v34, $0x4;
	v39 =	vbroadcast v34, $0x5;
	v25 =	vld [tilespmem:s15+$0x30];
	v23 =	vpop (erf);
	[tilespmem:s16+$0xB0] =	vst v24  }
0x149: {  	v62 =	vbroadcast v23, $0x0;
	v58 =	vbroadcast v23, $0x1;
	v26 =	vld [tilespmem:s15+$0x40];
	[tilespmem:s16+$0xC0] =	vst v28  }
0x14a: {  	v61 =	vbroadcast v23, $0x2;
	v57 =	vbroadcast v23, $0x3;
	v33 =	vld [tilespmem:s15+$0x50];
	[tilespmem:s16+$0xD0] =	vst v30  }
0x14b: {  	v60 =	vbroadcast v23, $0x4;
	v56 =	vbroadcast v23, $0x5;
	v29 =	vld [tilespmem:s15+$0x60];
	[tilespmem:s16+$0xE0] =	vst v31  }
0x14c: {  	v59 =	vbroadcast v23, $0x6;
	v55 =	vbroadcast v23, $0x7;
	v37 =	vld [tilespmem:s15+$0x70];
	[tilespmem:s16+$0xF0] =	vst v32;
	s16 =	smov.u32 s15  }
0x14d: {  	v54 =	vbroadcast v34, $0x6;
	v52 =	vbroadcast v34, $0x7;
	[tilespmem:s15+$0xFFFFFF60] =	vst v23;
	v23 =	vld [tilespmem:s15+$0x90]  }
0x14e: {  	v53 =	vbroadcast v36, $0x0;
	v50 =	vbroadcast v36, $0x1;
	[tilespmem:s15+$0xFFFFFFF0] =	vst v34;
	v27 =	vld [tilespmem:s15+$0xA0]  }
.Ltmp2:
0x14f: {  	v51 =	vbroadcast v36, $0x2;
	v49 =	vbroadcast v36, $0x3;
	[tilespmem:s15+$0x80] =	vst v36;
	v24 =	vld [tilespmem:s15+$0xB0];
	(pc) =	sbr.rel @p0 .LBB2_6-.Ltmp2, $4  }
0x150: {  	v48 =	vbroadcast v36, $0x4;
	v47 =	vbroadcast v36, $0x5;
	[tilespmem:s15+$0x110] =	vst v35;
	v28 =	vld [tilespmem:s15+$0xC0]  }
0x151: {  	v46 =	vbroadcast v36, $0x6;
	v45 =	vbroadcast v36, $0x7;
	v30 =	vld [tilespmem:s15+$0xD0]  }
0x152: {  	v31 =	vbroadcast v35, $0x5;
	v34 =	vbroadcast v35, $0x4;
	v32 =	vld [tilespmem:s15+$0xE0]  }
0x153: {  	v41 =	vmul.f32 v62, v41;
	v35 =	vbroadcast v35, $0x6;
	s15 =	sadd.s32 $0x240, s15;
	v36 =	vld [tilespmem:s16+$0xF0]  }
0x154: {  	v5 =	vmul.f32 v58, v5  }
0x155: {  	v6 =	vmul.f32 v61, v6;
	[tilespmem:s16+$0xFFFFFEE0] =	vst v41  }
0x156: {  	v7 =	vmul.f32 v7, v57;
	[tilespmem:s16+$0xFFFFFEF0] =	vst v5  }
0x157: {  	v63 =	vmul.f32 v9, v60;
	[tilespmem:s16+$0xFFFFFF00] =	vst v6  }
0x158: {  	v9 =	vmul.f32 v8, v56;
	[tilespmem:s16+$0xFFFFFF10] =	vst v7  }
0x159: {  	v10 =	vmul.f32 v10, v59;
	[tilespmem:s16+$0xFFFFFF20] =	vst v63  }
0x15a: {  	v11 =	vmul.f32 v11, v55;
	[tilespmem:s16+$0xFFFFFF30] =	vst v9  }
0x15b: {  	v12 =	vmul.f32 v43, v12;
	[tilespmem:s16+$0xFFFFFF40] =	vst v10  }
0x15c: {  	v13 =	vmul.f32 v40, v13;
	[tilespmem:s16+$0xFFFFFF50] =	vst v11  }
0x15d: {  	v40 =	vmul.f32 v42, v14;
	[tilespmem:s16+$0xFFFFFF70] =	vst v12  }
0x15e: {  	v42 =	vmul.f32 v17, v44;
	[tilespmem:s16+$0xFFFFFF80] =	vst v13  }
0x15f: {  	v43 =	vmul.f32 v16, v39;
	[tilespmem:s16+$0xFFFFFF90] =	vst v40  }
0x160: {  	v44 =	vmul.f32 v18, v54;
	[tilespmem:s16+$0xFFFFFFB0] =	vst v42  }
0x161: {  	v52 =	vmul.f32 v19, v52;
	[tilespmem:s16+$0xFFFFFFC0] =	vst v43  }
0x162: {  	v54 =	vmul.f32 v53, v20;
	[tilespmem:s16+$0xFFFFFFD0] =	vst v44  }
0x163: {  	v55 =	vmul.f32 v50, v21;
	[tilespmem:s16+$0xFFFFFFE0] =	vst v52  }
0x164: {  	v56 =	vmul.f32 v51, v22;
	[tilespmem:s16+$0x0] =	vst v54  }
0x165: {  	v57 =	vmul.f32 v25, v49;
	[tilespmem:s16+$0x10] =	vst v55  }
0x166: {  	v58 =	vmul.f32 v26, v48;
	[tilespmem:s16+$0x20] =	vst v56  }
0x167: {  	v59 =	vmul.f32 v33, v47;
	[tilespmem:s16+$0x30] =	vst v57  }
0x168: {  	v60 =	vmul.f32 v29, v46;
	[tilespmem:s16+$0x40] =	vst v58  }
0x169: {  	v61 =	vmul.f32 v37, v45;
	[tilespmem:s16+$0x50] =	vst v59  }
0x16a: {  	v3 =	vmul.f32 v3, v23;
	[tilespmem:s16+$0x60] =	vst v60  }
0x16b: {  	v4 =	vmul.f32 v4, v27;
	[tilespmem:s16+$0x70] =	vst v61  }
0x16c: {  	v2 =	vmul.f32 v2, v24;
	[tilespmem:s16+$0x90] =	vst v3  }
0x16d: {  	v41 =	vmul.f32 v15, v38;
	[tilespmem:s16+$0xA0] =	vst v4  }
0x16e: {  	v1 =	vmul.f32 v28, v1;
	[tilespmem:s16+$0xB0] =	vst v2  }
0x16f: {  	v3 =	vmul.f32 v30, v34;
	[tilespmem:s16+$0xFFFFFFA0] =	vst v41  }
0x170: {  	v2 =	vmul.f32 v32, v31;
	[tilespmem:s16+$0xC0] =	vst v1  }
0x171: {  	v1 =	vmul.f32 v36, v35;
	[tilespmem:s16+$0xD0] =	vst v3  }
0x172: {  	[tilespmem:s16+$0xE0] =	vst v2  }
0x173: {  	[tilespmem:s16+$0xF0] =	vst v1  }
0x174: {  	_ =	swait.ge [sflag:s10], $0x2D00  }
0x175: {  	[sflag:s10] =	ssyncset.done $0x0  }
0x176: {  	[sflag:s10] =	ssyncadd.s32 $0xFFFFD300  }
0x177: {  	[spmem:s3] =	stream.indirect.scatter.add.f32 [tilespmem:s30], [sflag:$0x5], $0x90, s31, s24, $0xb8;
	[tilespmem:$0x1FE80] =	vst v63  }
0x178: {  	v1 =	vld [tilespmem:$0xF0];
	_ =	sdelay $0x1  }
0x179: {  	v2 =	vld [tilespmem:$0x100];
	_ =	sdelay $0x1  }
0x17a: {  	v3 =	vld [tilespmem:$0x110]  }
0x17b: {  	v62 =	vand.u32 $0xFFFF, v1  }
0x17c: {  	v63 =	vld [tilespmem:$0x120];
	v1 =	vshra.s32 v1, $0x10;
	[tilespmem:$0x320] =	vst v62  }
0x17d: {  	[tilespmem:$0x410] =	vst v1;
	v1 =	vand.u32 $0xFFFF, v2  }
0x17e: {  	[tilespmem:$0x330] =	vst v1;
	v1 =	vshra.s32 v2, $0x10;
	v2 =	vld [tilespmem:$0x130]  }
0x17f: {  	[tilespmem:$0x420] =	vst v1;
	v1 =	vand.u32 $0xFFFF, v3  }
0x180: {  	[tilespmem:$0x340] =	vst v1;
	v1 =	vshra.s32 v3, $0x10  }
0x181: {  	[tilespmem:$0x430] =	vst v1;
	v1 =	vand.u32 $0xFFFF, v63  }
0x182: {  	[tilespmem:$0x350] =	vst v1;
	v1 =	vshra.s32 v63, $0x10  }
0x183: {  	[tilespmem:$0x440] =	vst v1;
	v1 =	vand.u32 $0xFFFF, v2  }
0x184: {  	[tilespmem:$0x360] =	vst v1;
	v1 =	vshra.s32 v2, $0x10  }
0x185: {  	[tilespmem:$0x450] =	vst v1  }
0x186: {  	[tilespmem:s20], [sflag:$0x1] =	stream.indirect.gather [hbm4b:s5+s24], $0x90, s19, s24, $0xb8;
	[tilespmem:$0x1FE80] =	vst v63  }
0x187: {  	s16 =	simm.s32 $0x0  }
0x188: {  	[tilespmem:s22], [sflag:$0x1] =	stream.indirect.gather [hbm4b:s6+s24], $0x10, s26, s24, $0xb8;
	[tilespmem:$0x1FE80] =	vst v63  }
.LBB2_8:
0x189: {  	_ =	swait.ge [sflag:s11], $0x2D00  }
0x18a: {  	[sflag:s11] =	ssyncset.done $0x0  }
0x18b: {  	[sflag:s11] =	ssyncadd.s32 $0xFFFFD300  }
0x18c: {  	_ =	swait.ge [sflag:s11], $0x500  }
0x18d: {  	[sflag:s11] =	ssyncset.done $0x0  }
0x18e: {  	s18 =	simm.s32 $0x6020;
	[sflag:s11] =	ssyncadd.s32 $0xFFFFFB00  }
0x18f: {  	s17 =	simm.s32 $0x9620;
	v1 =	vld [tilespmem:s18+$0x110]  }
0x190: {  	v2 =	vld [tilespmem:s17+$0x10]  }
0x191: {  	v3 =	vld [tilespmem:s17+$0xFFFFFFE0]  }
0x192: {  	v4 =	vld [tilespmem:s18+$0xFFFFFFF0]  }
0x193: {  	v6 =	vld [tilespmem:s17+$0xFFFFFFF0]  }
0x194: {  	v8 =	vld [tilespmem:s18+$0x80]  }
0x195: {  	v9 =	vld [tilespmem:s17+$0x0];
	v1 =	vadd.f32 v2, v1  }
0x196: {  	v34 =	vld [tilespmem:s18+$0xFFFFFEE0]  }
0x197: {  	v2 =	vld [tilespmem:s18+$0xFFFFFF60];
	v7 =	vmul.f32 $2.000000030e-01, v1  }
0x198: {  	v5 =	vld [tilespmem:s18+$0xFFFFFEF0];
	v4 =	vadd.f32 v6, v4  }
0x199: {  	v11 =	vld [tilespmem:s18+$0xFFFFFF50];
	v1 =	vmax.f32 v1, v7  }
0x19a: {  	v13 =	vld [tilespmem:s18+$0xFFFFFF80];
	v10 =	vmul.f32 $2.000000030e-01, v4;
	v1 =	vmul.f32 $1.442695020e+00, v1  }
0x19b: {  	v14 =	vld [tilespmem:s18+$0xFFFFFF90]  }
0x19c: {  	v15 =	vld [tilespmem:s18+$0xFFFFFFA0];
	v2 =	vadd.f32 v3, v2;
	v3 =	vmax.f32 v4, v10;
	(erf) = vpow2.f32 v1  }
0x19d: {  	v21 =	vld [tilespmem:s18+$0x100];
	v12 =	vadd.f32 v9, v8;
	v3 =	vmul.f32 $1.442695020e+00, v3  }
0x19e: {  	v17 =	vld [tilespmem:s18+$0xFFFFFFB0]  }
0x19f: {  	v16 =	vld [tilespmem:s18+$0xFFFFFFC0];
	v4 =	vmul.f32 $2.000000030e-01, v12;
	(erf) = vpow2.f32 v3  }
0x1a0: {  	v18 =	vld [tilespmem:s18+$0xFFFFFFD0];
	v1 =	vmul.f32 $2.000000030e-01, v2  }
0x1a1: {  	v19 =	vld [tilespmem:s18+$0xFFFFFFE0];
	v4 =	vmax.f32 v12, v4  }
0x1a2: {  	v20 =	vld [tilespmem:s18+$0x0];
	v1 =	vmax.f32 v2, v1;
	v2 =	vmul.f32 $1.442695020e+00, v4  }
0x1a3: {  	v25 =	vld [tilespmem:s18+$0x30];
	v1 =	vmul.f32 $1.442695020e+00, v1  }
0x1a4: {  	v28 =	vld [tilespmem:s18+$0x40];
	(erf) = vpow2.f32 v2  }
0x1a5: {  	v35 =	vld [tilespmem:s18+$0x50];
	(erf) = vpow2.f32 v1;
	v36 =	vpop (erf)  }
0x1a6: {  	v31 =	vld [tilespmem:s18+$0x60];
	v3 =	vbroadcast v36, $0x0;
	v22 =	vbroadcast v36, $0x7  }
0x1a7: {  	v29 =	vld [tilespmem:s18+$0xA0];
	v4 =	vbroadcast v36, $0x1;
	v2 =	vbroadcast v36, $0x2  }
0x1a8: {  	v24 =	vld [tilespmem:s18+$0xB0];
	v1 =	vbroadcast v36, $0x3;
	v27 =	vpop (erf);
	v33 =	vbroadcast v36, $0x4  }
0x1a9: {  	v37 =	vld [tilespmem:s18+$0x70];
	v43 =	vbroadcast v27, $0x0;
	v40 =	vbroadcast v27, $0x1  }
0x1aa: {  	v26 =	vld [tilespmem:s18+$0xC0];
	v42 =	vbroadcast v27, $0x2;
	v38 =	vbroadcast v27, $0x3  }
0x1ab: {  	v32 =	vld [tilespmem:s18+$0xE0];
	v44 =	vbroadcast v27, $0x4;
	v39 =	vbroadcast v27, $0x5  }
0x1ac: {  	v6 =	vld [tilespmem:s18+$0xFFFFFF00];
	v54 =	vbroadcast v27, $0x6;
	v52 =	vbroadcast v27, $0x7  }
0x1ad: {  	v9 =	vld [tilespmem:s18+$0xFFFFFF20];
	[tilespmem:s18+$0xFFFFFFF0] =	vst v27;
	v27 =	vbroadcast v36, $0x5;
	v23 =	vmul.f32 v21, v22;
	v41 =	vpop (erf)  }
0x1ae: {  	v8 =	vld [tilespmem:s18+$0xFFFFFF30];
	v53 =	vbroadcast v41, $0x0;
	v50 =	vbroadcast v41, $0x1  }
0x1af: {  	v7 =	vld [tilespmem:s18+$0xFFFFFF10];
	v51 =	vbroadcast v41, $0x2;
	v49 =	vbroadcast v41, $0x3  }
0x1b0: {  	v10 =	vld [tilespmem:s18+$0xFFFFFF40];
	v48 =	vbroadcast v41, $0x4;
	v47 =	vbroadcast v41, $0x5  }
0x1b1: {  	v12 =	vld [tilespmem:s18+$0xFFFFFF70];
	v30 =	vpop (erf);
	v46 =	vbroadcast v41, $0x6;
	v45 =	vbroadcast v41, $0x7  }
0x1b2: {  	v21 =	vld [tilespmem:s18+$0x10];
	v62 =	vbroadcast v30, $0x0;
	v58 =	vbroadcast v30, $0x1  }
0x1b3: {  	[tilespmem:s18+$0x110] =	vst v36;
	v22 =	vld [tilespmem:s18+$0x20];
	v61 =	vbroadcast v30, $0x2;
	v57 =	vbroadcast v30, $0x3  }
0x1b4: {  	[tilespmem:s18+$0x100] =	vst v23;
	v23 =	vld [tilespmem:s18+$0x90];
	v60 =	vbroadcast v30, $0x4;
	v56 =	vbroadcast v30, $0x5  }
0x1b5: {  	v59 =	vbroadcast v30, $0x6;
	v55 =	vbroadcast v30, $0x7;
	[tilespmem:s18+$0xFFFFFF60] =	vst v30;
	v30 =	vld [tilespmem:s18+$0xD0]  }
0x1b6: {  	s19 =	simm.s32 $0x0;
	s15 =	simm.s32 $0x6260;
	[tilespmem:s18+$0x80] =	vst v41;
	v41 =	vmul.f32 v62, v34;
	v34 =	vbroadcast v36, $0x6;
	v36 =	vld [tilespmem:s18+$0xF0]  }
.LBB2_9:
0x1b7: {  	v62 =	vld [tilespmem:s15+$0x110];
	v5 =	vmul.f32 v58, v5;
	v6 =	vmul.f32 v61, v6;
	s17 =	sadd.s32 $0x40, s17  }
0x1b8: {  	s19 =	sadd.s32 $0x4, s19;
	v7 =	vmul.f32 v7, v57;
	v9 =	vmul.f32 v9, v60;
	v58 =	vld [tilespmem:s17+$0x10];
	[tilespmem:s18+$0xFFFFFEE0] =	vst v41  }
0x1b9: {  	p0 =	slt.u32 s19, $0x4C;
	v57 =	vld [tilespmem:s17+$0xFFFFFFE0];
	[tilespmem:s18+$0xFFFFFEF0] =	vst v5;
	v5 =	vmul.f32 v8, v56;
	v8 =	vmul.f32 v10, v59  }
0x1ba: {  	v10 =	vld [tilespmem:s15+$0xFFFFFFF0];
	[tilespmem:s18+$0xFFFFFF00] =	vst v6;
	v6 =	vmul.f32 v11, v55;
	v11 =	vmul.f32 v43, v12  }
0x1bb: {  	v12 =	vld [tilespmem:s17+$0xFFFFFFF0];
	[tilespmem:s18+$0xFFFFFF10] =	vst v7;
	v7 =	vmul.f32 v40, v13;
	v13 =	vmul.f32 v42, v14  }
0x1bc: {  	v15 =	vmul.f32 v15, v38;
	v17 =	vmul.f32 v17, v44;
	v14 =	vld [tilespmem:s15+$0x80];
	[tilespmem:s18+$0xFFFFFF20] =	vst v9  }
0x1bd: {  	v16 =	vmul.f32 v16, v39;
	v18 =	vmul.f32 v18, v54;
	v9 =	vld [tilespmem:s17+$0x0];
	v38 =	vadd.f32 v58, v62;
	[tilespmem:s18+$0xFFFFFF30] =	vst v5  }
0x1be: {  	v19 =	vmul.f32 v19, v52;
	v20 =	vmul.f32 v53, v20;
	v39 =	vld [tilespmem:s15+$0xFFFFFF60];
	[tilespmem:s18+$0xFFFFFF40] =	vst v8  }
0x1bf: {  	v21 =	vmul.f32 v50, v21;
	v41 =	vld [tilespmem:s15+$0xFFFFFEE0];
	v8 =	vmul.f32 $2.000000030e-01, v38;
	[tilespmem:s18+$0xFFFFFF50] =	vst v6  }
0x1c0: {  	v22 =	vmul.f32 v51, v22;
	v25 =	vmul.f32 v25, v49;
	v5 =	vld [tilespmem:s15+$0xFFFFFEF0];
	v10 =	vadd.f32 v12, v10;
	[tilespmem:s18+$0xFFFFFF70] =	vst v11  }
0x1c1: {  	v28 =	vmul.f32 v28, v48;
	v35 =	vmul.f32 v35, v47;
	v6 =	vld [tilespmem:s15+$0xFFFFFF00];
	v8 =	vmax.f32 v38, v8;
	[tilespmem:s18+$0xFFFFFF80] =	vst v7  }
0x1c2: {  	v7 =	vld [tilespmem:s15+$0xFFFFFF10];
	v11 =	vmul.f32 $2.000000030e-01, v10;
	v12 =	vadd.f32 v9, v14;
	v14 =	vmul.f32 $1.442695020e+00, v8;
	[tilespmem:s18+$0xFFFFFF90] =	vst v13  }
0x1c3: {  	v31 =	vmul.f32 v31, v46;
	v37 =	vmul.f32 v37, v45;
	v13 =	vadd.f32 v57, v39;
	v9 =	vld [tilespmem:s15+$0xFFFFFF20];
	[tilespmem:s18+$0xFFFFFFA0] =	vst v15  }
0x1c4: {  	v8 =	vld [tilespmem:s15+$0xFFFFFF30];
	v11 =	vmax.f32 v10, v11;
	v15 =	vmul.f32 $2.000000030e-01, v12;
	(erf) = vpow2.f32 v14;
	[tilespmem:s18+$0xFFFFFFB0] =	vst v17  }
0x1c5: {  	v14 =	vmul.f32 $2.000000030e-01, v13;
	v10 =	vld [tilespmem:s15+$0xFFFFFF40];
	v17 =	vmul.f32 $1.442695020e+00, v11;
	[tilespmem:s18+$0xFFFFFFC0] =	vst v16  }
0x1c6: {  	v23 =	vmul.f32 v3, v23;
	v29 =	vmul.f32 v4, v29;
	v11 =	vld [tilespmem:s15+$0xFFFFFF50];
	v15 =	vmax.f32 v12, v15;
	[tilespmem:s18+$0xFFFFFFD0] =	vst v18  }
0x1c7: {  	v3 =	vmax.f32 v13, v14;
	v12 =	vld [tilespmem:s15+$0xFFFFFF70];
	v4 =	vmul.f32 $1.442695020e+00, v15;
	(erf) = vpow2.f32 v17;
	[tilespmem:s18+$0xFFFFFFE0] =	vst v19  }
0x1c8: {  	v24 =	vmul.f32 v2, v24;
	v3 =	vmul.f32 $1.442695020e+00, v3;
	v13 =	vld [tilespmem:s15+$0xFFFFFF80];
	[tilespmem:s18+$0x0] =	vst v20  }
0x1c9: {  	v26 =	vmul.f32 v26, v1;
	v14 =	vld [tilespmem:s15+$0xFFFFFF90];
	(erf) = vpow2.f32 v4;
	[tilespmem:s18+$0x10] =	vst v21  }
0x1ca: {  	v30 =	vmul.f32 v30, v33;
	v15 =	vld [tilespmem:s15+$0xFFFFFFA0];
	(erf) = vpow2.f32 v3;
	[tilespmem:s18+$0x20] =	vst v22  }
0x1cb: {  	v27 =	vmul.f32 v32, v27;
	v32 =	vmul.f32 v36, v34;
	v21 =	vld [tilespmem:s15+$0x100];
	[tilespmem:s18+$0x30] =	vst v25  }
0x1cc: {  	v17 =	vld [tilespmem:s15+$0xFFFFFFB0];
	[tilespmem:s18+$0x40] =	vst v28  }
0x1cd: {  	v16 =	vld [tilespmem:s15+$0xFFFFFFC0];
	v34 =	vpop (erf);
	[tilespmem:s18+$0x50] =	vst v35  }
0x1ce: {  	v18 =	vld [tilespmem:s15+$0xFFFFFFD0];
	v3 =	vbroadcast v34, $0x0;
	v22 =	vbroadcast v34, $0x7;
	[tilespmem:s18+$0x60] =	vst v31  }
0x1cf: {  	v4 =	vbroadcast v34, $0x1;
	v2 =	vbroadcast v34, $0x2;
	v19 =	vld [tilespmem:s15+$0xFFFFFFE0];
	[tilespmem:s18+$0x70] =	vst v37  }
0x1d0: {  	v1 =	vbroadcast v34, $0x3;
	v20 =	vld [tilespmem:s15+$0x0];
	v25 =	vmul.f32 v21, v22;
	v33 =	vpop (erf);
	[tilespmem:s18+$0x90] =	vst v23  }
0x1d1: {  	v43 =	vbroadcast v33, $0x0;
	v40 =	vbroadcast v33, $0x1;
	v21 =	vld [tilespmem:s15+$0x10];
	[tilespmem:s18+$0xA0] =	vst v29  }
0x1d2: {  	v42 =	vbroadcast v33, $0x2;
	v38 =	vbroadcast v33, $0x3;
	v22 =	vld [tilespmem:s15+$0x20];
	[tilespmem:s15+$0x100] =	vst v25;
	v36 =	vpop (erf)  }
0x1d3: {  	v44 =	vbroadcast v33, $0x4;
	v39 =	vbroadcast v33, $0x5;
	v25 =	vld [tilespmem:s15+$0x30];
	v23 =	vpop (erf);
	[tilespmem:s18+$0xB0] =	vst v24  }
0x1d4: {  	v62 =	vbroadcast v23, $0x0;
	v58 =	vbroadcast v23, $0x1;
	v28 =	vld [tilespmem:s15+$0x40];
	[tilespmem:s18+$0xC0] =	vst v26  }
0x1d5: {  	v61 =	vbroadcast v23, $0x2;
	v57 =	vbroadcast v23, $0x3;
	v35 =	vld [tilespmem:s15+$0x50];
	[tilespmem:s18+$0xD0] =	vst v30  }
0x1d6: {  	v60 =	vbroadcast v23, $0x4;
	v56 =	vbroadcast v23, $0x5;
	v31 =	vld [tilespmem:s15+$0x60];
	[tilespmem:s18+$0xE0] =	vst v27  }
0x1d7: {  	v59 =	vbroadcast v23, $0x6;
	v55 =	vbroadcast v23, $0x7;
	v37 =	vld [tilespmem:s15+$0x70];
	[tilespmem:s18+$0xF0] =	vst v32;
	s18 =	smov.u32 s15  }
0x1d8: {  	v54 =	vbroadcast v33, $0x6;
	v52 =	vbroadcast v33, $0x7;
	[tilespmem:s15+$0xFFFFFF60] =	vst v23;
	v23 =	vld [tilespmem:s15+$0x90]  }
0x1d9: {  	v53 =	vbroadcast v36, $0x0;
	v50 =	vbroadcast v36, $0x1;
	[tilespmem:s15+$0xFFFFFFF0] =	vst v33;
	v29 =	vld [tilespmem:s15+$0xA0]  }
.Ltmp3:
0x1da: {  	v51 =	vbroadcast v36, $0x2;
	v49 =	vbroadcast v36, $0x3;
	[tilespmem:s15+$0x80] =	vst v36;
	v24 =	vld [tilespmem:s15+$0xB0];
	(pc) =	sbr.rel @p0 .LBB2_9-.Ltmp3, $4  }
0x1db: {  	v48 =	vbroadcast v36, $0x4;
	v47 =	vbroadcast v36, $0x5;
	[tilespmem:s15+$0x110] =	vst v34;
	v26 =	vld [tilespmem:s15+$0xC0]  }
0x1dc: {  	v46 =	vbroadcast v36, $0x6;
	v45 =	vbroadcast v36, $0x7;
	v30 =	vld [tilespmem:s15+$0xD0]  }
0x1dd: {  	v27 =	vbroadcast v34, $0x5;
	v33 =	vbroadcast v34, $0x4;
	v32 =	vld [tilespmem:s15+$0xE0]  }
0x1de: {  	v41 =	vmul.f32 v62, v41;
	v34 =	vbroadcast v34, $0x6;
	s15 =	sadd.s32 $0x240, s15;
	v36 =	vld [tilespmem:s18+$0xF0]  }
0x1df: {  	v5 =	vmul.f32 v58, v5  }
0x1e0: {  	v6 =	vmul.f32 v61, v6;
	[tilespmem:s18+$0xFFFFFEE0] =	vst v41  }
0x1e1: {  	v7 =	vmul.f32 v7, v57;
	[tilespmem:s18+$0xFFFFFEF0] =	vst v5  }
0x1e2: {  	v3 =	vmul.f32 v3, v23;
	[tilespmem:s18+$0xFFFFFF00] =	vst v6  }
0x1e3: {  	v4 =	vmul.f32 v4, v29;
	[tilespmem:s18+$0xFFFFFF10] =	vst v7  }
0x1e4: {  	v2 =	vmul.f32 v2, v24;
	[tilespmem:s18+$0x90] =	vst v3  }
0x1e5: {  	v1 =	vmul.f32 v26, v1;
	[tilespmem:s18+$0xA0] =	vst v4  }
0x1e6: {  	v5 =	vmul.f32 v9, v60;
	[tilespmem:s18+$0xB0] =	vst v2  }
0x1e7: {  	v6 =	vmul.f32 v8, v56;
	[tilespmem:s18+$0xC0] =	vst v1  }
0x1e8: {  	v7 =	vmul.f32 v10, v59;
	[tilespmem:s18+$0xFFFFFF20] =	vst v5  }
0x1e9: {  	v3 =	vmul.f32 v30, v33;
	[tilespmem:s18+$0xFFFFFF30] =	vst v6  }
0x1ea: {  	v2 =	vmul.f32 v32, v27;
	[tilespmem:s18+$0xFFFFFF40] =	vst v7  }
0x1eb: {  	v5 =	vmul.f32 v11, v55;
	[tilespmem:s18+$0xD0] =	vst v3  }
0x1ec: {  	v6 =	vmul.f32 v43, v12;
	[tilespmem:s18+$0xE0] =	vst v2  }
0x1ed: {  	v7 =	vmul.f32 v40, v13;
	[tilespmem:s18+$0xFFFFFF50] =	vst v5  }
0x1ee: {  	v1 =	vmul.f32 v36, v34;
	[tilespmem:s18+$0xFFFFFF70] =	vst v6  }
0x1ef: {  	v5 =	vmul.f32 v42, v14;
	[tilespmem:s18+$0xFFFFFF80] =	vst v7  }
0x1f0: {  	v6 =	vmul.f32 v15, v38;
	[tilespmem:s18+$0xF0] =	vst v1  }
0x1f1: {  	v7 =	vmul.f32 v17, v44;
	[tilespmem:s18+$0xFFFFFF90] =	vst v5  }
0x1f2: {  	v5 =	vmul.f32 v16, v39;
	[tilespmem:s18+$0xFFFFFFA0] =	vst v6  }
0x1f3: {  	v6 =	vmul.f32 v18, v54;
	[tilespmem:s18+$0xFFFFFFB0] =	vst v7  }
0x1f4: {  	v7 =	vmul.f32 v19, v52;
	[tilespmem:s18+$0xFFFFFFC0] =	vst v5  }
0x1f5: {  	v5 =	vmul.f32 v53, v20;
	[tilespmem:s18+$0xFFFFFFD0] =	vst v6  }
0x1f6: {  	s17 =	smul.u32 $0x3, s16;
	v6 =	vmul.f32 v50, v21;
	[tilespmem:s18+$0xFFFFFFE0] =	vst v7  }
0x1f7: {  	v7 =	vmul.f32 v51, v22;
	[tilespmem:s18+$0x0] =	vst v5  }
0x1f8: {  	s15 =	sadd.s32 $0x4, s17;
	v5 =	vmul.f32 v25, v49;
	[tilespmem:s18+$0x10] =	vst v6  }
0x1f9: {  	s19 =	smul.u32 $0xCCCCCCCD, s15;
	v6 =	vmul.f32 v28, v48;
	[tilespmem:s18+$0x20] =	vst v7  }
0x1fa: {  	v7 =	vmul.f32 v35, v47;
	[tilespmem:s18+$0x30] =	vst v5  }
0x1fb: {  	p1 =	sgt.u32 s19, $0x33333333;
	v5 =	vmul.f32 v31, v46;
	[tilespmem:s18+$0x40] =	vst v6  }
0x1fc: {  	p0 =	sgt.u32 @!p1 s16, $0x26;
	v6 =	vmul.f32 v37, v45;
	[tilespmem:s18+$0x50] =	vst v7  }
0x1fd: {  	s22 =	smulhi.u32 $0xCCCCCCCD, s15;
	p0 =	por p0, p1;
	[tilespmem:s18+$0x60] =	vst v5  }
0x1fe: {  	[tilespmem:s18+$0x70] =	vst v6;
	s18 =	sadd.s32 @!p0 $0x9, s17  }
0x1ff: {  	s22 =	sshrl.u32 s22, $0x3;
	s19 =	smulhi.u32 @!p0 $0xCCCCCCCD, s18  }
0x200: {  	s22 =	smul.u32 $0xA, s22;
	_ =	swait.ge [sflag:s12], $0x2D00  }
0x201: {  	s8 =	simm.s32 @!p1 $0x7;
	[sflag:s12] =	ssyncset.done $0x0;
	s19 =	sshrl.u32 @!p0 s19, $0x3  }
0x202: {  	s15 =	ssub.s32 s15, s22;
	[sflag:s12] =	ssyncadd.s32 $0xFFFFD300;
	s19 =	smul.u32 @!p0 $0xA, s19  }
0x203: {  	[spmem:s3] =	stream.indirect.scatter.add.f32 [tilespmem:s25], [sflag:$0x6], $0x90, s4, s24, $0xb8;
	[tilespmem:$0x1FE80] =	vst v63  }
0x204: {  	_ =	swait.ge @!p1 [sflag:s8], $0x190;
	s19 =	ssub.s32 @!p0 s18, s19;
	s18 =	smul.u32 @!p0 $0x50, s18  }
0x205: {  	s15 =	smul.u32 $0x140, s15;
	[sflag:s8] =	ssyncset.done @!p1 $0x0  }
0x206: {  	s19 =	smul.u32 @!p0 $0x140, s19;
	[sflag:s8] =	ssyncadd.s32 @!p1 $0xFFFFFE70;
	s8 =	sadd.s32 @!p0 s7, s18  }
0x207: {  	s22 =	sshrl.u32 s15, $0x2;
	s8 =	sshrl.u32 @!p0 s8, $0x3  }
0x208: {  	s18 =	sshrl.u32 @!p0 s19, $0x2;
	s19 =	simm.s32 @!p0 $0x0;
	s8 =	sadd.s32 @!p0 s1, s8  }
0x209: {  	[tilespmem:s18], [sflag:$0x7] =	stream.linear.gather @!p0 [hbm4b:s8+s19], $0x190, $0x38;
	[tilespmem:$0x1FE80] =	vst v63  }
0x20a: {  	v1 =	vld [tilespmem:s22+$0x0];
	_ =	sdelay $0x4  }
0x20b: {  	v2 =	vand.u32 $0xFFFF, v1  }
0x20c: {  	v1 =	vshra.s32 v1, $0x10;
	[tilespmem:$0x370] =	vst v2  }
0x20d: {  	[tilespmem:$0x460] =	vst v1  }
0x20e: {  	v1 =	vld [tilespmem:s22+$0x10];
	_ =	sdelay $0x4  }
0x20f: {  	v2 =	vand.u32 $0xFFFF, v1  }
0x210: {  	v1 =	vshra.s32 v1, $0x10;
	[tilespmem:$0x380] =	vst v2  }
0x211: {  	[tilespmem:$0x470] =	vst v1  }
0x212: {  	v1 =	vld [tilespmem:s22+$0x20];
	_ =	sdelay $0x4  }
0x213: {  	v2 =	vand.u32 $0xFFFF, v1  }
0x214: {  	v1 =	vshra.s32 v1, $0x10;
	[tilespmem:$0x390] =	vst v2  }
0x215: {  	[tilespmem:$0x480] =	vst v1  }
0x216: {  	v1 =	vld [tilespmem:s22+$0x30];
	_ =	sdelay $0x4  }
0x217: {  	v2 =	vand.u32 $0xFFFF, v1  }
0x218: {  	v1 =	vshra.s32 v1, $0x10;
	[tilespmem:$0x3A0] =	vst v2  }
0x219: {  	[tilespmem:$0x490] =	vst v1  }
0x21a: {  	v1 =	vld [tilespmem:s22+$0x40];
	_ =	sdelay $0x4  }
0x21b: {  	v2 =	vand.u32 $0xFFFF, v1  }
0x21c: {  	v1 =	vshra.s32 v1, $0x10;
	[tilespmem:$0x3B0] =	vst v2  }
0x21d: {  	[tilespmem:$0x4A0] =	vst v1  }
0x21e: {  	[tilespmem:s30], [sflag:$0x2] =	stream.indirect.gather [hbm4b:s5+s24], $0x90, s29, s24, $0xb8;
	[tilespmem:$0x1FE80] =	vst v63  }
0x21f: {  	_ = 	snop  }
0x220: {  	[tilespmem:s2], [sflag:$0x2] =	stream.indirect.gather [hbm4b:s6+s24], $0x10, s31, s24, $0xb8;
	[tilespmem:$0x1FE80] =	vst v63  }
0x221: {  	_ =	swait.ge [sflag:s23], $0x2D00  }
0x222: {  	[sflag:s23] =	ssyncset.done $0x0  }
0x223: {  	[sflag:s23] =	ssyncadd.s32 $0xFFFFD300  }
0x224: {  	_ =	swait.ge [sflag:s23], $0x500  }
0x225: {  	[sflag:s23] =	ssyncset.done $0x0  }
0x226: {  	s18 =	simm.s32 $0x620;
	[sflag:s23] =	ssyncadd.s32 $0xFFFFFB00  }
0x227: {  	s19 =	simm.s32 $0x8C20;
	v1 =	vld [tilespmem:s18+$0x110]  }
0x228: {  	v2 =	vld [tilespmem:s19+$0x10]  }
0x229: {  	v3 =	vld [tilespmem:s19+$0xFFFFFFE0]  }
0x22a: {  	v4 =	vld [tilespmem:s18+$0xFFFFFFF0]  }
0x22b: {  	v6 =	vld [tilespmem:s19+$0xFFFFFFF0]  }
0x22c: {  	v8 =	vld [tilespmem:s18+$0x80]  }
0x22d: {  	v9 =	vld [tilespmem:s19+$0x0];
	v1 =	vadd.f32 v2, v1  }
0x22e: {  	v35 =	vld [tilespmem:s18+$0xFFFFFEE0]  }
0x22f: {  	v2 =	vld [tilespmem:s18+$0xFFFFFF60];
	v7 =	vmul.f32 $2.000000030e-01, v1  }
0x230: {  	v5 =	vld [tilespmem:s18+$0xFFFFFEF0];
	v4 =	vadd.f32 v6, v4  }
0x231: {  	v11 =	vld [tilespmem:s18+$0xFFFFFF50];
	v1 =	vmax.f32 v1, v7  }
0x232: {  	v13 =	vld [tilespmem:s18+$0xFFFFFF80];
	v10 =	vmul.f32 $2.000000030e-01, v4;
	v1 =	vmul.f32 $1.442695020e+00, v1  }
0x233: {  	v14 =	vld [tilespmem:s18+$0xFFFFFF90]  }
0x234: {  	v15 =	vld [tilespmem:s18+$0xFFFFFFA0];
	v2 =	vadd.f32 v3, v2;
	v3 =	vmax.f32 v4, v10;
	(erf) = vpow2.f32 v1  }
0x235: {  	v21 =	vld [tilespmem:s18+$0x100];
	v12 =	vadd.f32 v9, v8;
	v3 =	vmul.f32 $1.442695020e+00, v3  }
0x236: {  	v17 =	vld [tilespmem:s18+$0xFFFFFFB0]  }
0x237: {  	v16 =	vld [tilespmem:s18+$0xFFFFFFC0];
	v4 =	vmul.f32 $2.000000030e-01, v12;
	(erf) = vpow2.f32 v3  }
0x238: {  	v18 =	vld [tilespmem:s18+$0xFFFFFFD0];
	v1 =	vmul.f32 $2.000000030e-01, v2  }
0x239: {  	v19 =	vld [tilespmem:s18+$0xFFFFFFE0];
	v4 =	vmax.f32 v12, v4  }
0x23a: {  	v20 =	vld [tilespmem:s18+$0x0];
	v1 =	vmax.f32 v2, v1;
	v2 =	vmul.f32 $1.442695020e+00, v4  }
0x23b: {  	v25 =	vld [tilespmem:s18+$0x30];
	v1 =	vmul.f32 $1.442695020e+00, v1  }
0x23c: {  	v26 =	vld [tilespmem:s18+$0x40];
	(erf) = vpow2.f32 v2  }
0x23d: {  	v33 =	vld [tilespmem:s18+$0x50];
	(erf) = vpow2.f32 v1;
	v36 =	vpop (erf)  }
0x23e: {  	v29 =	vld [tilespmem:s18+$0x60];
	v3 =	vbroadcast v36, $0x0;
	v22 =	vbroadcast v36, $0x7  }
0x23f: {  	v27 =	vld [tilespmem:s18+$0xA0];
	v4 =	vbroadcast v36, $0x1;
	v2 =	vbroadcast v36, $0x2  }
0x240: {  	v24 =	vld [tilespmem:s18+$0xB0];
	v1 =	vbroadcast v36, $0x3;
	v31 =	vpop (erf);
	v34 =	vbroadcast v36, $0x4  }
0x241: {  	v37 =	vld [tilespmem:s18+$0x70];
	v43 =	vbroadcast v31, $0x0;
	v40 =	vbroadcast v31, $0x1  }
0x242: {  	v28 =	vld [tilespmem:s18+$0xC0];
	v42 =	vbroadcast v31, $0x2;
	v38 =	vbroadcast v31, $0x3  }
0x243: {  	v32 =	vld [tilespmem:s18+$0xE0];
	v44 =	vbroadcast v31, $0x4;
	v39 =	vbroadcast v31, $0x5  }
0x244: {  	v6 =	vld [tilespmem:s18+$0xFFFFFF00];
	v54 =	vbroadcast v31, $0x6;
	v52 =	vbroadcast v31, $0x7  }
0x245: {  	v9 =	vld [tilespmem:s18+$0xFFFFFF20];
	[tilespmem:s18+$0xFFFFFFF0] =	vst v31;
	v31 =	vbroadcast v36, $0x5;
	v23 =	vmul.f32 v21, v22;
	v41 =	vpop (erf)  }
0x246: {  	v8 =	vld [tilespmem:s18+$0xFFFFFF30];
	v53 =	vbroadcast v41, $0x0;
	v50 =	vbroadcast v41, $0x1  }
0x247: {  	v7 =	vld [tilespmem:s18+$0xFFFFFF10];
	v51 =	vbroadcast v41, $0x2;
	v49 =	vbroadcast v41, $0x3  }
0x248: {  	v10 =	vld [tilespmem:s18+$0xFFFFFF40];
	v48 =	vbroadcast v41, $0x4;
	v47 =	vbroadcast v41, $0x5  }
0x249: {  	v12 =	vld [tilespmem:s18+$0xFFFFFF70];
	v30 =	vpop (erf);
	v46 =	vbroadcast v41, $0x6;
	v45 =	vbroadcast v41, $0x7  }
0x24a: {  	v21 =	vld [tilespmem:s18+$0x10];
	v62 =	vbroadcast v30, $0x0;
	v58 =	vbroadcast v30, $0x1  }
0x24b: {  	[tilespmem:s18+$0x110] =	vst v36;
	v22 =	vld [tilespmem:s18+$0x20];
	v61 =	vbroadcast v30, $0x2;
	v57 =	vbroadcast v30, $0x3  }
0x24c: {  	[tilespmem:s18+$0x100] =	vst v23;
	v23 =	vld [tilespmem:s18+$0x90];
	v60 =	vbroadcast v30, $0x4;
	v56 =	vbroadcast v30, $0x5  }
0x24d: {  	v59 =	vbroadcast v30, $0x6;
	v55 =	vbroadcast v30, $0x7;
	[tilespmem:s18+$0xFFFFFF60] =	vst v30;
	v30 =	vld [tilespmem:s18+$0xD0]  }
0x24e: {  	s15 =	simm.s32 $0x0;
	s22 =	simm.s32 $0x860;
	[tilespmem:s18+$0x80] =	vst v41;
	v41 =	vmul.f32 v62, v35;
	v35 =	vbroadcast v36, $0x6;
	v36 =	vld [tilespmem:s18+$0xF0]  }
.LBB2_11:
0x24f: {  	v62 =	vld [tilespmem:s22+$0x110];
	v5 =	vmul.f32 v58, v5;
	v6 =	vmul.f32 v61, v6;
	s19 =	sadd.s32 $0x40, s19  }
0x250: {  	s15 =	sadd.s32 $0x4, s15;
	v7 =	vmul.f32 v7, v57;
	v9 =	vmul.f32 v9, v60;
	v58 =	vld [tilespmem:s19+$0x10];
	[tilespmem:s18+$0xFFFFFEE0] =	vst v41  }
0x251: {  	p0 =	slt.u32 s15, $0x4C;
	v57 =	vld [tilespmem:s19+$0xFFFFFFE0];
	[tilespmem:s18+$0xFFFFFEF0] =	vst v5;
	v5 =	vmul.f32 v8, v56;
	v8 =	vmul.f32 v10, v59  }
0x252: {  	v10 =	vld [tilespmem:s22+$0xFFFFFFF0];
	[tilespmem:s18+$0xFFFFFF00] =	vst v6;
	v6 =	vmul.f32 v11, v55;
	v11 =	vmul.f32 v43, v12  }
0x253: {  	v12 =	vld [tilespmem:s19+$0xFFFFFFF0];
	[tilespmem:s18+$0xFFFFFF10] =	vst v7;
	v7 =	vmul.f32 v40, v13;
	v13 =	vmul.f32 v42, v14  }
0x254: {  	v15 =	vmul.f32 v15, v38;
	v17 =	vmul.f32 v17, v44;
	v14 =	vld [tilespmem:s22+$0x80];
	[tilespmem:s18+$0xFFFFFF20] =	vst v9  }
0x255: {  	v16 =	vmul.f32 v16, v39;
	v18 =	vmul.f32 v18, v54;
	v9 =	vld [tilespmem:s19+$0x0];
	v38 =	vadd.f32 v58, v62;
	[tilespmem:s18+$0xFFFFFF30] =	vst v5  }
0x256: {  	v19 =	vmul.f32 v19, v52;
	v20 =	vmul.f32 v53, v20;
	v39 =	vld [tilespmem:s22+$0xFFFFFF60];
	[tilespmem:s18+$0xFFFFFF40] =	vst v8  }
0x257: {  	v21 =	vmul.f32 v50, v21;
	v41 =	vld [tilespmem:s22+$0xFFFFFEE0];
	v8 =	vmul.f32 $2.000000030e-01, v38;
	[tilespmem:s18+$0xFFFFFF50] =	vst v6  }
0x258: {  	v22 =	vmul.f32 v51, v22;
	v25 =	vmul.f32 v25, v49;
	v5 =	vld [tilespmem:s22+$0xFFFFFEF0];
	v10 =	vadd.f32 v12, v10;
	[tilespmem:s18+$0xFFFFFF70] =	vst v11  }
0x259: {  	v26 =	vmul.f32 v26, v48;
	v33 =	vmul.f32 v33, v47;
	v6 =	vld [tilespmem:s22+$0xFFFFFF00];
	v8 =	vmax.f32 v38, v8;
	[tilespmem:s18+$0xFFFFFF80] =	vst v7  }
0x25a: {  	v7 =	vld [tilespmem:s22+$0xFFFFFF10];
	v11 =	vmul.f32 $2.000000030e-01, v10;
	v12 =	vadd.f32 v9, v14;
	v14 =	vmul.f32 $1.442695020e+00, v8;
	[tilespmem:s18+$0xFFFFFF90] =	vst v13  }
0x25b: {  	v29 =	vmul.f32 v29, v46;
	v37 =	vmul.f32 v37, v45;
	v13 =	vadd.f32 v57, v39;
	v9 =	vld [tilespmem:s22+$0xFFFFFF20];
	[tilespmem:s18+$0xFFFFFFA0] =	vst v15  }
0x25c: {  	v8 =	vld [tilespmem:s22+$0xFFFFFF30];
	v11 =	vmax.f32 v10, v11;
	v15 =	vmul.f32 $2.000000030e-01, v12;
	(erf) = vpow2.f32 v14;
	[tilespmem:s18+$0xFFFFFFB0] =	vst v17  }
0x25d: {  	v14 =	vmul.f32 $2.000000030e-01, v13;
	v10 =	vld [tilespmem:s22+$0xFFFFFF40];
	v17 =	vmul.f32 $1.442695020e+00, v11;
	[tilespmem:s18+$0xFFFFFFC0] =	vst v16  }
0x25e: {  	v23 =	vmul.f32 v3, v23;
	v27 =	vmul.f32 v4, v27;
	v11 =	vld [tilespmem:s22+$0xFFFFFF50];
	v15 =	vmax.f32 v12, v15;
	[tilespmem:s18+$0xFFFFFFD0] =	vst v18  }
0x25f: {  	v3 =	vmax.f32 v13, v14;
	v12 =	vld [tilespmem:s22+$0xFFFFFF70];
	v4 =	vmul.f32 $1.442695020e+00, v15;
	(erf) = vpow2.f32 v17;
	[tilespmem:s18+$0xFFFFFFE0] =	vst v19  }
0x260: {  	v24 =	vmul.f32 v2, v24;
	v3 =	vmul.f32 $1.442695020e+00, v3;
	v13 =	vld [tilespmem:s22+$0xFFFFFF80];
	[tilespmem:s18+$0x0] =	vst v20  }
0x261: {  	v28 =	vmul.f32 v28, v1;
	v14 =	vld [tilespmem:s22+$0xFFFFFF90];
	(erf) = vpow2.f32 v4;
	[tilespmem:s18+$0x10] =	vst v21  }
0x262: {  	v30 =	vmul.f32 v30, v34;
	v15 =	vld [tilespmem:s22+$0xFFFFFFA0];
	(erf) = vpow2.f32 v3;
	[tilespmem:s18+$0x20] =	vst v22  }
0x263: {  	v31 =	vmul.f32 v32, v31;
	v32 =	vmul.f32 v36, v35;
	v21 =	vld [tilespmem:s22+$0x100];
	[tilespmem:s18+$0x30] =	vst v25  }
0x264: {  	v17 =	vld [tilespmem:s22+$0xFFFFFFB0];
	[tilespmem:s18+$0x40] =	vst v26  }
0x265: {  	v16 =	vld [tilespmem:s22+$0xFFFFFFC0];
	v35 =	vpop (erf);
	[tilespmem:s18+$0x50] =	vst v33  }
0x266: {  	v18 =	vld [tilespmem:s22+$0xFFFFFFD0];
	v3 =	vbroadcast v35, $0x0;
	v22 =	vbroadcast v35, $0x7;
	[tilespmem:s18+$0x60] =	vst v29  }
0x267: {  	v4 =	vbroadcast v35, $0x1;
	v2 =	vbroadcast v35, $0x2;
	v19 =	vld [tilespmem:s22+$0xFFFFFFE0];
	[tilespmem:s18+$0x70] =	vst v37  }
0x268: {  	v1 =	vbroadcast v35, $0x3;
	v20 =	vld [tilespmem:s22+$0x0];
	v25 =	vmul.f32 v21, v22;
	v34 =	vpop (erf);
	[tilespmem:s18+$0x90] =	vst v23  }
0x269: {  	v43 =	vbroadcast v34, $0x0;
	v40 =	vbroadcast v34, $0x1;
	v21 =	vld [tilespmem:s22+$0x10];
	[tilespmem:s18+$0xA0] =	vst v27  }
0x26a: {  	v42 =	vbroadcast v34, $0x2;
	v38 =	vbroadcast v34, $0x3;
	v22 =	vld [tilespmem:s22+$0x20];
	[tilespmem:s22+$0x100] =	vst v25;
	v36 =	vpop (erf)  }
0x26b: {  	v44 =	vbroadcast v34, $0x4;
	v39 =	vbroadcast v34, $0x5;
	v25 =	vld [tilespmem:s22+$0x30];
	v23 =	vpop (erf);
	[tilespmem:s18+$0xB0] =	vst v24  }
0x26c: {  	v62 =	vbroadcast v23, $0x0;
	v58 =	vbroadcast v23, $0x1;
	v26 =	vld [tilespmem:s22+$0x40];
	[tilespmem:s18+$0xC0] =	vst v28  }
0x26d: {  	v61 =	vbroadcast v23, $0x2;
	v57 =	vbroadcast v23, $0x3;
	v33 =	vld [tilespmem:s22+$0x50];
	[tilespmem:s18+$0xD0] =	vst v30  }
0x26e: {  	v60 =	vbroadcast v23, $0x4;
	v56 =	vbroadcast v23, $0x5;
	v29 =	vld [tilespmem:s22+$0x60];
	[tilespmem:s18+$0xE0] =	vst v31  }
0x26f: {  	v59 =	vbroadcast v23, $0x6;
	v55 =	vbroadcast v23, $0x7;
	v37 =	vld [tilespmem:s22+$0x70];
	[tilespmem:s18+$0xF0] =	vst v32;
	s18 =	smov.u32 s22  }
0x270: {  	v54 =	vbroadcast v34, $0x6;
	v52 =	vbroadcast v34, $0x7;
	[tilespmem:s22+$0xFFFFFF60] =	vst v23;
	v23 =	vld [tilespmem:s22+$0x90]  }
0x271: {  	v53 =	vbroadcast v36, $0x0;
	v50 =	vbroadcast v36, $0x1;
	[tilespmem:s22+$0xFFFFFFF0] =	vst v34;
	v27 =	vld [tilespmem:s22+$0xA0]  }
.Ltmp4:
0x272: {  	v51 =	vbroadcast v36, $0x2;
	v49 =	vbroadcast v36, $0x3;
	[tilespmem:s22+$0x80] =	vst v36;
	v24 =	vld [tilespmem:s22+$0xB0];
	(pc) =	sbr.rel @p0 .LBB2_11-.Ltmp4, $4  }
0x273: {  	v48 =	vbroadcast v36, $0x4;
	v47 =	vbroadcast v36, $0x5;
	[tilespmem:s22+$0x110] =	vst v35;
	v28 =	vld [tilespmem:s22+$0xC0]  }
0x274: {  	v46 =	vbroadcast v36, $0x6;
	v45 =	vbroadcast v36, $0x7;
	v30 =	vld [tilespmem:s22+$0xD0]  }
0x275: {  	v31 =	vbroadcast v35, $0x5;
	v34 =	vbroadcast v35, $0x4;
	v32 =	vld [tilespmem:s22+$0xE0]  }
0x276: {  	v41 =	vmul.f32 v62, v41;
	v35 =	vbroadcast v35, $0x6;
	s22 =	sadd.s32 $0x240, s22;
	v36 =	vld [tilespmem:s18+$0xF0]  }
0x277: {  	v5 =	vmul.f32 v58, v5  }
0x278: {  	v6 =	vmul.f32 v61, v6;
	[tilespmem:s18+$0xFFFFFEE0] =	vst v41  }
0x279: {  	v7 =	vmul.f32 v7, v57;
	[tilespmem:s18+$0xFFFFFEF0] =	vst v5  }
0x27a: {  	v63 =	vmul.f32 v9, v60;
	[tilespmem:s18+$0xFFFFFF00] =	vst v6  }
0x27b: {  	v9 =	vmul.f32 v8, v56;
	[tilespmem:s18+$0xFFFFFF10] =	vst v7  }
0x27c: {  	v10 =	vmul.f32 v10, v59;
	[tilespmem:s18+$0xFFFFFF20] =	vst v63  }
0x27d: {  	v11 =	vmul.f32 v11, v55;
	[tilespmem:s18+$0xFFFFFF30] =	vst v9  }
0x27e: {  	v12 =	vmul.f32 v43, v12;
	[tilespmem:s18+$0xFFFFFF40] =	vst v10  }
0x27f: {  	v40 =	vmul.f32 v40, v13;
	[tilespmem:s18+$0xFFFFFF50] =	vst v11  }
0x280: {  	v43 =	vmul.f32 v17, v44;
	[tilespmem:s18+$0xFFFFFF70] =	vst v12  }
0x281: {  	v44 =	vmul.f32 v16, v39;
	[tilespmem:s18+$0xFFFFFF80] =	vst v40  }
0x282: {  	v54 =	vmul.f32 v18, v54;
	[tilespmem:s18+$0xFFFFFFB0] =	vst v43  }
0x283: {  	v55 =	vmul.f32 v19, v52;
	[tilespmem:s18+$0xFFFFFFC0] =	vst v44  }
0x284: {  	v56 =	vmul.f32 v53, v20;
	[tilespmem:s18+$0xFFFFFFD0] =	vst v54  }
0x285: {  	v57 =	vmul.f32 v50, v21;
	[tilespmem:s18+$0xFFFFFFE0] =	vst v55  }
0x286: {  	v58 =	vmul.f32 v51, v22;
	[tilespmem:s18+$0x0] =	vst v56  }
0x287: {  	v59 =	vmul.f32 v25, v49;
	[tilespmem:s18+$0x10] =	vst v57  }
0x288: {  	v60 =	vmul.f32 v26, v48;
	[tilespmem:s18+$0x20] =	vst v58  }
0x289: {  	v61 =	vmul.f32 v33, v47;
	[tilespmem:s18+$0x30] =	vst v59  }
0x28a: {  	v62 =	vmul.f32 v29, v46;
	[tilespmem:s18+$0x40] =	vst v60  }
0x28b: {  	v3 =	vmul.f32 v3, v23;
	[tilespmem:s18+$0x50] =	vst v61  }
0x28c: {  	v4 =	vmul.f32 v4, v27;
	[tilespmem:s18+$0x60] =	vst v62  }
0x28d: {  	v2 =	vmul.f32 v2, v24;
	[tilespmem:s18+$0x90] =	vst v3  }
0x28e: {  	v41 =	vmul.f32 v42, v14;
	[tilespmem:s18+$0xA0] =	vst v4  }
0x28f: {  	v42 =	vmul.f32 v15, v38;
	[tilespmem:s18+$0xB0] =	vst v2  }
0x290: {  	v1 =	vmul.f32 v28, v1;
	[tilespmem:s18+$0xFFFFFF90] =	vst v41  }
0x291: {  	v63 =	vmul.f32 v37, v45;
	[tilespmem:s18+$0xFFFFFFA0] =	vst v42  }
0x292: {  	v3 =	vmul.f32 v30, v34;
	[tilespmem:s18+$0xC0] =	vst v1  }
0x293: {  	v2 =	vmul.f32 v32, v31;
	[tilespmem:s18+$0x70] =	vst v63  }
0x294: {  	v1 =	vmul.f32 v36, v35;
	[tilespmem:s18+$0xD0] =	vst v3  }
0x295: {  	p0 =	seq.s32 s16, $0x28;
	[tilespmem:s18+$0xE0] =	vst v2  }
.Ltmp5:
0x296: {  	[tilespmem:s18+$0xF0] =	vst v1;
	(pc) =	sbr.rel @p0 .LBB2_14-.Ltmp5, $4  }
0x297: {  	_ =	swait.ge [sflag:s13], $0x2D00  }
0x298: {  	[sflag:s13] =	ssyncset.done $0x0  }
0x299: {  	[sflag:s13] =	ssyncadd.s32 $0xFFFFD300  }
0x29a: {  	[spmem:s3] =	stream.indirect.scatter.add.f32 [tilespmem:s20], [sflag:$0x4], $0x90, s26, s24, $0xb8;
	[tilespmem:$0x1FE80] =	vst v63  }
0x29b: {  	s8 =	sadd.s32 $0x5, s17  }
0x29c: {  	s15 =	smul.u32 $0xCCCCCCCD, s8;
	_ =	sdelay $0x1  }
0x29d: {  	p2 =	sgt.u32 s15, $0x33333333  }
0x29e: {  	p1 =	sgt.u32 @!p2 s16, $0x26  }
0x29f: {  	p1 =	por p1, p2  }
0x2a0: {  	s19 =	smulhi.u32 $0xCCCCCCCD, s8;
	s15 =	sadd.s32 @!p1 $0xA, s17  }
0x2a1: {  	s18 =	smulhi.u32 @!p1 $0xCCCCCCCD, s15  }
0x2a2: {  	s19 =	sshrl.u32 s19, $0x3  }
0x2a3: {  	s19 =	smul.u32 $0xA, s19;
	s18 =	sshrl.u32 @!p1 s18, $0x3  }
0x2a4: {  	s18 =	smul.u32 @!p1 $0xA, s18  }
0x2a5: {  	s22 =	simm.s32 @!p2 $0x7  }
0x2a6: {  	s8 =	ssub.s32 s8, s19;
	s18 =	ssub.s32 @!p1 s15, s18;
	s15 =	smul.u32 @!p1 $0x50, s15  }
0x2a7: {  	_ =	swait.ge @!p2 [sflag:s22], $0x190;
	s8 =	smul.u32 $0x140, s8  }
0x2a8: {  	[sflag:s22] =	ssyncset.done @!p2 $0x0;
	s18 =	smul.u32 @!p1 $0x140, s18;
	s15 =	sadd.s32 @!p1 s7, s15  }
0x2a9: {  	s19 =	simm.s32 @!p1 $0x0;
	[sflag:s22] =	ssyncadd.s32 @!p2 $0xFFFFFE70;
	s15 =	sshrl.u32 @!p1 s15, $0x3  }
0x2aa: {  	s8 =	sshrl.u32 s8, $0x2;
	s18 =	sshrl.u32 @!p1 s18, $0x2;
	s15 =	sadd.s32 @!p1 s1, s15  }
0x2ab: {  	[tilespmem:s18], [sflag:$0x7] =	stream.linear.gather @!p1 [hbm4b:s15+s19], $0x190, $0x38;
	[tilespmem:$0x1FE80] =	vst v63  }
0x2ac: {  	v1 =	vld [tilespmem:s8+$0x0];
	_ =	sdelay $0x4  }
0x2ad: {  	v2 =	vand.u32 $0xFFFF, v1  }
0x2ae: {  	v1 =	vshra.s32 v1, $0x10;
	[tilespmem:$0x3C0] =	vst v2  }
0x2af: {  	[tilespmem:$0x4B0] =	vst v1  }
0x2b0: {  	v1 =	vld [tilespmem:s8+$0x10];
	_ =	sdelay $0x4  }
0x2b1: {  	v2 =	vand.u32 $0xFFFF, v1  }
0x2b2: {  	v1 =	vshra.s32 v1, $0x10;
	[tilespmem:$0x3D0] =	vst v2  }
0x2b3: {  	[tilespmem:$0x4C0] =	vst v1  }
0x2b4: {  	v1 =	vld [tilespmem:s8+$0x20];
	_ =	sdelay $0x4  }
0x2b5: {  	v2 =	vand.u32 $0xFFFF, v1  }
0x2b6: {  	v1 =	vshra.s32 v1, $0x10;
	[tilespmem:$0x3E0] =	vst v2  }
0x2b7: {  	[tilespmem:$0x4D0] =	vst v1  }
0x2b8: {  	v1 =	vld [tilespmem:s8+$0x30];
	_ =	sdelay $0x4  }
0x2b9: {  	v2 =	vand.u32 $0xFFFF, v1  }
0x2ba: {  	v1 =	vshra.s32 v1, $0x10;
	[tilespmem:$0x3F0] =	vst v2  }
0x2bb: {  	[tilespmem:$0x4E0] =	vst v1  }
0x2bc: {  	v1 =	vld [tilespmem:s8+$0x40];
	_ =	sdelay $0x4  }
0x2bd: {  	v2 =	vand.u32 $0xFFFF, v1  }
0x2be: {  	v1 =	vshra.s32 v1, $0x10;
	[tilespmem:$0x400] =	vst v2  }
0x2bf: {  	[tilespmem:$0x4F0] =	vst v1  }
0x2c0: {  	[tilespmem:s25], [sflag:$0x3] =	stream.indirect.gather [hbm4b:s5+s24], $0x90, s0, s24, $0xb8;
	[tilespmem:$0x1FE80] =	vst v63  }
0x2c1: {  	_ = 	snop  }
0x2c2: {  	[tilespmem:s28], [sflag:$0x3] =	stream.indirect.gather [hbm4b:s6+s24], $0x10, s4, s24, $0xb8;
	[tilespmem:$0x1FE80] =	vst v63  }
.LBB2_14:
0x2c3: {  	_ =	swait.ge [sflag:s9], $0x2D00  }
0x2c4: {  	[sflag:s9] =	ssyncset.done $0x0  }
0x2c5: {  	[sflag:s9] =	ssyncadd.s32 $0xFFFFD300  }
0x2c6: {  	_ =	swait.ge [sflag:s9], $0x500  }
0x2c7: {  	[sflag:s9] =	ssyncset.done $0x0  }
0x2c8: {  	s18 =	simm.s32 $0x3320;
	[sflag:s9] =	ssyncadd.s32 $0xFFFFFB00  }
0x2c9: {  	s19 =	simm.s32 $0x9120;
	v1 =	vld [tilespmem:s18+$0x110]  }
0x2ca: {  	v2 =	vld [tilespmem:s19+$0x10]  }
0x2cb: {  	v3 =	vld [tilespmem:s19+$0xFFFFFFE0]  }
0x2cc: {  	v4 =	vld [tilespmem:s18+$0xFFFFFFF0]  }
0x2cd: {  	v6 =	vld [tilespmem:s19+$0xFFFFFFF0]  }
0x2ce: {  	v8 =	vld [tilespmem:s18+$0x80]  }
0x2cf: {  	v9 =	vld [tilespmem:s19+$0x0];
	v1 =	vadd.f32 v2, v1  }
0x2d0: {  	v34 =	vld [tilespmem:s18+$0xFFFFFEE0]  }
0x2d1: {  	v2 =	vld [tilespmem:s18+$0xFFFFFF60];
	v7 =	vmul.f32 $2.000000030e-01, v1  }
0x2d2: {  	v5 =	vld [tilespmem:s18+$0xFFFFFEF0];
	v4 =	vadd.f32 v6, v4  }
0x2d3: {  	v11 =	vld [tilespmem:s18+$0xFFFFFF50];
	v1 =	vmax.f32 v1, v7  }
0x2d4: {  	v13 =	vld [tilespmem:s18+$0xFFFFFF80];
	v10 =	vmul.f32 $2.000000030e-01, v4;
	v1 =	vmul.f32 $1.442695020e+00, v1  }
0x2d5: {  	v14 =	vld [tilespmem:s18+$0xFFFFFF90]  }
0x2d6: {  	v15 =	vld [tilespmem:s18+$0xFFFFFFA0];
	v2 =	vadd.f32 v3, v2;
	v3 =	vmax.f32 v4, v10;
	(erf) = vpow2.f32 v1  }
0x2d7: {  	v21 =	vld [tilespmem:s18+$0x100];
	v12 =	vadd.f32 v9, v8;
	v3 =	vmul.f32 $1.442695020e+00, v3  }
0x2d8: {  	v17 =	vld [tilespmem:s18+$0xFFFFFFB0]  }
0x2d9: {  	v16 =	vld [tilespmem:s18+$0xFFFFFFC0];
	v4 =	vmul.f32 $2.000000030e-01, v12;
	(erf) = vpow2.f32 v3  }
0x2da: {  	v18 =	vld [tilespmem:s18+$0xFFFFFFD0];
	v1 =	vmul.f32 $2.000000030e-01, v2  }
0x2db: {  	v19 =	vld [tilespmem:s18+$0xFFFFFFE0];
	v4 =	vmax.f32 v12, v4  }
0x2dc: {  	v20 =	vld [tilespmem:s18+$0x0];
	v1 =	vmax.f32 v2, v1;
	v2 =	vmul.f32 $1.442695020e+00, v4  }
0x2dd: {  	v25 =	vld [tilespmem:s18+$0x30];
	v1 =	vmul.f32 $1.442695020e+00, v1  }
0x2de: {  	v29 =	vld [tilespmem:s18+$0x40];
	(erf) = vpow2.f32 v2  }
0x2df: {  	v35 =	vld [tilespmem:s18+$0x50];
	(erf) = vpow2.f32 v1;
	v36 =	vpop (erf)  }
0x2e0: {  	v31 =	vld [tilespmem:s18+$0x60];
	v3 =	vbroadcast v36, $0x0;
	v22 =	vbroadcast v36, $0x7  }
0x2e1: {  	v30 =	vld [tilespmem:s18+$0xA0];
	v4 =	vbroadcast v36, $0x1;
	v2 =	vbroadcast v36, $0x2  }
0x2e2: {  	v24 =	vld [tilespmem:s18+$0xB0];
	v1 =	vbroadcast v36, $0x3;
	v28 =	vpop (erf);
	v33 =	vbroadcast v36, $0x4  }
0x2e3: {  	v37 =	vld [tilespmem:s18+$0x70];
	v43 =	vbroadcast v28, $0x0;
	v40 =	vbroadcast v28, $0x1  }
0x2e4: {  	v26 =	vld [tilespmem:s18+$0xC0];
	v42 =	vbroadcast v28, $0x2;
	v38 =	vbroadcast v28, $0x3  }
0x2e5: {  	v32 =	vld [tilespmem:s18+$0xE0];
	v44 =	vbroadcast v28, $0x4;
	v39 =	vbroadcast v28, $0x5  }
0x2e6: {  	v6 =	vld [tilespmem:s18+$0xFFFFFF00];
	v54 =	vbroadcast v28, $0x6;
	v52 =	vbroadcast v28, $0x7  }
0x2e7: {  	v9 =	vld [tilespmem:s18+$0xFFFFFF20];
	[tilespmem:s18+$0xFFFFFFF0] =	vst v28;
	v28 =	vbroadcast v36, $0x5;
	v23 =	vmul.f32 v21, v22;
	v41 =	vpop (erf)  }
0x2e8: {  	v8 =	vld [tilespmem:s18+$0xFFFFFF30];
	v53 =	vbroadcast v41, $0x0;
	v50 =	vbroadcast v41, $0x1  }
0x2e9: {  	v7 =	vld [tilespmem:s18+$0xFFFFFF10];
	v51 =	vbroadcast v41, $0x2;
	v49 =	vbroadcast v41, $0x3  }
0x2ea: {  	v10 =	vld [tilespmem:s18+$0xFFFFFF40];
	v48 =	vbroadcast v41, $0x4;
	v47 =	vbroadcast v41, $0x5  }
0x2eb: {  	v12 =	vld [tilespmem:s18+$0xFFFFFF70];
	v27 =	vpop (erf);
	v46 =	vbroadcast v41, $0x6;
	v45 =	vbroadcast v41, $0x7  }
0x2ec: {  	v21 =	vld [tilespmem:s18+$0x10];
	v62 =	vbroadcast v27, $0x0;
	v58 =	vbroadcast v27, $0x1  }
0x2ed: {  	[tilespmem:s18+$0x110] =	vst v36;
	v22 =	vld [tilespmem:s18+$0x20];
	v61 =	vbroadcast v27, $0x2;
	v57 =	vbroadcast v27, $0x3  }
0x2ee: {  	[tilespmem:s18+$0x100] =	vst v23;
	v23 =	vld [tilespmem:s18+$0x90];
	v60 =	vbroadcast v27, $0x4;
	v56 =	vbroadcast v27, $0x5  }
0x2ef: {  	v59 =	vbroadcast v27, $0x6;
	v55 =	vbroadcast v27, $0x7;
	[tilespmem:s18+$0xFFFFFF60] =	vst v27;
	v27 =	vld [tilespmem:s18+$0xD0]  }
0x2f0: {  	s15 =	simm.s32 $0x0;
	s22 =	simm.s32 $0x3560;
	[tilespmem:s18+$0x80] =	vst v41;
	v41 =	vmul.f32 v62, v34;
	v34 =	vbroadcast v36, $0x6;
	v36 =	vld [tilespmem:s18+$0xF0]  }
.LBB2_15:
0x2f1: {  	v62 =	vld [tilespmem:s22+$0x110];
	v5 =	vmul.f32 v58, v5;
	v6 =	vmul.f32 v61, v6;
	s19 =	sadd.s32 $0x40, s19  }
0x2f2: {  	s15 =	sadd.s32 $0x4, s15;
	v7 =	vmul.f32 v7, v57;
	v9 =	vmul.f32 v9, v60;
	v58 =	vld [tilespmem:s19+$0x10];
	[tilespmem:s18+$0xFFFFFEE0] =	vst v41  }
0x2f3: {  	p1 =	slt.u32 s15, $0x4C;
	v57 =	vld [tilespmem:s19+$0xFFFFFFE0];
	[tilespmem:s18+$0xFFFFFEF0] =	vst v5;
	v5 =	vmul.f32 v8, v56;
	v8 =	vmul.f32 v10, v59  }
0x2f4: {  	v10 =	vld [tilespmem:s22+$0xFFFFFFF0];
	[tilespmem:s18+$0xFFFFFF00] =	vst v6;
	v6 =	vmul.f32 v11, v55;
	v11 =	vmul.f32 v43, v12  }
0x2f5: {  	v12 =	vld [tilespmem:s19+$0xFFFFFFF0];
	[tilespmem:s18+$0xFFFFFF10] =	vst v7;
	v7 =	vmul.f32 v40, v13;
	v13 =	vmul.f32 v42, v14  }
0x2f6: {  	v15 =	vmul.f32 v15, v38;
	v17 =	vmul.f32 v17, v44;
	v14 =	vld [tilespmem:s22+$0x80];
	[tilespmem:s18+$0xFFFFFF20] =	vst v9  }
0x2f7: {  	v16 =	vmul.f32 v16, v39;
	v18 =	vmul.f32 v18, v54;
	v9 =	vld [tilespmem:s19+$0x0];
	v38 =	vadd.f32 v58, v62;
	[tilespmem:s18+$0xFFFFFF30] =	vst v5  }
0x2f8: {  	v19 =	vmul.f32 v19, v52;
	v20 =	vmul.f32 v53, v20;
	v39 =	vld [tilespmem:s22+$0xFFFFFF60];
	[tilespmem:s18+$0xFFFFFF40] =	vst v8  }
0x2f9: {  	v21 =	vmul.f32 v50, v21;
	v41 =	vld [tilespmem:s22+$0xFFFFFEE0];
	v8 =	vmul.f32 $2.000000030e-01, v38;
	[tilespmem:s18+$0xFFFFFF50] =	vst v6  }
0x2fa: {  	v22 =	vmul.f32 v51, v22;
	v25 =	vmul.f32 v25, v49;
	v5 =	vld [tilespmem:s22+$0xFFFFFEF0];
	v10 =	vadd.f32 v12, v10;
	[tilespmem:s18+$0xFFFFFF70] =	vst v11  }
0x2fb: {  	v29 =	vmul.f32 v29, v48;
	v35 =	vmul.f32 v35, v47;
	v6 =	vld [tilespmem:s22+$0xFFFFFF00];
	v8 =	vmax.f32 v38, v8;
	[tilespmem:s18+$0xFFFFFF80] =	vst v7  }
0x2fc: {  	v7 =	vld [tilespmem:s22+$0xFFFFFF10];
	v11 =	vmul.f32 $2.000000030e-01, v10;
	v12 =	vadd.f32 v9, v14;
	v14 =	vmul.f32 $1.442695020e+00, v8;
	[tilespmem:s18+$0xFFFFFF90] =	vst v13  }
0x2fd: {  	v31 =	vmul.f32 v31, v46;
	v37 =	vmul.f32 v37, v45;
	v13 =	vadd.f32 v57, v39;
	v9 =	vld [tilespmem:s22+$0xFFFFFF20];
	[tilespmem:s18+$0xFFFFFFA0] =	vst v15  }
0x2fe: {  	v8 =	vld [tilespmem:s22+$0xFFFFFF30];
	v11 =	vmax.f32 v10, v11;
	v15 =	vmul.f32 $2.000000030e-01, v12;
	(erf) = vpow2.f32 v14;
	[tilespmem:s18+$0xFFFFFFB0] =	vst v17  }
0x2ff: {  	v14 =	vmul.f32 $2.000000030e-01, v13;
	v10 =	vld [tilespmem:s22+$0xFFFFFF40];
	v17 =	vmul.f32 $1.442695020e+00, v11;
	[tilespmem:s18+$0xFFFFFFC0] =	vst v16  }
0x300: {  	v23 =	vmul.f32 v3, v23;
	v30 =	vmul.f32 v4, v30;
	v11 =	vld [tilespmem:s22+$0xFFFFFF50];
	v15 =	vmax.f32 v12, v15;
	[tilespmem:s18+$0xFFFFFFD0] =	vst v18  }
0x301: {  	v3 =	vmax.f32 v13, v14;
	v12 =	vld [tilespmem:s22+$0xFFFFFF70];
	v4 =	vmul.f32 $1.442695020e+00, v15;
	(erf) = vpow2.f32 v17;
	[tilespmem:s18+$0xFFFFFFE0] =	vst v19  }
0x302: {  	v24 =	vmul.f32 v2, v24;
	v3 =	vmul.f32 $1.442695020e+00, v3;
	v13 =	vld [tilespmem:s22+$0xFFFFFF80];
	[tilespmem:s18+$0x0] =	vst v20  }
0x303: {  	v26 =	vmul.f32 v26, v1;
	v14 =	vld [tilespmem:s22+$0xFFFFFF90];
	(erf) = vpow2.f32 v4;
	[tilespmem:s18+$0x10] =	vst v21  }
0x304: {  	v27 =	vmul.f32 v27, v33;
	v15 =	vld [tilespmem:s22+$0xFFFFFFA0];
	(erf) = vpow2.f32 v3;
	[tilespmem:s18+$0x20] =	vst v22  }
0x305: {  	v28 =	vmul.f32 v32, v28;
	v32 =	vmul.f32 v36, v34;
	v21 =	vld [tilespmem:s22+$0x100];
	[tilespmem:s18+$0x30] =	vst v25  }
0x306: {  	v17 =	vld [tilespmem:s22+$0xFFFFFFB0];
	[tilespmem:s18+$0x40] =	vst v29  }
0x307: {  	v16 =	vld [tilespmem:s22+$0xFFFFFFC0];
	v34 =	vpop (erf);
	[tilespmem:s18+$0x50] =	vst v35  }
0x308: {  	v18 =	vld [tilespmem:s22+$0xFFFFFFD0];
	v3 =	vbroadcast v34, $0x0;
	v22 =	vbroadcast v34, $0x7;
	[tilespmem:s18+$0x60] =	vst v31  }
0x309: {  	v4 =	vbroadcast v34, $0x1;
	v2 =	vbroadcast v34, $0x2;
	v19 =	vld [tilespmem:s22+$0xFFFFFFE0];
	[tilespmem:s18+$0x70] =	vst v37  }
0x30a: {  	v1 =	vbroadcast v34, $0x3;
	v20 =	vld [tilespmem:s22+$0x0];
	v25 =	vmul.f32 v21, v22;
	v33 =	vpop (erf);
	[tilespmem:s18+$0x90] =	vst v23  }
0x30b: {  	v43 =	vbroadcast v33, $0x0;
	v40 =	vbroadcast v33, $0x1;
	v21 =	vld [tilespmem:s22+$0x10];
	[tilespmem:s18+$0xA0] =	vst v30  }
0x30c: {  	v42 =	vbroadcast v33, $0x2;
	v38 =	vbroadcast v33, $0x3;
	v22 =	vld [tilespmem:s22+$0x20];
	[tilespmem:s22+$0x100] =	vst v25;
	v36 =	vpop (erf)  }
0x30d: {  	v44 =	vbroadcast v33, $0x4;
	v39 =	vbroadcast v33, $0x5;
	v25 =	vld [tilespmem:s22+$0x30];
	v23 =	vpop (erf);
	[tilespmem:s18+$0xB0] =	vst v24  }
0x30e: {  	v62 =	vbroadcast v23, $0x0;
	v58 =	vbroadcast v23, $0x1;
	v29 =	vld [tilespmem:s22+$0x40];
	[tilespmem:s18+$0xC0] =	vst v26  }
0x30f: {  	v61 =	vbroadcast v23, $0x2;
	v57 =	vbroadcast v23, $0x3;
	v35 =	vld [tilespmem:s22+$0x50];
	[tilespmem:s18+$0xD0] =	vst v27  }
0x310: {  	v60 =	vbroadcast v23, $0x4;
	v56 =	vbroadcast v23, $0x5;
	v31 =	vld [tilespmem:s22+$0x60];
	[tilespmem:s18+$0xE0] =	vst v28  }
0x311: {  	v59 =	vbroadcast v23, $0x6;
	v55 =	vbroadcast v23, $0x7;
	v37 =	vld [tilespmem:s22+$0x70];
	[tilespmem:s18+$0xF0] =	vst v32;
	s18 =	smov.u32 s22  }
0x312: {  	v54 =	vbroadcast v33, $0x6;
	v52 =	vbroadcast v33, $0x7;
	[tilespmem:s22+$0xFFFFFF60] =	vst v23;
	v23 =	vld [tilespmem:s22+$0x90]  }
0x313: {  	v53 =	vbroadcast v36, $0x0;
	v50 =	vbroadcast v36, $0x1;
	[tilespmem:s22+$0xFFFFFFF0] =	vst v33;
	v30 =	vld [tilespmem:s22+$0xA0]  }
.Ltmp6:
0x314: {  	v51 =	vbroadcast v36, $0x2;
	v49 =	vbroadcast v36, $0x3;
	[tilespmem:s22+$0x80] =	vst v36;
	v24 =	vld [tilespmem:s22+$0xB0];
	(pc) =	sbr.rel @p1 .LBB2_15-.Ltmp6, $4  }
0x315: {  	v48 =	vbroadcast v36, $0x4;
	v47 =	vbroadcast v36, $0x5;
	[tilespmem:s22+$0x110] =	vst v34;
	v26 =	vld [tilespmem:s22+$0xC0]  }
0x316: {  	v46 =	vbroadcast v36, $0x6;
	v45 =	vbroadcast v36, $0x7;
	v27 =	vld [tilespmem:s22+$0xD0]  }
0x317: {  	v28 =	vbroadcast v34, $0x5;
	v33 =	vbroadcast v34, $0x4;
	v32 =	vld [tilespmem:s22+$0xE0]  }
0x318: {  	v41 =	vmul.f32 v62, v41;
	v34 =	vbroadcast v34, $0x6;
	s22 =	sadd.s32 $0x240, s22;
	v36 =	vld [tilespmem:s18+$0xF0]  }
0x319: {  	v5 =	vmul.f32 v58, v5  }
0x31a: {  	v6 =	vmul.f32 v61, v6;
	[tilespmem:s18+$0xFFFFFEE0] =	vst v41  }
0x31b: {  	v7 =	vmul.f32 v7, v57;
	[tilespmem:s18+$0xFFFFFEF0] =	vst v5  }
0x31c: {  	v63 =	vmul.f32 v9, v60;
	[tilespmem:s18+$0xFFFFFF00] =	vst v6  }
0x31d: {  	v9 =	vmul.f32 v8, v56;
	[tilespmem:s18+$0xFFFFFF10] =	vst v7  }
0x31e: {  	v10 =	vmul.f32 v10, v59;
	[tilespmem:s18+$0xFFFFFF20] =	vst v63  }
0x31f: {  	v11 =	vmul.f32 v11, v55;
	[tilespmem:s18+$0xFFFFFF30] =	vst v9  }
0x320: {  	v12 =	vmul.f32 v43, v12;
	[tilespmem:s18+$0xFFFFFF40] =	vst v10  }
0x321: {  	v40 =	vmul.f32 v40, v13;
	[tilespmem:s18+$0xFFFFFF50] =	vst v11  }
0x322: {  	v43 =	vmul.f32 v17, v44;
	[tilespmem:s18+$0xFFFFFF70] =	vst v12  }
0x323: {  	v44 =	vmul.f32 v16, v39;
	[tilespmem:s18+$0xFFFFFF80] =	vst v40  }
0x324: {  	v54 =	vmul.f32 v18, v54;
	[tilespmem:s18+$0xFFFFFFB0] =	vst v43  }
0x325: {  	v55 =	vmul.f32 v19, v52;
	[tilespmem:s18+$0xFFFFFFC0] =	vst v44  }
0x326: {  	v56 =	vmul.f32 v53, v20;
	[tilespmem:s18+$0xFFFFFFD0] =	vst v54  }
0x327: {  	v57 =	vmul.f32 v50, v21;
	[tilespmem:s18+$0xFFFFFFE0] =	vst v55  }
0x328: {  	v58 =	vmul.f32 v51, v22;
	[tilespmem:s18+$0x0] =	vst v56  }
0x329: {  	v59 =	vmul.f32 v25, v49;
	[tilespmem:s18+$0x10] =	vst v57  }
0x32a: {  	v60 =	vmul.f32 v29, v48;
	[tilespmem:s18+$0x20] =	vst v58  }
0x32b: {  	v61 =	vmul.f32 v35, v47;
	[tilespmem:s18+$0x30] =	vst v59  }
0x32c: {  	v62 =	vmul.f32 v31, v46;
	[tilespmem:s18+$0x40] =	vst v60  }
0x32d: {  	v3 =	vmul.f32 v3, v23;
	[tilespmem:s18+$0x50] =	vst v61  }
0x32e: {  	v4 =	vmul.f32 v4, v30;
	[tilespmem:s18+$0x60] =	vst v62  }
0x32f: {  	v2 =	vmul.f32 v2, v24;
	[tilespmem:s18+$0x90] =	vst v3  }
0x330: {  	s8 =	sadd.s32 $0x6, s17;
	v41 =	vmul.f32 v42, v14;
	[tilespmem:s18+$0xA0] =	vst v4  }
0x331: {  	v42 =	vmul.f32 v15, v38;
	s15 =	smul.u32 @!p0 $0xCCCCCCCD, s8;
	[tilespmem:s18+$0xB0] =	vst v2  }
0x332: {  	v1 =	vmul.f32 v26, v1;
	[tilespmem:s18+$0xFFFFFF90] =	vst v41  }
0x333: {  	v63 =	vmul.f32 v37, v45;
	[tilespmem:s18+$0xFFFFFFA0] =	vst v42;
	p1 =	sgt.u32 @!p0 s15, $0x33333333  }
0x334: {  	v3 =	vmul.f32 v27, v33;
	[tilespmem:s18+$0xC0] =	vst v1;
	p2 =	por p1, p0  }
0x335: {  	v2 =	vmul.f32 v32, v28;
	[tilespmem:s18+$0x70] =	vst v63;
	p3 =	sgt.u32 @!p2 s16, $0x25  }
0x336: {  	v1 =	vmul.f32 v36, v34;
	[tilespmem:s18+$0xD0] =	vst v3;
	p1 =	por @!p0 p3, p1  }
0x337: {  	[tilespmem:s18+$0xE0] =	vst v2;
	p1 =	por p1, p0  }
0x338: {  	[tilespmem:s18+$0xF0] =	vst v1;
	s18 =	smulhi.u32 @!p0 $0xCCCCCCCD, s8;
	s15 =	sadd.s32 @!p1 $0xB, s17  }
0x339: {  	s17 =	smulhi.u32 @!p1 $0xCCCCCCCD, s15  }
0x33a: {  	_ =	swait.ge [sflag:s10], $0x2D00;
	s18 =	sshrl.u32 @!p0 s18, $0x3  }
0x33b: {  	[sflag:s10] =	ssyncset.done $0x0;
	s18 =	smul.u32 @!p0 $0xA, s18;
	s17 =	sshrl.u32 @!p1 s17, $0x3  }
0x33c: {  	s19 =	simm.s32 @!p2 $0x7;
	[sflag:s10] =	ssyncadd.s32 $0xFFFFD300;
	s17 =	smul.u32 @!p1 $0xA, s17  }
0x33d: {  	[spmem:s3] =	stream.indirect.scatter.add.f32 [tilespmem:s30], [sflag:$0x5], $0x90, s31, s24, $0xb8;
	[tilespmem:$0x1FE80] =	vst v63  }
0x33e: {  	s8 =	ssub.s32 @!p0 s8, s18;
	s17 =	ssub.s32 @!p1 s15, s17;
	s15 =	smul.u32 @!p1 $0x50, s15  }
0x33f: {  	_ =	swait.ge @!p2 [sflag:s19], $0x190;
	s8 =	smul.u32 @!p0 $0x140, s8  }
0x340: {  	[sflag:s19] =	ssyncset.done @!p2 $0x0;
	s17 =	smul.u32 @!p1 $0x140, s17;
	s15 =	sadd.s32 @!p1 s7, s15  }
0x341: {  	s18 =	simm.s32 @!p1 $0x0;
	[sflag:s19] =	ssyncadd.s32 @!p2 $0xFFFFFE70;
	s15 =	sshrl.u32 @!p1 s15, $0x3  }
0x342: {  	s8 =	sshrl.u32 @!p0 s8, $0x2;
	s17 =	sshrl.u32 @!p1 s17, $0x2;
	s15 =	sadd.s32 @!p1 s1, s15  }
0x343: {  	[tilespmem:s17], [sflag:$0x7] =	stream.linear.gather @!p1 [hbm4b:s15+s18], $0x190, $0x38;
	[tilespmem:$0x1FE80] =	vst v63  }
0x344: {  	v1 =	vld @!p0 [tilespmem:s8+$0x0];
	_ =	sdelay $0x4  }
0x345: {  	v2 =	vand.u32 @!p0 $0xFFFF, v1  }
0x346: {  	v1 =	vshra.s32 @!p0 v1, $0x10;
	[tilespmem:$0x320] =	vst @!p0 v2  }
0x347: {  	[tilespmem:$0x410] =	vst @!p0 v1  }
0x348: {  	v1 =	vld @!p0 [tilespmem:s8+$0x10];
	_ =	sdelay $0x4  }
0x349: {  	v2 =	vand.u32 @!p0 $0xFFFF, v1  }
0x34a: {  	v1 =	vshra.s32 @!p0 v1, $0x10;
	[tilespmem:$0x330] =	vst @!p0 v2  }
0x34b: {  	[tilespmem:$0x420] =	vst @!p0 v1  }
0x34c: {  	v1 =	vld @!p0 [tilespmem:s8+$0x20];
	_ =	sdelay $0x4  }
0x34d: {  	v2 =	vand.u32 @!p0 $0xFFFF, v1  }
0x34e: {  	v1 =	vshra.s32 @!p0 v1, $0x10;
	[tilespmem:$0x340] =	vst @!p0 v2  }
0x34f: {  	[tilespmem:$0x430] =	vst @!p0 v1  }
0x350: {  	v1 =	vld @!p0 [tilespmem:s8+$0x30];
	_ =	sdelay $0x4  }
0x351: {  	v2 =	vand.u32 @!p0 $0xFFFF, v1  }
0x352: {  	v1 =	vshra.s32 @!p0 v1, $0x10;
	[tilespmem:$0x350] =	vst @!p0 v2  }
0x353: {  	[tilespmem:$0x440] =	vst @!p0 v1  }
0x354: {  	v1 =	vld @!p0 [tilespmem:s8+$0x40];
	_ =	sdelay $0x4  }
0x355: {  	v2 =	vand.u32 @!p0 $0xFFFF, v1  }
0x356: {  	s16 =	sadd.s32 @!p0 $0x1, s16;
	v1 =	vshra.s32 @!p0 v1, $0x10;
	[tilespmem:$0x360] =	vst @!p0 v2  }
0x357: {  	s15 =	simm.s32 @!p0 $0x320;
	s17 =	simm.s32 @!p0 $0x500;
	s8 =	simm.s32 @!p0 $0x50;
	[tilespmem:$0x450] =	vst @!p0 v1  }
0x358: {  	[tilespmem:s17], [sflag:$0x1] =	stream.indirect.gather @!p0 [hbm4b:s5+s8], $0x90, s15, s8, $0xb8;
	[tilespmem:$0x1FE80] =	vst v63  }
0x359: {  	p1 =	sne.s32 @!p0 s16, $0x29;
	s15 =	simm.s32 @!p0 $0x410;
	s17 =	simm.s32 @!p0 $0x8C00  }
0x35a: {  	[tilespmem:s17], [sflag:$0x1] =	stream.indirect.gather @!p0 [hbm4b:s6+s8], $0x10, s15, s8, $0xb8;
	[tilespmem:$0x1FE80] =	vst v63  }
0x35b: {  	p0 =	por p0, !p1  }
.Ltmp7:
0x35c: {  	_ = 	snop;
	(pc) =	sbr.rel @!p0 .LBB2_8-.Ltmp7, $1  }
0x35d: {  	_ =	sdelay $0x3  }
0x35e: {  	_ =	swait.ge [sflag:s12], $0x2D00  }
0x35f: {  	[sflag:s12] =	ssyncset.done $0x0  }
0x360: {  	[sflag:s12] =	ssyncadd.s32 $0xFFFFD300  }
0x361: {  	s8 =	stileid.u32;
	[bflag:$0x0] =	sbarrier.arrive $0xFFFF  }
0x362: {  	s8 =	sshll.u32 s8, $0x6;
	s17 =	rddreg [dreg:$0x4]  }
0x363: {  	s8 =	sor.u32 $0x1C08, s8;
	s16 =	rddreg [dreg:$0xe];
	s15 =	sshrl.u32 s17, $0x3  }
0x364: {  	[hbm:s16], [sflag:s8] =	dma.local [spmem:s15], $0x2C70  }
0x365: {  	_ =	swait.ge [sflag:s21], $0x2C70  }
0x366: {  	s14 =	sadd.s32 $0x1, s14;
	s22 =	rddreg [dreg:$0xf]  }
0x367: {  	p0 =	sne.s32 s14, s22  }
.Ltmp8:
0x368: {  	_ = 	snop;
	(pc) =	sbr.rel @p0 .LBB2_1-.Ltmp8, $3  }
0x369: {  	_ =	sdelay $0x1  }
0x36a: {  	[sflag:s21] =	ssyncset.done $0x0  }
0x36b: {  	s19 =	simm.s32 $0x320;
	[sflag:s21] =	ssyncadd.s32 $0xFFFFD390;
	s22 =	simm.s32 $0x8C00  }
0x36c: {  	_ =	sfence.sel $0x180000  }
0x36d: {  	[bflag:$0x0] =	sbarrier.arrive $0xFFFF  }
0x36e: {  	_ =	strace $0x90000047  }
0x36f: {  	s0 =	stileid.u32;
	[bflag:$0x2] =	sbarrier.arrive $0xFFFF  }
0x370: {  	p0 =	sne.s32 s0, $0x0;
	s0 =	rddreg [dreg:$0x3]  }
0x371: {  	s0 =	sadd.s32 @!p0 $0x100000, s0  }
0x372: {  	[sflag:s0] =	ssyncadd.tile.s32 @!p0 $0x1;
	_ =	shalt  }
.Lfunc_end2:
_tile_overlayer_lowered:
.L_overlay_start_2:
0x373: {  	(tag) =	ssettag $0x2  }
0x374: {  	s0 =	rddreg [dreg:$0x0];
	s2 =	stileid.u32  }
0x375: {  	s1 =	rddreg [dreg:$0x1];
	p0 =	sne.s32 s2, $0x0  }
0x376: {  	s3 =	rddreg [dreg:$0x2];
	[bflag:$0x3] =	sbarrier.arrive $0xFFFF;
	s2 =	simm.s32 @!p0 $0x1C08  }
0x377: {  	[timem:s3], [sflag:s2] =	dma.local @!p0 [hbm:s0], s1  }
0x378: {  	s0 =	simm.s32 @!p0 $0x8  }
0x379: {  	_ =	swait.ge @!p0 [sflag:s0], s1  }
0x37a: {  	s1 =	ssub.s32 @!p0 $0x0, s1;
	[sflag:s0] =	ssyncset.done @!p0 $0x0  }
0x37b: {  	[sflag:s0] =	ssyncadd.s32 @!p0 s1  }
0x37c: {  	[bflag:$0x3] =	sbarrier.arrive $0xFFFF  }
0x37d: {  	_ =	shalt  }

</sc_bundles>
